<compile_context>
chip_gen: v7x
topology: tpu7x:2x2x1
jax: 0.10.2.dev20260603
libtpu: 0.0.44.dev20260713+nightly
codegen_flags: <defaults>
</compile_context>

<pallas_src>
import functools

import jax
import jax.numpy as jnp
from jax import lax
from jax.experimental import pallas as pl
from jax.experimental.pallas import tpu as pltpu
from jax.experimental.pallas import tpu_sc as plsc

N = 10000
E = 320000
HID = 256
F32 = jnp.float32

NC = 2
NS = 16
NW = NC * NS
EPW = E // NW
CB = 80
NCHUNK = EPW // CB
NP = 10240
RPS = NP // NS


def _proj(x, W, b):
    BN = 1000
    Fin = x.shape[1]

    def body(xr, wr, br, outr):
        outr[...] = jnp.dot(xr[...], wr[...], preferred_element_type=F32) + br[...]

    return pl.pallas_call(
        body,
        grid=(N // BN,),
        in_specs=[
            pl.BlockSpec((BN, Fin), lambda i: (i, 0)),
            pl.BlockSpec((Fin, 1024), lambda i: (0, 0)),
            pl.BlockSpec((1, 1024), lambda i: (0, 0)),
        ],
        out_specs=pl.BlockSpec((BN, 1024), lambda i: (i, 0)),
        out_shape=jax.ShapeDtypeStruct((N, 1024), F32),
    )(x, W, b)


def _sc_gather(q, k, v, src, dst):
    mesh = plsc.VectorSubcoreMesh(core_axis_name="c", subcore_axis_name="s")

    @functools.partial(
        pl.kernel,
        mesh=mesh,
        out_type=[jax.ShapeDtypeStruct((E, HID), F32)] * 3,
        scratch_types=[
            pltpu.VMEM((CB,), jnp.int32),
            pltpu.VMEM((CB,), jnp.int32),
            pltpu.VMEM((CB, HID), F32),
            pltpu.VMEM((CB, HID), F32),
            pltpu.VMEM((CB, HID), F32),
            pltpu.SemaphoreType.DMA,
        ],
    )
    def kfn(q_h, k_h, v_h, src_h, dst_h, qd_h, ks_h, vs_h, si, di, rq, rk, rv, sem):
        wid = lax.axis_index("s") * NC + lax.axis_index("c")
        base0 = wid * EPW

        def body(ci, carry):
            b = base0 + ci * CB
            pltpu.sync_copy(src_h.at[pl.ds(b, CB)], si)
            pltpu.sync_copy(dst_h.at[pl.ds(b, CB)], di)
            pltpu.async_copy(q_h.at[di], rq, sem).wait()
            pltpu.async_copy(k_h.at[si], rk, sem).wait()
            pltpu.async_copy(v_h.at[si], rv, sem).wait()
            pltpu.sync_copy(rq, qd_h.at[pl.ds(b, CB)])
            pltpu.sync_copy(rk, ks_h.at[pl.ds(b, CB)])
            pltpu.sync_copy(rv, vs_h.at[pl.ds(b, CB)])
            return carry

        lax.fori_loop(0, NCHUNK, body, 0)

    return kfn(q, k, v, src, dst)


def _edge_math(qd, ks, vs):
    BE = 1000

    def body(qr, kr, vr, car, cbr, exr):
        q = qr[...]
        k = kr[...]
        v = vr[...]
        es = []
        segs = []
        for h in range(4):
            sl = slice(h * 64, (h + 1) * 64)
            al = (q[:, sl] * k[:, sl]).sum(axis=-1, keepdims=True) * 0.125
            e = jnp.exp(al)
            es.append(e)
            segs.append(v[:, sl] * e)
        car[...] = jnp.concatenate(segs[0:2], axis=1)
        cbr[...] = jnp.concatenate(segs[2:4], axis=1)
        exr[...] = jnp.concatenate(es + [jnp.zeros((BE, 124), F32)], axis=1)

    return pl.pallas_call(
        body,
        grid=(E // BE,),
        in_specs=[pl.BlockSpec((BE, HID), lambda i: (i, 0))] * 3,
        out_specs=[
            pl.BlockSpec((BE, 128), lambda i: (i, 0)),
            pl.BlockSpec((BE, 128), lambda i: (i, 0)),
            pl.BlockSpec((BE, 128), lambda i: (i, 0)),
        ],
        out_shape=[
            jax.ShapeDtypeStruct((E, 128), F32),
            jax.ShapeDtypeStruct((E, 128), F32),
            jax.ShapeDtypeStruct((E, 128), F32),
        ],
    )(qd, ks, vs)


def _sc_scatter(cA, cB, exrow, dst, z128):
    mesh = plsc.VectorSubcoreMesh(core_axis_name="c", subcore_axis_name="s")

    @functools.partial(
        pl.kernel,
        mesh=mesh,
        out_type=[jax.ShapeDtypeStruct((NC, NP, 128), F32)] * 3,
        scratch_types=[
            pltpu.VMEM((CB,), jnp.int32),
            pltpu.VMEM((CB, 128), F32),
            pltpu.VMEM_SHARED((NP, 128), F32),
        ],
    )
    def kfn(cA_h, cB_h, ex_h, dst_h, z128_h, oA, oB, oD, idx, buf, accS):
        cid = lax.axis_index("c")
        sid = lax.axis_index("s")
        wid = sid * NC + cid
        base0 = wid * EPW
        rbase = sid * RPS

        for src_h, out_h in ((cA_h, oA), (cB_h, oB), (ex_h, oD)):
            pltpu.sync_copy(z128_h.at[pl.ds(rbase, RPS)], accS.at[pl.ds(rbase, RPS)])
            plsc.subcore_barrier()

            def body(ci, carry, src_h=src_h):
                b = base0 + ci * CB
                pltpu.sync_copy(dst_h.at[pl.ds(b, CB)], idx)
                pltpu.sync_copy(src_h.at[pl.ds(b, CB)], buf)
                pltpu.sync_copy(buf, accS.at[idx], add=True)
                return carry

            lax.fori_loop(0, NCHUNK, body, 0)
            plsc.subcore_barrier()
            pltpu.sync_copy(accS.at[pl.ds(rbase, RPS)], out_h.at[cid, pl.ds(rbase, RPS)])
            plsc.subcore_barrier()

    return kfn(cA, cB, exrow, dst, z128)


def _combine(a0, a1, b0, b1, d0, d1, skip):
    BN = 1000

    def body(a0r, a1r, b0r, b1r, d0r, d1r, sr, outr):
        A = a0r[...] + a1r[...]
        B = b0r[...] + b1r[...]
        den = d0r[...] + d1r[...]
        segs = []
        for h in range(4):
            half = A if h < 2 else B
            sl = slice((h % 2) * 64, (h % 2) * 64 + 64)
            segs.append(half[:, sl] / (den[:, h:h + 1] + 1e-16))
        outr[...] = jnp.maximum(jnp.concatenate(segs, axis=1) + sr[...], 0.0)

    return pl.pallas_call(
        body,
        grid=(N // BN,),
        in_specs=[
            pl.BlockSpec((BN, 128), lambda i: (i, 0)),
            pl.BlockSpec((BN, 128), lambda i: (i, 0)),
            pl.BlockSpec((BN, 128), lambda i: (i, 0)),
            pl.BlockSpec((BN, 128), lambda i: (i, 0)),
            pl.BlockSpec((BN, 128), lambda i: (i, 0)),
            pl.BlockSpec((BN, 128), lambda i: (i, 0)),
            pl.BlockSpec((BN, HID), lambda i: (i, 0)),
        ],
        out_specs=pl.BlockSpec((BN, HID), lambda i: (i, 0)),
        out_shape=jax.ShapeDtypeStruct((N, HID), F32),
    )(a0, a1, b0, b1, d0, d1, skip)


def _pool(x):
    BN = 1000

    def body(xr, outr):
        i = pl.program_id(0)

        @pl.when(i == 0)
        def _():
            outr[...] = jnp.zeros_like(outr)

        outr[...] += xr[...].sum(axis=0, keepdims=True) * (1.0 / N)

    return pl.pallas_call(
        body,
        grid=(N // BN,),
        in_specs=[pl.BlockSpec((BN, HID), lambda i: (i, 0))],
        out_specs=pl.BlockSpec((1, HID), lambda i: (0, 0)),
        out_shape=jax.ShapeDtypeStruct((1, HID), F32),
    )(x)


def _head(xp8, g8, g1_W, g1_b, g2_W, g2_b, g3_W, g3_b, r1_W, r1_b, r2_W, r2_b, r3_W, r3_b):
    def body(xpr, gr, w1, b1, w2, b2, w3, b3, rw1, rb1, rw2, rb2, rw3, rb3, outr):
        g = gr[...]
        g = jnp.maximum(jnp.dot(g, w1[...], preferred_element_type=F32) + b1[...], 0.0)
        g = jnp.maximum(jnp.dot(g, w2[...], preferred_element_type=F32) + b2[...], 0.0)
        g = jnp.maximum(jnp.dot(g, w3[...], preferred_element_type=F32) + b3[...], 0.0)
        h = jnp.concatenate([xpr[...], g], axis=1)
        h = jnp.maximum(jnp.dot(h, rw1[...], preferred_element_type=F32) + rb1[...], 0.0)
        h = jnp.maximum(jnp.dot(h, rw2[...], preferred_element_type=F32) + rb2[...], 0.0)
        outr[...] = jnp.dot(h, rw3[...], preferred_element_type=F32) + rb3[...]

    args = (xp8, g8, g1_W, g1_b.reshape(1, -1), g2_W, g2_b.reshape(1, -1),
            g3_W, g3_b.reshape(1, -1), r1_W, r1_b.reshape(1, -1),
            r2_W, r2_b.reshape(1, -1), r3_W, r3_b.reshape(1, -1))
    return pl.pallas_call(
        body,
        in_specs=[pl.BlockSpec(a.shape, lambda: tuple(0 for _ in a.shape)) for a in args],
        out_specs=pl.BlockSpec((8, 1), lambda: (0, 0)),
        out_shape=jax.ShapeDtypeStruct((8, 1), F32),
    )(*args)


def kernel(x, edge_index, batch, global_features,
           c1_Wq, c1_bq, c1_Wk, c1_bk, c1_Wv, c1_bv, c1_Ws, c1_bs,
           c2_Wq, c2_bq, c2_Wk, c2_bk, c2_Wv, c2_bv, c2_Ws, c2_bs,
           c3_Wq, c3_bq, c3_Wk, c3_bk, c3_Wv, c3_bv, c3_Ws, c3_bs,
           g1_W, g1_b, g2_W, g2_b, g3_W, g3_b,
           r1_W, r1_b, r2_W, r2_b, r3_W, r3_b):
    src = edge_index[0]
    dst = edge_index[1]
    z128 = jnp.zeros((NP, 128), F32)

    layers = (
        (c1_Wq, c1_bq, c1_Wk, c1_bk, c1_Wv, c1_bv, c1_Ws, c1_bs),
        (c2_Wq, c2_bq, c2_Wk, c2_bk, c2_Wv, c2_bv, c2_Ws, c2_bs),
        (c3_Wq, c3_bq, c3_Wk, c3_bk, c3_Wv, c3_bv, c3_Ws, c3_bs),
    )

    h = x
    for Wq, bq, Wk, bk, Wv, bv, Ws, bs in layers:
        W = jnp.concatenate([Wq, Wk, Wv, Ws], axis=1)
        b = jnp.concatenate([bq, bk, bv, bs]).reshape(1, -1)
        if h.shape[1] == 12:
            h = jnp.pad(h, ((0, 0), (0, 116)))
            W = jnp.pad(W, ((0, 116), (0, 0)))
        qkvs = _proj(h, W, b)
        q = qkvs[:, 0:256]
        k = qkvs[:, 256:512]
        v = qkvs[:, 512:768]
        s = qkvs[:, 768:1024]
        qd, ks, vs = _sc_gather(q, k, v, src, dst)
        cA, cB, exrow = _edge_math(qd, ks, vs)
        oA, oB, oD = _sc_scatter(cA, cB, exrow, dst, z128)
        h = _combine(oA[0, :N], oA[1, :N], oB[0, :N], oB[1, :N],
                     oD[0, :N], oD[1, :N], s)

    xp = _pool(h)
    xp8 = jnp.broadcast_to(xp, (8, HID))
    g8 = jnp.broadcast_to(global_features, (8, 8))
    out = _head(xp8, g8, g1_W, g1_b, g2_W, g2_b, g3_W, g3_b,
                r1_W, r1_b, r2_W, r2_b, r3_W, r3_b)
    return out[0].reshape(-1)

# --- scband reference (transcript-rebuilt; emitter-appended) ---
"""Pipeline reference for scband-circuit-gnn-4664334483622 (READ-ONLY COPY).

The authoritative reference and input builder live on the scoring server;
editing this copy changes nothing except your own understanding.
"""

import jax, jax.numpy as jnp
import numpy as np

N_NODES = 10000
N_EDGES = 320000
HEADS = 4
OUT_CH = 64
HID = HEADS * OUT_CH  # 256


def _lin_params(key, fin, fout):
    k1, k2 = jax.random.split(key)
    W = jax.random.normal(k1, (fin, fout), dtype=jnp.float32) / np.sqrt(fin)
    b = jax.random.normal(k2, (fout,), dtype=jnp.float32) * 0.01
    return W, b


def setup_inputs(seed=0):
    key = jax.random.key(seed)
    ks = jax.random.split(key, 32)
    inp = {}
    inp["x"] = jax.random.normal(ks[0], (N_NODES, 12), dtype=jnp.float32)
    inp["edge_index"] = jax.random.randint(ks[1], (2, N_EDGES), 0, N_NODES, dtype=jnp.int32)
    inp["batch"] = jnp.zeros((N_NODES,), dtype=jnp.int32)
    inp["global_features"] = jax.random.normal(ks[2], (1, 8), dtype=jnp.float32)
    i = 3
    for li, fin in zip((1, 2, 3), (12, HID, HID)):
        for nm in ("q", "k", "v", "s"):
            W, b = _lin_params(ks[i], fin, HID); i += 1
            inp["c%d_W%s" % (li, nm)] = W
            inp["c%d_b%s" % (li, nm)] = b
    for nm, fin, fout in (("g1", 8, 64), ("g2", 64, 64), ("g3", 64, 64), ("r1", HID + 64, 128), ("r2", 128, 128), ("r3", 128, 1)):
        W, b = _lin_params(ks[i], fin, fout); i += 1
        inp[nm + "_W"] = W
        inp[nm + "_b"] = b
    return inp


def _tconv(x, src, dst, Wq, bq, Wk, bk, Wv, bv, Ws, bs):
    # Faithful TransformerConv (heads=4, concat=True, beta=False, root_weight=True)
    N = x.shape[0]
    q = (x @ Wq + bq).reshape(N, HEADS, OUT_CH)
    k = (x @ Wk + bk).reshape(N, HEADS, OUT_CH)
    v = (x @ Wv + bv).reshape(N, HEADS, OUT_CH)
    alpha = (q[dst] * k[src]).sum(-1) / np.sqrt(OUT_CH)  # [E, H]
    amax = jax.lax.stop_gradient(jax.ops.segment_max(alpha, dst, num_segments=N))
    amax = jnp.where(jnp.isfinite(amax), amax, 0.0)
    ex = jnp.exp(alpha - amax[dst])
    den = jax.ops.segment_sum(ex, dst, num_segments=N)
    a = ex / (den[dst] + 1e-16)
    agg = jax.ops.segment_sum(v[src] * a[..., None], dst, num_segments=N)
    return agg.reshape(N, HEADS * OUT_CH) + (x @ Ws + bs)


def _forward(fl, edge_index, batch):
    src, dst = edge_index[0], edge_index[1]
    x = fl["x"]
    for li in (1, 2, 3):
        p = [fl["c%d_%s" % (li, n)] for n in ("Wq", "bq", "Wk", "bk", "Wv", "bv", "Ws", "bs")]
        x = jax.nn.relu(_tconv(x, src, dst, *p))
    sums = jax.ops.segment_sum(x, batch, num_segments=1)
    cnt = jax.ops.segment_sum(jnp.ones((x.shape[0], 1), x.dtype), batch, num_segments=1)
    x_pool = sums / jnp.maximum(cnt, 1.0)
    g = fl["global_features"]
    for nm in ("g1", "g2", "g3"):
        g = jax.nn.relu(g @ fl[nm + "_W"] + fl[nm + "_b"])
    h = jnp.concatenate([x_pool, g], axis=-1)
    h = jax.nn.relu(h @ fl["r1_W"] + fl["r1_b"])
    h = jax.nn.relu(h @ fl["r2_W"] + fl["r2_b"])
    out = h @ fl["r3_W"] + fl["r3_b"]
    return out.reshape(-1)


def reference(x, edge_index, batch, global_features,
              c1_Wq, c1_bq, c1_Wk, c1_bk, c1_Wv, c1_bv, c1_Ws, c1_bs,
              c2_Wq, c2_bq, c2_Wk, c2_bk, c2_Wv, c2_bv, c2_Ws, c2_bs,
              c3_Wq, c3_bq, c3_Wk, c3_bk, c3_Wv, c3_bv, c3_Ws, c3_bs,
              g1_W, g1_b, g2_W, g2_b, g3_W, g3_b,
              r1_W, r1_b, r2_W, r2_b, r3_W, r3_b):
    fl = {
        "x": x,
        "global_features": global_features,
        "c1_Wq": c1_Wq, "c1_bq": c1_bq, "c1_Wk": c1_Wk, "c1_bk": c1_bk,
        "c1_Wv": c1_Wv, "c1_bv": c1_bv, "c1_Ws": c1_Ws, "c1_bs": c1_bs,
        "c2_Wq": c2_Wq, "c2_bq": c2_bq, "c2_Wk": c2_Wk, "c2_bk": c2_bk,
        "c2_Wv": c2_Wv, "c2_bv": c2_bv, "c2_Ws": c2_Ws, "c2_bs": c2_bs,
        "c3_Wq": c3_Wq, "c3_bq": c3_bq, "c3_Wk": c3_Wk, "c3_bk": c3_bk,
        "c3_Wv": c3_Wv, "c3_bv": c3_bv, "c3_Ws": c3_Ws, "c3_bs": c3_bs,
        "g1_W": g1_W, "g1_b": g1_b, "g2_W": g2_W, "g2_b": g2_b,
        "g3_W": g3_W, "g3_b": g3_b,
        "r1_W": r1_W, "r1_b": r1_b, "r2_W": r2_W, "r2_b": r2_b,
        "r3_W": r3_W, "r3_b": r3_b,
    }
    return _forward(fl, edge_index, batch)

if __name__ == "__main__":
    import jax
    _d = setup_inputs()
    print(jax.jit(kernel)(*tuple(_d.values())))

</pallas_src>

<mosaic_0001>
#map = affine_map<(d0, d1) -> (0, 0)>
#map1 = affine_map<(d0, d1) -> (0)>
module attributes {stable_mosaic.version = 14 : i64} {
  func.func @kfn(%arg0: i32, %arg1: i32, %arg2: memref<10000x256xf32, #tpu.memory_space<hbm>>, %arg3: memref<10000x256xf32, #tpu.memory_space<hbm>>, %arg4: memref<10000x256xf32, #tpu.memory_space<hbm>>, %arg5: memref<320000xi32, #tpu.memory_space<hbm>>, %arg6: memref<320000xi32, #tpu.memory_space<hbm>>, %arg7: memref<320000x256xf32, #tpu.memory_space<hbm>>, %arg8: memref<320000x256xf32, #tpu.memory_space<hbm>>, %arg9: memref<320000x256xf32, #tpu.memory_space<hbm>>, %arg10: memref<80xi32, #tpu.memory_space<vmem>>, %arg11: memref<80xi32, #tpu.memory_space<vmem>>, %arg12: memref<80x256xf32, #tpu.memory_space<vmem>>, %arg13: memref<80x256xf32, #tpu.memory_space<vmem>>, %arg14: memref<80x256xf32, #tpu.memory_space<vmem>>, %arg15: memref<!tpu.dma_semaphore, #tpu.memory_space<semaphore_mem>>) attributes {dimension_semantics = [#tpu.dimension_semantics<core_parallel>, #tpu.dimension_semantics<subcore_parallel>], iteration_bounds = array<i64: 2, 16>, scalar_prefetch = 0 : i64, scratch_operands = 6 : i64, tpu.core_type = #tpu.core_type<sc_vector_subcore>, window_params = [{transform_indices = #map}, {transform_indices = #map}, {transform_indices = #map}, {transform_indices = #map1}, {transform_indices = #map1}, {transform_indices = #map}, {transform_indices = #map}, {transform_indices = #map}]} {
    %mul3A = arith.constant 2 : i32
    %mul3A_0 = arith.muli %arg1, %mul3A : i32
    %add3A = arith.addi %mul3A_0, %arg0 : i32
    %mul3A_1 = arith.constant 10000 : i32
    %mul3A_2 = arith.muli %add3A, %mul3A_1 : i32
    %scan3A = arith.constant 0 : i32
    %scan3A_3 = arith.constant 0 : i32
    %scan3A_4 = arith.constant 125 : i32
    %scan3A_5 = arith.addi %scan3A_3, %scan3A_4 : i32
    %scan3A_6 = arith.constant 1 : i32
    scf.for %scan3A_8 = %scan3A_3 to %scan3A_5 step %scan3A_6  : i32 {
      %mul3A_9 = arith.constant 80 : i32
      %mul3A_10 = arith.muli %scan3A_8, %mul3A_9 : i32
      %add3A_11 = arith.addi %mul3A_2, %mul3A_10 : i32
      "tpu.region"() ({
        %run_scoped3A = tpu.sem_alloc : memref<!tpu.dma_semaphore, #tpu.memory_space<semaphore_mem>>
        %dma_start3A_28 = tpu.memref_slice %arg5[%add3A_11] : memref<320000xi32, #tpu.memory_space<hbm>> -> memref<80xi32, #tpu.memory_space<hbm>>
        %dma_start3A_29 = tpu.memref_slice %arg5[%add3A_11] : memref<320000xi32, #tpu.memory_space<hbm>> -> memref<80xi32, #tpu.memory_space<hbm>>
        tpu.enqueue_dma source(%dma_start3A_29 : memref<80xi32, #tpu.memory_space<hbm>>) target(%arg10 : memref<80xi32, #tpu.memory_space<vmem>>) target_semaphore(%run_scoped3A : memref<!tpu.dma_semaphore, #tpu.memory_space<semaphore_mem>>)
        %dma_wait3A_30 = tpu.memref_slice %arg5[%add3A_11] : memref<320000xi32, #tpu.memory_space<hbm>> -> memref<80xi32, #tpu.memory_space<hbm>>
        %dma_wait3A_31 = tpu.memref_slice %arg5[%add3A_11] : memref<320000xi32, #tpu.memory_space<hbm>> -> memref<80xi32, #tpu.memory_space<hbm>>
        tpu.wait_dma2 semaphore(%run_scoped3A : memref<!tpu.dma_semaphore, #tpu.memory_space<semaphore_mem>>) src(%dma_wait3A_31 : memref<80xi32, #tpu.memory_space<hbm>>) dst(%arg10 : memref<80xi32, #tpu.memory_space<vmem>>)
        tpu.yield
      }) : () -> ()
      "tpu.region"() ({
        %run_scoped3A = tpu.sem_alloc : memref<!tpu.dma_semaphore, #tpu.memory_space<semaphore_mem>>
        %dma_start3A_28 = tpu.memref_slice %arg6[%add3A_11] : memref<320000xi32, #tpu.memory_space<hbm>> -> memref<80xi32, #tpu.memory_space<hbm>>
        %dma_start3A_29 = tpu.memref_slice %arg6[%add3A_11] : memref<320000xi32, #tpu.memory_space<hbm>> -> memref<80xi32, #tpu.memory_space<hbm>>
        tpu.enqueue_dma source(%dma_start3A_29 : memref<80xi32, #tpu.memory_space<hbm>>) target(%arg11 : memref<80xi32, #tpu.memory_space<vmem>>) target_semaphore(%run_scoped3A : memref<!tpu.dma_semaphore, #tpu.memory_space<semaphore_mem>>)
        %dma_wait3A_30 = tpu.memref_slice %arg6[%add3A_11] : memref<320000xi32, #tpu.memory_space<hbm>> -> memref<80xi32, #tpu.memory_space<hbm>>
        %dma_wait3A_31 = tpu.memref_slice %arg6[%add3A_11] : memref<320000xi32, #tpu.memory_space<hbm>> -> memref<80xi32, #tpu.memory_space<hbm>>
        tpu.wait_dma2 semaphore(%run_scoped3A : memref<!tpu.dma_semaphore, #tpu.memory_space<semaphore_mem>>) src(%dma_wait3A_31 : memref<80xi32, #tpu.memory_space<hbm>>) dst(%arg11 : memref<80xi32, #tpu.memory_space<vmem>>)
        tpu.yield
      }) : () -> ()
      %dma_start3A = arith.constant 0 : i32
      %dma_start3A_12 = arith.constant 0 : i32
      %dma_start3A_13 = tpu.memref_slice %arg2[%dma_start3A, %dma_start3A_12] : memref<10000x256xf32, #tpu.memory_space<hbm>> -> memref<10000x256xf32, #tpu.memory_space<hbm>>
      tpu.enqueue_indirect_dma source(%dma_start3A_13 : memref<10000x256xf32, #tpu.memory_space<hbm>>) target(%arg12 : memref<80x256xf32, #tpu.memory_space<vmem>>) offsets(%arg11 : memref<80xi32, #tpu.memory_space<vmem>>) semaphore(%arg15 : memref<!tpu.dma_semaphore, #tpu.memory_space<semaphore_mem>>)
      %dma_wait3A = arith.constant 0 : i32
      %dma_wait3A_14 = arith.constant 0 : i32
      %dma_wait3A_15 = tpu.memref_slice %arg2[%dma_wait3A, %dma_wait3A_14] : memref<10000x256xf32, #tpu.memory_space<hbm>> -> memref<10000x256xf32, #tpu.memory_space<hbm>>
      tpu.wait_indirect_dma semaphore(%arg15 : memref<!tpu.dma_semaphore, #tpu.memory_space<semaphore_mem>>) src(%dma_wait3A_15 : memref<10000x256xf32, #tpu.memory_space<hbm>>) dst(%arg12 : memref<80x256xf32, #tpu.memory_space<vmem>>)
      %dma_start3A_16 = arith.constant 0 : i32
      %dma_start3A_17 = arith.constant 0 : i32
      %dma_start3A_18 = tpu.memref_slice %arg3[%dma_start3A_16, %dma_start3A_17] : memref<10000x256xf32, #tpu.memory_space<hbm>> -> memref<10000x256xf32, #tpu.memory_space<hbm>>
      tpu.enqueue_indirect_dma source(%dma_start3A_18 : memref<10000x256xf32, #tpu.memory_space<hbm>>) target(%arg13 : memref<80x256xf32, #tpu.memory_space<vmem>>) offsets(%arg10 : memref<80xi32, #tpu.memory_space<vmem>>) semaphore(%arg15 : memref<!tpu.dma_semaphore, #tpu.memory_space<semaphore_mem>>)
      %dma_wait3A_19 = arith.constant 0 : i32
      %dma_wait3A_20 = arith.constant 0 : i32
      %dma_wait3A_21 = tpu.memref_slice %arg3[%dma_wait3A_19, %dma_wait3A_20] : memref<10000x256xf32, #tpu.memory_space<hbm>> -> memref<10000x256xf32, #tpu.memory_space<hbm>>
      tpu.wait_indirect_dma semaphore(%arg15 : memref<!tpu.dma_semaphore, #tpu.memory_space<semaphore_mem>>) src(%dma_wait3A_21 : memref<10000x256xf32, #tpu.memory_space<hbm>>) dst(%arg13 : memref<80x256xf32, #tpu.memory_space<vmem>>)
      %dma_start3A_22 = arith.constant 0 : i32
      %dma_start3A_23 = arith.constant 0 : i32
      %dma_start3A_24 = tpu.memref_slice %arg4[%dma_start3A_22, %dma_start3A_23] : memref<10000x256xf32, #tpu.memory_space<hbm>> -> memref<10000x256xf32, #tpu.memory_space<hbm>>
      tpu.enqueue_indirect_dma source(%dma_start3A_24 : memref<10000x256xf32, #tpu.memory_space<hbm>>) target(%arg14 : memref<80x256xf32, #tpu.memory_space<vmem>>) offsets(%arg10 : memref<80xi32, #tpu.memory_space<vmem>>) semaphore(%arg15 : memref<!tpu.dma_semaphore, #tpu.memory_space<semaphore_mem>>)
      %dma_wait3A_25 = arith.constant 0 : i32
      %dma_wait3A_26 = arith.constant 0 : i32
      %dma_wait3A_27 = tpu.memref_slice %arg4[%dma_wait3A_25, %dma_wait3A_26] : memref<10000x256xf32, #tpu.memory_space<hbm>> -> memref<10000x256xf32, #tpu.memory_space<hbm>>
      tpu.wait_indirect_dma semaphore(%arg15 : memref<!tpu.dma_semaphore, #tpu.memory_space<semaphore_mem>>) src(%dma_wait3A_27 : memref<10000x256xf32, #tpu.memory_space<hbm>>) dst(%arg14 : memref<80x256xf32, #tpu.memory_space<vmem>>)
      "tpu.region"() ({
        %run_scoped3A = tpu.sem_alloc : memref<!tpu.dma_semaphore, #tpu.memory_space<semaphore_mem>>
        %dma_start3A_28 = arith.constant 0 : i32
        %dma_start3A_29 = tpu.memref_slice %arg7[%add3A_11, %dma_start3A_28] : memref<320000x256xf32, #tpu.memory_space<hbm>> -> memref<80x256xf32, #tpu.memory_space<hbm>>
        %dma_start3A_30 = arith.constant 0 : i32
        %dma_start3A_31 = tpu.memref_slice %arg7[%add3A_11, %dma_start3A_30] : memref<320000x256xf32, #tpu.memory_space<hbm>> -> memref<80x256xf32, #tpu.memory_space<hbm>>
        tpu.enqueue_dma source(%arg12 : memref<80x256xf32, #tpu.memory_space<vmem>>) target(%dma_start3A_31 : memref<80x256xf32, #tpu.memory_space<hbm>>) target_semaphore(%run_scoped3A : memref<!tpu.dma_semaphore, #tpu.memory_space<semaphore_mem>>)
        %dma_wait3A_32 = arith.constant 0 : i32
        %dma_wait3A_33 = tpu.memref_slice %arg7[%add3A_11, %dma_wait3A_32] : memref<320000x256xf32, #tpu.memory_space<hbm>> -> memref<80x256xf32, #tpu.memory_space<hbm>>
        %dma_wait3A_34 = arith.constant 0 : i32
        %dma_wait3A_35 = tpu.memref_slice %arg7[%add3A_11, %dma_wait3A_34] : memref<320000x256xf32, #tpu.memory_space<hbm>> -> memref<80x256xf32, #tpu.memory_space<hbm>>
        tpu.wait_dma2 semaphore(%run_scoped3A : memref<!tpu.dma_semaphore, #tpu.memory_space<semaphore_mem>>) src(%arg12 : memref<80x256xf32, #tpu.memory_space<vmem>>) dst(%dma_wait3A_35 : memref<80x256xf32, #tpu.memory_space<hbm>>)
        tpu.yield
      }) : () -> ()
      "tpu.region"() ({
        %run_scoped3A = tpu.sem_alloc : memref<!tpu.dma_semaphore, #tpu.memory_space<semaphore_mem>>
        %dma_start3A_28 = arith.constant 0 : i32
        %dma_start3A_29 = tpu.memref_slice %arg8[%add3A_11, %dma_start3A_28] : memref<320000x256xf32, #tpu.memory_space<hbm>> -> memref<80x256xf32, #tpu.memory_space<hbm>>
        %dma_start3A_30 = arith.constant 0 : i32
        %dma_start3A_31 = tpu.memref_slice %arg8[%add3A_11, %dma_start3A_30] : memref<320000x256xf32, #tpu.memory_space<hbm>> -> memref<80x256xf32, #tpu.memory_space<hbm>>
        tpu.enqueue_dma source(%arg13 : memref<80x256xf32, #tpu.memory_space<vmem>>) target(%dma_start3A_31 : memref<80x256xf32, #tpu.memory_space<hbm>>) target_semaphore(%run_scoped3A : memref<!tpu.dma_semaphore, #tpu.memory_space<semaphore_mem>>)
        %dma_wait3A_32 = arith.constant 0 : i32
        %dma_wait3A_33 = tpu.memref_slice %arg8[%add3A_11, %dma_wait3A_32] : memref<320000x256xf32, #tpu.memory_space<hbm>> -> memref<80x256xf32, #tpu.memory_space<hbm>>
        %dma_wait3A_34 = arith.constant 0 : i32
        %dma_wait3A_35 = tpu.memref_slice %arg8[%add3A_11, %dma_wait3A_34] : memref<320000x256xf32, #tpu.memory_space<hbm>> -> memref<80x256xf32, #tpu.memory_space<hbm>>
        tpu.wait_dma2 semaphore(%run_scoped3A : memref<!tpu.dma_semaphore, #tpu.memory_space<semaphore_mem>>) src(%arg13 : memref<80x256xf32, #tpu.memory_space<vmem>>) dst(%dma_wait3A_35 : memref<80x256xf32, #tpu.memory_space<hbm>>)
        tpu.yield
      }) : () -> ()
      "tpu.region"() ({
        %run_scoped3A = tpu.sem_alloc : memref<!tpu.dma_semaphore, #tpu.memory_space<semaphore_mem>>
        %dma_start3A_28 = arith.constant 0 : i32
        %dma_start3A_29 = tpu.memref_slice %arg9[%add3A_11, %dma_start3A_28] : memref<320000x256xf32, #tpu.memory_space<hbm>> -> memref<80x256xf32, #tpu.memory_space<hbm>>
        %dma_start3A_30 = arith.constant 0 : i32
        %dma_start3A_31 = tpu.memref_slice %arg9[%add3A_11, %dma_start3A_30] : memref<320000x256xf32, #tpu.memory_space<hbm>> -> memref<80x256xf32, #tpu.memory_space<hbm>>
        tpu.enqueue_dma source(%arg14 : memref<80x256xf32, #tpu.memory_space<vmem>>) target(%dma_start3A_31 : memref<80x256xf32, #tpu.memory_space<hbm>>) target_semaphore(%run_scoped3A : memref<!tpu.dma_semaphore, #tpu.memory_space<semaphore_mem>>)
        %dma_wait3A_32 = arith.constant 0 : i32
        %dma_wait3A_33 = tpu.memref_slice %arg9[%add3A_11, %dma_wait3A_32] : memref<320000x256xf32, #tpu.memory_space<hbm>> -> memref<80x256xf32, #tpu.memory_space<hbm>>
        %dma_wait3A_34 = arith.constant 0 : i32
        %dma_wait3A_35 = tpu.memref_slice %arg9[%add3A_11, %dma_wait3A_34] : memref<320000x256xf32, #tpu.memory_space<hbm>> -> memref<80x256xf32, #tpu.memory_space<hbm>>
        tpu.wait_dma2 semaphore(%run_scoped3A : memref<!tpu.dma_semaphore, #tpu.memory_space<semaphore_mem>>) src(%arg14 : memref<80x256xf32, #tpu.memory_space<vmem>>) dst(%dma_wait3A_35 : memref<80x256xf32, #tpu.memory_space<hbm>>)
        tpu.yield
      }) : () -> ()
    }
    %scan3A_7 = arith.constant 125 : i32
    return
  }
}

#map = affine_map<(d0, d1) -> (0, 0)>
#map1 = affine_map<(d0, d1) -> (0)>
#map2 = affine_map<(d0, d1) -> (0, 0, 0)>
module attributes {stable_mosaic.version = 14 : i64} {
  func.func @kfn(%arg0: i32, %arg1: i32, %arg2: memref<320000x128xf32, #tpu.memory_space<hbm>>, %arg3: memref<320000x128xf32, #tpu.memory_space<hbm>>, %arg4: memref<320000x128xf32, #tpu.memory_space<hbm>>, %arg5: memref<320000xi32, #tpu.memory_space<hbm>>, %arg6: memref<10240x128xf32, #tpu.memory_space<hbm>>, %arg7: memref<2x10240x128xf32, #tpu.memory_space<hbm>>, %arg8: memref<2x10240x128xf32, #tpu.memory_space<hbm>>, %arg9: memref<2x10240x128xf32, #tpu.memory_space<hbm>>, %arg10: memref<80xi32, #tpu.memory_space<vmem>>, %arg11: memref<80x128xf32, #tpu.memory_space<vmem>>, %arg12: memref<10240x128xf32, #tpu.memory_space<vmem_shared>>) attributes {dimension_semantics = [#tpu.dimension_semantics<core_parallel>, #tpu.dimension_semantics<subcore_parallel>], iteration_bounds = array<i64: 2, 16>, scalar_prefetch = 0 : i64, scratch_operands = 3 : i64, tpu.core_type = #tpu.core_type<sc_vector_subcore>, window_params = [{transform_indices = #map}, {transform_indices = #map}, {transform_indices = #map}, {transform_indices = #map1}, {transform_indices = #map}, {transform_indices = #map2}, {transform_indices = #map2}, {transform_indices = #map2}]} {
    %mul3A = arith.constant 2 : i32
    %mul3A_0 = arith.muli %arg1, %mul3A : i32
    %add3A = arith.addi %mul3A_0, %arg0 : i32
    %mul3A_1 = arith.constant 10000 : i32
    %mul3A_2 = arith.muli %add3A, %mul3A_1 : i32
    %mul3A_3 = arith.constant 640 : i32
    %mul3A_4 = arith.muli %arg1, %mul3A_3 : i32
    "tpu.region"() ({
      %run_scoped3A = tpu.sem_alloc : memref<!tpu.dma_semaphore, #tpu.memory_space<semaphore_mem>>
      %dma_start3A = arith.constant 0 : i32
      %dma_start3A_30 = tpu.memref_slice %arg12[%mul3A_4, %dma_start3A] : memref<10240x128xf32, #tpu.memory_space<vmem_shared>> -> memref<640x128xf32, #tpu.memory_space<vmem_shared>>
      %dma_start3A_31 = arith.constant 0 : i32
      %dma_start3A_32 = tpu.memref_slice %arg6[%mul3A_4, %dma_start3A_31] : memref<10240x128xf32, #tpu.memory_space<hbm>> -> memref<640x128xf32, #tpu.memory_space<hbm>>
      tpu.enqueue_dma source(%dma_start3A_32 : memref<640x128xf32, #tpu.memory_space<hbm>>) target(%dma_start3A_30 : memref<640x128xf32, #tpu.memory_space<vmem_shared>>) target_semaphore(%run_scoped3A : memref<!tpu.dma_semaphore, #tpu.memory_space<semaphore_mem>>)
      %dma_wait3A = arith.constant 0 : i32
      %dma_wait3A_33 = tpu.memref_slice %arg12[%mul3A_4, %dma_wait3A] : memref<10240x128xf32, #tpu.memory_space<vmem_shared>> -> memref<640x128xf32, #tpu.memory_space<vmem_shared>>
      %dma_wait3A_34 = arith.constant 0 : i32
      %dma_wait3A_35 = tpu.memref_slice %arg6[%mul3A_4, %dma_wait3A_34] : memref<10240x128xf32, #tpu.memory_space<hbm>> -> memref<640x128xf32, #tpu.memory_space<hbm>>
      tpu.wait_dma2 semaphore(%run_scoped3A : memref<!tpu.dma_semaphore, #tpu.memory_space<semaphore_mem>>) src(%dma_wait3A_35 : memref<640x128xf32, #tpu.memory_space<hbm>>) dst(%dma_wait3A_33 : memref<640x128xf32, #tpu.memory_space<vmem_shared>>)
      tpu.yield
    }) : () -> ()
    %barrier3A = arith.constant 0 : index
    tpu.barrier barrier_id(%barrier3A)
    %scan3A = arith.constant 0 : i32
    %scan3A_5 = arith.constant 0 : i32
    %scan3A_6 = arith.constant 125 : i32
    %scan3A_7 = arith.addi %scan3A_5, %scan3A_6 : i32
    %scan3A_8 = arith.constant 1 : i32
    scf.for %scan3A_30 = %scan3A_5 to %scan3A_7 step %scan3A_8  : i32 {
      %mul3A_31 = arith.constant 80 : i32
      %mul3A_32 = arith.muli %scan3A_30, %mul3A_31 : i32
      %add3A_33 = arith.addi %mul3A_2, %mul3A_32 : i32
      "tpu.region"() ({
        %run_scoped3A = tpu.sem_alloc : memref<!tpu.dma_semaphore, #tpu.memory_space<semaphore_mem>>
        %dma_start3A = tpu.memref_slice %arg5[%add3A_33] : memref<320000xi32, #tpu.memory_space<hbm>> -> memref<80xi32, #tpu.memory_space<hbm>>
        %dma_start3A_34 = tpu.memref_slice %arg5[%add3A_33] : memref<320000xi32, #tpu.memory_space<hbm>> -> memref<80xi32, #tpu.memory_space<hbm>>
        tpu.enqueue_dma source(%dma_start3A_34 : memref<80xi32, #tpu.memory_space<hbm>>) target(%arg10 : memref<80xi32, #tpu.memory_space<vmem>>) target_semaphore(%run_scoped3A : memref<!tpu.dma_semaphore, #tpu.memory_space<semaphore_mem>>)
        %dma_wait3A = tpu.memref_slice %arg5[%add3A_33] : memref<320000xi32, #tpu.memory_space<hbm>> -> memref<80xi32, #tpu.memory_space<hbm>>
        %dma_wait3A_35 = tpu.memref_slice %arg5[%add3A_33] : memref<320000xi32, #tpu.memory_space<hbm>> -> memref<80xi32, #tpu.memory_space<hbm>>
        tpu.wait_dma2 semaphore(%run_scoped3A : memref<!tpu.dma_semaphore, #tpu.memory_space<semaphore_mem>>) src(%dma_wait3A_35 : memref<80xi32, #tpu.memory_space<hbm>>) dst(%arg10 : memref<80xi32, #tpu.memory_space<vmem>>)
        tpu.yield
      }) : () -> ()
      "tpu.region"() ({
        %run_scoped3A = tpu.sem_alloc : memref<!tpu.dma_semaphore, #tpu.memory_space<semaphore_mem>>
        %dma_start3A = arith.constant 0 : i32
        %dma_start3A_34 = tpu.memref_slice %arg2[%add3A_33, %dma_start3A] : memref<320000x128xf32, #tpu.memory_space<hbm>> -> memref<80x128xf32, #tpu.memory_space<hbm>>
        %dma_start3A_35 = arith.constant 0 : i32
        %dma_start3A_36 = tpu.memref_slice %arg2[%add3A_33, %dma_start3A_35] : memref<320000x128xf32, #tpu.memory_space<hbm>> -> memref<80x128xf32, #tpu.memory_space<hbm>>
        tpu.enqueue_dma source(%dma_start3A_36 : memref<80x128xf32, #tpu.memory_space<hbm>>) target(%arg11 : memref<80x128xf32, #tpu.memory_space<vmem>>) target_semaphore(%run_scoped3A : memref<!tpu.dma_semaphore, #tpu.memory_space<semaphore_mem>>)
        %dma_wait3A = arith.constant 0 : i32
        %dma_wait3A_37 = tpu.memref_slice %arg2[%add3A_33, %dma_wait3A] : memref<320000x128xf32, #tpu.memory_space<hbm>> -> memref<80x128xf32, #tpu.memory_space<hbm>>
        %dma_wait3A_38 = arith.constant 0 : i32
        %dma_wait3A_39 = tpu.memref_slice %arg2[%add3A_33, %dma_wait3A_38] : memref<320000x128xf32, #tpu.memory_space<hbm>> -> memref<80x128xf32, #tpu.memory_space<hbm>>
        tpu.wait_dma2 semaphore(%run_scoped3A : memref<!tpu.dma_semaphore, #tpu.memory_space<semaphore_mem>>) src(%dma_wait3A_39 : memref<80x128xf32, #tpu.memory_space<hbm>>) dst(%arg11 : memref<80x128xf32, #tpu.memory_space<vmem>>)
        tpu.yield
      }) : () -> ()
      "tpu.region"() ({
        %run_scoped3A = tpu.sem_alloc : memref<!tpu.dma_semaphore, #tpu.memory_space<semaphore_mem>>
        %dma_start3A = arith.constant 0 : i32
        %dma_start3A_34 = arith.constant 0 : i32
        %dma_start3A_35 = tpu.memref_slice %arg12[%dma_start3A, %dma_start3A_34] : memref<10240x128xf32, #tpu.memory_space<vmem_shared>> -> memref<10240x128xf32, #tpu.memory_space<vmem_shared>>
        tpu.enqueue_indirect_dma source(%arg11 : memref<80x128xf32, #tpu.memory_space<vmem>>) target(%dma_start3A_35 : memref<10240x128xf32, #tpu.memory_space<vmem_shared>>) offsets(%arg10 : memref<80xi32, #tpu.memory_space<vmem>>) semaphore(%run_scoped3A : memref<!tpu.dma_semaphore, #tpu.memory_space<semaphore_mem>>) {add = true}
        %dma_wait3A = arith.constant 0 : i32
        %dma_wait3A_36 = arith.constant 0 : i32
        %dma_wait3A_37 = tpu.memref_slice %arg12[%dma_wait3A, %dma_wait3A_36] : memref<10240x128xf32, #tpu.memory_space<vmem_shared>> -> memref<10240x128xf32, #tpu.memory_space<vmem_shared>>
        tpu.wait_indirect_dma semaphore(%run_scoped3A : memref<!tpu.dma_semaphore, #tpu.memory_space<semaphore_mem>>) src(%arg11 : memref<80x128xf32, #tpu.memory_space<vmem>>) dst(%dma_wait3A_37 : memref<10240x128xf32, #tpu.memory_space<vmem_shared>>)
        tpu.yield
      }) : () -> ()
    }
    %scan3A_9 = arith.constant 125 : i32
    %barrier3A_10 = arith.constant 0 : index
    tpu.barrier barrier_id(%barrier3A_10)
    "tpu.region"() ({
      %run_scoped3A = tpu.sem_alloc : memref<!tpu.dma_semaphore, #tpu.memory_space<semaphore_mem>>
      %dma_start3A = arith.constant 0 : i32
      %dma_start3A_30 = tpu.memref_slice %arg7[%arg0, %mul3A_4, %dma_start3A] : memref<2x10240x128xf32, #tpu.memory_space<hbm>> -> memref<1x640x128xf32, #tpu.memory_space<hbm>>
      %dma_start3A_31 = tpu.memref_squeeze %dma_start3A_30 : memref<1x640x128xf32, #tpu.memory_space<hbm>> -> memref<640x128xf32, #tpu.memory_space<hbm>>
      %dma_start3A_32 = arith.constant 0 : i32
      %dma_start3A_33 = tpu.memref_slice %arg12[%mul3A_4, %dma_start3A_32] : memref<10240x128xf32, #tpu.memory_space<vmem_shared>> -> memref<640x128xf32, #tpu.memory_space<vmem_shared>>
      tpu.enqueue_dma source(%dma_start3A_33 : memref<640x128xf32, #tpu.memory_space<vmem_shared>>) target(%dma_start3A_31 : memref<640x128xf32, #tpu.memory_space<hbm>>) target_semaphore(%run_scoped3A : memref<!tpu.dma_semaphore, #tpu.memory_space<semaphore_mem>>)
      %dma_wait3A = arith.constant 0 : i32
      %dma_wait3A_34 = tpu.memref_slice %arg7[%arg0, %mul3A_4, %dma_wait3A] : memref<2x10240x128xf32, #tpu.memory_space<hbm>> -> memref<1x640x128xf32, #tpu.memory_space<hbm>>
      %dma_wait3A_35 = tpu.memref_squeeze %dma_wait3A_34 : memref<1x640x128xf32, #tpu.memory_space<hbm>> -> memref<640x128xf32, #tpu.memory_space<hbm>>
      %dma_wait3A_36 = arith.constant 0 : i32
      %dma_wait3A_37 = tpu.memref_slice %arg12[%mul3A_4, %dma_wait3A_36] : memref<10240x128xf32, #tpu.memory_space<vmem_shared>> -> memref<640x128xf32, #tpu.memory_space<vmem_shared>>
      tpu.wait_dma2 semaphore(%run_scoped3A : memref<!tpu.dma_semaphore, #tpu.memory_space<semaphore_mem>>) src(%dma_wait3A_37 : memref<640x128xf32, #tpu.memory_space<vmem_shared>>) dst(%dma_wait3A_35 : memref<640x128xf32, #tpu.memory_space<hbm>>)
      tpu.yield
    }) : () -> ()
    %barrier3A_11 = arith.constant 0 : index
    tpu.barrier barrier_id(%barrier3A_11)
    "tpu.region"() ({
      %run_scoped3A = tpu.sem_alloc : memref<!tpu.dma_semaphore, #tpu.memory_space<semaphore_mem>>
      %dma_start3A = arith.constant 0 : i32
      %dma_start3A_30 = tpu.memref_slice %arg12[%mul3A_4, %dma_start3A] : memref<10240x128xf32, #tpu.memory_space<vmem_shared>> -> memref<640x128xf32, #tpu.memory_space<vmem_shared>>
      %dma_start3A_31 = arith.constant 0 : i32
      %dma_start3A_32 = tpu.memref_slice %arg6[%mul3A_4, %dma_start3A_31] : memref<10240x128xf32, #tpu.memory_space<hbm>> -> memref<640x128xf32, #tpu.memory_space<hbm>>
      tpu.enqueue_dma source(%dma_start3A_32 : memref<640x128xf32, #tpu.memory_space<hbm>>) target(%dma_start3A_30 : memref<640x128xf32, #tpu.memory_space<vmem_shared>>) target_semaphore(%run_scoped3A : memref<!tpu.dma_semaphore, #tpu.memory_space<semaphore_mem>>)
      %dma_wait3A = arith.constant 0 : i32
      %dma_wait3A_33 = tpu.memref_slice %arg12[%mul3A_4, %dma_wait3A] : memref<10240x128xf32, #tpu.memory_space<vmem_shared>> -> memref<640x128xf32, #tpu.memory_space<vmem_shared>>
      %dma_wait3A_34 = arith.constant 0 : i32
      %dma_wait3A_35 = tpu.memref_slice %arg6[%mul3A_4, %dma_wait3A_34] : memref<10240x128xf32, #tpu.memory_space<hbm>> -> memref<640x128xf32, #tpu.memory_space<hbm>>
      tpu.wait_dma2 semaphore(%run_scoped3A : memref<!tpu.dma_semaphore, #tpu.memory_space<semaphore_mem>>) src(%dma_wait3A_35 : memref<640x128xf32, #tpu.memory_space<hbm>>) dst(%dma_wait3A_33 : memref<640x128xf32, #tpu.memory_space<vmem_shared>>)
      tpu.yield
    }) : () -> ()
    %barrier3A_12 = arith.constant 0 : index
    tpu.barrier barrier_id(%barrier3A_12)
    %scan3A_13 = arith.constant 0 : i32
    %scan3A_14 = arith.constant 0 : i32
    %scan3A_15 = arith.constant 125 : i32
    %scan3A_16 = arith.addi %scan3A_14, %scan3A_15 : i32
    %scan3A_17 = arith.constant 1 : i32
    scf.for %scan3A_30 = %scan3A_14 to %scan3A_16 step %scan3A_17  : i32 {
      %mul3A_31 = arith.constant 80 : i32
      %mul3A_32 = arith.muli %scan3A_30, %mul3A_31 : i32
      %add3A_33 = arith.addi %mul3A_2, %mul3A_32 : i32
      "tpu.region"() ({
        %run_scoped3A = tpu.sem_alloc : memref<!tpu.dma_semaphore, #tpu.memory_space<semaphore_mem>>
        %dma_start3A = tpu.memref_slice %arg5[%add3A_33] : memref<320000xi32, #tpu.memory_space<hbm>> -> memref<80xi32, #tpu.memory_space<hbm>>
        %dma_start3A_34 = tpu.memref_slice %arg5[%add3A_33] : memref<320000xi32, #tpu.memory_space<hbm>> -> memref<80xi32, #tpu.memory_space<hbm>>
        tpu.enqueue_dma source(%dma_start3A_34 : memref<80xi32, #tpu.memory_space<hbm>>) target(%arg10 : memref<80xi32, #tpu.memory_space<vmem>>) target_semaphore(%run_scoped3A : memref<!tpu.dma_semaphore, #tpu.memory_space<semaphore_mem>>)
        %dma_wait3A = tpu.memref_slice %arg5[%add3A_33] : memref<320000xi32, #tpu.memory_space<hbm>> -> memref<80xi32, #tpu.memory_space<hbm>>
        %dma_wait3A_35 = tpu.memref_slice %arg5[%add3A_33] : memref<320000xi32, #tpu.memory_space<hbm>> -> memref<80xi32, #tpu.memory_space<hbm>>
        tpu.wait_dma2 semaphore(%run_scoped3A : memref<!tpu.dma_semaphore, #tpu.memory_space<semaphore_mem>>) src(%dma_wait3A_35 : memref<80xi32, #tpu.memory_space<hbm>>) dst(%arg10 : memref<80xi32, #tpu.memory_space<vmem>>)
        tpu.yield
      }) : () -> ()
      "tpu.region"() ({
        %run_scoped3A = tpu.sem_alloc : memref<!tpu.dma_semaphore, #tpu.memory_space<semaphore_mem>>
        %dma_start3A = arith.constant 0 : i32
        %dma_start3A_34 = tpu.memref_slice %arg3[%add3A_33, %dma_start3A] : memref<320000x128xf32, #tpu.memory_space<hbm>> -> memref<80x128xf32, #tpu.memory_space<hbm>>
        %dma_start3A_35 = arith.constant 0 : i32
        %dma_start3A_36 = tpu.memref_slice %arg3[%add3A_33, %dma_start3A_35] : memref<320000x128xf32, #tpu.memory_space<hbm>> -> memref<80x128xf32, #tpu.memory_space<hbm>>
        tpu.enqueue_dma source(%dma_start3A_36 : memref<80x128xf32, #tpu.memory_space<hbm>>) target(%arg11 : memref<80x128xf32, #tpu.memory_space<vmem>>) target_semaphore(%run_scoped3A : memref<!tpu.dma_semaphore, #tpu.memory_space<semaphore_mem>>)
        %dma_wait3A = arith.constant 0 : i32
        %dma_wait3A_37 = tpu.memref_slice %arg3[%add3A_33, %dma_wait3A] : memref<320000x128xf32, #tpu.memory_space<hbm>> -> memref<80x128xf32, #tpu.memory_space<hbm>>
        %dma_wait3A_38 = arith.constant 0 : i32
        %dma_wait3A_39 = tpu.memref_slice %arg3[%add3A_33, %dma_wait3A_38] : memref<320000x128xf32, #tpu.memory_space<hbm>> -> memref<80x128xf32, #tpu.memory_space<hbm>>
        tpu.wait_dma2 semaphore(%run_scoped3A : memref<!tpu.dma_semaphore, #tpu.memory_space<semaphore_mem>>) src(%dma_wait3A_39 : memref<80x128xf32, #tpu.memory_space<hbm>>) dst(%arg11 : memref<80x128xf32, #tpu.memory_space<vmem>>)
        tpu.yield
      }) : () -> ()
      "tpu.region"() ({
        %run_scoped3A = tpu.sem_alloc : memref<!tpu.dma_semaphore, #tpu.memory_space<semaphore_mem>>
        %dma_start3A = arith.constant 0 : i32
        %dma_start3A_34 = arith.constant 0 : i32
        %dma_start3A_35 = tpu.memref_slice %arg12[%dma_start3A, %dma_start3A_34] : memref<10240x128xf32, #tpu.memory_space<vmem_shared>> -> memref<10240x128xf32, #tpu.memory_space<vmem_shared>>
        tpu.enqueue_indirect_dma source(%arg11 : memref<80x128xf32, #tpu.memory_space<vmem>>) target(%dma_start3A_35 : memref<10240x128xf32, #tpu.memory_space<vmem_shared>>) offsets(%arg10 : memref<80xi32, #tpu.memory_space<vmem>>) semaphore(%run_scoped3A : memref<!tpu.dma_semaphore, #tpu.memory_space<semaphore_mem>>) {add = true}
        %dma_wait3A = arith.constant 0 : i32
        %dma_wait3A_36 = arith.constant 0 : i32
        %dma_wait3A_37 = tpu.memref_slice %arg12[%dma_wait3A, %dma_wait3A_36] : memref<10240x128xf32, #tpu.memory_space<vmem_shared>> -> memref<10240x128xf32, #tpu.memory_space<vmem_shared>>
        tpu.wait_indirect_dma semaphore(%run_scoped3A : memref<!tpu.dma_semaphore, #tpu.memory_space<semaphore_mem>>) src(%arg11 : memref<80x128xf32, #tpu.memory_space<vmem>>) dst(%dma_wait3A_37 : memref<10240x128xf32, #tpu.memory_space<vmem_shared>>)
        tpu.yield
      }) : () -> ()
    }
    %scan3A_18 = arith.constant 125 : i32
    %barrier3A_19 = arith.constant 0 : index
    tpu.barrier barrier_id(%barrier3A_19)
    "tpu.region"() ({
      %run_scoped3A = tpu.sem_alloc : memref<!tpu.dma_semaphore, #tpu.memory_space<semaphore_mem>>
      %dma_start3A = arith.constant 0 : i32
      %dma_start3A_30 = tpu.memref_slice %arg8[%arg0, %mul3A_4, %dma_start3A] : memref<2x10240x128xf32, #tpu.memory_space<hbm>> -> memref<1x640x128xf32, #tpu.memory_space<hbm>>
      %dma_start3A_31 = tpu.memref_squeeze %dma_start3A_30 : memref<1x640x128xf32, #tpu.memory_space<hbm>> -> memref<640x128xf32, #tpu.memory_space<hbm>>
      %dma_start3A_32 = arith.constant 0 : i32
      %dma_start3A_33 = tpu.memref_slice %arg12[%mul3A_4, %dma_start3A_32] : memref<10240x128xf32, #tpu.memory_space<vmem_shared>> -> memref<640x128xf32, #tpu.memory_space<vmem_shared>>
      tpu.enqueue_dma source(%dma_start3A_33 : memref<640x128xf32, #tpu.memory_space<vmem_shared>>) target(%dma_start3A_31 : memref<640x128xf32, #tpu.memory_space<hbm>>) target_semaphore(%run_scoped3A : memref<!tpu.dma_semaphore, #tpu.memory_space<semaphore_mem>>)
      %dma_wait3A = arith.constant 0 : i32
      %dma_wait3A_34 = tpu.memref_slice %arg8[%arg0, %mul3A_4, %dma_wait3A] : memref<2x10240x128xf32, #tpu.memory_space<hbm>> -> memref<1x640x128xf32, #tpu.memory_space<hbm>>
      %dma_wait3A_35 = tpu.memref_squeeze %dma_wait3A_34 : memref<1x640x128xf32, #tpu.memory_space<hbm>> -> memref<640x128xf32, #tpu.memory_space<hbm>>
      %dma_wait3A_36 = arith.constant 0 : i32
      %dma_wait3A_37 = tpu.memref_slice %arg12[%mul3A_4, %dma_wait3A_36] : memref<10240x128xf32, #tpu.memory_space<vmem_shared>> -> memref<640x128xf32, #tpu.memory_space<vmem_shared>>
      tpu.wait_dma2 semaphore(%run_scoped3A : memref<!tpu.dma_semaphore, #tpu.memory_space<semaphore_mem>>) src(%dma_wait3A_37 : memref<640x128xf32, #tpu.memory_space<vmem_shared>>) dst(%dma_wait3A_35 : memref<640x128xf32, #tpu.memory_space<hbm>>)
      tpu.yield
    }) : () -> ()
    %barrier3A_20 = arith.constant 0 : index
    tpu.barrier barrier_id(%barrier3A_20)
    "tpu.region"() ({
      %run_scoped3A = tpu.sem_alloc : memref<!tpu.dma_semaphore, #tpu.memory_space<semaphore_mem>>
      %dma_start3A = arith.constant 0 : i32
      %dma_start3A_30 = tpu.memref_slice %arg12[%mul3A_4, %dma_start3A] : memref<10240x128xf32, #tpu.memory_space<vmem_shared>> -> memref<640x128xf32, #tpu.memory_space<vmem_shared>>
      %dma_start3A_31 = arith.constant 0 : i32
      %dma_start3A_32 = tpu.memref_slice %arg6[%mul3A_4, %dma_start3A_31] : memref<10240x128xf32, #tpu.memory_space<hbm>> -> memref<640x128xf32, #tpu.memory_space<hbm>>
      tpu.enqueue_dma source(%dma_start3A_32 : memref<640x128xf32, #tpu.memory_space<hbm>>) target(%dma_start3A_30 : memref<640x128xf32, #tpu.memory_space<vmem_shared>>) target_semaphore(%run_scoped3A : memref<!tpu.dma_semaphore, #tpu.memory_space<semaphore_mem>>)
      %dma_wait3A = arith.constant 0 : i32
      %dma_wait3A_33 = tpu.memref_slice %arg12[%mul3A_4, %dma_wait3A] : memref<10240x128xf32, #tpu.memory_space<vmem_shared>> -> memref<640x128xf32, #tpu.memory_space<vmem_shared>>
      %dma_wait3A_34 = arith.constant 0 : i32
      %dma_wait3A_35 = tpu.memref_slice %arg6[%mul3A_4, %dma_wait3A_34] : memref<10240x128xf32, #tpu.memory_space<hbm>> -> memref<640x128xf32, #tpu.memory_space<hbm>>
      tpu.wait_dma2 semaphore(%run_scoped3A : memref<!tpu.dma_semaphore, #tpu.memory_space<semaphore_mem>>) src(%dma_wait3A_35 : memref<640x128xf32, #tpu.memory_space<hbm>>) dst(%dma_wait3A_33 : memref<640x128xf32, #tpu.memory_space<vmem_shared>>)
      tpu.yield
    }) : () -> ()
    %barrier3A_21 = arith.constant 0 : index
    tpu.barrier barrier_id(%barrier3A_21)
    %scan3A_22 = arith.constant 0 : i32
    %scan3A_23 = arith.constant 0 : i32
    %scan3A_24 = arith.constant 125 : i32
    %scan3A_25 = arith.addi %scan3A_23, %scan3A_24 : i32
    %scan3A_26 = arith.constant 1 : i32
    scf.for %scan3A_30 = %scan3A_23 to %scan3A_25 step %scan3A_26  : i32 {
      %mul3A_31 = arith.constant 80 : i32
      %mul3A_32 = arith.muli %scan3A_30, %mul3A_31 : i32
      %add3A_33 = arith.addi %mul3A_2, %mul3A_32 : i32
      "tpu.region"() ({
        %run_scoped3A = tpu.sem_alloc : memref<!tpu.dma_semaphore, #tpu.memory_space<semaphore_mem>>
        %dma_start3A = tpu.memref_slice %arg5[%add3A_33] : memref<320000xi32, #tpu.memory_space<hbm>> -> memref<80xi32, #tpu.memory_space<hbm>>
        %dma_start3A_34 = tpu.memref_slice %arg5[%add3A_33] : memref<320000xi32, #tpu.memory_space<hbm>> -> memref<80xi32, #tpu.memory_space<hbm>>
        tpu.enqueue_dma source(%dma_start3A_34 : memref<80xi32, #tpu.memory_space<hbm>>) target(%arg10 : memref<80xi32, #tpu.memory_space<vmem>>) target_semaphore(%run_scoped3A : memref<!tpu.dma_semaphore, #tpu.memory_space<semaphore_mem>>)
        %dma_wait3A = tpu.memref_slice %arg5[%add3A_33] : memref<320000xi32, #tpu.memory_space<hbm>> -> memref<80xi32, #tpu.memory_space<hbm>>
        %dma_wait3A_35 = tpu.memref_slice %arg5[%add3A_33] : memref<320000xi32, #tpu.memory_space<hbm>> -> memref<80xi32, #tpu.memory_space<hbm>>
        tpu.wait_dma2 semaphore(%run_scoped3A : memref<!tpu.dma_semaphore, #tpu.memory_space<semaphore_mem>>) src(%dma_wait3A_35 : memref<80xi32, #tpu.memory_space<hbm>>) dst(%arg10 : memref<80xi32, #tpu.memory_space<vmem>>)
        tpu.yield
      }) : () -> ()
      "tpu.region"() ({
        %run_scoped3A = tpu.sem_alloc : memref<!tpu.dma_semaphore, #tpu.memory_space<semaphore_mem>>
        %dma_start3A = arith.constant 0 : i32
        %dma_start3A_34 = tpu.memref_slice %arg4[%add3A_33, %dma_start3A] : memref<320000x128xf32, #tpu.memory_space<hbm>> -> memref<80x128xf32, #tpu.memory_space<hbm>>
        %dma_start3A_35 = arith.constant 0 : i32
        %dma_start3A_36 = tpu.memref_slice %arg4[%add3A_33, %dma_start3A_35] : memref<320000x128xf32, #tpu.memory_space<hbm>> -> memref<80x128xf32, #tpu.memory_space<hbm>>
        tpu.enqueue_dma source(%dma_start3A_36 : memref<80x128xf32, #tpu.memory_space<hbm>>) target(%arg11 : memref<80x128xf32, #tpu.memory_space<vmem>>) target_semaphore(%run_scoped3A : memref<!tpu.dma_semaphore, #tpu.memory_space<semaphore_mem>>)
        %dma_wait3A = arith.constant 0 : i32
        %dma_wait3A_37 = tpu.memref_slice %arg4[%add3A_33, %dma_wait3A] : memref<320000x128xf32, #tpu.memory_space<hbm>> -> memref<80x128xf32, #tpu.memory_space<hbm>>
        %dma_wait3A_38 = arith.constant 0 : i32
        %dma_wait3A_39 = tpu.memref_slice %arg4[%add3A_33, %dma_wait3A_38] : memref<320000x128xf32, #tpu.memory_space<hbm>> -> memref<80x128xf32, #tpu.memory_space<hbm>>
        tpu.wait_dma2 semaphore(%run_scoped3A : memref<!tpu.dma_semaphore, #tpu.memory_space<semaphore_mem>>) src(%dma_wait3A_39 : memref<80x128xf32, #tpu.memory_space<hbm>>) dst(%arg11 : memref<80x128xf32, #tpu.memory_space<vmem>>)
        tpu.yield
      }) : () -> ()
      "tpu.region"() ({
        %run_scoped3A = tpu.sem_alloc : memref<!tpu.dma_semaphore, #tpu.memory_space<semaphore_mem>>
        %dma_start3A = arith.constant 0 : i32
        %dma_start3A_34 = arith.constant 0 : i32
        %dma_start3A_35 = tpu.memref_slice %arg12[%dma_start3A, %dma_start3A_34] : memref<10240x128xf32, #tpu.memory_space<vmem_shared>> -> memref<10240x128xf32, #tpu.memory_space<vmem_shared>>
        tpu.enqueue_indirect_dma source(%arg11 : memref<80x128xf32, #tpu.memory_space<vmem>>) target(%dma_start3A_35 : memref<10240x128xf32, #tpu.memory_space<vmem_shared>>) offsets(%arg10 : memref<80xi32, #tpu.memory_space<vmem>>) semaphore(%run_scoped3A : memref<!tpu.dma_semaphore, #tpu.memory_space<semaphore_mem>>) {add = true}
        %dma_wait3A = arith.constant 0 : i32
        %dma_wait3A_36 = arith.constant 0 : i32
        %dma_wait3A_37 = tpu.memref_slice %arg12[%dma_wait3A, %dma_wait3A_36] : memref<10240x128xf32, #tpu.memory_space<vmem_shared>> -> memref<10240x128xf32, #tpu.memory_space<vmem_shared>>
        tpu.wait_indirect_dma semaphore(%run_scoped3A : memref<!tpu.dma_semaphore, #tpu.memory_space<semaphore_mem>>) src(%arg11 : memref<80x128xf32, #tpu.memory_space<vmem>>) dst(%dma_wait3A_37 : memref<10240x128xf32, #tpu.memory_space<vmem_shared>>)
        tpu.yield
      }) : () -> ()
    }
    %scan3A_27 = arith.constant 125 : i32
    %barrier3A_28 = arith.constant 0 : index
    tpu.barrier barrier_id(%barrier3A_28)
    "tpu.region"() ({
      %run_scoped3A = tpu.sem_alloc : memref<!tpu.dma_semaphore, #tpu.memory_space<semaphore_mem>>
      %dma_start3A = arith.constant 0 : i32
      %dma_start3A_30 = tpu.memref_slice %arg9[%arg0, %mul3A_4, %dma_start3A] : memref<2x10240x128xf32, #tpu.memory_space<hbm>> -> memref<1x640x128xf32, #tpu.memory_space<hbm>>
      %dma_start3A_31 = tpu.memref_squeeze %dma_start3A_30 : memref<1x640x128xf32, #tpu.memory_space<hbm>> -> memref<640x128xf32, #tpu.memory_space<hbm>>
      %dma_start3A_32 = arith.constant 0 : i32
      %dma_start3A_33 = tpu.memref_slice %arg12[%mul3A_4, %dma_start3A_32] : memref<10240x128xf32, #tpu.memory_space<vmem_shared>> -> memref<640x128xf32, #tpu.memory_space<vmem_shared>>
      tpu.enqueue_dma source(%dma_start3A_33 : memref<640x128xf32, #tpu.memory_space<vmem_shared>>) target(%dma_start3A_31 : memref<640x128xf32, #tpu.memory_space<hbm>>) target_semaphore(%run_scoped3A : memref<!tpu.dma_semaphore, #tpu.memory_space<semaphore_mem>>)
      %dma_wait3A = arith.constant 0 : i32
      %dma_wait3A_34 = tpu.memref_slice %arg9[%arg0, %mul3A_4, %dma_wait3A] : memref<2x10240x128xf32, #tpu.memory_space<hbm>> -> memref<1x640x128xf32, #tpu.memory_space<hbm>>
      %dma_wait3A_35 = tpu.memref_squeeze %dma_wait3A_34 : memref<1x640x128xf32, #tpu.memory_space<hbm>> -> memref<640x128xf32, #tpu.memory_space<hbm>>
      %dma_wait3A_36 = arith.constant 0 : i32
      %dma_wait3A_37 = tpu.memref_slice %arg12[%mul3A_4, %dma_wait3A_36] : memref<10240x128xf32, #tpu.memory_space<vmem_shared>> -> memref<640x128xf32, #tpu.memory_space<vmem_shared>>
      tpu.wait_dma2 semaphore(%run_scoped3A : memref<!tpu.dma_semaphore, #tpu.memory_space<semaphore_mem>>) src(%dma_wait3A_37 : memref<640x128xf32, #tpu.memory_space<vmem_shared>>) dst(%dma_wait3A_35 : memref<640x128xf32, #tpu.memory_space<hbm>>)
      tpu.yield
    }) : () -> ()
    %barrier3A_29 = arith.constant 0 : index
    tpu.barrier barrier_id(%barrier3A_29)
    return
  }
}

#map = affine_map<(d0, d1) -> (0, 0)>
#map1 = affine_map<(d0, d1) -> (0)>
#map2 = affine_map<(d0, d1) -> (0, 0, 0)>
module attributes {stable_mosaic.version = 14 : i64} {
  func.func @kfn(%arg0: i32, %arg1: i32, %arg2: memref<320000x128xf32, #tpu.memory_space<hbm>>, %arg3: memref<320000x128xf32, #tpu.memory_space<hbm>>, %arg4: memref<320000x128xf32, #tpu.memory_space<hbm>>, %arg5: memref<320000xi32, #tpu.memory_space<hbm>>, %arg6: memref<10240x128xf32, #tpu.memory_space<hbm>>, %arg7: memref<2x10240x128xf32, #tpu.memory_space<hbm>>, %arg8: memref<2x10240x128xf32, #tpu.memory_space<hbm>>, %arg9: memref<2x10240x128xf32, #tpu.memory_space<hbm>>, %arg10: memref<80xi32, #tpu.memory_space<vmem>>, %arg11: memref<80x128xf32, #tpu.memory_space<vmem>>, %arg12: memref<10240x128xf32, #tpu.memory_space<vmem_shared>>) attributes {dimension_semantics = [#tpu.dimension_semantics<core_parallel>, #tpu.dimension_semantics<subcore_parallel>], iteration_bounds = array<i64: 2, 16>, scalar_prefetch = 0 : i64, scratch_operands = 3 : i64, tpu.core_type = #tpu.core_type<sc_vector_subcore>, window_params = [{transform_indices = #map}, {transform_indices = #map}, {transform_indices = #map}, {transform_indices = #map1}, {transform_indices = #map}, {transform_indices = #map2}, {transform_indices = #map2}, {transform_indices = #map2}]} {
    %mul3A = arith.constant 2 : i32
    %mul3A_0 = arith.muli %arg1, %mul3A : i32
    %add3A = arith.addi %mul3A_0, %arg0 : i32
    %mul3A_1 = arith.constant 10000 : i32
    %mul3A_2 = arith.muli %add3A, %mul3A_1 : i32
    %mul3A_3 = arith.constant 640 : i32
    %mul3A_4 = arith.muli %arg1, %mul3A_3 : i32
    "tpu.region"() ({
      %run_scoped3A = tpu.sem_alloc : memref<!tpu.dma_semaphore, #tpu.memory_space<semaphore_mem>>
      %dma_start3A = arith.constant 0 : i32
      %dma_start3A_30 = tpu.memref_slice %arg12[%mul3A_4, %dma_start3A] : memref<10240x128xf32, #tpu.memory_space<vmem_shared>> -> memref<640x128xf32, #tpu.memory_space<vmem_shared>>
      %dma_start3A_31 = arith.constant 0 : i32
      %dma_start3A_32 = tpu.memref_slice %arg6[%mul3A_4, %dma_start3A_31] : memref<10240x128xf32, #tpu.memory_space<hbm>> -> memref<640x128xf32, #tpu.memory_space<hbm>>
      tpu.enqueue_dma source(%dma_start3A_32 : memref<640x128xf32, #tpu.memory_space<hbm>>) target(%dma_start3A_30 : memref<640x128xf32, #tpu.memory_space<vmem_shared>>) target_semaphore(%run_scoped3A : memref<!tpu.dma_semaphore, #tpu.memory_space<semaphore_mem>>)
      %dma_wait3A = arith.constant 0 : i32
      %dma_wait3A_33 = tpu.memref_slice %arg12[%mul3A_4, %dma_wait3A] : memref<10240x128xf32, #tpu.memory_space<vmem_shared>> -> memref<640x128xf32, #tpu.memory_space<vmem_shared>>
      %dma_wait3A_34 = arith.constant 0 : i32
      %dma_wait3A_35 = tpu.memref_slice %arg6[%mul3A_4, %dma_wait3A_34] : memref<10240x128xf32, #tpu.memory_space<hbm>> -> memref<640x128xf32, #tpu.memory_space<hbm>>
      tpu.wait_dma2 semaphore(%run_scoped3A : memref<!tpu.dma_semaphore, #tpu.memory_space<semaphore_mem>>) src(%dma_wait3A_35 : memref<640x128xf32, #tpu.memory_space<hbm>>) dst(%dma_wait3A_33 : memref<640x128xf32, #tpu.memory_space<vmem_shared>>)
      tpu.yield
    }) : () -> ()
    %barrier3A = arith.constant 0 : index
    tpu.barrier barrier_id(%barrier3A)
    %scan3A = arith.constant 0 : i32
    %scan3A_5 = arith.constant 0 : i32
    %scan3A_6 = arith.constant 125 : i32
    %scan3A_7 = arith.addi %scan3A_5, %scan3A_6 : i32
    %scan3A_8 = arith.constant 1 : i32
    scf.for %scan3A_30 = %scan3A_5 to %scan3A_7 step %scan3A_8  : i32 {
      %mul3A_31 = arith.constant 80 : i32
      %mul3A_32 = arith.muli %scan3A_30, %mul3A_31 : i32
      %add3A_33 = arith.addi %mul3A_2, %mul3A_32 : i32
      "tpu.region"() ({
        %run_scoped3A = tpu.sem_alloc : memref<!tpu.dma_semaphore, #tpu.memory_space<semaphore_mem>>
        %dma_start3A = tpu.memref_slice %arg5[%add3A_33] : memref<320000xi32, #tpu.memory_space<hbm>> -> memref<80xi32, #tpu.memory_space<hbm>>
        %dma_start3A_34 = tpu.memref_slice %arg5[%add3A_33] : memref<320000xi32, #tpu.memory_space<hbm>> -> memref<80xi32, #tpu.memory_space<hbm>>
        tpu.enqueue_dma source(%dma_start3A_34 : memref<80xi32, #tpu.memory_space<hbm>>) target(%arg10 : memref<80xi32, #tpu.memory_space<vmem>>) target_semaphore(%run_scoped3A : memref<!tpu.dma_semaphore, #tpu.memory_space<semaphore_mem>>)
        %dma_wait3A = tpu.memref_slice %arg5[%add3A_33] : memref<320000xi32, #tpu.memory_space<hbm>> -> memref<80xi32, #tpu.memory_space<hbm>>
        %dma_wait3A_35 = tpu.memref_slice %arg5[%add3A_33] : memref<320000xi32, #tpu.memory_space<hbm>> -> memref<80xi32, #tpu.memory_space<hbm>>
        tpu.wait_dma2 semaphore(%run_scoped3A : memref<!tpu.dma_semaphore, #tpu.memory_space<semaphore_mem>>) src(%dma_wait3A_35 : memref<80xi32, #tpu.memory_space<hbm>>) dst(%arg10 : memref<80xi32, #tpu.memory_space<vmem>>)
        tpu.yield
      }) : () -> ()
      "tpu.region"() ({
        %run_scoped3A = tpu.sem_alloc : memref<!tpu.dma_semaphore, #tpu.memory_space<semaphore_mem>>
        %dma_start3A = arith.constant 0 : i32
        %dma_start3A_34 = tpu.memref_slice %arg2[%add3A_33, %dma_start3A] : memref<320000x128xf32, #tpu.memory_space<hbm>> -> memref<80x128xf32, #tpu.memory_space<hbm>>
        %dma_start3A_35 = arith.constant 0 : i32
        %dma_start3A_36 = tpu.memref_slice %arg2[%add3A_33, %dma_start3A_35] : memref<320000x128xf32, #tpu.memory_space<hbm>> -> memref<80x128xf32, #tpu.memory_space<hbm>>
        tpu.enqueue_dma source(%dma_start3A_36 : memref<80x128xf32, #tpu.memory_space<hbm>>) target(%arg11 : memref<80x128xf32, #tpu.memory_space<vmem>>) target_semaphore(%run_scoped3A : memref<!tpu.dma_semaphore, #tpu.memory_space<semaphore_mem>>)
        %dma_wait3A = arith.constant 0 : i32
        %dma_wait3A_37 = tpu.memref_slice %arg2[%add3A_33, %dma_wait3A] : memref<320000x128xf32, #tpu.memory_space<hbm>> -> memref<80x128xf32, #tpu.memory_space<hbm>>
        %dma_wait3A_38 = arith.constant 0 : i32
        %dma_wait3A_39 = tpu.memref_slice %arg2[%add3A_33, %dma_wait3A_38] : memref<320000x128xf32, #tpu.memory_space<hbm>> -> memref<80x128xf32, #tpu.memory_space<hbm>>
        tpu.wait_dma2 semaphore(%run_scoped3A : memref<!tpu.dma_semaphore, #tpu.memory_space<semaphore_mem>>) src(%dma_wait3A_39 : memref<80x128xf32, #tpu.memory_space<hbm>>) dst(%arg11 : memref<80x128xf32, #tpu.memory_space<vmem>>)
        tpu.yield
      }) : () -> ()
      "tpu.region"() ({
        %run_scoped3A = tpu.sem_alloc : memref<!tpu.dma_semaphore, #tpu.memory_space<semaphore_mem>>
        %dma_start3A = arith.constant 0 : i32
        %dma_start3A_34 = arith.constant 0 : i32
        %dma_start3A_35 = tpu.memref_slice %arg12[%dma_start3A, %dma_start3A_34] : memref<10240x128xf32, #tpu.memory_space<vmem_shared>> -> memref<10240x128xf32, #tpu.memory_space<vmem_shared>>
        tpu.enqueue_indirect_dma source(%arg11 : memref<80x128xf32, #tpu.memory_space<vmem>>) target(%dma_start3A_35 : memref<10240x128xf32, #tpu.memory_space<vmem_shared>>) offsets(%arg10 : memref<80xi32, #tpu.memory_space<vmem>>) semaphore(%run_scoped3A : memref<!tpu.dma_semaphore, #tpu.memory_space<semaphore_mem>>) {add = true}
        %dma_wait3A = arith.constant 0 : i32
        %dma_wait3A_36 = arith.constant 0 : i32
        %dma_wait3A_37 = tpu.memref_slice %arg12[%dma_wait3A, %dma_wait3A_36] : memref<10240x128xf32, #tpu.memory_space<vmem_shared>> -> memref<10240x128xf32, #tpu.memory_space<vmem_shared>>
        tpu.wait_indirect_dma semaphore(%run_scoped3A : memref<!tpu.dma_semaphore, #tpu.memory_space<semaphore_mem>>) src(%arg11 : memref<80x128xf32, #tpu.memory_space<vmem>>) dst(%dma_wait3A_37 : memref<10240x128xf32, #tpu.memory_space<vmem_shared>>)
        tpu.yield
      }) : () -> ()
    }
    %scan3A_9 = arith.constant 125 : i32
    %barrier3A_10 = arith.constant 0 : index
    tpu.barrier barrier_id(%barrier3A_10)
    "tpu.region"() ({
      %run_scoped3A = tpu.sem_alloc : memref<!tpu.dma_semaphore, #tpu.memory_space<semaphore_mem>>
      %dma_start3A = arith.constant 0 : i32
      %dma_start3A_30 = tpu.memref_slice %arg7[%arg0, %mul3A_4, %dma_start3A] : memref<2x10240x128xf32, #tpu.memory_space<hbm>> -> memref<1x640x128xf32, #tpu.memory_space<hbm>>
      %dma_start3A_31 = tpu.memref_squeeze %dma_start3A_30 : memref<1x640x128xf32, #tpu.memory_space<hbm>> -> memref<640x128xf32, #tpu.memory_space<hbm>>
      %dma_start3A_32 = arith.constant 0 : i32
      %dma_start3A_33 = tpu.memref_slice %arg12[%mul3A_4, %dma_start3A_32] : memref<10240x128xf32, #tpu.memory_space<vmem_shared>> -> memref<640x128xf32, #tpu.memory_space<vmem_shared>>
      tpu.enqueue_dma source(%dma_start3A_33 : memref<640x128xf32, #tpu.memory_space<vmem_shared>>) target(%dma_start3A_31 : memref<640x128xf32, #tpu.memory_space<hbm>>) target_semaphore(%run_scoped3A : memref<!tpu.dma_semaphore, #tpu.memory_space<semaphore_mem>>)
      %dma_wait3A = arith.constant 0 : i32
      %dma_wait3A_34 = tpu.memref_slice %arg7[%arg0, %mul3A_4, %dma_wait3A] : memref<2x10240x128xf32, #tpu.memory_space<hbm>> -> memref<1x640x128xf32, #tpu.memory_space<hbm>>
      %dma_wait3A_35 = tpu.memref_squeeze %dma_wait3A_34 : memref<1x640x128xf32, #tpu.memory_space<hbm>> -> memref<640x128xf32, #tpu.memory_space<hbm>>
      %dma_wait3A_36 = arith.constant 0 : i32
      %dma_wait3A_37 = tpu.memref_slice %arg12[%mul3A_4, %dma_wait3A_36] : memref<10240x128xf32, #tpu.memory_space<vmem_shared>> -> memref<640x128xf32, #tpu.memory_space<vmem_shared>>
      tpu.wait_dma2 semaphore(%run_scoped3A : memref<!tpu.dma_semaphore, #tpu.memory_space<semaphore_mem>>) src(%dma_wait3A_37 : memref<640x128xf32, #tpu.memory_space<vmem_shared>>) dst(%dma_wait3A_35 : memref<640x128xf32, #tpu.memory_space<hbm>>)
      tpu.yield
    }) : () -> ()
    %barrier3A_11 = arith.constant 0 : index
    tpu.barrier barrier_id(%barrier3A_11)
    "tpu.region"() ({
      %run_scoped3A = tpu.sem_alloc : memref<!tpu.dma_semaphore, #tpu.memory_space<semaphore_mem>>
      %dma_start3A = arith.constant 0 : i32
      %dma_start3A_30 = tpu.memref_slice %arg12[%mul3A_4, %dma_start3A] : memref<10240x128xf32, #tpu.memory_space<vmem_shared>> -> memref<640x128xf32, #tpu.memory_space<vmem_shared>>
      %dma_start3A_31 = arith.constant 0 : i32
      %dma_start3A_32 = tpu.memref_slice %arg6[%mul3A_4, %dma_start3A_31] : memref<10240x128xf32, #tpu.memory_space<hbm>> -> memref<640x128xf32, #tpu.memory_space<hbm>>
      tpu.enqueue_dma source(%dma_start3A_32 : memref<640x128xf32, #tpu.memory_space<hbm>>) target(%dma_start3A_30 : memref<640x128xf32, #tpu.memory_space<vmem_shared>>) target_semaphore(%run_scoped3A : memref<!tpu.dma_semaphore, #tpu.memory_space<semaphore_mem>>)
      %dma_wait3A = arith.constant 0 : i32
      %dma_wait3A_33 = tpu.memref_slice %arg12[%mul3A_4, %dma_wait3A] : memref<10240x128xf32, #tpu.memory_space<vmem_shared>> -> memref<640x128xf32, #tpu.memory_space<vmem_shared>>
      %dma_wait3A_34 = arith.constant 0 : i32
      %dma_wait3A_35 = tpu.memref_slice %arg6[%mul3A_4, %dma_wait3A_34] : memref<10240x128xf32, #tpu.memory_space<hbm>> -> memref<640x128xf32, #tpu.memory_space<hbm>>
      tpu.wait_dma2 semaphore(%run_scoped3A : memref<!tpu.dma_semaphore, #tpu.memory_space<semaphore_mem>>) src(%dma_wait3A_35 : memref<640x128xf32, #tpu.memory_space<hbm>>) dst(%dma_wait3A_33 : memref<640x128xf32, #tpu.memory_space<vmem_shared>>)
      tpu.yield
    }) : () -> ()
    %barrier3A_12 = arith.constant 0 : index
    tpu.barrier barrier_id(%barrier3A_12)
    %scan3A_13 = arith.constant 0 : i32
    %scan3A_14 = arith.constant 0 : i32
    %scan3A_15 = arith.constant 125 : i32
    %scan3A_16 = arith.addi %scan3A_14, %scan3A_15 : i32
    %scan3A_17 = arith.constant 1 : i32
    scf.for %scan3A_30 = %scan3A_14 to %scan3A_16 step %scan3A_17  : i32 {
      %mul3A_31 = arith.constant 80 : i32
      %mul3A_32 = arith.muli %scan3A_30, %mul3A_31 : i32
      %add3A_33 = arith.addi %mul3A_2, %mul3A_32 : i32
      "tpu.region"() ({
        %run_scoped3A = tpu.sem_alloc : memref<!tpu.dma_semaphore, #tpu.memory_space<semaphore_mem>>
        %dma_start3A = tpu.memref_slice %arg5[%add3A_33] : memref<320000xi32, #tpu.memory_space<hbm>> -> memref<80xi32, #tpu.memory_space<hbm>>
        %dma_start3A_34 = tpu.memref_slice %arg5[%add3A_33] : memref<320000xi32, #tpu.memory_space<hbm>> -> memref<80xi32, #tpu.memory_space<hbm>>
        tpu.enqueue_dma source(%dma_start3A_34 : memref<80xi32, #tpu.memory_space<hbm>>) target(%arg10 : memref<80xi32, #tpu.memory_space<vmem>>) target_semaphore(%run_scoped3A : memref<!tpu.dma_semaphore, #tpu.memory_space<semaphore_mem>>)
        %dma_wait3A = tpu.memref_slice %arg5[%add3A_33] : memref<320000xi32, #tpu.memory_space<hbm>> -> memref<80xi32, #tpu.memory_space<hbm>>
        %dma_wait3A_35 = tpu.memref_slice %arg5[%add3A_33] : memref<320000xi32, #tpu.memory_space<hbm>> -> memref<80xi32, #tpu.memory_space<hbm>>
        tpu.wait_dma2 semaphore(%run_scoped3A : memref<!tpu.dma_semaphore, #tpu.memory_space<semaphore_mem>>) src(%dma_wait3A_35 : memref<80xi32, #tpu.memory_space<hbm>>) dst(%arg10 : memref<80xi32, #tpu.memory_space<vmem>>)
        tpu.yield
      }) : () -> ()
      "tpu.region"() ({
        %run_scoped3A = tpu.sem_alloc : memref<!tpu.dma_semaphore, #tpu.memory_space<semaphore_mem>>
        %dma_start3A = arith.constant 0 : i32
        %dma_start3A_34 = tpu.memref_slice %arg3[%add3A_33, %dma_start3A] : memref<320000x128xf32, #tpu.memory_space<hbm>> -> memref<80x128xf32, #tpu.memory_space<hbm>>
        %dma_start3A_35 = arith.constant 0 : i32
        %dma_start3A_36 = tpu.memref_slice %arg3[%add3A_33, %dma_start3A_35] : memref<320000x128xf32, #tpu.memory_space<hbm>> -> memref<80x128xf32, #tpu.memory_space<hbm>>
        tpu.enqueue_dma source(%dma_start3A_36 : memref<80x128xf32, #tpu.memory_space<hbm>>) target(%arg11 : memref<80x128xf32, #tpu.memory_space<vmem>>) target_semaphore(%run_scoped3A : memref<!tpu.dma_semaphore, #tpu.memory_space<semaphore_mem>>)
        %dma_wait3A = arith.constant 0 : i32
        %dma_wait3A_37 = tpu.memref_slice %arg3[%add3A_33, %dma_wait3A] : memref<320000x128xf32, #tpu.memory_space<hbm>> -> memref<80x128xf32, #tpu.memory_space<hbm>>
        %dma_wait3A_38 = arith.constant 0 : i32
        %dma_wait3A_39 = tpu.memref_slice %arg3[%add3A_33, %dma_wait3A_38] : memref<320000x128xf32, #tpu.memory_space<hbm>> -> memref<80x128xf32, #tpu.memory_space<hbm>>
        tpu.wait_dma2 semaphore(%run_scoped3A : memref<!tpu.dma_semaphore, #tpu.memory_space<semaphore_mem>>) src(%dma_wait3A_39 : memref<80x128xf32, #tpu.memory_space<hbm>>) dst(%arg11 : memref<80x128xf32, #tpu.memory_space<vmem>>)
        tpu.yield
      }) : () -> ()
      "tpu.region"() ({
        %run_scoped3A = tpu.sem_alloc : memref<!tpu.dma_semaphore, #tpu.memory_space<semaphore_mem>>
        %dma_start3A = arith.constant 0 : i32
        %dma_start3A_34 = arith.constant 0 : i32
        %dma_start3A_35 = tpu.memref_slice %arg12[%dma_start3A, %dma_start3A_34] : memref<10240x128xf32, #tpu.memory_space<vmem_shared>> -> memref<10240x128xf32, #tpu.memory_space<vmem_shared>>
        tpu.enqueue_indirect_dma source(%arg11 : memref<80x128xf32, #tpu.memory_space<vmem>>) target(%dma_start3A_35 : memref<10240x128xf32, #tpu.memory_space<vmem_shared>>) offsets(%arg10 : memref<80xi32, #tpu.memory_space<vmem>>) semaphore(%run_scoped3A : memref<!tpu.dma_semaphore, #tpu.memory_space<semaphore_mem>>) {add = true}
        %dma_wait3A = arith.constant 0 : i32
        %dma_wait3A_36 = arith.constant 0 : i32
        %dma_wait3A_37 = tpu.memref_slice %arg12[%dma_wait3A, %dma_wait3A_36] : memref<10240x128xf32, #tpu.memory_space<vmem_shared>> -> memref<10240x128xf32, #tpu.memory_space<vmem_shared>>
        tpu.wait_indirect_dma semaphore(%run_scoped3A : memref<!tpu.dma_semaphore, #tpu.memory_space<semaphore_mem>>) src(%arg11 : memref<80x128xf32, #tpu.memory_space<vmem>>) dst(%dma_wait3A_37 : memref<10240x128xf32, #tpu.memory_space<vmem_shared>>)
        tpu.yield
      }) : () -> ()
    }
    %scan3A_18 = arith.constant 125 : i32
    %barrier3A_19 = arith.constant 0 : index
    tpu.barrier barrier_id(%barrier3A_19)
    "tpu.region"() ({
      %run_scoped3A = tpu.sem_alloc : memref<!tpu.dma_semaphore, #tpu.memory_space<semaphore_mem>>
      %dma_start3A = arith.constant 0 : i32
      %dma_start3A_30 = tpu.memref_slice %arg8[%arg0, %mul3A_4, %dma_start3A] : memref<2x10240x128xf32, #tpu.memory_space<hbm>> -> memref<1x640x128xf32, #tpu.memory_space<hbm>>
      %dma_start3A_31 = tpu.memref_squeeze %dma_start3A_30 : memref<1x640x128xf32, #tpu.memory_space<hbm>> -> memref<640x128xf32, #tpu.memory_space<hbm>>
      %dma_start3A_32 = arith.constant 0 : i32
      %dma_start3A_33 = tpu.memref_slice %arg12[%mul3A_4, %dma_start3A_32] : memref<10240x128xf32, #tpu.memory_space<vmem_shared>> -> memref<640x128xf32, #tpu.memory_space<vmem_shared>>
      tpu.enqueue_dma source(%dma_start3A_33 : memref<640x128xf32, #tpu.memory_space<vmem_shared>>) target(%dma_start3A_31 : memref<640x128xf32, #tpu.memory_space<hbm>>) target_semaphore(%run_scoped3A : memref<!tpu.dma_semaphore, #tpu.memory_space<semaphore_mem>>)
      %dma_wait3A = arith.constant 0 : i32
      %dma_wait3A_34 = tpu.memref_slice %arg8[%arg0, %mul3A_4, %dma_wait3A] : memref<2x10240x128xf32, #tpu.memory_space<hbm>> -> memref<1x640x128xf32, #tpu.memory_space<hbm>>
      %dma_wait3A_35 = tpu.memref_squeeze %dma_wait3A_34 : memref<1x640x128xf32, #tpu.memory_space<hbm>> -> memref<640x128xf32, #tpu.memory_space<hbm>>
      %dma_wait3A_36 = arith.constant 0 : i32
      %dma_wait3A_37 = tpu.memref_slice %arg12[%mul3A_4, %dma_wait3A_36] : memref<10240x128xf32, #tpu.memory_space<vmem_shared>> -> memref<640x128xf32, #tpu.memory_space<vmem_shared>>
      tpu.wait_dma2 semaphore(%run_scoped3A : memref<!tpu.dma_semaphore, #tpu.memory_space<semaphore_mem>>) src(%dma_wait3A_37 : memref<640x128xf32, #tpu.memory_space<vmem_shared>>) dst(%dma_wait3A_35 : memref<640x128xf32, #tpu.memory_space<hbm>>)
      tpu.yield
    }) : () -> ()
    %barrier3A_20 = arith.constant 0 : index
    tpu.barrier barrier_id(%barrier3A_20)
    "tpu.region"() ({
      %run_scoped3A = tpu.sem_alloc : memref<!tpu.dma_semaphore, #tpu.memory_space<semaphore_mem>>
      %dma_start3A = arith.constant 0 : i32
      %dma_start3A_30 = tpu.memref_slice %arg12[%mul3A_4, %dma_start3A] : memref<10240x128xf32, #tpu.memory_space<vmem_shared>> -> memref<640x128xf32, #tpu.memory_space<vmem_shared>>
      %dma_start3A_31 = arith.constant 0 : i32
      %dma_start3A_32 = tpu.memref_slice %arg6[%mul3A_4, %dma_start3A_31] : memref<10240x128xf32, #tpu.memory_space<hbm>> -> memref<640x128xf32, #tpu.memory_space<hbm>>
      tpu.enqueue_dma source(%dma_start3A_32 : memref<640x128xf32, #tpu.memory_space<hbm>>) target(%dma_start3A_30 : memref<640x128xf32, #tpu.memory_space<vmem_shared>>) target_semaphore(%run_scoped3A : memref<!tpu.dma_semaphore, #tpu.memory_space<semaphore_mem>>)
      %dma_wait3A = arith.constant 0 : i32
      %dma_wait3A_33 = tpu.memref_slice %arg12[%mul3A_4, %dma_wait3A] : memref<10240x128xf32, #tpu.memory_space<vmem_shared>> -> memref<640x128xf32, #tpu.memory_space<vmem_shared>>
      %dma_wait3A_34 = arith.constant 0 : i32
      %dma_wait3A_35 = tpu.memref_slice %arg6[%mul3A_4, %dma_wait3A_34] : memref<10240x128xf32, #tpu.memory_space<hbm>> -> memref<640x128xf32, #tpu.memory_space<hbm>>
      tpu.wait_dma2 semaphore(%run_scoped3A : memref<!tpu.dma_semaphore, #tpu.memory_space<semaphore_mem>>) src(%dma_wait3A_35 : memref<640x128xf32, #tpu.memory_space<hbm>>) dst(%dma_wait3A_33 : memref<640x128xf32, #tpu.memory_space<vmem_shared>>)
      tpu.yield
    }) : () -> ()
    %barrier3A_21 = arith.constant 0 : index
    tpu.barrier barrier_id(%barrier3A_21)
    %scan3A_22 = arith.constant 0 : i32
    %scan3A_23 = arith.constant 0 : i32
    %scan3A_24 = arith.constant 125 : i32
    %scan3A_25 = arith.addi %scan3A_23, %scan3A_24 : i32
    %scan3A_26 = arith.constant 1 : i32
    scf.for %scan3A_30 = %scan3A_23 to %scan3A_25 step %scan3A_26  : i32 {
      %mul3A_31 = arith.constant 80 : i32
      %mul3A_32 = arith.muli %scan3A_30, %mul3A_31 : i32
      %add3A_33 = arith.addi %mul3A_2, %mul3A_32 : i32
      "tpu.region"() ({
        %run_scoped3A = tpu.sem_alloc : memref<!tpu.dma_semaphore, #tpu.memory_space<semaphore_mem>>
        %dma_start3A = tpu.memref_slice %arg5[%add3A_33] : memref<320000xi32, #tpu.memory_space<hbm>> -> memref<80xi32, #tpu.memory_space<hbm>>
        %dma_start3A_34 = tpu.memref_slice %arg5[%add3A_33] : memref<320000xi32, #tpu.memory_space<hbm>> -> memref<80xi32, #tpu.memory_space<hbm>>
        tpu.enqueue_dma source(%dma_start3A_34 : memref<80xi32, #tpu.memory_space<hbm>>) target(%arg10 : memref<80xi32, #tpu.memory_space<vmem>>) target_semaphore(%run_scoped3A : memref<!tpu.dma_semaphore, #tpu.memory_space<semaphore_mem>>)
        %dma_wait3A = tpu.memref_slice %arg5[%add3A_33] : memref<320000xi32, #tpu.memory_space<hbm>> -> memref<80xi32, #tpu.memory_space<hbm>>
        %dma_wait3A_35 = tpu.memref_slice %arg5[%add3A_33] : memref<320000xi32, #tpu.memory_space<hbm>> -> memref<80xi32, #tpu.memory_space<hbm>>
        tpu.wait_dma2 semaphore(%run_scoped3A : memref<!tpu.dma_semaphore, #tpu.memory_space<semaphore_mem>>) src(%dma_wait3A_35 : memref<80xi32, #tpu.memory_space<hbm>>) dst(%arg10 : memref<80xi32, #tpu.memory_space<vmem>>)
        tpu.yield
      }) : () -> ()
      "tpu.region"() ({
        %run_scoped3A = tpu.sem_alloc : memref<!tpu.dma_semaphore, #tpu.memory_space<semaphore_mem>>
        %dma_start3A = arith.constant 0 : i32
        %dma_start3A_34 = tpu.memref_slice %arg4[%add3A_33, %dma_start3A] : memref<320000x128xf32, #tpu.memory_space<hbm>> -> memref<80x128xf32, #tpu.memory_space<hbm>>
        %dma_start3A_35 = arith.constant 0 : i32
        %dma_start3A_36 = tpu.memref_slice %arg4[%add3A_33, %dma_start3A_35] : memref<320000x128xf32, #tpu.memory_space<hbm>> -> memref<80x128xf32, #tpu.memory_space<hbm>>
        tpu.enqueue_dma source(%dma_start3A_36 : memref<80x128xf32, #tpu.memory_space<hbm>>) target(%arg11 : memref<80x128xf32, #tpu.memory_space<vmem>>) target_semaphore(%run_scoped3A : memref<!tpu.dma_semaphore, #tpu.memory_space<semaphore_mem>>)
        %dma_wait3A = arith.constant 0 : i32
        %dma_wait3A_37 = tpu.memref_slice %arg4[%add3A_33, %dma_wait3A] : memref<320000x128xf32, #tpu.memory_space<hbm>> -> memref<80x128xf32, #tpu.memory_space<hbm>>
        %dma_wait3A_38 = arith.constant 0 : i32
        %dma_wait3A_39 = tpu.memref_slice %arg4[%add3A_33, %dma_wait3A_38] : memref<320000x128xf32, #tpu.memory_space<hbm>> -> memref<80x128xf32, #tpu.memory_space<hbm>>
        tpu.wait_dma2 semaphore(%run_scoped3A : memref<!tpu.dma_semaphore, #tpu.memory_space<semaphore_mem>>) src(%dma_wait3A_39 : memref<80x128xf32, #tpu.memory_space<hbm>>) dst(%arg11 : memref<80x128xf32, #tpu.memory_space<vmem>>)
        tpu.yield
      }) : () -> ()
      "tpu.region"() ({
        %run_scoped3A = tpu.sem_alloc : memref<!tpu.dma_semaphore, #tpu.memory_space<semaphore_mem>>
        %dma_start3A = arith.constant 0 : i32
        %dma_start3A_34 = arith.constant 0 : i32
        %dma_start3A_35 = tpu.memref_slice %arg12[%dma_start3A, %dma_start3A_34] : memref<10240x128xf32, #tpu.memory_space<vmem_shared>> -> memref<10240x128xf32, #tpu.memory_space<vmem_shared>>
        tpu.enqueue_indirect_dma source(%arg11 : memref<80x128xf32, #tpu.memory_space<vmem>>) target(%dma_start3A_35 : memref<10240x128xf32, #tpu.memory_space<vmem_shared>>) offsets(%arg10 : memref<80xi32, #tpu.memory_space<vmem>>) semaphore(%run_scoped3A : memref<!tpu.dma_semaphore, #tpu.memory_space<semaphore_mem>>) {add = true}
        %dma_wait3A = arith.constant 0 : i32
        %dma_wait3A_36 = arith.constant 0 : i32
        %dma_wait3A_37 = tpu.memref_slice %arg12[%dma_wait3A, %dma_wait3A_36] : memref<10240x128xf32, #tpu.memory_space<vmem_shared>> -> memref<10240x128xf32, #tpu.memory_space<vmem_shared>>
        tpu.wait_indirect_dma semaphore(%run_scoped3A : memref<!tpu.dma_semaphore, #tpu.memory_space<semaphore_mem>>) src(%arg11 : memref<80x128xf32, #tpu.memory_space<vmem>>) dst(%dma_wait3A_37 : memref<10240x128xf32, #tpu.memory_space<vmem_shared>>)
        tpu.yield
      }) : () -> ()
    }
    %scan3A_27 = arith.constant 125 : i32
    %barrier3A_28 = arith.constant 0 : index
    tpu.barrier barrier_id(%barrier3A_28)
    "tpu.region"() ({
      %run_scoped3A = tpu.sem_alloc : memref<!tpu.dma_semaphore, #tpu.memory_space<semaphore_mem>>
      %dma_start3A = arith.constant 0 : i32
      %dma_start3A_30 = tpu.memref_slice %arg9[%arg0, %mul3A_4, %dma_start3A] : memref<2x10240x128xf32, #tpu.memory_space<hbm>> -> memref<1x640x128xf32, #tpu.memory_space<hbm>>
      %dma_start3A_31 = tpu.memref_squeeze %dma_start3A_30 : memref<1x640x128xf32, #tpu.memory_space<hbm>> -> memref<640x128xf32, #tpu.memory_space<hbm>>
      %dma_start3A_32 = arith.constant 0 : i32
      %dma_start3A_33 = tpu.memref_slice %arg12[%mul3A_4, %dma_start3A_32] : memref<10240x128xf32, #tpu.memory_space<vmem_shared>> -> memref<640x128xf32, #tpu.memory_space<vmem_shared>>
      tpu.enqueue_dma source(%dma_start3A_33 : memref<640x128xf32, #tpu.memory_space<vmem_shared>>) target(%dma_start3A_31 : memref<640x128xf32, #tpu.memory_space<hbm>>) target_semaphore(%run_scoped3A : memref<!tpu.dma_semaphore, #tpu.memory_space<semaphore_mem>>)
      %dma_wait3A = arith.constant 0 : i32
      %dma_wait3A_34 = tpu.memref_slice %arg9[%arg0, %mul3A_4, %dma_wait3A] : memref<2x10240x128xf32, #tpu.memory_space<hbm>> -> memref<1x640x128xf32, #tpu.memory_space<hbm>>
      %dma_wait3A_35 = tpu.memref_squeeze %dma_wait3A_34 : memref<1x640x128xf32, #tpu.memory_space<hbm>> -> memref<640x128xf32, #tpu.memory_space<hbm>>
      %dma_wait3A_36 = arith.constant 0 : i32
      %dma_wait3A_37 = tpu.memref_slice %arg12[%mul3A_4, %dma_wait3A_36] : memref<10240x128xf32, #tpu.memory_space<vmem_shared>> -> memref<640x128xf32, #tpu.memory_space<vmem_shared>>
      tpu.wait_dma2 semaphore(%run_scoped3A : memref<!tpu.dma_semaphore, #tpu.memory_space<semaphore_mem>>) src(%dma_wait3A_37 : memref<640x128xf32, #tpu.memory_space<vmem_shared>>) dst(%dma_wait3A_35 : memref<640x128xf32, #tpu.memory_space<hbm>>)
      tpu.yield
    }) : () -> ()
    %barrier3A_29 = arith.constant 0 : index
    tpu.barrier barrier_id(%barrier3A_29)
    return
  }
}

#map = affine_map<(d0, d1) -> (0, 0)>
#map1 = affine_map<(d0, d1) -> (0)>
module attributes {stable_mosaic.version = 14 : i64} {
  func.func @kfn(%arg0: i32, %arg1: i32, %arg2: memref<10000x256xf32, #tpu.memory_space<hbm>>, %arg3: memref<10000x256xf32, #tpu.memory_space<hbm>>, %arg4: memref<10000x256xf32, #tpu.memory_space<hbm>>, %arg5: memref<320000xi32, #tpu.memory_space<hbm>>, %arg6: memref<320000xi32, #tpu.memory_space<hbm>>, %arg7: memref<320000x256xf32, #tpu.memory_space<hbm>>, %arg8: memref<320000x256xf32, #tpu.memory_space<hbm>>, %arg9: memref<320000x256xf32, #tpu.memory_space<hbm>>, %arg10: memref<80xi32, #tpu.memory_space<vmem>>, %arg11: memref<80xi32, #tpu.memory_space<vmem>>, %arg12: memref<80x256xf32, #tpu.memory_space<vmem>>, %arg13: memref<80x256xf32, #tpu.memory_space<vmem>>, %arg14: memref<80x256xf32, #tpu.memory_space<vmem>>, %arg15: memref<!tpu.dma_semaphore, #tpu.memory_space<semaphore_mem>>) attributes {dimension_semantics = [#tpu.dimension_semantics<core_parallel>, #tpu.dimension_semantics<subcore_parallel>], iteration_bounds = array<i64: 2, 16>, scalar_prefetch = 0 : i64, scratch_operands = 6 : i64, tpu.core_type = #tpu.core_type<sc_vector_subcore>, window_params = [{transform_indices = #map}, {transform_indices = #map}, {transform_indices = #map}, {transform_indices = #map1}, {transform_indices = #map1}, {transform_indices = #map}, {transform_indices = #map}, {transform_indices = #map}]} {
    %mul3A = arith.constant 2 : i32
    %mul3A_0 = arith.muli %arg1, %mul3A : i32
    %add3A = arith.addi %mul3A_0, %arg0 : i32
    %mul3A_1 = arith.constant 10000 : i32
    %mul3A_2 = arith.muli %add3A, %mul3A_1 : i32
    %scan3A = arith.constant 0 : i32
    %scan3A_3 = arith.constant 0 : i32
    %scan3A_4 = arith.constant 125 : i32
    %scan3A_5 = arith.addi %scan3A_3, %scan3A_4 : i32
    %scan3A_6 = arith.constant 1 : i32
    scf.for %scan3A_8 = %scan3A_3 to %scan3A_5 step %scan3A_6  : i32 {
      %mul3A_9 = arith.constant 80 : i32
      %mul3A_10 = arith.muli %scan3A_8, %mul3A_9 : i32
      %add3A_11 = arith.addi %mul3A_2, %mul3A_10 : i32
      "tpu.region"() ({
        %run_scoped3A = tpu.sem_alloc : memref<!tpu.dma_semaphore, #tpu.memory_space<semaphore_mem>>
        %dma_start3A_28 = tpu.memref_slice %arg5[%add3A_11] : memref<320000xi32, #tpu.memory_space<hbm>> -> memref<80xi32, #tpu.memory_space<hbm>>
        %dma_start3A_29 = tpu.memref_slice %arg5[%add3A_11] : memref<320000xi32, #tpu.memory_space<hbm>> -> memref<80xi32, #tpu.memory_space<hbm>>
        tpu.enqueue_dma source(%dma_start3A_29 : memref<80xi32, #tpu.memory_space<hbm>>) target(%arg10 : memref<80xi32, #tpu.memory_space<vmem>>) target_semaphore(%run_scoped3A : memref<!tpu.dma_semaphore, #tpu.memory_space<semaphore_mem>>)
        %dma_wait3A_30 = tpu.memref_slice %arg5[%add3A_11] : memref<320000xi32, #tpu.memory_space<hbm>> -> memref<80xi32, #tpu.memory_space<hbm>>
        %dma_wait3A_31 = tpu.memref_slice %arg5[%add3A_11] : memref<320000xi32, #tpu.memory_space<hbm>> -> memref<80xi32, #tpu.memory_space<hbm>>
        tpu.wait_dma2 semaphore(%run_scoped3A : memref<!tpu.dma_semaphore, #tpu.memory_space<semaphore_mem>>) src(%dma_wait3A_31 : memref<80xi32, #tpu.memory_space<hbm>>) dst(%arg10 : memref<80xi32, #tpu.memory_space<vmem>>)
        tpu.yield
      }) : () -> ()
      "tpu.region"() ({
        %run_scoped3A = tpu.sem_alloc : memref<!tpu.dma_semaphore, #tpu.memory_space<semaphore_mem>>
        %dma_start3A_28 = tpu.memref_slice %arg6[%add3A_11] : memref<320000xi32, #tpu.memory_space<hbm>> -> memref<80xi32, #tpu.memory_space<hbm>>
        %dma_start3A_29 = tpu.memref_slice %arg6[%add3A_11] : memref<320000xi32, #tpu.memory_space<hbm>> -> memref<80xi32, #tpu.memory_space<hbm>>
        tpu.enqueue_dma source(%dma_start3A_29 : memref<80xi32, #tpu.memory_space<hbm>>) target(%arg11 : memref<80xi32, #tpu.memory_space<vmem>>) target_semaphore(%run_scoped3A : memref<!tpu.dma_semaphore, #tpu.memory_space<semaphore_mem>>)
        %dma_wait3A_30 = tpu.memref_slice %arg6[%add3A_11] : memref<320000xi32, #tpu.memory_space<hbm>> -> memref<80xi32, #tpu.memory_space<hbm>>
        %dma_wait3A_31 = tpu.memref_slice %arg6[%add3A_11] : memref<320000xi32, #tpu.memory_space<hbm>> -> memref<80xi32, #tpu.memory_space<hbm>>
        tpu.wait_dma2 semaphore(%run_scoped3A : memref<!tpu.dma_semaphore, #tpu.memory_space<semaphore_mem>>) src(%dma_wait3A_31 : memref<80xi32, #tpu.memory_space<hbm>>) dst(%arg11 : memref<80xi32, #tpu.memory_space<vmem>>)
        tpu.yield
      }) : () -> ()
      %dma_start3A = arith.constant 0 : i32
      %dma_start3A_12 = arith.constant 0 : i32
      %dma_start3A_13 = tpu.memref_slice %arg2[%dma_start3A, %dma_start3A_12] : memref<10000x256xf32, #tpu.memory_space<hbm>> -> memref<10000x256xf32, #tpu.memory_space<hbm>>
      tpu.enqueue_indirect_dma source(%dma_start3A_13 : memref<10000x256xf32, #tpu.memory_space<hbm>>) target(%arg12 : memref<80x256xf32, #tpu.memory_space<vmem>>) offsets(%arg11 : memref<80xi32, #tpu.memory_space<vmem>>) semaphore(%arg15 : memref<!tpu.dma_semaphore, #tpu.memory_space<semaphore_mem>>)
      %dma_wait3A = arith.constant 0 : i32
      %dma_wait3A_14 = arith.constant 0 : i32
      %dma_wait3A_15 = tpu.memref_slice %arg2[%dma_wait3A, %dma_wait3A_14] : memref<10000x256xf32, #tpu.memory_space<hbm>> -> memref<10000x256xf32, #tpu.memory_space<hbm>>
      tpu.wait_indirect_dma semaphore(%arg15 : memref<!tpu.dma_semaphore, #tpu.memory_space<semaphore_mem>>) src(%dma_wait3A_15 : memref<10000x256xf32, #tpu.memory_space<hbm>>) dst(%arg12 : memref<80x256xf32, #tpu.memory_space<vmem>>)
      %dma_start3A_16 = arith.constant 0 : i32
      %dma_start3A_17 = arith.constant 0 : i32
      %dma_start3A_18 = tpu.memref_slice %arg3[%dma_start3A_16, %dma_start3A_17] : memref<10000x256xf32, #tpu.memory_space<hbm>> -> memref<10000x256xf32, #tpu.memory_space<hbm>>
      tpu.enqueue_indirect_dma source(%dma_start3A_18 : memref<10000x256xf32, #tpu.memory_space<hbm>>) target(%arg13 : memref<80x256xf32, #tpu.memory_space<vmem>>) offsets(%arg10 : memref<80xi32, #tpu.memory_space<vmem>>) semaphore(%arg15 : memref<!tpu.dma_semaphore, #tpu.memory_space<semaphore_mem>>)
      %dma_wait3A_19 = arith.constant 0 : i32
      %dma_wait3A_20 = arith.constant 0 : i32
      %dma_wait3A_21 = tpu.memref_slice %arg3[%dma_wait3A_19, %dma_wait3A_20] : memref<10000x256xf32, #tpu.memory_space<hbm>> -> memref<10000x256xf32, #tpu.memory_space<hbm>>
      tpu.wait_indirect_dma semaphore(%arg15 : memref<!tpu.dma_semaphore, #tpu.memory_space<semaphore_mem>>) src(%dma_wait3A_21 : memref<10000x256xf32, #tpu.memory_space<hbm>>) dst(%arg13 : memref<80x256xf32, #tpu.memory_space<vmem>>)
      %dma_start3A_22 = arith.constant 0 : i32
      %dma_start3A_23 = arith.constant 0 : i32
      %dma_start3A_24 = tpu.memref_slice %arg4[%dma_start3A_22, %dma_start3A_23] : memref<10000x256xf32, #tpu.memory_space<hbm>> -> memref<10000x256xf32, #tpu.memory_space<hbm>>
      tpu.enqueue_indirect_dma source(%dma_start3A_24 : memref<10000x256xf32, #tpu.memory_space<hbm>>) target(%arg14 : memref<80x256xf32, #tpu.memory_space<vmem>>) offsets(%arg10 : memref<80xi32, #tpu.memory_space<vmem>>) semaphore(%arg15 : memref<!tpu.dma_semaphore, #tpu.memory_space<semaphore_mem>>)
      %dma_wait3A_25 = arith.constant 0 : i32
      %dma_wait3A_26 = arith.constant 0 : i32
      %dma_wait3A_27 = tpu.memref_slice %arg4[%dma_wait3A_25, %dma_wait3A_26] : memref<10000x256xf32, #tpu.memory_space<hbm>> -> memref<10000x256xf32, #tpu.memory_space<hbm>>
      tpu.wait_indirect_dma semaphore(%arg15 : memref<!tpu.dma_semaphore, #tpu.memory_space<semaphore_mem>>) src(%dma_wait3A_27 : memref<10000x256xf32, #tpu.memory_space<hbm>>) dst(%arg14 : memref<80x256xf32, #tpu.memory_space<vmem>>)
      "tpu.region"() ({
        %run_scoped3A = tpu.sem_alloc : memref<!tpu.dma_semaphore, #tpu.memory_space<semaphore_mem>>
        %dma_start3A_28 = arith.constant 0 : i32
        %dma_start3A_29 = tpu.memref_slice %arg7[%add3A_11, %dma_start3A_28] : memref<320000x256xf32, #tpu.memory_space<hbm>> -> memref<80x256xf32, #tpu.memory_space<hbm>>
        %dma_start3A_30 = arith.constant 0 : i32
        %dma_start3A_31 = tpu.memref_slice %arg7[%add3A_11, %dma_start3A_30] : memref<320000x256xf32, #tpu.memory_space<hbm>> -> memref<80x256xf32, #tpu.memory_space<hbm>>
        tpu.enqueue_dma source(%arg12 : memref<80x256xf32, #tpu.memory_space<vmem>>) target(%dma_start3A_31 : memref<80x256xf32, #tpu.memory_space<hbm>>) target_semaphore(%run_scoped3A : memref<!tpu.dma_semaphore, #tpu.memory_space<semaphore_mem>>)
        %dma_wait3A_32 = arith.constant 0 : i32
        %dma_wait3A_33 = tpu.memref_slice %arg7[%add3A_11, %dma_wait3A_32] : memref<320000x256xf32, #tpu.memory_space<hbm>> -> memref<80x256xf32, #tpu.memory_space<hbm>>
        %dma_wait3A_34 = arith.constant 0 : i32
        %dma_wait3A_35 = tpu.memref_slice %arg7[%add3A_11, %dma_wait3A_34] : memref<320000x256xf32, #tpu.memory_space<hbm>> -> memref<80x256xf32, #tpu.memory_space<hbm>>
        tpu.wait_dma2 semaphore(%run_scoped3A : memref<!tpu.dma_semaphore, #tpu.memory_space<semaphore_mem>>) src(%arg12 : memref<80x256xf32, #tpu.memory_space<vmem>>) dst(%dma_wait3A_35 : memref<80x256xf32, #tpu.memory_space<hbm>>)
        tpu.yield
      }) : () -> ()
      "tpu.region"() ({
        %run_scoped3A = tpu.sem_alloc : memref<!tpu.dma_semaphore, #tpu.memory_space<semaphore_mem>>
        %dma_start3A_28 = arith.constant 0 : i32
        %dma_start3A_29 = tpu.memref_slice %arg8[%add3A_11, %dma_start3A_28] : memref<320000x256xf32, #tpu.memory_space<hbm>> -> memref<80x256xf32, #tpu.memory_space<hbm>>
        %dma_start3A_30 = arith.constant 0 : i32
        %dma_start3A_31 = tpu.memref_slice %arg8[%add3A_11, %dma_start3A_30] : memref<320000x256xf32, #tpu.memory_space<hbm>> -> memref<80x256xf32, #tpu.memory_space<hbm>>
        tpu.enqueue_dma source(%arg13 : memref<80x256xf32, #tpu.memory_space<vmem>>) target(%dma_start3A_31 : memref<80x256xf32, #tpu.memory_space<hbm>>) target_semaphore(%run_scoped3A : memref<!tpu.dma_semaphore, #tpu.memory_space<semaphore_mem>>)
        %dma_wait3A_32 = arith.constant 0 : i32
        %dma_wait3A_33 = tpu.memref_slice %arg8[%add3A_11, %dma_wait3A_32] : memref<320000x256xf32, #tpu.memory_space<hbm>> -> memref<80x256xf32, #tpu.memory_space<hbm>>
        %dma_wait3A_34 = arith.constant 0 : i32
        %dma_wait3A_35 = tpu.memref_slice %arg8[%add3A_11, %dma_wait3A_34] : memref<320000x256xf32, #tpu.memory_space<hbm>> -> memref<80x256xf32, #tpu.memory_space<hbm>>
        tpu.wait_dma2 semaphore(%run_scoped3A : memref<!tpu.dma_semaphore, #tpu.memory_space<semaphore_mem>>) src(%arg13 : memref<80x256xf32, #tpu.memory_space<vmem>>) dst(%dma_wait3A_35 : memref<80x256xf32, #tpu.memory_space<hbm>>)
        tpu.yield
      }) : () -> ()
      "tpu.region"() ({
        %run_scoped3A = tpu.sem_alloc : memref<!tpu.dma_semaphore, #tpu.memory_space<semaphore_mem>>
        %dma_start3A_28 = arith.constant 0 : i32
        %dma_start3A_29 = tpu.memref_slice %arg9[%add3A_11, %dma_start3A_28] : memref<320000x256xf32, #tpu.memory_space<hbm>> -> memref<80x256xf32, #tpu.memory_space<hbm>>
        %dma_start3A_30 = arith.constant 0 : i32
        %dma_start3A_31 = tpu.memref_slice %arg9[%add3A_11, %dma_start3A_30] : memref<320000x256xf32, #tpu.memory_space<hbm>> -> memref<80x256xf32, #tpu.memory_space<hbm>>
        tpu.enqueue_dma source(%arg14 : memref<80x256xf32, #tpu.memory_space<vmem>>) target(%dma_start3A_31 : memref<80x256xf32, #tpu.memory_space<hbm>>) target_semaphore(%run_scoped3A : memref<!tpu.dma_semaphore, #tpu.memory_space<semaphore_mem>>)
        %dma_wait3A_32 = arith.constant 0 : i32
        %dma_wait3A_33 = tpu.memref_slice %arg9[%add3A_11, %dma_wait3A_32] : memref<320000x256xf32, #tpu.memory_space<hbm>> -> memref<80x256xf32, #tpu.memory_space<hbm>>
        %dma_wait3A_34 = arith.constant 0 : i32
        %dma_wait3A_35 = tpu.memref_slice %arg9[%add3A_11, %dma_wait3A_34] : memref<320000x256xf32, #tpu.memory_space<hbm>> -> memref<80x256xf32, #tpu.memory_space<hbm>>
        tpu.wait_dma2 semaphore(%run_scoped3A : memref<!tpu.dma_semaphore, #tpu.memory_space<semaphore_mem>>) src(%arg14 : memref<80x256xf32, #tpu.memory_space<vmem>>) dst(%dma_wait3A_35 : memref<80x256xf32, #tpu.memory_space<hbm>>)
        tpu.yield
      }) : () -> ()
    }
    %scan3A_7 = arith.constant 125 : i32
    return
  }
}

#map = affine_map<(d0, d1) -> (0, 0)>
#map1 = affine_map<(d0, d1) -> (0)>
#map2 = affine_map<(d0, d1) -> (0, 0, 0)>
module attributes {stable_mosaic.version = 14 : i64} {
  func.func @kfn(%arg0: i32, %arg1: i32, %arg2: memref<320000x128xf32, #tpu.memory_space<hbm>>, %arg3: memref<320000x128xf32, #tpu.memory_space<hbm>>, %arg4: memref<320000x128xf32, #tpu.memory_space<hbm>>, %arg5: memref<320000xi32, #tpu.memory_space<hbm>>, %arg6: memref<10240x128xf32, #tpu.memory_space<hbm>>, %arg7: memref<2x10240x128xf32, #tpu.memory_space<hbm>>, %arg8: memref<2x10240x128xf32, #tpu.memory_space<hbm>>, %arg9: memref<2x10240x128xf32, #tpu.memory_space<hbm>>, %arg10: memref<80xi32, #tpu.memory_space<vmem>>, %arg11: memref<80x128xf32, #tpu.memory_space<vmem>>, %arg12: memref<10240x128xf32, #tpu.memory_space<vmem_shared>>) attributes {dimension_semantics = [#tpu.dimension_semantics<core_parallel>, #tpu.dimension_semantics<subcore_parallel>], iteration_bounds = array<i64: 2, 16>, scalar_prefetch = 0 : i64, scratch_operands = 3 : i64, tpu.core_type = #tpu.core_type<sc_vector_subcore>, window_params = [{transform_indices = #map}, {transform_indices = #map}, {transform_indices = #map}, {transform_indices = #map1}, {transform_indices = #map}, {transform_indices = #map2}, {transform_indices = #map2}, {transform_indices = #map2}]} {
    %mul3A = arith.constant 2 : i32
    %mul3A_0 = arith.muli %arg1, %mul3A : i32
    %add3A = arith.addi %mul3A_0, %arg0 : i32
    %mul3A_1 = arith.constant 10000 : i32
    %mul3A_2 = arith.muli %add3A, %mul3A_1 : i32
    %mul3A_3 = arith.constant 640 : i32
    %mul3A_4 = arith.muli %arg1, %mul3A_3 : i32
    "tpu.region"() ({
      %run_scoped3A = tpu.sem_alloc : memref<!tpu.dma_semaphore, #tpu.memory_space<semaphore_mem>>
      %dma_start3A = arith.constant 0 : i32
      %dma_start3A_30 = tpu.memref_slice %arg12[%mul3A_4, %dma_start3A] : memref<10240x128xf32, #tpu.memory_space<vmem_shared>> -> memref<640x128xf32, #tpu.memory_space<vmem_shared>>
      %dma_start3A_31 = arith.constant 0 : i32
      %dma_start3A_32 = tpu.memref_slice %arg6[%mul3A_4, %dma_start3A_31] : memref<10240x128xf32, #tpu.memory_space<hbm>> -> memref<640x128xf32, #tpu.memory_space<hbm>>
      tpu.enqueue_dma source(%dma_start3A_32 : memref<640x128xf32, #tpu.memory_space<hbm>>) target(%dma_start3A_30 : memref<640x128xf32, #tpu.memory_space<vmem_shared>>) target_semaphore(%run_scoped3A : memref<!tpu.dma_semaphore, #tpu.memory_space<semaphore_mem>>)
      %dma_wait3A = arith.constant 0 : i32
      %dma_wait3A_33 = tpu.memref_slice %arg12[%mul3A_4, %dma_wait3A] : memref<10240x128xf32, #tpu.memory_space<vmem_shared>> -> memref<640x128xf32, #tpu.memory_space<vmem_shared>>
      %dma_wait3A_34 = arith.constant 0 : i32
      %dma_wait3A_35 = tpu.memref_slice %arg6[%mul3A_4, %dma_wait3A_34] : memref<10240x128xf32, #tpu.memory_space<hbm>> -> memref<640x128xf32, #tpu.memory_space<hbm>>
      tpu.wait_dma2 semaphore(%run_scoped3A : memref<!tpu.dma_semaphore, #tpu.memory_space<semaphore_mem>>) src(%dma_wait3A_35 : memref<640x128xf32, #tpu.memory_space<hbm>>) dst(%dma_wait3A_33 : memref<640x128xf32, #tpu.memory_space<vmem_shared>>)
      tpu.yield
    }) : () -> ()
    %barrier3A = arith.constant 0 : index
    tpu.barrier barrier_id(%barrier3A)
    %scan3A = arith.constant 0 : i32
    %scan3A_5 = arith.constant 0 : i32
    %scan3A_6 = arith.constant 125 : i32
    %scan3A_7 = arith.addi %scan3A_5, %scan3A_6 : i32
    %scan3A_8 = arith.constant 1 : i32
    scf.for %scan3A_30 = %scan3A_5 to %scan3A_7 step %scan3A_8  : i32 {
      %mul3A_31 = arith.constant 80 : i32
      %mul3A_32 = arith.muli %scan3A_30, %mul3A_31 : i32
      %add3A_33 = arith.addi %mul3A_2, %mul3A_32 : i32
      "tpu.region"() ({
        %run_scoped3A = tpu.sem_alloc : memref<!tpu.dma_semaphore, #tpu.memory_space<semaphore_mem>>
        %dma_start3A = tpu.memref_slice %arg5[%add3A_33] : memref<320000xi32, #tpu.memory_space<hbm>> -> memref<80xi32, #tpu.memory_space<hbm>>
        %dma_start3A_34 = tpu.memref_slice %arg5[%add3A_33] : memref<320000xi32, #tpu.memory_space<hbm>> -> memref<80xi32, #tpu.memory_space<hbm>>
        tpu.enqueue_dma source(%dma_start3A_34 : memref<80xi32, #tpu.memory_space<hbm>>) target(%arg10 : memref<80xi32, #tpu.memory_space<vmem>>) target_semaphore(%run_scoped3A : memref<!tpu.dma_semaphore, #tpu.memory_space<semaphore_mem>>)
        %dma_wait3A = tpu.memref_slice %arg5[%add3A_33] : memref<320000xi32, #tpu.memory_space<hbm>> -> memref<80xi32, #tpu.memory_space<hbm>>
        %dma_wait3A_35 = tpu.memref_slice %arg5[%add3A_33] : memref<320000xi32, #tpu.memory_space<hbm>> -> memref<80xi32, #tpu.memory_space<hbm>>
        tpu.wait_dma2 semaphore(%run_scoped3A : memref<!tpu.dma_semaphore, #tpu.memory_space<semaphore_mem>>) src(%dma_wait3A_35 : memref<80xi32, #tpu.memory_space<hbm>>) dst(%arg10 : memref<80xi32, #tpu.memory_space<vmem>>)
        tpu.yield
      }) : () -> ()
      "tpu.region"() ({
        %run_scoped3A = tpu.sem_alloc : memref<!tpu.dma_semaphore, #tpu.memory_space<semaphore_mem>>
        %dma_start3A = arith.constant 0 : i32
        %dma_start3A_34 = tpu.memref_slice %arg2[%add3A_33, %dma_start3A] : memref<320000x128xf32, #tpu.memory_space<hbm>> -> memref<80x128xf32, #tpu.memory_space<hbm>>
        %dma_start3A_35 = arith.constant 0 : i32
        %dma_start3A_36 = tpu.memref_slice %arg2[%add3A_33, %dma_start3A_35] : memref<320000x128xf32, #tpu.memory_space<hbm>> -> memref<80x128xf32, #tpu.memory_space<hbm>>
        tpu.enqueue_dma source(%dma_start3A_36 : memref<80x128xf32, #tpu.memory_space<hbm>>) target(%arg11 : memref<80x128xf32, #tpu.memory_space<vmem>>) target_semaphore(%run_scoped3A : memref<!tpu.dma_semaphore, #tpu.memory_space<semaphore_mem>>)
        %dma_wait3A = arith.constant 0 : i32
        %dma_wait3A_37 = tpu.memref_slice %arg2[%add3A_33, %dma_wait3A] : memref<320000x128xf32, #tpu.memory_space<hbm>> -> memref<80x128xf32, #tpu.memory_space<hbm>>
        %dma_wait3A_38 = arith.constant 0 : i32
        %dma_wait3A_39 = tpu.memref_slice %arg2[%add3A_33, %dma_wait3A_38] : memref<320000x128xf32, #tpu.memory_space<hbm>> -> memref<80x128xf32, #tpu.memory_space<hbm>>
        tpu.wait_dma2 semaphore(%run_scoped3A : memref<!tpu.dma_semaphore, #tpu.memory_space<semaphore_mem>>) src(%dma_wait3A_39 : memref<80x128xf32, #tpu.memory_space<hbm>>) dst(%arg11 : memref<80x128xf32, #tpu.memory_space<vmem>>)
        tpu.yield
      }) : () -> ()
      "tpu.region"() ({
        %run_scoped3A = tpu.sem_alloc : memref<!tpu.dma_semaphore, #tpu.memory_space<semaphore_mem>>
        %dma_start3A = arith.constant 0 : i32
        %dma_start3A_34 = arith.constant 0 : i32
        %dma_start3A_35 = tpu.memref_slice %arg12[%dma_start3A, %dma_start3A_34] : memref<10240x128xf32, #tpu.memory_space<vmem_shared>> -> memref<10240x128xf32, #tpu.memory_space<vmem_shared>>
        tpu.enqueue_indirect_dma source(%arg11 : memref<80x128xf32, #tpu.memory_space<vmem>>) target(%dma_start3A_35 : memref<10240x128xf32, #tpu.memory_space<vmem_shared>>) offsets(%arg10 : memref<80xi32, #tpu.memory_space<vmem>>) semaphore(%run_scoped3A : memref<!tpu.dma_semaphore, #tpu.memory_space<semaphore_mem>>) {add = true}
        %dma_wait3A = arith.constant 0 : i32
        %dma_wait3A_36 = arith.constant 0 : i32
        %dma_wait3A_37 = tpu.memref_slice %arg12[%dma_wait3A, %dma_wait3A_36] : memref<10240x128xf32, #tpu.memory_space<vmem_shared>> -> memref<10240x128xf32, #tpu.memory_space<vmem_shared>>
        tpu.wait_indirect_dma semaphore(%run_scoped3A : memref<!tpu.dma_semaphore, #tpu.memory_space<semaphore_mem>>) src(%arg11 : memref<80x128xf32, #tpu.memory_space<vmem>>) dst(%dma_wait3A_37 : memref<10240x128xf32, #tpu.memory_space<vmem_shared>>)
        tpu.yield
      }) : () -> ()
    }
    %scan3A_9 = arith.constant 125 : i32
    %barrier3A_10 = arith.constant 0 : index
    tpu.barrier barrier_id(%barrier3A_10)
    "tpu.region"() ({
      %run_scoped3A = tpu.sem_alloc : memref<!tpu.dma_semaphore, #tpu.memory_space<semaphore_mem>>
      %dma_start3A = arith.constant 0 : i32
      %dma_start3A_30 = tpu.memref_slice %arg7[%arg0, %mul3A_4, %dma_start3A] : memref<2x10240x128xf32, #tpu.memory_space<hbm>> -> memref<1x640x128xf32, #tpu.memory_space<hbm>>
      %dma_start3A_31 = tpu.memref_squeeze %dma_start3A_30 : memref<1x640x128xf32, #tpu.memory_space<hbm>> -> memref<640x128xf32, #tpu.memory_space<hbm>>
      %dma_start3A_32 = arith.constant 0 : i32
      %dma_start3A_33 = tpu.memref_slice %arg12[%mul3A_4, %dma_start3A_32] : memref<10240x128xf32, #tpu.memory_space<vmem_shared>> -> memref<640x128xf32, #tpu.memory_space<vmem_shared>>
      tpu.enqueue_dma source(%dma_start3A_33 : memref<640x128xf32, #tpu.memory_space<vmem_shared>>) target(%dma_start3A_31 : memref<640x128xf32, #tpu.memory_space<hbm>>) target_semaphore(%run_scoped3A : memref<!tpu.dma_semaphore, #tpu.memory_space<semaphore_mem>>)
      %dma_wait3A = arith.constant 0 : i32
      %dma_wait3A_34 = tpu.memref_slice %arg7[%arg0, %mul3A_4, %dma_wait3A] : memref<2x10240x128xf32, #tpu.memory_space<hbm>> -> memref<1x640x128xf32, #tpu.memory_space<hbm>>
      %dma_wait3A_35 = tpu.memref_squeeze %dma_wait3A_34 : memref<1x640x128xf32, #tpu.memory_space<hbm>> -> memref<640x128xf32, #tpu.memory_space<hbm>>
      %dma_wait3A_36 = arith.constant 0 : i32
      %dma_wait3A_37 = tpu.memref_slice %arg12[%mul3A_4, %dma_wait3A_36] : memref<10240x128xf32, #tpu.memory_space<vmem_shared>> -> memref<640x128xf32, #tpu.memory_space<vmem_shared>>
      tpu.wait_dma2 semaphore(%run_scoped3A : memref<!tpu.dma_semaphore, #tpu.memory_space<semaphore_mem>>) src(%dma_wait3A_37 : memref<640x128xf32, #tpu.memory_space<vmem_shared>>) dst(%dma_wait3A_35 : memref<640x128xf32, #tpu.memory_space<hbm>>)
      tpu.yield
    }) : () -> ()
    %barrier3A_11 = arith.constant 0 : index
    tpu.barrier barrier_id(%barrier3A_11)
    "tpu.region"() ({
      %run_scoped3A = tpu.sem_alloc : memref<!tpu.dma_semaphore, #tpu.memory_space<semaphore_mem>>
      %dma_start3A = arith.constant 0 : i32
      %dma_start3A_30 = tpu.memref_slice %arg12[%mul3A_4, %dma_start3A] : memref<10240x128xf32, #tpu.memory_space<vmem_shared>> -> memref<640x128xf32, #tpu.memory_space<vmem_shared>>
      %dma_start3A_31 = arith.constant 0 : i32
      %dma_start3A_32 = tpu.memref_slice %arg6[%mul3A_4, %dma_start3A_31] : memref<10240x128xf32, #tpu.memory_space<hbm>> -> memref<640x128xf32, #tpu.memory_space<hbm>>
      tpu.enqueue_dma source(%dma_start3A_32 : memref<640x128xf32, #tpu.memory_space<hbm>>) target(%dma_start3A_30 : memref<640x128xf32, #tpu.memory_space<vmem_shared>>) target_semaphore(%run_scoped3A : memref<!tpu.dma_semaphore, #tpu.memory_space<semaphore_mem>>)
      %dma_wait3A = arith.constant 0 : i32
      %dma_wait3A_33 = tpu.memref_slice %arg12[%mul3A_4, %dma_wait3A] : memref<10240x128xf32, #tpu.memory_space<vmem_shared>> -> memref<640x128xf32, #tpu.memory_space<vmem_shared>>
      %dma_wait3A_34 = arith.constant 0 : i32
      %dma_wait3A_35 = tpu.memref_slice %arg6[%mul3A_4, %dma_wait3A_34] : memref<10240x128xf32, #tpu.memory_space<hbm>> -> memref<640x128xf32, #tpu.memory_space<hbm>>
      tpu.wait_dma2 semaphore(%run_scoped3A : memref<!tpu.dma_semaphore, #tpu.memory_space<semaphore_mem>>) src(%dma_wait3A_35 : memref<640x128xf32, #tpu.memory_space<hbm>>) dst(%dma_wait3A_33 : memref<640x128xf32, #tpu.memory_space<vmem_shared>>)
      tpu.yield
    }) : () -> ()
    %barrier3A_12 = arith.constant 0 : index
    tpu.barrier barrier_id(%barrier3A_12)
    %scan3A_13 = arith.constant 0 : i32
    %scan3A_14 = arith.constant 0 : i32
    %scan3A_15 = arith.constant 125 : i32
    %scan3A_16 = arith.addi %scan3A_14, %scan3A_15 : i32
    %scan3A_17 = arith.constant 1 : i32
    scf.for %scan3A_30 = %scan3A_14 to %scan3A_16 step %scan3A_17  : i32 {
      %mul3A_31 = arith.constant 80 : i32
      %mul3A_32 = arith.muli %scan3A_30, %mul3A_31 : i32
      %add3A_33 = arith.addi %mul3A_2, %mul3A_32 : i32
      "tpu.region"() ({
        %run_scoped3A = tpu.sem_alloc : memref<!tpu.dma_semaphore, #tpu.memory_space<semaphore_mem>>
        %dma_start3A = tpu.memref_slice %arg5[%add3A_33] : memref<320000xi32, #tpu.memory_space<hbm>> -> memref<80xi32, #tpu.memory_space<hbm>>
        %dma_start3A_34 = tpu.memref_slice %arg5[%add3A_33] : memref<320000xi32, #tpu.memory_space<hbm>> -> memref<80xi32, #tpu.memory_space<hbm>>
        tpu.enqueue_dma source(%dma_start3A_34 : memref<80xi32, #tpu.memory_space<hbm>>) target(%arg10 : memref<80xi32, #tpu.memory_space<vmem>>) target_semaphore(%run_scoped3A : memref<!tpu.dma_semaphore, #tpu.memory_space<semaphore_mem>>)
        %dma_wait3A = tpu.memref_slice %arg5[%add3A_33] : memref<320000xi32, #tpu.memory_space<hbm>> -> memref<80xi32, #tpu.memory_space<hbm>>
        %dma_wait3A_35 = tpu.memref_slice %arg5[%add3A_33] : memref<320000xi32, #tpu.memory_space<hbm>> -> memref<80xi32, #tpu.memory_space<hbm>>
        tpu.wait_dma2 semaphore(%run_scoped3A : memref<!tpu.dma_semaphore, #tpu.memory_space<semaphore_mem>>) src(%dma_wait3A_35 : memref<80xi32, #tpu.memory_space<hbm>>) dst(%arg10 : memref<80xi32, #tpu.memory_space<vmem>>)
        tpu.yield
      }) : () -> ()
      "tpu.region"() ({
        %run_scoped3A = tpu.sem_alloc : memref<!tpu.dma_semaphore, #tpu.memory_space<semaphore_mem>>
        %dma_start3A = arith.constant 0 : i32
        %dma_start3A_34 = tpu.memref_slice %arg3[%add3A_33, %dma_start3A] : memref<320000x128xf32, #tpu.memory_space<hbm>> -> memref<80x128xf32, #tpu.memory_space<hbm>>
        %dma_start3A_35 = arith.constant 0 : i32
        %dma_start3A_36 = tpu.memref_slice %arg3[%add3A_33, %dma_start3A_35] : memref<320000x128xf32, #tpu.memory_space<hbm>> -> memref<80x128xf32, #tpu.memory_space<hbm>>
        tpu.enqueue_dma source(%dma_start3A_36 : memref<80x128xf32, #tpu.memory_space<hbm>>) target(%arg11 : memref<80x128xf32, #tpu.memory_space<vmem>>) target_semaphore(%run_scoped3A : memref<!tpu.dma_semaphore, #tpu.memory_space<semaphore_mem>>)
        %dma_wait3A = arith.constant 0 : i32
        %dma_wait3A_37 = tpu.memref_slice %arg3[%add3A_33, %dma_wait3A] : memref<320000x128xf32, #tpu.memory_space<hbm>> -> memref<80x128xf32, #tpu.memory_space<hbm>>
        %dma_wait3A_38 = arith.constant 0 : i32
        %dma_wait3A_39 = tpu.memref_slice %arg3[%add3A_33, %dma_wait3A_38] : memref<320000x128xf32, #tpu.memory_space<hbm>> -> memref<80x128xf32, #tpu.memory_space<hbm>>
        tpu.wait_dma2 semaphore(%run_scoped3A : memref<!tpu.dma_semaphore, #tpu.memory_space<semaphore_mem>>) src(%dma_wait3A_39 : memref<80x128xf32, #tpu.memory_space<hbm>>) dst(%arg11 : memref<80x128xf32, #tpu.memory_space<vmem>>)
        tpu.yield
      }) : () -> ()
      "tpu.region"() ({
        %run_scoped3A = tpu.sem_alloc : memref<!tpu.dma_semaphore, #tpu.memory_space<semaphore_mem>>
        %dma_start3A = arith.constant 0 : i32
        %dma_start3A_34 = arith.constant 0 : i32
        %dma_start3A_35 = tpu.memref_slice %arg12[%dma_start3A, %dma_start3A_34] : memref<10240x128xf32, #tpu.memory_space<vmem_shared>> -> memref<10240x128xf32, #tpu.memory_space<vmem_shared>>
        tpu.enqueue_indirect_dma source(%arg11 : memref<80x128xf32, #tpu.memory_space<vmem>>) target(%dma_start3A_35 : memref<10240x128xf32, #tpu.memory_space<vmem_shared>>) offsets(%arg10 : memref<80xi32, #tpu.memory_space<vmem>>) semaphore(%run_scoped3A : memref<!tpu.dma_semaphore, #tpu.memory_space<semaphore_mem>>) {add = true}
        %dma_wait3A = arith.constant 0 : i32
        %dma_wait3A_36 = arith.constant 0 : i32
        %dma_wait3A_37 = tpu.memref_slice %arg12[%dma_wait3A, %dma_wait3A_36] : memref<10240x128xf32, #tpu.memory_space<vmem_shared>> -> memref<10240x128xf32, #tpu.memory_space<vmem_shared>>
        tpu.wait_indirect_dma semaphore(%run_scoped3A : memref<!tpu.dma_semaphore, #tpu.memory_space<semaphore_mem>>) src(%arg11 : memref<80x128xf32, #tpu.memory_space<vmem>>) dst(%dma_wait3A_37 : memref<10240x128xf32, #tpu.memory_space<vmem_shared>>)
        tpu.yield
      }) : () -> ()
    }
    %scan3A_18 = arith.constant 125 : i32
    %barrier3A_19 = arith.constant 0 : index
    tpu.barrier barrier_id(%barrier3A_19)
    "tpu.region"() ({
      %run_scoped3A = tpu.sem_alloc : memref<!tpu.dma_semaphore, #tpu.memory_space<semaphore_mem>>
      %dma_start3A = arith.constant 0 : i32
      %dma_start3A_30 = tpu.memref_slice %arg8[%arg0, %mul3A_4, %dma_start3A] : memref<2x10240x128xf32, #tpu.memory_space<hbm>> -> memref<1x640x128xf32, #tpu.memory_space<hbm>>
      %dma_start3A_31 = tpu.memref_squeeze %dma_start3A_30 : memref<1x640x128xf32, #tpu.memory_space<hbm>> -> memref<640x128xf32, #tpu.memory_space<hbm>>
      %dma_start3A_32 = arith.constant 0 : i32
      %dma_start3A_33 = tpu.memref_slice %arg12[%mul3A_4, %dma_start3A_32] : memref<10240x128xf32, #tpu.memory_space<vmem_shared>> -> memref<640x128xf32, #tpu.memory_space<vmem_shared>>
      tpu.enqueue_dma source(%dma_start3A_33 : memref<640x128xf32, #tpu.memory_space<vmem_shared>>) target(%dma_start3A_31 : memref<640x128xf32, #tpu.memory_space<hbm>>) target_semaphore(%run_scoped3A : memref<!tpu.dma_semaphore, #tpu.memory_space<semaphore_mem>>)
      %dma_wait3A = arith.constant 0 : i32
      %dma_wait3A_34 = tpu.memref_slice %arg8[%arg0, %mul3A_4, %dma_wait3A] : memref<2x10240x128xf32, #tpu.memory_space<hbm>> -> memref<1x640x128xf32, #tpu.memory_space<hbm>>
      %dma_wait3A_35 = tpu.memref_squeeze %dma_wait3A_34 : memref<1x640x128xf32, #tpu.memory_space<hbm>> -> memref<640x128xf32, #tpu.memory_space<hbm>>
      %dma_wait3A_36 = arith.constant 0 : i32
      %dma_wait3A_37 = tpu.memref_slice %arg12[%mul3A_4, %dma_wait3A_36] : memref<10240x128xf32, #tpu.memory_space<vmem_shared>> -> memref<640x128xf32, #tpu.memory_space<vmem_shared>>
      tpu.wait_dma2 semaphore(%run_scoped3A : memref<!tpu.dma_semaphore, #tpu.memory_space<semaphore_mem>>) src(%dma_wait3A_37 : memref<640x128xf32, #tpu.memory_space<vmem_shared>>) dst(%dma_wait3A_35 : memref<640x128xf32, #tpu.memory_space<hbm>>)
      tpu.yield
    }) : () -> ()
    %barrier3A_20 = arith.constant 0 : index
    tpu.barrier barrier_id(%barrier3A_20)
    "tpu.region"() ({
      %run_scoped3A = tpu.sem_alloc : memref<!tpu.dma_semaphore, #tpu.memory_space<semaphore_mem>>
      %dma_start3A = arith.constant 0 : i32
      %dma_start3A_30 = tpu.memref_slice %arg12[%mul3A_4, %dma_start3A] : memref<10240x128xf32, #tpu.memory_space<vmem_shared>> -> memref<640x128xf32, #tpu.memory_space<vmem_shared>>
      %dma_start3A_31 = arith.constant 0 : i32
      %dma_start3A_32 = tpu.memref_slice %arg6[%mul3A_4, %dma_start3A_31] : memref<10240x128xf32, #tpu.memory_space<hbm>> -> memref<640x128xf32, #tpu.memory_space<hbm>>
      tpu.enqueue_dma source(%dma_start3A_32 : memref<640x128xf32, #tpu.memory_space<hbm>>) target(%dma_start3A_30 : memref<640x128xf32, #tpu.memory_space<vmem_shared>>) target_semaphore(%run_scoped3A : memref<!tpu.dma_semaphore, #tpu.memory_space<semaphore_mem>>)
      %dma_wait3A = arith.constant 0 : i32
      %dma_wait3A_33 = tpu.memref_slice %arg12[%mul3A_4, %dma_wait3A] : memref<10240x128xf32, #tpu.memory_space<vmem_shared>> -> memref<640x128xf32, #tpu.memory_space<vmem_shared>>
      %dma_wait3A_34 = arith.constant 0 : i32
      %dma_wait3A_35 = tpu.memref_slice %arg6[%mul3A_4, %dma_wait3A_34] : memref<10240x128xf32, #tpu.memory_space<hbm>> -> memref<640x128xf32, #tpu.memory_space<hbm>>
      tpu.wait_dma2 semaphore(%run_scoped3A : memref<!tpu.dma_semaphore, #tpu.memory_space<semaphore_mem>>) src(%dma_wait3A_35 : memref<640x128xf32, #tpu.memory_space<hbm>>) dst(%dma_wait3A_33 : memref<640x128xf32, #tpu.memory_space<vmem_shared>>)
      tpu.yield
    }) : () -> ()
    %barrier3A_21 = arith.constant 0 : index
    tpu.barrier barrier_id(%barrier3A_21)
    %scan3A_22 = arith.constant 0 : i32
    %scan3A_23 = arith.constant 0 : i32
    %scan3A_24 = arith.constant 125 : i32
    %scan3A_25 = arith.addi %scan3A_23, %scan3A_24 : i32
    %scan3A_26 = arith.constant 1 : i32
    scf.for %scan3A_30 = %scan3A_23 to %scan3A_25 step %scan3A_26  : i32 {
      %mul3A_31 = arith.constant 80 : i32
      %mul3A_32 = arith.muli %scan3A_30, %mul3A_31 : i32
      %add3A_33 = arith.addi %mul3A_2, %mul3A_32 : i32
      "tpu.region"() ({
        %run_scoped3A = tpu.sem_alloc : memref<!tpu.dma_semaphore, #tpu.memory_space<semaphore_mem>>
        %dma_start3A = tpu.memref_slice %arg5[%add3A_33] : memref<320000xi32, #tpu.memory_space<hbm>> -> memref<80xi32, #tpu.memory_space<hbm>>
        %dma_start3A_34 = tpu.memref_slice %arg5[%add3A_33] : memref<320000xi32, #tpu.memory_space<hbm>> -> memref<80xi32, #tpu.memory_space<hbm>>
        tpu.enqueue_dma source(%dma_start3A_34 : memref<80xi32, #tpu.memory_space<hbm>>) target(%arg10 : memref<80xi32, #tpu.memory_space<vmem>>) target_semaphore(%run_scoped3A : memref<!tpu.dma_semaphore, #tpu.memory_space<semaphore_mem>>)
        %dma_wait3A = tpu.memref_slice %arg5[%add3A_33] : memref<320000xi32, #tpu.memory_space<hbm>> -> memref<80xi32, #tpu.memory_space<hbm>>
        %dma_wait3A_35 = tpu.memref_slice %arg5[%add3A_33] : memref<320000xi32, #tpu.memory_space<hbm>> -> memref<80xi32, #tpu.memory_space<hbm>>
        tpu.wait_dma2 semaphore(%run_scoped3A : memref<!tpu.dma_semaphore, #tpu.memory_space<semaphore_mem>>) src(%dma_wait3A_35 : memref<80xi32, #tpu.memory_space<hbm>>) dst(%arg10 : memref<80xi32, #tpu.memory_space<vmem>>)
        tpu.yield
      }) : () -> ()
      "tpu.region"() ({
        %run_scoped3A = tpu.sem_alloc : memref<!tpu.dma_semaphore, #tpu.memory_space<semaphore_mem>>
        %dma_start3A = arith.constant 0 : i32
        %dma_start3A_34 = tpu.memref_slice %arg4[%add3A_33, %dma_start3A] : memref<320000x128xf32, #tpu.memory_space<hbm>> -> memref<80x128xf32, #tpu.memory_space<hbm>>
        %dma_start3A_35 = arith.constant 0 : i32
        %dma_start3A_36 = tpu.memref_slice %arg4[%add3A_33, %dma_start3A_35] : memref<320000x128xf32, #tpu.memory_space<hbm>> -> memref<80x128xf32, #tpu.memory_space<hbm>>
        tpu.enqueue_dma source(%dma_start3A_36 : memref<80x128xf32, #tpu.memory_space<hbm>>) target(%arg11 : memref<80x128xf32, #tpu.memory_space<vmem>>) target_semaphore(%run_scoped3A : memref<!tpu.dma_semaphore, #tpu.memory_space<semaphore_mem>>)
        %dma_wait3A = arith.constant 0 : i32
        %dma_wait3A_37 = tpu.memref_slice %arg4[%add3A_33, %dma_wait3A] : memref<320000x128xf32, #tpu.memory_space<hbm>> -> memref<80x128xf32, #tpu.memory_space<hbm>>
        %dma_wait3A_38 = arith.constant 0 : i32
        %dma_wait3A_39 = tpu.memref_slice %arg4[%add3A_33, %dma_wait3A_38] : memref<320000x128xf32, #tpu.memory_space<hbm>> -> memref<80x128xf32, #tpu.memory_space<hbm>>
        tpu.wait_dma2 semaphore(%run_scoped3A : memref<!tpu.dma_semaphore, #tpu.memory_space<semaphore_mem>>) src(%dma_wait3A_39 : memref<80x128xf32, #tpu.memory_space<hbm>>) dst(%arg11 : memref<80x128xf32, #tpu.memory_space<vmem>>)
        tpu.yield
      }) : () -> ()
      "tpu.region"() ({
        %run_scoped3A = tpu.sem_alloc : memref<!tpu.dma_semaphore, #tpu.memory_space<semaphore_mem>>
        %dma_start3A = arith.constant 0 : i32
        %dma_start3A_34 = arith.constant 0 : i32
        %dma_start3A_35 = tpu.memref_slice %arg12[%dma_start3A, %dma_start3A_34] : memref<10240x128xf32, #tpu.memory_space<vmem_shared>> -> memref<10240x128xf32, #tpu.memory_space<vmem_shared>>
        tpu.enqueue_indirect_dma source(%arg11 : memref<80x128xf32, #tpu.memory_space<vmem>>) target(%dma_start3A_35 : memref<10240x128xf32, #tpu.memory_space<vmem_shared>>) offsets(%arg10 : memref<80xi32, #tpu.memory_space<vmem>>) semaphore(%run_scoped3A : memref<!tpu.dma_semaphore, #tpu.memory_space<semaphore_mem>>) {add = true}
        %dma_wait3A = arith.constant 0 : i32
        %dma_wait3A_36 = arith.constant 0 : i32
        %dma_wait3A_37 = tpu.memref_slice %arg12[%dma_wait3A, %dma_wait3A_36] : memref<10240x128xf32, #tpu.memory_space<vmem_shared>> -> memref<10240x128xf32, #tpu.memory_space<vmem_shared>>
        tpu.wait_indirect_dma semaphore(%run_scoped3A : memref<!tpu.dma_semaphore, #tpu.memory_space<semaphore_mem>>) src(%arg11 : memref<80x128xf32, #tpu.memory_space<vmem>>) dst(%dma_wait3A_37 : memref<10240x128xf32, #tpu.memory_space<vmem_shared>>)
        tpu.yield
      }) : () -> ()
    }
    %scan3A_27 = arith.constant 125 : i32
    %barrier3A_28 = arith.constant 0 : index
    tpu.barrier barrier_id(%barrier3A_28)
    "tpu.region"() ({
      %run_scoped3A = tpu.sem_alloc : memref<!tpu.dma_semaphore, #tpu.memory_space<semaphore_mem>>
      %dma_start3A = arith.constant 0 : i32
      %dma_start3A_30 = tpu.memref_slice %arg9[%arg0, %mul3A_4, %dma_start3A] : memref<2x10240x128xf32, #tpu.memory_space<hbm>> -> memref<1x640x128xf32, #tpu.memory_space<hbm>>
      %dma_start3A_31 = tpu.memref_squeeze %dma_start3A_30 : memref<1x640x128xf32, #tpu.memory_space<hbm>> -> memref<640x128xf32, #tpu.memory_space<hbm>>
      %dma_start3A_32 = arith.constant 0 : i32
      %dma_start3A_33 = tpu.memref_slice %arg12[%mul3A_4, %dma_start3A_32] : memref<10240x128xf32, #tpu.memory_space<vmem_shared>> -> memref<640x128xf32, #tpu.memory_space<vmem_shared>>
      tpu.enqueue_dma source(%dma_start3A_33 : memref<640x128xf32, #tpu.memory_space<vmem_shared>>) target(%dma_start3A_31 : memref<640x128xf32, #tpu.memory_space<hbm>>) target_semaphore(%run_scoped3A : memref<!tpu.dma_semaphore, #tpu.memory_space<semaphore_mem>>)
      %dma_wait3A = arith.constant 0 : i32
      %dma_wait3A_34 = tpu.memref_slice %arg9[%arg0, %mul3A_4, %dma_wait3A] : memref<2x10240x128xf32, #tpu.memory_space<hbm>> -> memref<1x640x128xf32, #tpu.memory_space<hbm>>
      %dma_wait3A_35 = tpu.memref_squeeze %dma_wait3A_34 : memref<1x640x128xf32, #tpu.memory_space<hbm>> -> memref<640x128xf32, #tpu.memory_space<hbm>>
      %dma_wait3A_36 = arith.constant 0 : i32
      %dma_wait3A_37 = tpu.memref_slice %arg12[%mul3A_4, %dma_wait3A_36] : memref<10240x128xf32, #tpu.memory_space<vmem_shared>> -> memref<640x128xf32, #tpu.memory_space<vmem_shared>>
      tpu.wait_dma2 semaphore(%run_scoped3A : memref<!tpu.dma_semaphore, #tpu.memory_space<semaphore_mem>>) src(%dma_wait3A_37 : memref<640x128xf32, #tpu.memory_space<vmem_shared>>) dst(%dma_wait3A_35 : memref<640x128xf32, #tpu.memory_space<hbm>>)
      tpu.yield
    }) : () -> ()
    %barrier3A_29 = arith.constant 0 : index
    tpu.barrier barrier_id(%barrier3A_29)
    return
  }
}

#map = affine_map<(d0, d1) -> (0, 0)>
#map1 = affine_map<(d0, d1) -> (0)>
module attributes {stable_mosaic.version = 14 : i64} {
  func.func @kfn(%arg0: i32, %arg1: i32, %arg2: memref<10000x256xf32, #tpu.memory_space<hbm>>, %arg3: memref<10000x256xf32, #tpu.memory_space<hbm>>, %arg4: memref<10000x256xf32, #tpu.memory_space<hbm>>, %arg5: memref<320000xi32, #tpu.memory_space<hbm>>, %arg6: memref<320000xi32, #tpu.memory_space<hbm>>, %arg7: memref<320000x256xf32, #tpu.memory_space<hbm>>, %arg8: memref<320000x256xf32, #tpu.memory_space<hbm>>, %arg9: memref<320000x256xf32, #tpu.memory_space<hbm>>, %arg10: memref<80xi32, #tpu.memory_space<vmem>>, %arg11: memref<80xi32, #tpu.memory_space<vmem>>, %arg12: memref<80x256xf32, #tpu.memory_space<vmem>>, %arg13: memref<80x256xf32, #tpu.memory_space<vmem>>, %arg14: memref<80x256xf32, #tpu.memory_space<vmem>>, %arg15: memref<!tpu.dma_semaphore, #tpu.memory_space<semaphore_mem>>) attributes {dimension_semantics = [#tpu.dimension_semantics<core_parallel>, #tpu.dimension_semantics<subcore_parallel>], iteration_bounds = array<i64: 2, 16>, scalar_prefetch = 0 : i64, scratch_operands = 6 : i64, tpu.core_type = #tpu.core_type<sc_vector_subcore>, window_params = [{transform_indices = #map}, {transform_indices = #map}, {transform_indices = #map}, {transform_indices = #map1}, {transform_indices = #map1}, {transform_indices = #map}, {transform_indices = #map}, {transform_indices = #map}]} {
    %mul3A = arith.constant 2 : i32
    %mul3A_0 = arith.muli %arg1, %mul3A : i32
    %add3A = arith.addi %mul3A_0, %arg0 : i32
    %mul3A_1 = arith.constant 10000 : i32
    %mul3A_2 = arith.muli %add3A, %mul3A_1 : i32
    %scan3A = arith.constant 0 : i32
    %scan3A_3 = arith.constant 0 : i32
    %scan3A_4 = arith.constant 125 : i32
    %scan3A_5 = arith.addi %scan3A_3, %scan3A_4 : i32
    %scan3A_6 = arith.constant 1 : i32
    scf.for %scan3A_8 = %scan3A_3 to %scan3A_5 step %scan3A_6  : i32 {
      %mul3A_9 = arith.constant 80 : i32
      %mul3A_10 = arith.muli %scan3A_8, %mul3A_9 : i32
      %add3A_11 = arith.addi %mul3A_2, %mul3A_10 : i32
      "tpu.region"() ({
        %run_scoped3A = tpu.sem_alloc : memref<!tpu.dma_semaphore, #tpu.memory_space<semaphore_mem>>
        %dma_start3A_28 = tpu.memref_slice %arg5[%add3A_11] : memref<320000xi32, #tpu.memory_space<hbm>> -> memref<80xi32, #tpu.memory_space<hbm>>
        %dma_start3A_29 = tpu.memref_slice %arg5[%add3A_11] : memref<320000xi32, #tpu.memory_space<hbm>> -> memref<80xi32, #tpu.memory_space<hbm>>
        tpu.enqueue_dma source(%dma_start3A_29 : memref<80xi32, #tpu.memory_space<hbm>>) target(%arg10 : memref<80xi32, #tpu.memory_space<vmem>>) target_semaphore(%run_scoped3A : memref<!tpu.dma_semaphore, #tpu.memory_space<semaphore_mem>>)
        %dma_wait3A_30 = tpu.memref_slice %arg5[%add3A_11] : memref<320000xi32, #tpu.memory_space<hbm>> -> memref<80xi32, #tpu.memory_space<hbm>>
        %dma_wait3A_31 = tpu.memref_slice %arg5[%add3A_11] : memref<320000xi32, #tpu.memory_space<hbm>> -> memref<80xi32, #tpu.memory_space<hbm>>
        tpu.wait_dma2 semaphore(%run_scoped3A : memref<!tpu.dma_semaphore, #tpu.memory_space<semaphore_mem>>) src(%dma_wait3A_31 : memref<80xi32, #tpu.memory_space<hbm>>) dst(%arg10 : memref<80xi32, #tpu.memory_space<vmem>>)
        tpu.yield
      }) : () -> ()
      "tpu.region"() ({
        %run_scoped3A = tpu.sem_alloc : memref<!tpu.dma_semaphore, #tpu.memory_space<semaphore_mem>>
        %dma_start3A_28 = tpu.memref_slice %arg6[%add3A_11] : memref<320000xi32, #tpu.memory_space<hbm>> -> memref<80xi32, #tpu.memory_space<hbm>>
        %dma_start3A_29 = tpu.memref_slice %arg6[%add3A_11] : memref<320000xi32, #tpu.memory_space<hbm>> -> memref<80xi32, #tpu.memory_space<hbm>>
        tpu.enqueue_dma source(%dma_start3A_29 : memref<80xi32, #tpu.memory_space<hbm>>) target(%arg11 : memref<80xi32, #tpu.memory_space<vmem>>) target_semaphore(%run_scoped3A : memref<!tpu.dma_semaphore, #tpu.memory_space<semaphore_mem>>)
        %dma_wait3A_30 = tpu.memref_slice %arg6[%add3A_11] : memref<320000xi32, #tpu.memory_space<hbm>> -> memref<80xi32, #tpu.memory_space<hbm>>
        %dma_wait3A_31 = tpu.memref_slice %arg6[%add3A_11] : memref<320000xi32, #tpu.memory_space<hbm>> -> memref<80xi32, #tpu.memory_space<hbm>>
        tpu.wait_dma2 semaphore(%run_scoped3A : memref<!tpu.dma_semaphore, #tpu.memory_space<semaphore_mem>>) src(%dma_wait3A_31 : memref<80xi32, #tpu.memory_space<hbm>>) dst(%arg11 : memref<80xi32, #tpu.memory_space<vmem>>)
        tpu.yield
      }) : () -> ()
      %dma_start3A = arith.constant 0 : i32
      %dma_start3A_12 = arith.constant 0 : i32
      %dma_start3A_13 = tpu.memref_slice %arg2[%dma_start3A, %dma_start3A_12] : memref<10000x256xf32, #tpu.memory_space<hbm>> -> memref<10000x256xf32, #tpu.memory_space<hbm>>
      tpu.enqueue_indirect_dma source(%dma_start3A_13 : memref<10000x256xf32, #tpu.memory_space<hbm>>) target(%arg12 : memref<80x256xf32, #tpu.memory_space<vmem>>) offsets(%arg11 : memref<80xi32, #tpu.memory_space<vmem>>) semaphore(%arg15 : memref<!tpu.dma_semaphore, #tpu.memory_space<semaphore_mem>>)
      %dma_wait3A = arith.constant 0 : i32
      %dma_wait3A_14 = arith.constant 0 : i32
      %dma_wait3A_15 = tpu.memref_slice %arg2[%dma_wait3A, %dma_wait3A_14] : memref<10000x256xf32, #tpu.memory_space<hbm>> -> memref<10000x256xf32, #tpu.memory_space<hbm>>
      tpu.wait_indirect_dma semaphore(%arg15 : memref<!tpu.dma_semaphore, #tpu.memory_space<semaphore_mem>>) src(%dma_wait3A_15 : memref<10000x256xf32, #tpu.memory_space<hbm>>) dst(%arg12 : memref<80x256xf32, #tpu.memory_space<vmem>>)
      %dma_start3A_16 = arith.constant 0 : i32
      %dma_start3A_17 = arith.constant 0 : i32
      %dma_start3A_18 = tpu.memref_slice %arg3[%dma_start3A_16, %dma_start3A_17] : memref<10000x256xf32, #tpu.memory_space<hbm>> -> memref<10000x256xf32, #tpu.memory_space<hbm>>
      tpu.enqueue_indirect_dma source(%dma_start3A_18 : memref<10000x256xf32, #tpu.memory_space<hbm>>) target(%arg13 : memref<80x256xf32, #tpu.memory_space<vmem>>) offsets(%arg10 : memref<80xi32, #tpu.memory_space<vmem>>) semaphore(%arg15 : memref<!tpu.dma_semaphore, #tpu.memory_space<semaphore_mem>>)
      %dma_wait3A_19 = arith.constant 0 : i32
      %dma_wait3A_20 = arith.constant 0 : i32
      %dma_wait3A_21 = tpu.memref_slice %arg3[%dma_wait3A_19, %dma_wait3A_20] : memref<10000x256xf32, #tpu.memory_space<hbm>> -> memref<10000x256xf32, #tpu.memory_space<hbm>>
      tpu.wait_indirect_dma semaphore(%arg15 : memref<!tpu.dma_semaphore, #tpu.memory_space<semaphore_mem>>) src(%dma_wait3A_21 : memref<10000x256xf32, #tpu.memory_space<hbm>>) dst(%arg13 : memref<80x256xf32, #tpu.memory_space<vmem>>)
      %dma_start3A_22 = arith.constant 0 : i32
      %dma_start3A_23 = arith.constant 0 : i32
      %dma_start3A_24 = tpu.memref_slice %arg4[%dma_start3A_22, %dma_start3A_23] : memref<10000x256xf32, #tpu.memory_space<hbm>> -> memref<10000x256xf32, #tpu.memory_space<hbm>>
      tpu.enqueue_indirect_dma source(%dma_start3A_24 : memref<10000x256xf32, #tpu.memory_space<hbm>>) target(%arg14 : memref<80x256xf32, #tpu.memory_space<vmem>>) offsets(%arg10 : memref<80xi32, #tpu.memory_space<vmem>>) semaphore(%arg15 : memref<!tpu.dma_semaphore, #tpu.memory_space<semaphore_mem>>)
      %dma_wait3A_25 = arith.constant 0 : i32
      %dma_wait3A_26 = arith.constant 0 : i32
      %dma_wait3A_27 = tpu.memref_slice %arg4[%dma_wait3A_25, %dma_wait3A_26] : memref<10000x256xf32, #tpu.memory_space<hbm>> -> memref<10000x256xf32, #tpu.memory_space<hbm>>
      tpu.wait_indirect_dma semaphore(%arg15 : memref<!tpu.dma_semaphore, #tpu.memory_space<semaphore_mem>>) src(%dma_wait3A_27 : memref<10000x256xf32, #tpu.memory_space<hbm>>) dst(%arg14 : memref<80x256xf32, #tpu.memory_space<vmem>>)
      "tpu.region"() ({
        %run_scoped3A = tpu.sem_alloc : memref<!tpu.dma_semaphore, #tpu.memory_space<semaphore_mem>>
        %dma_start3A_28 = arith.constant 0 : i32
        %dma_start3A_29 = tpu.memref_slice %arg7[%add3A_11, %dma_start3A_28] : memref<320000x256xf32, #tpu.memory_space<hbm>> -> memref<80x256xf32, #tpu.memory_space<hbm>>
        %dma_start3A_30 = arith.constant 0 : i32
        %dma_start3A_31 = tpu.memref_slice %arg7[%add3A_11, %dma_start3A_30] : memref<320000x256xf32, #tpu.memory_space<hbm>> -> memref<80x256xf32, #tpu.memory_space<hbm>>
        tpu.enqueue_dma source(%arg12 : memref<80x256xf32, #tpu.memory_space<vmem>>) target(%dma_start3A_31 : memref<80x256xf32, #tpu.memory_space<hbm>>) target_semaphore(%run_scoped3A : memref<!tpu.dma_semaphore, #tpu.memory_space<semaphore_mem>>)
        %dma_wait3A_32 = arith.constant 0 : i32
        %dma_wait3A_33 = tpu.memref_slice %arg7[%add3A_11, %dma_wait3A_32] : memref<320000x256xf32, #tpu.memory_space<hbm>> -> memref<80x256xf32, #tpu.memory_space<hbm>>
        %dma_wait3A_34 = arith.constant 0 : i32
        %dma_wait3A_35 = tpu.memref_slice %arg7[%add3A_11, %dma_wait3A_34] : memref<320000x256xf32, #tpu.memory_space<hbm>> -> memref<80x256xf32, #tpu.memory_space<hbm>>
        tpu.wait_dma2 semaphore(%run_scoped3A : memref<!tpu.dma_semaphore, #tpu.memory_space<semaphore_mem>>) src(%arg12 : memref<80x256xf32, #tpu.memory_space<vmem>>) dst(%dma_wait3A_35 : memref<80x256xf32, #tpu.memory_space<hbm>>)
        tpu.yield
      }) : () -> ()
      "tpu.region"() ({
        %run_scoped3A = tpu.sem_alloc : memref<!tpu.dma_semaphore, #tpu.memory_space<semaphore_mem>>
        %dma_start3A_28 = arith.constant 0 : i32
        %dma_start3A_29 = tpu.memref_slice %arg8[%add3A_11, %dma_start3A_28] : memref<320000x256xf32, #tpu.memory_space<hbm>> -> memref<80x256xf32, #tpu.memory_space<hbm>>
        %dma_start3A_30 = arith.constant 0 : i32
        %dma_start3A_31 = tpu.memref_slice %arg8[%add3A_11, %dma_start3A_30] : memref<320000x256xf32, #tpu.memory_space<hbm>> -> memref<80x256xf32, #tpu.memory_space<hbm>>
        tpu.enqueue_dma source(%arg13 : memref<80x256xf32, #tpu.memory_space<vmem>>) target(%dma_start3A_31 : memref<80x256xf32, #tpu.memory_space<hbm>>) target_semaphore(%run_scoped3A : memref<!tpu.dma_semaphore, #tpu.memory_space<semaphore_mem>>)
        %dma_wait3A_32 = arith.constant 0 : i32
        %dma_wait3A_33 = tpu.memref_slice %arg8[%add3A_11, %dma_wait3A_32] : memref<320000x256xf32, #tpu.memory_space<hbm>> -> memref<80x256xf32, #tpu.memory_space<hbm>>
        %dma_wait3A_34 = arith.constant 0 : i32
        %dma_wait3A_35 = tpu.memref_slice %arg8[%add3A_11, %dma_wait3A_34] : memref<320000x256xf32, #tpu.memory_space<hbm>> -> memref<80x256xf32, #tpu.memory_space<hbm>>
        tpu.wait_dma2 semaphore(%run_scoped3A : memref<!tpu.dma_semaphore, #tpu.memory_space<semaphore_mem>>) src(%arg13 : memref<80x256xf32, #tpu.memory_space<vmem>>) dst(%dma_wait3A_35 : memref<80x256xf32, #tpu.memory_space<hbm>>)
        tpu.yield
      }) : () -> ()
      "tpu.region"() ({
        %run_scoped3A = tpu.sem_alloc : memref<!tpu.dma_semaphore, #tpu.memory_space<semaphore_mem>>
        %dma_start3A_28 = arith.constant 0 : i32
        %dma_start3A_29 = tpu.memref_slice %arg9[%add3A_11, %dma_start3A_28] : memref<320000x256xf32, #tpu.memory_space<hbm>> -> memref<80x256xf32, #tpu.memory_space<hbm>>
        %dma_start3A_30 = arith.constant 0 : i32
        %dma_start3A_31 = tpu.memref_slice %arg9[%add3A_11, %dma_start3A_30] : memref<320000x256xf32, #tpu.memory_space<hbm>> -> memref<80x256xf32, #tpu.memory_space<hbm>>
        tpu.enqueue_dma source(%arg14 : memref<80x256xf32, #tpu.memory_space<vmem>>) target(%dma_start3A_31 : memref<80x256xf32, #tpu.memory_space<hbm>>) target_semaphore(%run_scoped3A : memref<!tpu.dma_semaphore, #tpu.memory_space<semaphore_mem>>)
        %dma_wait3A_32 = arith.constant 0 : i32
        %dma_wait3A_33 = tpu.memref_slice %arg9[%add3A_11, %dma_wait3A_32] : memref<320000x256xf32, #tpu.memory_space<hbm>> -> memref<80x256xf32, #tpu.memory_space<hbm>>
        %dma_wait3A_34 = arith.constant 0 : i32
        %dma_wait3A_35 = tpu.memref_slice %arg9[%add3A_11, %dma_wait3A_34] : memref<320000x256xf32, #tpu.memory_space<hbm>> -> memref<80x256xf32, #tpu.memory_space<hbm>>
        tpu.wait_dma2 semaphore(%run_scoped3A : memref<!tpu.dma_semaphore, #tpu.memory_space<semaphore_mem>>) src(%arg14 : memref<80x256xf32, #tpu.memory_space<vmem>>) dst(%dma_wait3A_35 : memref<80x256xf32, #tpu.memory_space<hbm>>)
        tpu.yield
      }) : () -> ()
    }
    %scan3A_7 = arith.constant 125 : i32
    return
  }
}

module attributes {stable_mosaic.version = 14 : i64} {
  func.func @body(%arg0: i32, %arg1: memref<1000x128xf32, #tpu.memory_space<vmem>>, %arg2: memref<128x1024xf32, #tpu.memory_space<vmem>>, %arg3: memref<1x1024xf32, #tpu.memory_space<vmem>>, %arg4: memref<1000x1024xf32, #tpu.memory_space<vmem>>) attributes {dimension_semantics = [#tpu.dimension_semantics<arbitrary>], iteration_bounds = array<i64: 10>, scalar_prefetch = 0 : i64, scratch_operands = 0 : i64, tpu.core_type = #tpu.core_type<tc>, window_params = [{transform_indices = @transform_0, window_bounds = array<i64: 1000, 128>}, {pipeline_mode = #tpu.pipeline_mode<synchronous>, transform_indices = @transform_1, window_bounds = array<i64: 128, 1024>}, {pipeline_mode = #tpu.pipeline_mode<synchronous>, transform_indices = @transform_2, window_bounds = array<i64: 1, 1024>}, {transform_indices = @transform_3, window_bounds = array<i64: 1000, 1024>}]} {
    %get3A = arith.constant 0 : index
    %get3A_0 = arith.constant 0 : index
    %get3A_1 = vector.load %arg1[%get3A, %get3A_0] : memref<1000x128xf32, #tpu.memory_space<vmem>>, vector<1000x128xf32>
    %get3A_2 = arith.constant 0 : index
    %get3A_3 = arith.constant 0 : index
    %get3A_4 = vector.load %arg2[%get3A_2, %get3A_3] : memref<128x1024xf32, #tpu.memory_space<vmem>>, vector<128x1024xf32>
    %dot_general3A = arith.constant dense<0.000000e+00> : vector<1000x1024xf32>
    %dot_general3A_5 = tpu.matmul %get3A_1, %get3A_4, %dot_general3A {dimension_numbers = #tpu.dot_dimension_numbers<[1], [0], [0], [1], [0, 0, 1, 1], [], []>, transpose_lhs_hint = false} : vector<1000x128xf32>, vector<128x1024xf32>, vector<1000x1024xf32> -> vector<1000x1024xf32>
    %get3A_6 = arith.constant 0 : index
    %get3A_7 = arith.constant 0 : index
    %get3A_8 = vector.load %arg3[%get3A_6, %get3A_7] : memref<1x1024xf32, #tpu.memory_space<vmem>>, vector<1x1024xf32>
    %add3A = vector.broadcast %get3A_8 : vector<1x1024xf32> to vector<1000x1024xf32>
    %add3A_9 = arith.addf %dot_general3A_5, %add3A : vector<1000x1024xf32>
    %swap3A = arith.constant 0 : index
    %swap3A_10 = arith.constant 0 : index
    %swap3A_11 = vector.load %arg4[%swap3A, %swap3A_10] : memref<1000x1024xf32, #tpu.memory_space<vmem>>, vector<1000x1024xf32>
    tpu.vector_store %arg4[%swap3A, %swap3A_10], %add3A_9 {strides = array<i32>} : memref<1000x1024xf32, #tpu.memory_space<vmem>>, vector<1000x1024xf32>,
    return
  }
  func.func @transform_0(%arg0: i32) -> (i32, i32) {
    %c0_i32 = arith.constant 0 : i32
    %c0_i32_0 = arith.constant 0 : i32
    return %arg0, %c0_i32 : i32, i32
  }
  func.func @transform_1(%arg0: i32) -> (i32, i32) {
    %c0_i32 = arith.constant 0 : i32
    %c0_i32_0 = arith.constant 0 : i32
    %c0_i32_1 = arith.constant 0 : i32
    return %c0_i32, %c0_i32_0 : i32, i32
  }
  func.func @transform_2(%arg0: i32) -> (i32, i32) {
    %c0_i32 = arith.constant 0 : i32
    %c0_i32_0 = arith.constant 0 : i32
    %c0_i32_1 = arith.constant 0 : i32
    return %c0_i32, %c0_i32_0 : i32, i32
  }
  func.func @transform_3(%arg0: i32) -> (i32, i32) {
    %c0_i32 = arith.constant 0 : i32
    %c0_i32_0 = arith.constant 0 : i32
    return %arg0, %c0_i32 : i32, i32
  }
}

module attributes {stable_mosaic.version = 14 : i64} {
  func.func @body(%arg0: i32, %arg1: memref<1000x256xf32, #tpu.memory_space<vmem>>, %arg2: memref<1000x256xf32, #tpu.memory_space<vmem>>, %arg3: memref<1000x256xf32, #tpu.memory_space<vmem>>, %arg4: memref<1000x128xf32, #tpu.memory_space<vmem>>, %arg5: memref<1000x128xf32, #tpu.memory_space<vmem>>, %arg6: memref<1000x128xf32, #tpu.memory_space<vmem>>) attributes {dimension_semantics = [#tpu.dimension_semantics<arbitrary>], iteration_bounds = array<i64: 320>, scalar_prefetch = 0 : i64, scratch_operands = 0 : i64, tpu.core_type = #tpu.core_type<tc>, window_params = [{transform_indices = @transform_0, window_bounds = array<i64: 1000, 256>}, {transform_indices = @transform_1, window_bounds = array<i64: 1000, 256>}, {transform_indices = @transform_2, window_bounds = array<i64: 1000, 256>}, {transform_indices = @transform_3, window_bounds = array<i64: 1000, 128>}, {transform_indices = @transform_4, window_bounds = array<i64: 1000, 128>}, {transform_indices = @transform_5, window_bounds = array<i64: 1000, 128>}]} {
    %get3A = arith.constant 0 : index
    %get3A_0 = arith.constant 0 : index
    %get3A_1 = vector.load %arg1[%get3A, %get3A_0] : memref<1000x256xf32, #tpu.memory_space<vmem>>, vector<1000x256xf32>
    %get3A_2 = arith.constant 0 : index
    %get3A_3 = arith.constant 0 : index
    %get3A_4 = vector.load %arg2[%get3A_2, %get3A_3] : memref<1000x256xf32, #tpu.memory_space<vmem>>, vector<1000x256xf32>
    %get3A_5 = arith.constant 0 : index
    %get3A_6 = arith.constant 0 : index
    %get3A_7 = vector.load %arg3[%get3A_5, %get3A_6] : memref<1000x256xf32, #tpu.memory_space<vmem>>, vector<1000x256xf32>
    %slice3A = vector.extract_strided_slice %get3A_1 {offsets = [0, 0], sizes = [1000, 64], strides = [1, 1]} : vector<1000x256xf32> to vector<1000x64xf32>
    %slice3A_8 = vector.extract_strided_slice %get3A_4 {offsets = [0, 0], sizes = [1000, 64], strides = [1, 1]} : vector<1000x256xf32> to vector<1000x64xf32>
    %mul3A = arith.mulf %slice3A, %slice3A_8 : vector<1000x64xf32>
    %reduce_sum3A = arith.constant dense<0.000000e+00> : vector<1000xf32>
    %reduce_sum3A_9 = vector.multi_reduction <add>, %mul3A, %reduce_sum3A [1] : vector<1000x64xf32> to vector<1000xf32>
    %broadcast_in_dim3A = vector.shape_cast %reduce_sum3A_9 : vector<1000xf32> to vector<1000x1xf32>
    %mul3A_10 = arith.constant 1.250000e-01 : f32
    %mul3A_11 = vector.broadcast %mul3A_10 : f32 to vector<1000x1xf32>
    %mul3A_12 = arith.mulf %broadcast_in_dim3A, %mul3A_11 : vector<1000x1xf32>
    %exp3A = math.exp %mul3A_12 : vector<1000x1xf32>
    %slice3A_13 = vector.extract_strided_slice %get3A_7 {offsets = [0, 0], sizes = [1000, 64], strides = [1, 1]} : vector<1000x256xf32> to vector<1000x64xf32>
    %mul3A_14 = vector.broadcast %exp3A : vector<1000x1xf32> to vector<1000x64xf32>
    %mul3A_15 = arith.mulf %slice3A_13, %mul3A_14 : vector<1000x64xf32>
    %slice3A_16 = vector.extract_strided_slice %get3A_1 {offsets = [0, 64], sizes = [1000, 64], strides = [1, 1]} : vector<1000x256xf32> to vector<1000x64xf32>
    %slice3A_17 = vector.extract_strided_slice %get3A_4 {offsets = [0, 64], sizes = [1000, 64], strides = [1, 1]} : vector<1000x256xf32> to vector<1000x64xf32>
    %mul3A_18 = arith.mulf %slice3A_16, %slice3A_17 : vector<1000x64xf32>
    %reduce_sum3A_19 = arith.constant dense<0.000000e+00> : vector<1000xf32>
    %reduce_sum3A_20 = vector.multi_reduction <add>, %mul3A_18, %reduce_sum3A_19 [1] : vector<1000x64xf32> to vector<1000xf32>
    %broadcast_in_dim3A_21 = vector.shape_cast %reduce_sum3A_20 : vector<1000xf32> to vector<1000x1xf32>
    %mul3A_22 = arith.constant 1.250000e-01 : f32
    %mul3A_23 = vector.broadcast %mul3A_22 : f32 to vector<1000x1xf32>
    %mul3A_24 = arith.mulf %broadcast_in_dim3A_21, %mul3A_23 : vector<1000x1xf32>
    %exp3A_25 = math.exp %mul3A_24 : vector<1000x1xf32>
    %slice3A_26 = vector.extract_strided_slice %get3A_7 {offsets = [0, 64], sizes = [1000, 64], strides = [1, 1]} : vector<1000x256xf32> to vector<1000x64xf32>
    %mul3A_27 = vector.broadcast %exp3A_25 : vector<1000x1xf32> to vector<1000x64xf32>
    %mul3A_28 = arith.mulf %slice3A_26, %mul3A_27 : vector<1000x64xf32>
    %slice3A_29 = vector.extract_strided_slice %get3A_1 {offsets = [0, 128], sizes = [1000, 64], strides = [1, 1]} : vector<1000x256xf32> to vector<1000x64xf32>
    %slice3A_30 = vector.extract_strided_slice %get3A_4 {offsets = [0, 128], sizes = [1000, 64], strides = [1, 1]} : vector<1000x256xf32> to vector<1000x64xf32>
    %mul3A_31 = arith.mulf %slice3A_29, %slice3A_30 : vector<1000x64xf32>
    %reduce_sum3A_32 = arith.constant dense<0.000000e+00> : vector<1000xf32>
    %reduce_sum3A_33 = vector.multi_reduction <add>, %mul3A_31, %reduce_sum3A_32 [1] : vector<1000x64xf32> to vector<1000xf32>
    %broadcast_in_dim3A_34 = vector.shape_cast %reduce_sum3A_33 : vector<1000xf32> to vector<1000x1xf32>
    %mul3A_35 = arith.constant 1.250000e-01 : f32
    %mul3A_36 = vector.broadcast %mul3A_35 : f32 to vector<1000x1xf32>
    %mul3A_37 = arith.mulf %broadcast_in_dim3A_34, %mul3A_36 : vector<1000x1xf32>
    %exp3A_38 = math.exp %mul3A_37 : vector<1000x1xf32>
    %slice3A_39 = vector.extract_strided_slice %get3A_7 {offsets = [0, 128], sizes = [1000, 64], strides = [1, 1]} : vector<1000x256xf32> to vector<1000x64xf32>
    %mul3A_40 = vector.broadcast %exp3A_38 : vector<1000x1xf32> to vector<1000x64xf32>
    %mul3A_41 = arith.mulf %slice3A_39, %mul3A_40 : vector<1000x64xf32>
    %slice3A_42 = vector.extract_strided_slice %get3A_1 {offsets = [0, 192], sizes = [1000, 64], strides = [1, 1]} : vector<1000x256xf32> to vector<1000x64xf32>
    %slice3A_43 = vector.extract_strided_slice %get3A_4 {offsets = [0, 192], sizes = [1000, 64], strides = [1, 1]} : vector<1000x256xf32> to vector<1000x64xf32>
    %mul3A_44 = arith.mulf %slice3A_42, %slice3A_43 : vector<1000x64xf32>
    %reduce_sum3A_45 = arith.constant dense<0.000000e+00> : vector<1000xf32>
    %reduce_sum3A_46 = vector.multi_reduction <add>, %mul3A_44, %reduce_sum3A_45 [1] : vector<1000x64xf32> to vector<1000xf32>
    %broadcast_in_dim3A_47 = vector.shape_cast %reduce_sum3A_46 : vector<1000xf32> to vector<1000x1xf32>
    %mul3A_48 = arith.constant 1.250000e-01 : f32
    %mul3A_49 = vector.broadcast %mul3A_48 : f32 to vector<1000x1xf32>
    %mul3A_50 = arith.mulf %broadcast_in_dim3A_47, %mul3A_49 : vector<1000x1xf32>
    %exp3A_51 = math.exp %mul3A_50 : vector<1000x1xf32>
    %slice3A_52 = vector.extract_strided_slice %get3A_7 {offsets = [0, 192], sizes = [1000, 64], strides = [1, 1]} : vector<1000x256xf32> to vector<1000x64xf32>
    %mul3A_53 = vector.broadcast %exp3A_51 : vector<1000x1xf32> to vector<1000x64xf32>
    %mul3A_54 = arith.mulf %slice3A_52, %mul3A_53 : vector<1000x64xf32>
    %concatenate3A = tpu.concatenate %mul3A_15, %mul3A_28 in 1 : vector<1000x64xf32>, vector<1000x64xf32> -> vector<1000x128xf32>
    %swap3A = arith.constant 0 : index
    %swap3A_55 = arith.constant 0 : index
    %swap3A_56 = vector.load %arg4[%swap3A, %swap3A_55] : memref<1000x128xf32, #tpu.memory_space<vmem>>, vector<1000x128xf32>
    tpu.vector_store %arg4[%swap3A, %swap3A_55], %concatenate3A {strides = array<i32>} : memref<1000x128xf32, #tpu.memory_space<vmem>>, vector<1000x128xf32>,
    %concatenate3A_57 = tpu.concatenate %mul3A_41, %mul3A_54 in 1 : vector<1000x64xf32>, vector<1000x64xf32> -> vector<1000x128xf32>
    %swap3A_58 = arith.constant 0 : index
    %swap3A_59 = arith.constant 0 : index
    %swap3A_60 = vector.load %arg5[%swap3A_58, %swap3A_59] : memref<1000x128xf32, #tpu.memory_space<vmem>>, vector<1000x128xf32>
    tpu.vector_store %arg5[%swap3A_58, %swap3A_59], %concatenate3A_57 {strides = array<i32>} : memref<1000x128xf32, #tpu.memory_space<vmem>>, vector<1000x128xf32>,
    %broadcast_in_dim3A_61 = arith.constant 0.000000e+00 : f32
    %broadcast_in_dim3A_62 = vector.broadcast %broadcast_in_dim3A_61 : f32 to vector<1000x124xf32>
    %concatenate3A_63 = tpu.concatenate %exp3A, %exp3A_25, %exp3A_38, %exp3A_51, %broadcast_in_dim3A_62 in 1 : vector<1000x1xf32>, vector<1000x1xf32>, vector<1000x1xf32>, vector<1000x1xf32>, vector<1000x124xf32> -> vector<1000x128xf32>
    %swap3A_64 = arith.constant 0 : index
    %swap3A_65 = arith.constant 0 : index
    %swap3A_66 = vector.load %arg6[%swap3A_64, %swap3A_65] : memref<1000x128xf32, #tpu.memory_space<vmem>>, vector<1000x128xf32>
    tpu.vector_store %arg6[%swap3A_64, %swap3A_65], %concatenate3A_63 {strides = array<i32>} : memref<1000x128xf32, #tpu.memory_space<vmem>>, vector<1000x128xf32>,
    return
  }
  func.func @transform_0(%arg0: i32) -> (i32, i32) {
    %c0_i32 = arith.constant 0 : i32
    %c0_i32_0 = arith.constant 0 : i32
    return %arg0, %c0_i32 : i32, i32
  }
  func.func @transform_1(%arg0: i32) -> (i32, i32) {
    %c0_i32 = arith.constant 0 : i32
    %c0_i32_0 = arith.constant 0 : i32
    return %arg0, %c0_i32 : i32, i32
  }
  func.func @transform_2(%arg0: i32) -> (i32, i32) {
    %c0_i32 = arith.constant 0 : i32
    %c0_i32_0 = arith.constant 0 : i32
    return %arg0, %c0_i32 : i32, i32
  }
  func.func @transform_3(%arg0: i32) -> (i32, i32) {
    %c0_i32 = arith.constant 0 : i32
    %c0_i32_0 = arith.constant 0 : i32
    return %arg0, %c0_i32 : i32, i32
  }
  func.func @transform_4(%arg0: i32) -> (i32, i32) {
    %c0_i32 = arith.constant 0 : i32
    %c0_i32_0 = arith.constant 0 : i32
    return %arg0, %c0_i32 : i32, i32
  }
  func.func @transform_5(%arg0: i32) -> (i32, i32) {
    %c0_i32 = arith.constant 0 : i32
    %c0_i32_0 = arith.constant 0 : i32
    return %arg0, %c0_i32 : i32, i32
  }
}

module attributes {stable_mosaic.version = 14 : i64} {
  func.func @body(%arg0: i32, %arg1: memref<1000x128xf32, #tpu.memory_space<vmem>>, %arg2: memref<1000x128xf32, #tpu.memory_space<vmem>>, %arg3: memref<1000x128xf32, #tpu.memory_space<vmem>>, %arg4: memref<1000x128xf32, #tpu.memory_space<vmem>>, %arg5: memref<1000x128xf32, #tpu.memory_space<vmem>>, %arg6: memref<1000x128xf32, #tpu.memory_space<vmem>>, %arg7: memref<1000x256xf32, #tpu.memory_space<vmem>>, %arg8: memref<1000x256xf32, #tpu.memory_space<vmem>>) attributes {dimension_semantics = [#tpu.dimension_semantics<arbitrary>], iteration_bounds = array<i64: 10>, scalar_prefetch = 0 : i64, scratch_operands = 0 : i64, tpu.core_type = #tpu.core_type<tc>, window_params = [{transform_indices = @transform_0, window_bounds = array<i64: 1000, 128>}, {transform_indices = @transform_1, window_bounds = array<i64: 1000, 128>}, {transform_indices = @transform_2, window_bounds = array<i64: 1000, 128>}, {transform_indices = @transform_3, window_bounds = array<i64: 1000, 128>}, {transform_indices = @transform_4, window_bounds = array<i64: 1000, 128>}, {transform_indices = @transform_5, window_bounds = array<i64: 1000, 128>}, {transform_indices = @transform_6, window_bounds = array<i64: 1000, 256>}, {transform_indices = @transform_7, window_bounds = array<i64: 1000, 256>}]} {
    %get3A = arith.constant 0 : index
    %get3A_0 = arith.constant 0 : index
    %get3A_1 = vector.load %arg1[%get3A, %get3A_0] : memref<1000x128xf32, #tpu.memory_space<vmem>>, vector<1000x128xf32>
    %get3A_2 = arith.constant 0 : index
    %get3A_3 = arith.constant 0 : index
    %get3A_4 = vector.load %arg2[%get3A_2, %get3A_3] : memref<1000x128xf32, #tpu.memory_space<vmem>>, vector<1000x128xf32>
    %add3A = arith.addf %get3A_1, %get3A_4 : vector<1000x128xf32>
    %get3A_5 = arith.constant 0 : index
    %get3A_6 = arith.constant 0 : index
    %get3A_7 = vector.load %arg3[%get3A_5, %get3A_6] : memref<1000x128xf32, #tpu.memory_space<vmem>>, vector<1000x128xf32>
    %get3A_8 = arith.constant 0 : index
    %get3A_9 = arith.constant 0 : index
    %get3A_10 = vector.load %arg4[%get3A_8, %get3A_9] : memref<1000x128xf32, #tpu.memory_space<vmem>>, vector<1000x128xf32>
    %add3A_11 = arith.addf %get3A_7, %get3A_10 : vector<1000x128xf32>
    %get3A_12 = arith.constant 0 : index
    %get3A_13 = arith.constant 0 : index
    %get3A_14 = vector.load %arg5[%get3A_12, %get3A_13] : memref<1000x128xf32, #tpu.memory_space<vmem>>, vector<1000x128xf32>
    %get3A_15 = arith.constant 0 : index
    %get3A_16 = arith.constant 0 : index
    %get3A_17 = vector.load %arg6[%get3A_15, %get3A_16] : memref<1000x128xf32, #tpu.memory_space<vmem>>, vector<1000x128xf32>
    %add3A_18 = arith.addf %get3A_14, %get3A_17 : vector<1000x128xf32>
    %slice3A = vector.extract_strided_slice %add3A {offsets = [0, 0], sizes = [1000, 64], strides = [1, 1]} : vector<1000x128xf32> to vector<1000x64xf32>
    %slice3A_19 = vector.extract_strided_slice %add3A_18 {offsets = [0, 0], sizes = [1000, 1], strides = [1, 1]} : vector<1000x128xf32> to vector<1000x1xf32>
    %add3A_20 = arith.constant 1.000000e-16 : f32
    %add3A_21 = vector.broadcast %add3A_20 : f32 to vector<1000x1xf32>
    %add3A_22 = arith.addf %slice3A_19, %add3A_21 : vector<1000x1xf32>
    %div3A = vector.broadcast %add3A_22 : vector<1000x1xf32> to vector<1000x64xf32>
    %div3A_23 = arith.divf %slice3A, %div3A : vector<1000x64xf32>
    %slice3A_24 = vector.extract_strided_slice %add3A {offsets = [0, 64], sizes = [1000, 64], strides = [1, 1]} : vector<1000x128xf32> to vector<1000x64xf32>
    %slice3A_25 = vector.extract_strided_slice %add3A_18 {offsets = [0, 1], sizes = [1000, 1], strides = [1, 1]} : vector<1000x128xf32> to vector<1000x1xf32>
    %add3A_26 = arith.constant 1.000000e-16 : f32
    %add3A_27 = vector.broadcast %add3A_26 : f32 to vector<1000x1xf32>
    %add3A_28 = arith.addf %slice3A_25, %add3A_27 : vector<1000x1xf32>
    %div3A_29 = vector.broadcast %add3A_28 : vector<1000x1xf32> to vector<1000x64xf32>
    %div3A_30 = arith.divf %slice3A_24, %div3A_29 : vector<1000x64xf32>
    %slice3A_31 = vector.extract_strided_slice %add3A_11 {offsets = [0, 0], sizes = [1000, 64], strides = [1, 1]} : vector<1000x128xf32> to vector<1000x64xf32>
    %slice3A_32 = vector.extract_strided_slice %add3A_18 {offsets = [0, 2], sizes = [1000, 1], strides = [1, 1]} : vector<1000x128xf32> to vector<1000x1xf32>
    %add3A_33 = arith.constant 1.000000e-16 : f32
    %add3A_34 = vector.broadcast %add3A_33 : f32 to vector<1000x1xf32>
    %add3A_35 = arith.addf %slice3A_32, %add3A_34 : vector<1000x1xf32>
    %div3A_36 = vector.broadcast %add3A_35 : vector<1000x1xf32> to vector<1000x64xf32>
    %div3A_37 = arith.divf %slice3A_31, %div3A_36 : vector<1000x64xf32>
    %slice3A_38 = vector.extract_strided_slice %add3A_11 {offsets = [0, 64], sizes = [1000, 64], strides = [1, 1]} : vector<1000x128xf32> to vector<1000x64xf32>
    %slice3A_39 = vector.extract_strided_slice %add3A_18 {offsets = [0, 3], sizes = [1000, 1], strides = [1, 1]} : vector<1000x128xf32> to vector<1000x1xf32>
    %add3A_40 = arith.constant 1.000000e-16 : f32
    %add3A_41 = vector.broadcast %add3A_40 : f32 to vector<1000x1xf32>
    %add3A_42 = arith.addf %slice3A_39, %add3A_41 : vector<1000x1xf32>
    %div3A_43 = vector.broadcast %add3A_42 : vector<1000x1xf32> to vector<1000x64xf32>
    %div3A_44 = arith.divf %slice3A_38, %div3A_43 : vector<1000x64xf32>
    %concatenate3A = tpu.concatenate %div3A_23, %div3A_30, %div3A_37, %div3A_44 in 1 : vector<1000x64xf32>, vector<1000x64xf32>, vector<1000x64xf32>, vector<1000x64xf32> -> vector<1000x256xf32>
    %get3A_45 = arith.constant 0 : index
    %get3A_46 = arith.constant 0 : index
    %get3A_47 = vector.load %arg7[%get3A_45, %get3A_46] : memref<1000x256xf32, #tpu.memory_space<vmem>>, vector<1000x256xf32>
    %add3A_48 = arith.addf %concatenate3A, %get3A_47 : vector<1000x256xf32>
    %max3A = arith.constant 0.000000e+00 : f32
    %max3A_49 = vector.broadcast %max3A : f32 to vector<1000x256xf32>
    %max3A_50 = arith.maximumf %add3A_48, %max3A_49 : vector<1000x256xf32>
    %swap3A = arith.constant 0 : index
    %swap3A_51 = arith.constant 0 : index
    %swap3A_52 = vector.load %arg8[%swap3A, %swap3A_51] : memref<1000x256xf32, #tpu.memory_space<vmem>>, vector<1000x256xf32>
    tpu.vector_store %arg8[%swap3A, %swap3A_51], %max3A_50 {strides = array<i32>} : memref<1000x256xf32, #tpu.memory_space<vmem>>, vector<1000x256xf32>,
    return
  }
  func.func @transform_0(%arg0: i32) -> (i32, i32) {
    %c0_i32 = arith.constant 0 : i32
    %c0_i32_0 = arith.constant 0 : i32
    return %arg0, %c0_i32 : i32, i32
  }
  func.func @transform_1(%arg0: i32) -> (i32, i32) {
    %c0_i32 = arith.constant 0 : i32
    %c0_i32_0 = arith.constant 0 : i32
    return %arg0, %c0_i32 : i32, i32
  }
  func.func @transform_2(%arg0: i32) -> (i32, i32) {
    %c0_i32 = arith.constant 0 : i32
    %c0_i32_0 = arith.constant 0 : i32
    return %arg0, %c0_i32 : i32, i32
  }
  func.func @transform_3(%arg0: i32) -> (i32, i32) {
    %c0_i32 = arith.constant 0 : i32
    %c0_i32_0 = arith.constant 0 : i32
    return %arg0, %c0_i32 : i32, i32
  }
  func.func @transform_4(%arg0: i32) -> (i32, i32) {
    %c0_i32 = arith.constant 0 : i32
    %c0_i32_0 = arith.constant 0 : i32
    return %arg0, %c0_i32 : i32, i32
  }
  func.func @transform_5(%arg0: i32) -> (i32, i32) {
    %c0_i32 = arith.constant 0 : i32
    %c0_i32_0 = arith.constant 0 : i32
    return %arg0, %c0_i32 : i32, i32
  }
  func.func @transform_6(%arg0: i32) -> (i32, i32) {
    %c0_i32 = arith.constant 0 : i32
    %c0_i32_0 = arith.constant 0 : i32
    return %arg0, %c0_i32 : i32, i32
  }
  func.func @transform_7(%arg0: i32) -> (i32, i32) {
    %c0_i32 = arith.constant 0 : i32
    %c0_i32_0 = arith.constant 0 : i32
    return %arg0, %c0_i32 : i32, i32
  }
}

module attributes {stable_mosaic.version = 14 : i64} {
  func.func @body(%arg0: i32, %arg1: memref<1000x256xf32, #tpu.memory_space<vmem>>, %arg2: memref<256x1024xf32, #tpu.memory_space<vmem>>, %arg3: memref<1x1024xf32, #tpu.memory_space<vmem>>, %arg4: memref<1000x1024xf32, #tpu.memory_space<vmem>>) attributes {dimension_semantics = [#tpu.dimension_semantics<arbitrary>], iteration_bounds = array<i64: 10>, scalar_prefetch = 0 : i64, scratch_operands = 0 : i64, tpu.core_type = #tpu.core_type<tc>, window_params = [{transform_indices = @transform_0, window_bounds = array<i64: 1000, 256>}, {pipeline_mode = #tpu.pipeline_mode<synchronous>, transform_indices = @transform_1, window_bounds = array<i64: 256, 1024>}, {pipeline_mode = #tpu.pipeline_mode<synchronous>, transform_indices = @transform_2, window_bounds = array<i64: 1, 1024>}, {transform_indices = @transform_3, window_bounds = array<i64: 1000, 1024>}]} {
    %get3A = arith.constant 0 : index
    %get3A_0 = arith.constant 0 : index
    %get3A_1 = vector.load %arg1[%get3A, %get3A_0] : memref<1000x256xf32, #tpu.memory_space<vmem>>, vector<1000x256xf32>
    %get3A_2 = arith.constant 0 : index
    %get3A_3 = arith.constant 0 : index
    %get3A_4 = vector.load %arg2[%get3A_2, %get3A_3] : memref<256x1024xf32, #tpu.memory_space<vmem>>, vector<256x1024xf32>
    %dot_general3A = arith.constant dense<0.000000e+00> : vector<1000x1024xf32>
    %dot_general3A_5 = tpu.matmul %get3A_1, %get3A_4, %dot_general3A {dimension_numbers = #tpu.dot_dimension_numbers<[1], [0], [0], [1], [0, 0, 1, 1], [], []>, transpose_lhs_hint = false} : vector<1000x256xf32>, vector<256x1024xf32>, vector<1000x1024xf32> -> vector<1000x1024xf32>
    %get3A_6 = arith.constant 0 : index
    %get3A_7 = arith.constant 0 : index
    %get3A_8 = vector.load %arg3[%get3A_6, %get3A_7] : memref<1x1024xf32, #tpu.memory_space<vmem>>, vector<1x1024xf32>
    %add3A = vector.broadcast %get3A_8 : vector<1x1024xf32> to vector<1000x1024xf32>
    %add3A_9 = arith.addf %dot_general3A_5, %add3A : vector<1000x1024xf32>
    %swap3A = arith.constant 0 : index
    %swap3A_10 = arith.constant 0 : index
    %swap3A_11 = vector.load %arg4[%swap3A, %swap3A_10] : memref<1000x1024xf32, #tpu.memory_space<vmem>>, vector<1000x1024xf32>
    tpu.vector_store %arg4[%swap3A, %swap3A_10], %add3A_9 {strides = array<i32>} : memref<1000x1024xf32, #tpu.memory_space<vmem>>, vector<1000x1024xf32>,
    return
  }
  func.func @transform_0(%arg0: i32) -> (i32, i32) {
    %c0_i32 = arith.constant 0 : i32
    %c0_i32_0 = arith.constant 0 : i32
    return %arg0, %c0_i32 : i32, i32
  }
  func.func @transform_1(%arg0: i32) -> (i32, i32) {
    %c0_i32 = arith.constant 0 : i32
    %c0_i32_0 = arith.constant 0 : i32
    %c0_i32_1 = arith.constant 0 : i32
    return %c0_i32, %c0_i32_0 : i32, i32
  }
  func.func @transform_2(%arg0: i32) -> (i32, i32) {
    %c0_i32 = arith.constant 0 : i32
    %c0_i32_0 = arith.constant 0 : i32
    %c0_i32_1 = arith.constant 0 : i32
    return %c0_i32, %c0_i32_0 : i32, i32
  }
  func.func @transform_3(%arg0: i32) -> (i32, i32) {
    %c0_i32 = arith.constant 0 : i32
    %c0_i32_0 = arith.constant 0 : i32
    return %arg0, %c0_i32 : i32, i32
  }
}

module attributes {stable_mosaic.version = 14 : i64} {
  func.func @body(%arg0: i32, %arg1: memref<1000x256xf32, #tpu.memory_space<vmem>>, %arg2: memref<1x256xf32, #tpu.memory_space<vmem>>) attributes {dimension_semantics = [#tpu.dimension_semantics<arbitrary>], iteration_bounds = array<i64: 10>, scalar_prefetch = 0 : i64, scratch_operands = 0 : i64, tpu.core_type = #tpu.core_type<tc>, window_params = [{transform_indices = @transform_0, window_bounds = array<i64: 1000, 256>}, {pipeline_mode = #tpu.pipeline_mode<synchronous>, transform_indices = @transform_1, window_bounds = array<i64: 1, 256>}]} {
    %eq3A = arith.constant 0 : i32
    %eq3A_0 = arith.cmpi eq, %arg0, %eq3A : i32
    %convert_element_type3A = arith.extui %eq3A_0 : i1 to i32
    %cond3A = arith.constant 0 : i32
    %cond3A_1 = arith.cmpi ne, %convert_element_type3A, %cond3A : i32
    scf.if %cond3A_1 {
      %broadcast_in_dim3A_12 = arith.constant 0.000000e+00 : f32
      %broadcast_in_dim3A_13 = vector.broadcast %broadcast_in_dim3A_12 : f32 to vector<1x256xf32>
      %swap3A_14 = arith.constant 0 : index
      %swap3A_15 = arith.constant 0 : index
      %swap3A_16 = vector.load %arg2[%swap3A_14, %swap3A_15] : memref<1x256xf32, #tpu.memory_space<vmem>>, vector<1x256xf32>
      tpu.vector_store %arg2[%swap3A_14, %swap3A_15], %broadcast_in_dim3A_13 {strides = array<i32>} : memref<1x256xf32, #tpu.memory_space<vmem>>, vector<1x256xf32>,
    } else {
    }
    %get3A = arith.constant 0 : index
    %get3A_2 = arith.constant 0 : index
    %get3A_3 = vector.load %arg2[%get3A, %get3A_2] : memref<1x256xf32, #tpu.memory_space<vmem>>, vector<1x256xf32>
    %get3A_4 = arith.constant 0 : index
    %get3A_5 = arith.constant 0 : index
    %get3A_6 = vector.load %arg1[%get3A_4, %get3A_5] : memref<1000x256xf32, #tpu.memory_space<vmem>>, vector<1000x256xf32>
    %reduce_sum3A = arith.constant dense<0.000000e+00> : vector<256xf32>
    %reduce_sum3A_7 = vector.multi_reduction <add>, %get3A_6, %reduce_sum3A [0] : vector<1000x256xf32> to vector<256xf32>
    %broadcast_in_dim3A = vector.shape_cast %reduce_sum3A_7 : vector<256xf32> to vector<1x256xf32>
    %mul3A = arith.constant 9.99999974E-5 : f32
    %mul3A_8 = vector.broadcast %mul3A : f32 to vector<1x256xf32>
    %mul3A_9 = arith.mulf %broadcast_in_dim3A, %mul3A_8 : vector<1x256xf32>
    %add3A = arith.addf %get3A_3, %mul3A_9 : vector<1x256xf32>
    %swap3A = arith.constant 0 : index
    %swap3A_10 = arith.constant 0 : index
    %swap3A_11 = vector.load %arg2[%swap3A, %swap3A_10] : memref<1x256xf32, #tpu.memory_space<vmem>>, vector<1x256xf32>
    tpu.vector_store %arg2[%swap3A, %swap3A_10], %add3A {strides = array<i32>} : memref<1x256xf32, #tpu.memory_space<vmem>>, vector<1x256xf32>,
    return
  }
  func.func @transform_0(%arg0: i32) -> (i32, i32) {
    %c0_i32 = arith.constant 0 : i32
    %c0_i32_0 = arith.constant 0 : i32
    return %arg0, %c0_i32 : i32, i32
  }
  func.func @transform_1(%arg0: i32) -> (i32, i32) {
    %c0_i32 = arith.constant 0 : i32
    %c0_i32_0 = arith.constant 0 : i32
    %c0_i32_1 = arith.constant 0 : i32
    return %c0_i32, %c0_i32_0 : i32, i32
  }
}

module attributes {stable_mosaic.version = 14 : i64} {
  func.func @body(%arg0: memref<8x256xf32, #tpu.memory_space<vmem>>, %arg1: memref<8x8xf32, #tpu.memory_space<vmem>>, %arg2: memref<8x64xf32, #tpu.memory_space<vmem>>, %arg3: memref<1x64xf32, #tpu.memory_space<vmem>>, %arg4: memref<64x64xf32, #tpu.memory_space<vmem>>, %arg5: memref<1x64xf32, #tpu.memory_space<vmem>>, %arg6: memref<64x64xf32, #tpu.memory_space<vmem>>, %arg7: memref<1x64xf32, #tpu.memory_space<vmem>>, %arg8: memref<320x128xf32, #tpu.memory_space<vmem>>, %arg9: memref<1x128xf32, #tpu.memory_space<vmem>>, %arg10: memref<128x128xf32, #tpu.memory_space<vmem>>, %arg11: memref<1x128xf32, #tpu.memory_space<vmem>>, %arg12: memref<128x1xf32, #tpu.memory_space<vmem>>, %arg13: memref<1x1xf32, #tpu.memory_space<vmem>>, %arg14: memref<8x1xf32, #tpu.memory_space<vmem>>) attributes {dimension_semantics = [], scalar_prefetch = 0 : i64, scratch_operands = 0 : i64, tpu.core_type = #tpu.core_type<tc>} {
    %get3A = arith.constant 0 : index
    %get3A_0 = arith.constant 0 : index
    %get3A_1 = vector.load %arg1[%get3A, %get3A_0] : memref<8x8xf32, #tpu.memory_space<vmem>>, vector<8x8xf32>
    %get3A_2 = arith.constant 0 : index
    %get3A_3 = arith.constant 0 : index
    %get3A_4 = vector.load %arg2[%get3A_2, %get3A_3] : memref<8x64xf32, #tpu.memory_space<vmem>>, vector<8x64xf32>
    %dot_general3A = arith.constant dense<0.000000e+00> : vector<8x64xf32>
    %dot_general3A_5 = tpu.matmul %get3A_1, %get3A_4, %dot_general3A {dimension_numbers = #tpu.dot_dimension_numbers<[1], [0], [0], [1], [0, 0, 1, 1], [], []>, transpose_lhs_hint = false} : vector<8x8xf32>, vector<8x64xf32>, vector<8x64xf32> -> vector<8x64xf32>
    %get3A_6 = arith.constant 0 : index
    %get3A_7 = arith.constant 0 : index
    %get3A_8 = vector.load %arg3[%get3A_6, %get3A_7] : memref<1x64xf32, #tpu.memory_space<vmem>>, vector<1x64xf32>
    %add3A = vector.broadcast %get3A_8 : vector<1x64xf32> to vector<8x64xf32>
    %add3A_9 = arith.addf %dot_general3A_5, %add3A : vector<8x64xf32>
    %max3A = arith.constant 0.000000e+00 : f32
    %max3A_10 = vector.broadcast %max3A : f32 to vector<8x64xf32>
    %max3A_11 = arith.maximumf %add3A_9, %max3A_10 : vector<8x64xf32>
    %get3A_12 = arith.constant 0 : index
    %get3A_13 = arith.constant 0 : index
    %get3A_14 = vector.load %arg4[%get3A_12, %get3A_13] : memref<64x64xf32, #tpu.memory_space<vmem>>, vector<64x64xf32>
    %dot_general3A_15 = arith.constant dense<0.000000e+00> : vector<8x64xf32>
    %dot_general3A_16 = tpu.matmul %max3A_11, %get3A_14, %dot_general3A_15 {dimension_numbers = #tpu.dot_dimension_numbers<[1], [0], [0], [1], [0, 0, 1, 1], [], []>, transpose_lhs_hint = false} : vector<8x64xf32>, vector<64x64xf32>, vector<8x64xf32> -> vector<8x64xf32>
    %get3A_17 = arith.constant 0 : index
    %get3A_18 = arith.constant 0 : index
    %get3A_19 = vector.load %arg5[%get3A_17, %get3A_18] : memref<1x64xf32, #tpu.memory_space<vmem>>, vector<1x64xf32>
    %add3A_20 = vector.broadcast %get3A_19 : vector<1x64xf32> to vector<8x64xf32>
    %add3A_21 = arith.addf %dot_general3A_16, %add3A_20 : vector<8x64xf32>
    %max3A_22 = arith.constant 0.000000e+00 : f32
    %max3A_23 = vector.broadcast %max3A_22 : f32 to vector<8x64xf32>
    %max3A_24 = arith.maximumf %add3A_21, %max3A_23 : vector<8x64xf32>
    %get3A_25 = arith.constant 0 : index
    %get3A_26 = arith.constant 0 : index
    %get3A_27 = vector.load %arg6[%get3A_25, %get3A_26] : memref<64x64xf32, #tpu.memory_space<vmem>>, vector<64x64xf32>
    %dot_general3A_28 = arith.constant dense<0.000000e+00> : vector<8x64xf32>
    %dot_general3A_29 = tpu.matmul %max3A_24, %get3A_27, %dot_general3A_28 {dimension_numbers = #tpu.dot_dimension_numbers<[1], [0], [0], [1], [0, 0, 1, 1], [], []>, transpose_lhs_hint = false} : vector<8x64xf32>, vector<64x64xf32>, vector<8x64xf32> -> vector<8x64xf32>
    %get3A_30 = arith.constant 0 : index
    %get3A_31 = arith.constant 0 : index
    %get3A_32 = vector.load %arg7[%get3A_30, %get3A_31] : memref<1x64xf32, #tpu.memory_space<vmem>>, vector<1x64xf32>
    %add3A_33 = vector.broadcast %get3A_32 : vector<1x64xf32> to vector<8x64xf32>
    %add3A_34 = arith.addf %dot_general3A_29, %add3A_33 : vector<8x64xf32>
    %max3A_35 = arith.constant 0.000000e+00 : f32
    %max3A_36 = vector.broadcast %max3A_35 : f32 to vector<8x64xf32>
    %max3A_37 = arith.maximumf %add3A_34, %max3A_36 : vector<8x64xf32>
    %get3A_38 = arith.constant 0 : index
    %get3A_39 = arith.constant 0 : index
    %get3A_40 = vector.load %arg0[%get3A_38, %get3A_39] : memref<8x256xf32, #tpu.memory_space<vmem>>, vector<8x256xf32>
    %concatenate3A = tpu.concatenate %get3A_40, %max3A_37 in 1 : vector<8x256xf32>, vector<8x64xf32> -> vector<8x320xf32>
    %get3A_41 = arith.constant 0 : index
    %get3A_42 = arith.constant 0 : index
    %get3A_43 = vector.load %arg8[%get3A_41, %get3A_42] : memref<320x128xf32, #tpu.memory_space<vmem>>, vector<320x128xf32>
    %dot_general3A_44 = arith.constant dense<0.000000e+00> : vector<8x128xf32>
    %dot_general3A_45 = tpu.matmul %concatenate3A, %get3A_43, %dot_general3A_44 {dimension_numbers = #tpu.dot_dimension_numbers<[1], [0], [0], [1], [0, 0, 1, 1], [], []>, transpose_lhs_hint = false} : vector<8x320xf32>, vector<320x128xf32>, vector<8x128xf32> -> vector<8x128xf32>
    %get3A_46 = arith.constant 0 : index
    %get3A_47 = arith.constant 0 : index
    %get3A_48 = vector.load %arg9[%get3A_46, %get3A_47] : memref<1x128xf32, #tpu.memory_space<vmem>>, vector<1x128xf32>
    %add3A_49 = vector.broadcast %get3A_48 : vector<1x128xf32> to vector<8x128xf32>
    %add3A_50 = arith.addf %dot_general3A_45, %add3A_49 : vector<8x128xf32>
    %max3A_51 = arith.constant 0.000000e+00 : f32
    %max3A_52 = vector.broadcast %max3A_51 : f32 to vector<8x128xf32>
    %max3A_53 = arith.maximumf %add3A_50, %max3A_52 : vector<8x128xf32>
    %get3A_54 = arith.constant 0 : index
    %get3A_55 = arith.constant 0 : index
    %get3A_56 = vector.load %arg10[%get3A_54, %get3A_55] : memref<128x128xf32, #tpu.memory_space<vmem>>, vector<128x128xf32>
    %dot_general3A_57 = arith.constant dense<0.000000e+00> : vector<8x128xf32>
    %dot_general3A_58 = tpu.matmul %max3A_53, %get3A_56, %dot_general3A_57 {dimension_numbers = #tpu.dot_dimension_numbers<[1], [0], [0], [1], [0, 0, 1, 1], [], []>, transpose_lhs_hint = false} : vector<8x128xf32>, vector<128x128xf32>, vector<8x128xf32> -> vector<8x128xf32>
    %get3A_59 = arith.constant 0 : index
    %get3A_60 = arith.constant 0 : index
    %get3A_61 = vector.load %arg11[%get3A_59, %get3A_60] : memref<1x128xf32, #tpu.memory_space<vmem>>, vector<1x128xf32>
    %add3A_62 = vector.broadcast %get3A_61 : vector<1x128xf32> to vector<8x128xf32>
    %add3A_63 = arith.addf %dot_general3A_58, %add3A_62 : vector<8x128xf32>
    %max3A_64 = arith.constant 0.000000e+00 : f32
    %max3A_65 = vector.broadcast %max3A_64 : f32 to vector<8x128xf32>
    %max3A_66 = arith.maximumf %add3A_63, %max3A_65 : vector<8x128xf32>
    %get3A_67 = arith.constant 0 : index
    %get3A_68 = arith.constant 0 : index
    %get3A_69 = vector.load %arg12[%get3A_67, %get3A_68] : memref<128x1xf32, #tpu.memory_space<vmem>>, vector<128x1xf32>
    %dot_general3A_70 = arith.constant dense<0.000000e+00> : vector<8x1xf32>
    %dot_general3A_71 = tpu.matmul %max3A_66, %get3A_69, %dot_general3A_70 {dimension_numbers = #tpu.dot_dimension_numbers<[1], [0], [0], [1], [0, 0, 1, 1], [], []>, transpose_lhs_hint = false} : vector<8x128xf32>, vector<128x1xf32>, vector<8x1xf32> -> vector<8x1xf32>
    %get3A_72 = arith.constant 0 : index
    %get3A_73 = arith.constant 0 : index
    %get3A_74 = vector.load %arg13[%get3A_72, %get3A_73] : memref<1x1xf32, #tpu.memory_space<vmem>>, vector<1x1xf32>
    %add3A_75 = vector.broadcast %get3A_74 : vector<1x1xf32> to vector<8x1xf32>
    %add3A_76 = arith.addf %dot_general3A_71, %add3A_75 : vector<8x1xf32>
    %swap3A = arith.constant 0 : index
    %swap3A_77 = arith.constant 0 : index
    %swap3A_78 = vector.load %arg14[%swap3A, %swap3A_77] : memref<8x1xf32, #tpu.memory_space<vmem>>, vector<8x1xf32>
    tpu.vector_store %arg14[%swap3A, %swap3A_77], %add3A_76 {strides = array<i32>} : memref<8x1xf32, #tpu.memory_space<vmem>>, vector<8x1xf32>,
    return
  }
}

</mosaic_0001>

<sc_bundles>
// kernel: kernel.19.cloned.1.call-start
scs
__scs_entry_jumppad:
0x0: {  	(pc) =	sbr.rel $0x88, $3  }
0x1: {  	(tag) =	ssettag $0x0;
	lr =	simm.s32 $0x1  }
0x2: {  	[smem:$0x3F7A] =	sst lr;
	_ =	strace $0xD0000000  }
0x3: {  	_ = 	snop  }
0x4: {  	_ = 	snop  }
0x5: {  	_ = 	snop  }
0x6: {  	_ = 	snop  }
0x7: {  	_ = 	snop  }
__scs_overlays_trampoline_lowered:
0x8: {  	[smem:$0x3F89] =	sst s0  }
0x9: {  	[smem:$0x3F8A] =	sst s1  }
0xa: {  	[smem:$0x3F8B] =	sst s2  }
0xb: {  	[smem:$0x3F8C] =	sst s3  }
0xc: {  	[smem:$0x3F8D] =	sst s4  }
0xd: {  	[smem:$0x3F8E] =	sst s5  }
0xe: {  	[smem:$0x3F8F] =	sst s6  }
0xf: {  	[smem:$0x3F90] =	sst s7  }
0x10: {  	[smem:$0x3F91] =	sst s8  }
0x11: {  	[smem:$0x3F92] =	sst s9;
	s0 =	simm.s32 @!p0 $0x0  }
0x12: {  	s1 =	sld [smem:$0x3F78];
	s0 =	simm.s32 @p0 $0x1  }
0x13: {  	[smem:$0x3F93] =	sst s0;
	s0 =	simm.s32 @!p1 $0x0  }
0x14: {  	s2 =	sld [smem:$0x3F77];
	s0 =	simm.s32 @p1 $0x1  }
0x15: {  	[smem:$0x3F94] =	sst s0;
	s0 =	simm.s32 @!p2 $0x0  }
0x16: {  	s3 =	sld [smem:$0x3FDB];
	s0 =	simm.s32 @p2 $0x1  }
0x17: {  	s4 =	simm.s32 $0x1BF5;
	[smem:$0x3F96] =	sst s0  }
0x18: {  	s0 =	sld [smem:$0x3F79];
	_ =	swait.ge [sflag:s4], $0x0  }
0x19: {  	s7 =	sld [smem:$0x3F7A]  }
0x1a: {  	s8 =	sadd.s32 $0xFFFFE003, lr  }
0x1b: {  	s9 =	sadd.s32 $0xFFFFFEF7, lr;
	s5 =	simm.s32 $0xFFFFFFFF;
	p2 =	slt.u32 s8, $0xFFFFF086  }
0x1c: {  	p1 =	slt.u32 s9, $0xF7A;
	s5 =	simm.s32 @!p2 $0x0  }
0x1d: {  	s5 =	simm.s32 @p1 $0x1;
	p0 =	seq.s32 s7, s2  }
0x1e: {  	s7 =	smul.u32 @!p0 $0xF7A, s2;
	p2 =	seq.s32 @!p0 s5, $0x0  }
0x1f: {  	s9 =	smul.u32 $0xF7A, s1;
	s8 =	simm.s32 @!p0 $0x1BF5;
	p2 =	por !p2, p0  }
0x20: {  	[sflag:s8] =	ssyncset.s32 @!p0 $0xFFFFF086;
	s6 =	sadd.s32 @!p0 s3, s7;
	s7 =	simm.s32 @!p0 $0x108  }
0x21: {  	s3 =	sadd.s32 s3, s9;
	s6 =	sadd.s32 @!p0 $0x88, s6;
	s7 =	simm.s32 @p2 $0x1082  }
0x22: {  	[simem:s7], [sflag:s8] =	dma.local @!p0 [hbm:s6], $0xF7A  }
0x23: {  	s9 =	sor.u32 $0xD0000000, s2;
	s6 =	simm.s32 $0x108;
	_ =	swait.ge @!p0 [sflag:s8], $0x0  }
0x24: {  	s3 =	sadd.s32 $0x88, s3;
	s6 =	simm.s32 @!p1 $0x1082;
	[sflag:s4] =	ssyncset.s32 $0xFFFFF086  }
0x25: {  	[simem:s6], [sflag:s4] =	dma.local [hbm:s3], $0xF7A  }
0x26: {  	[smem:$0x3F7A] =	sst s1;
	(tag) =	ssettag s2;
	_ =	strace s9  }
0x27: {  	s1 =	sld [smem:$0x3F8A]  }
0x28: {  	s2 =	sld [smem:$0x3F8B]  }
0x29: {  	s4 =	sld [smem:$0x3F8D]  }
0x2a: {  	p0 =	seq.s32 s5, $0x0;
	s5 =	sld [smem:$0x3F8E]  }
0x2b: {  	s6 =	sld [smem:$0x3F8F]  }
0x2c: {  	s7 =	sld [smem:$0x3F90]  }
0x2d: {  	s3 =	simm.s32 $0x108;
	s8 =	sld [smem:$0x3F91]  }
0x2e: {  	s3 =	simm.s32 @!p0 $0x1082;
	s9 =	sld [smem:$0x3F92]  }
0x2f: {  	lr =	sadd.s32 s0, s3;
	s0 =	sld [smem:$0x3F89]  }
0x30: {  	s3 =	sld [smem:$0x3F8C]  }
0x31: {  	[smem:$0x3F95] =	sst s10  }
0x32: {  	s10 =	sld [smem:$0x3F93];
	_ =	sdelay $0x3  }
0x33: {  	p0 =	seq.s32 s10, $0x1;
	s10 =	sld [smem:$0x3F95];
	_ =	sdelay $0x3  }
0x34: {  	[smem:$0x3F95] =	sst s10  }
0x35: {  	s10 =	sld [smem:$0x3F94];
	_ =	sdelay $0x3  }
0x36: {  	p1 =	seq.s32 s10, $0x1;
	s10 =	sld [smem:$0x3F95];
	_ =	sdelay $0x3  }
0x37: {  	[smem:$0x3F95] =	sst s10  }
0x38: {  	s10 =	sld [smem:$0x3F96]  }
0x39: {  	_ = 	snop;
	(pc) =	sbr.ind lr, $3  }
0x3a: {  	_ = 	snop  }
0x3b: {  	_ = 	snop  }
0x3c: {  	p2 =	seq.s32 s10, $0x1;
	s10 =	sld [smem:$0x3F95]  }
0x3d: {  	_ =	shalt  }
0x3e: {  	_ =	shalt  }
0x3f: {  	_ =	shalt  }
0x40: {  	_ =	shalt  }
0x41: {  	_ =	shalt  }
0x42: {  	_ =	shalt  }
0x43: {  	_ =	shalt  }
0x44: {  	_ =	shalt  }
0x45: {  	_ =	shalt  }
0x46: {  	_ =	shalt  }
0x47: {  	_ =	shalt  }
0x48: {  	_ =	shalt  }
0x49: {  	_ =	shalt  }
0x4a: {  	_ =	shalt  }
0x4b: {  	_ =	shalt  }
0x4c: {  	_ =	shalt  }
0x4d: {  	_ =	shalt  }
0x4e: {  	_ =	shalt  }
0x4f: {  	_ =	shalt  }
0x50: {  	_ =	shalt  }
0x51: {  	_ =	shalt  }
0x52: {  	_ =	shalt  }
0x53: {  	_ =	shalt  }
0x54: {  	_ =	shalt  }
0x55: {  	_ =	shalt  }
0x56: {  	_ =	shalt  }
0x57: {  	_ =	shalt  }
0x58: {  	_ =	shalt  }
0x59: {  	_ =	shalt  }
0x5a: {  	_ =	shalt  }
0x5b: {  	_ =	shalt  }
0x5c: {  	_ =	shalt  }
0x5d: {  	_ =	shalt  }
0x5e: {  	_ =	shalt  }
0x5f: {  	_ =	shalt  }
0x60: {  	_ =	shalt  }
0x61: {  	_ =	shalt  }
0x62: {  	_ =	shalt  }
0x63: {  	_ =	shalt  }
0x64: {  	_ =	shalt  }
0x65: {  	_ =	shalt  }
0x66: {  	_ =	shalt  }
0x67: {  	_ =	shalt  }
0x68: {  	_ =	shalt  }
0x69: {  	_ =	shalt  }
0x6a: {  	_ =	shalt  }
0x6b: {  	_ =	shalt  }
0x6c: {  	_ =	shalt  }
0x6d: {  	_ =	shalt  }
0x6e: {  	_ =	shalt  }
0x6f: {  	_ =	shalt  }
0x70: {  	_ =	shalt  }
0x71: {  	_ =	shalt  }
0x72: {  	_ =	shalt  }
0x73: {  	_ =	shalt  }
0x74: {  	_ =	shalt  }
0x75: {  	_ =	shalt  }
0x76: {  	_ =	shalt  }
0x77: {  	_ =	shalt  }
0x78: {  	_ =	shalt  }
0x79: {  	_ =	shalt  }
0x7a: {  	_ =	shalt  }
0x7b: {  	_ =	shalt  }
0x7c: {  	_ =	shalt  }
0x7d: {  	_ =	shalt  }
0x7e: {  	_ =	shalt  }
0x7f: {  	_ =	shalt  }
0x80: {  	_ =	shalt  }
0x81: {  	_ =	shalt  }
0x82: {  	_ =	shalt  }
0x83: {  	_ =	shalt  }
0x84: {  	_ =	shalt  }
0x85: {  	_ =	shalt  }
0x86: {  	_ =	shalt  }
0x87: {  	_ =	shalt  }
.Lfunc_end0:
.L_simem_size_0:
called_computation_lowered:
.L_overlay_start_0:
0x88: {  	s2 =	sld [smem:$0x3FD9]  }
0x89: {  	s3 =	sld [smem:$0x3FFE];
	_ =	sdelay $0x1  }
0x8a: {  	s1 =	srdreg.scid  }
0x8b: {  	s0 =	sand.u32 $0x1, s1  }
0x8c: {  	s16 =	sshll.u32 s0, $0xA;
	s2 =	sadd.s32 s3, s2  }
0x8d: {  	s2 =	sadd.s32 s2, s16  }
0x8e: {  	[smem:$0x3FA1] =	sst s2  }
0x8f: {  	_ = 	snop  }
0x90: {  	(tm) =	ssettm $0x1  }
0x91: {  	s17 =	sld [smem:$0x3FFB];
	_ =	sdelay $0x3  }
0x92: {  	_ =	strace s17  }
0x93: {  	s2 =	sld [smem:$0x3FFC];
	_ =	sdelay $0x3  }
0x94: {  	_ =	strace s2  }
0x95: {  	s2 =	sld [smem:$0x3FFD];
	_ =	sdelay $0x3  }
0x96: {  	_ =	strace s2  }
0x97: {  	_ =	strace $0x8FFFFFFF  }
0x98: {  	s18 =	sld [smem:$0x3FDB];
	_ =	sdelay $0x1  }
0x99: {  	s19 =	simm.s32 $_scs_section_size  }
0x9a: {  	s4 =	simm.s32 $_size__tile_overlayer_lowered;
	s5 =	simm.s32 $_tile_overlayer_lowered  }
0x9b: {  	s22 =	simm.s32 $0x1BFF;
	s21 =	sshll.u32 s5, $0x1;
	s2 =	sadd.s32 s19, s18  }
0x9c: {  	s6 =	simm.s32 $0x0;
	s20 =	sshll.u32 s4, $0x1;
	s4 =	sadd.s32 s21, s2  }
0x9d: {  	[timem:s6], [sflag:s22] =	dma.local [hbm:s4], s20  }
0x9e: {  	_ =	swait.ge [sflag:s22], s20  }
0x9f: {  	s3 =	ssub.s32 $0x0, s20;
	[sflag:s22] =	ssyncset.done $0x0  }
0xa0: {  	[sflag:s22] =	ssyncadd.s32 s3;
	_ =	sdelay $0x1  }
0xa1: {  	s23 =	simm.s32 $0x1B8B  }
0xa2: {  	_ =	swait.ge [sflag:s23], $0x1  }
0xa3: {  	[sflag:s23] =	ssyncset.done $0x0  }
0xa4: {  	s25 =	simm.s32 $0x1B8E;
	s24 =	sld [smem:$0x3FFE];
	[sflag:s23] =	ssyncadd.s32 $0xFFFFFFFF  }
0xa5: {  	s26 =	simm.s32 $execute0_lowered;
	[smem:$0x3FD2] =	sst s25  }
0xa6: {  	s4 =	sshll.u32 s26, $0x1;
	_ =	strace $0x80000046;
	[dreg:$0x1] =	wrdreg $0xFFFFFFFF  }
0xa7: {  	s28 =	simm.s32 $_size_execute0_lowered;
	s2 =	sadd.s32 s2, s4;
	[dreg:$0x0] =	wrdreg $0x0  }
0xa8: {  	s4 =	sshll.u32 s28, $0x1;
	[dreg:$0x2] =	wrdreg s2  }
0xa9: {  	[dreg:$0x3] =	wrdreg s4  }
0xaa: {  	[dreg:$0x4] =	wrdreg $0xC0  }
0xab: {  	_ =	task [dreg:s6], $0x5FFFF  }
0xac: {  	[dreg:$0x1] =	wrdreg $0xFFFFFFFF  }
0xad: {  	[dreg:$0x0] =	wrdreg $0x60  }
0xae: {  	[dreg:$0x2] =	wrdreg s24  }
0xaf: {  	[dreg:$0x3] =	wrdreg $0x9  }
0xb0: {  	_ =	task.clear_ibuf [dreg:s6], $0x4FFFF;
	_ =	strace $0x90000046  }
0xb1: {  	s29 =	simm.s32 $0x9;
	_ =	strace $0x80000048  }
0xb2: {  	_ =	swait.ge [sflag:s29], $0x1  }
0xb3: {  	[sflag:s29] =	ssyncadd.s32 $0xFFFFFFFF  }
0xb4: {  	_ =	strace $0x90000048  }
0xb5: {  	_ =	sfence  }
0xb6: {  	s30 =	sld [smem:$0x0];
	_ =	sdelay $0x2  }
0xb7: {  	s31 =	sshll.u32 s1, $0xD;
	s1 =	sshrl.u32 s1, $0x2  }
0xb8: {  	s3 =	sand.u32 $0x4000, s31;
	s1 =	sadd.s32 s1, s30  }
0xb9: {  	s0 =	sor.u32 s3, s0;
	s1 =	sshll.u32 s1, $0x11  }
0xba: {  	s0 =	sor.u32 s1, s0  }
0xbb: {  	s0 =	sadd.s32 $0x8F2B, s0  }
0xbc: {  	[sflag:s0] =	ssyncadd.remote.s32 $0x1  }
0xbd: {  	_ =	sfence.sel $0xFFFF  }
0xbe: {  	[dreg:$0x0] =	wrdreg $0xFFFFFFFF;
	(pc) =	sbr.abs _section_cstart, $3  }
0xbf: {  	[dreg:$0x1] =	wrdreg $0xFFFFFFFF  }
0xc0: {  	_ =	task.clear_ibuf [dreg:s6], $0x2FFFF;
	_ =	strace $0x9FFFFFFF  }
0xc1: {  	(tm) =	ssettm $0x7FFFFFFF  }
tec
execute0_lowered:
.L_overlay_start_1:
0x0: {  	(tag) =	ssettag $0x1  }
0x1: {  	s6 =	rddreg [dreg:$0x0];
	s2 =	simm.s32 $0x0  }
0x2: {  	s9 =	simm.s32 $0x80;
	[smem:$0x7FF] =	sst s2  }
0x3: {  	s13 =	simm.s32 $0x900;
	_ =	strace $0x80000047;
	[dreg:$0x5] =	wrdreg s9  }
0x4: {  	s14 =	simm.s32 $0x1100;
	[dreg:$0x6] =	wrdreg s13  }
0x5: {  	s15 =	simm.s32 $0x1900;
	[dreg:$0x7] =	wrdreg s14  }
0x6: {  	s1 =	srdreg.scid;
	s17 =	simm.s32 $0x2100;
	[dreg:$0x8] =	wrdreg s15  }
0x7: {  	s0 =	stileid.u32;
	s18 =	simm.s32 $0x2900;
	[dreg:$0x9] =	wrdreg s17  }
0x8: {  	s20 =	simm.s32 $0x3100;
	s21 =	simm.s32 $0x3900;
	[dreg:$0xa] =	wrdreg s18  }
0x9: {  	s23 =	simm.s32 $0x4100;
	s24 =	simm.s32 $0x4900;
	[dreg:$0xb] =	wrdreg s20  }
0xa: {  	s25 =	simm.s32 $0x5900;
	s26 =	simm.s32 $0x6100;
	[dreg:$0xc] =	wrdreg s21  }
0xb: {  	s10 =	simm.s32 $0x100;
	s30 =	simm.s32 $0x6900;
	[dreg:$0xd] =	wrdreg s23  }
0xc: {  	s31 =	simm.s32 $0x7100;
	s3 =	smul.u32 $0x9C400, s0;
	[dreg:$0xe] =	wrdreg s24  }
0xd: {  	s1 =	sand.u32 $0x1, s1;
	s8 =	smul.u32 $0x4E20, s0;
	[dreg:$0xf] =	wrdreg s25  }
0xe: {  	s28 =	simm.s32 $0xE900;
	s4 =	smul.u32 $0x4E200, s1;
	[dreg:$0x10] =	wrdreg s26  }
0xf: {  	s29 =	simm.s32 $0x0;
	s12 =	smul.u32 $0x2710, s1;
	[dreg:$0x11] =	wrdreg s30  }
0x10: {  	s1 =	ssub.s32 $0x2, s1;
	s9 =	simm.s32 $0x2;
	[dreg:$0x12] =	wrdreg s31  }
0x11: {  	s13 =	simm.s32 $0x7900;
	s14 =	simm.s32 $0x8100;
	s15 =	simm.s32 $0x8900  }
0x12: {  	s17 =	simm.s32 $0x9900;
	s18 =	simm.s32 $0xA100;
	s20 =	simm.s32 $0xB100  }
0x13: {  	s21 =	simm.s32 $0xB900;
	s23 =	simm.s32 $0xC900;
	s24 =	simm.s32 $0xD100  }
0x14: {  	s25 =	simm.s32 $0xD900;
	s26 =	simm.s32 $0xE100;
	s3 =	sadd.s32 s3, s6  }
0x15: {  	s19 =	sshrl.u32 s1, $0x1;
	s5 =	sadd.s32 s4, s3;
	s3 =	sadd.s32 $0x1F3400, s6  }
0x16: {  	s4 =	sadd.s32 $0x1A5200, s6;
	s1 =	ssub.s32 s1, s19;
	s7 =	sadd.s32 $0x28F800, s5  }
0x17: {  	s19 =	simm.s32 $0xA900;
	s11 =	sadd.s32 $0xC53800, s5;
	[dreg:$0x2] =	wrdreg s7  }
0x18: {  	s5 =	sadd.s32 $0x1617800, s5;
	s22 =	smax.u32 s1, $0x1;
	[dreg:$0x3] =	wrdreg s11  }
0x19: {  	[dreg:$0x4] =	wrdreg s5;
	s5 =	sadd.s32 $0x157000, s6;
	s7 =	sadd.s32 s12, s8  }
0x1a: {  	v2 =	vlaneseq.u32;
	[dreg:$0x13] =	wrdreg s22;
	s11 =	simm.s32 $0x1;
	s7 =	sshrl.u32 s7, $0x3  }
0x1b: {  	vm0 =	vmmov $0xffff;
	v1 =	vshrl.u32 v2, $0x3;
	s12 =	simm.s32 $0x5100;
	s22 =	simm.s32 $0xC100;
	s16 =	sadd.s32 s7, s6  }
0x1c: {  	v0 =	vand.u32 $0x7, v2;
	v2 =	vor.u32 $0x8, v2;
	v1 =	vmul.u32 $0x8, v1;
	s7 =	sadd.s32 $0x14A00, s16;
	s8 =	sadd.s32 $0xAC00, s16;
	s16 =	simm.s32 $0x9100  }
.LBB2_1:
0x1d: {  	s30 =	smov.u32 s8;
	s31 =	smov.u32 s7;
	s1 =	simm.s32 $0x0  }
.LBB2_2:
0x1e: {  	[tilespmem:s2], [sflag:$0x2] =	stream.linear.gather [hbm4b:s30+s2], $0x50, $0x38;
	[tilespmem:$0xF100] =	vst v63  }
0x1f: {  	_ =	swait.ge [sflag:s9], $0x50  }
0x20: {  	[sflag:s9] =	ssyncset.done $0x0  }
0x21: {  	s0 =	rddreg [dreg:$0x5];
	[sflag:s9] =	ssyncadd.s32 $0xFFFFFFB0  }
0x22: {  	[tilespmem:s0], [sflag:$0x2] =	stream.linear.gather [hbm4b:s31+s2], $0x50, $0x38;
	[tilespmem:$0xF100] =	vst v63  }
0x23: {  	_ =	swait.ge [sflag:s9], $0x50  }
0x24: {  	[sflag:s9] =	ssyncset.done $0x0  }
0x25: {  	[sflag:s9] =	ssyncadd.s32 $0xFFFFFFB0  }
0x26: {  	v3 =	vld [tilespmem:$0x80];
	_ =	sdelay $0x4  }
0x27: {  	v4 =	vshll.u32 v3, $0x1  }
0x28: {  	v3 =	vand.u32 $0x7, v3;
	v4 =	vand.u32 $0xFFFFFFF0, v4  }
0x29: {  	v3 =	vor.u32 v3, v4  }
0x2a: {  	v4 =	vperm.xlane v3, v0;
	_ =	sdelay $0x1  }
0x2b: {  	v3 =	vperm.xlane v3, v2;
	v4 =	vadd.s32 v1, v4;
	_ =	sdelay $0x1  }
0x2c: {  	v3 =	vadd.s32 v1, v3;
	_ =	sdelay $0x2  }
0x2d: {  	[tilespmem:s10], [sflag:$0x1] =	stream.indirect_vreg.gather [hbm4b:s3+s2], $0x80, v4, vm0, $0xb8;
	[tilespmem:$0xF100] =	vst v63  }
0x2e: {  	s6 =	rddreg [dreg:$0x6]  }
0x2f: {  	[tilespmem:s6], [sflag:$0x1] =	stream.indirect_vreg.gather [hbm4b:s3+s2], $0x80, v3, vm0, $0xb8;
	[tilespmem:$0xF100] =	vst v63  }
0x30: {  	v3 =	vld [tilespmem:$0x90];
	_ =	sdelay $0x4  }
0x31: {  	v50 =	vshll.u32 v3, $0x1  }
0x32: {  	v3 =	vand.u32 $0x7, v3;
	v4 =	vand.u32 $0xFFFFFFF0, v50  }
0x33: {  	v3 =	vor.u32 v3, v4  }
0x34: {  	v4 =	vperm.xlane v3, v0;
	_ =	sdelay $0x1  }
0x35: {  	v3 =	vperm.xlane v3, v2;
	v4 =	vadd.s32 v1, v4;
	_ =	sdelay $0x1  }
0x36: {  	v3 =	vadd.s32 v1, v3;
	_ =	sdelay $0x1  }
0x37: {  	s0 =	rddreg [dreg:$0x7]  }
0x38: {  	[tilespmem:s0], [sflag:$0x1] =	stream.indirect_vreg.gather [hbm4b:s3+s2], $0x80, v4, vm0, $0xb8;
	[tilespmem:$0xF100] =	vst v63  }
0x39: {  	s6 =	rddreg [dreg:$0x8]  }
0x3a: {  	[tilespmem:s6], [sflag:$0x1] =	stream.indirect_vreg.gather [hbm4b:s3+s2], $0x80, v3, vm0, $0xb8;
	[tilespmem:$0xF100] =	vst v63  }
0x3b: {  	v3 =	vld [tilespmem:$0xA0];
	_ =	sdelay $0x4  }
0x3c: {  	v51 =	vshll.u32 v3, $0x1  }
0x3d: {  	v3 =	vand.u32 $0x7, v3;
	v4 =	vand.u32 $0xFFFFFFF0, v51  }
0x3e: {  	v3 =	vor.u32 v3, v4  }
0x3f: {  	v4 =	vperm.xlane v3, v0;
	_ =	sdelay $0x1  }
0x40: {  	v3 =	vperm.xlane v3, v2;
	v4 =	vadd.s32 v1, v4;
	_ =	sdelay $0x1  }
0x41: {  	v3 =	vadd.s32 v1, v3;
	_ =	sdelay $0x1  }
0x42: {  	s0 =	rddreg [dreg:$0x9]  }
0x43: {  	[tilespmem:s0], [sflag:$0x1] =	stream.indirect_vreg.gather [hbm4b:s3+s2], $0x80, v4, vm0, $0xb8;
	[tilespmem:$0xF100] =	vst v63  }
0x44: {  	s6 =	rddreg [dreg:$0xa]  }
0x45: {  	[tilespmem:s6], [sflag:$0x1] =	stream.indirect_vreg.gather [hbm4b:s3+s2], $0x80, v3, vm0, $0xb8;
	[tilespmem:$0xF100] =	vst v63  }
0x46: {  	v3 =	vld [tilespmem:$0xB0];
	_ =	sdelay $0x4  }
0x47: {  	v52 =	vshll.u32 v3, $0x1  }
0x48: {  	v3 =	vand.u32 $0x7, v3;
	v4 =	vand.u32 $0xFFFFFFF0, v52  }
0x49: {  	v3 =	vor.u32 v3, v4  }
0x4a: {  	v4 =	vperm.xlane v3, v0;
	_ =	sdelay $0x1  }
0x4b: {  	v3 =	vperm.xlane v3, v2;
	v4 =	vadd.s32 v1, v4;
	_ =	sdelay $0x1  }
0x4c: {  	v3 =	vadd.s32 v1, v3;
	_ =	sdelay $0x1  }
0x4d: {  	s0 =	rddreg [dreg:$0xb]  }
0x4e: {  	[tilespmem:s0], [sflag:$0x1] =	stream.indirect_vreg.gather [hbm4b:s3+s2], $0x80, v4, vm0, $0xb8;
	[tilespmem:$0xF100] =	vst v63  }
0x4f: {  	s6 =	rddreg [dreg:$0xc]  }
0x50: {  	[tilespmem:s6], [sflag:$0x1] =	stream.indirect_vreg.gather [hbm4b:s3+s2], $0x80, v3, vm0, $0xb8;
	[tilespmem:$0xF100] =	vst v63  }
0x51: {  	v3 =	vld [tilespmem:$0xC0];
	_ =	sdelay $0x4  }
0x52: {  	v53 =	vshll.u32 v3, $0x1  }
0x53: {  	v3 =	vand.u32 $0x7, v3;
	v4 =	vand.u32 $0xFFFFFFF0, v53  }
0x54: {  	v3 =	vor.u32 v3, v4  }
0x55: {  	v4 =	vperm.xlane v3, v0;
	_ =	sdelay $0x1  }
0x56: {  	v3 =	vperm.xlane v3, v2;
	v4 =	vadd.s32 v1, v4;
	_ =	sdelay $0x1  }
0x57: {  	v3 =	vadd.s32 v1, v3;
	_ =	sdelay $0x1  }
0x58: {  	s0 =	rddreg [dreg:$0xd]  }
0x59: {  	[tilespmem:s0], [sflag:$0x1] =	stream.indirect_vreg.gather [hbm4b:s3+s2], $0x80, v4, vm0, $0xb8;
	[tilespmem:$0xF100] =	vst v63  }
0x5a: {  	s6 =	rddreg [dreg:$0xe]  }
0x5b: {  	[tilespmem:s6], [sflag:$0x1] =	stream.indirect_vreg.gather [hbm4b:s3+s2], $0x80, v3, vm0, $0xb8;
	[tilespmem:$0xF100] =	vst v63  }
0x5c: {  	_ =	swait.ge [sflag:s11], $0x5000  }
0x5d: {  	[sflag:s11] =	ssyncset.done $0x0  }
0x5e: {  	[sflag:s11] =	ssyncadd.s32 $0xFFFFB000  }
0x5f: {  	v3 =	vld [tilespmem:$0x0];
	_ =	sdelay $0x4  }
0x60: {  	v54 =	vshll.u32 v3, $0x1  }
0x61: {  	v3 =	vand.u32 $0x7, v3;
	v4 =	vand.u32 $0xFFFFFFF0, v54  }
0x62: {  	v3 =	vor.u32 v3, v4  }
0x63: {  	v4 =	vperm.xlane v3, v0;
	_ =	sdelay $0x1  }
0x64: {  	v3 =	vperm.xlane v3, v2;
	v4 =	vadd.s32 v1, v4;
	_ =	sdelay $0x1  }
0x65: {  	v3 =	vadd.s32 v1, v3;
	_ =	sdelay $0x2  }
0x66: {  	[tilespmem:s12], [sflag:$0x1] =	stream.indirect_vreg.gather [hbm4b:s4+s2], $0x80, v4, vm0, $0xb8;
	[tilespmem:$0xF100] =	vst v63  }
0x67: {  	s6 =	rddreg [dreg:$0xf]  }
0x68: {  	[tilespmem:s6], [sflag:$0x1] =	stream.indirect_vreg.gather [hbm4b:s4+s2], $0x80, v3, vm0, $0xb8;
	[tilespmem:$0xF100] =	vst v63  }
0x69: {  	v3 =	vld [tilespmem:$0x10];
	_ =	sdelay $0x4  }
0x6a: {  	v55 =	vshll.u32 v3, $0x1  }
0x6b: {  	v3 =	vand.u32 $0x7, v3;
	v4 =	vand.u32 $0xFFFFFFF0, v55  }
0x6c: {  	v3 =	vor.u32 v3, v4  }
0x6d: {  	v4 =	vperm.xlane v3, v0;
	_ =	sdelay $0x1  }
0x6e: {  	v3 =	vperm.xlane v3, v2;
	v4 =	vadd.s32 v1, v4;
	_ =	sdelay $0x1  }
0x6f: {  	v3 =	vadd.s32 v1, v3;
	_ =	sdelay $0x1  }
0x70: {  	s0 =	rddreg [dreg:$0x10]  }
0x71: {  	[tilespmem:s0], [sflag:$0x1] =	stream.indirect_vreg.gather [hbm4b:s4+s2], $0x80, v4, vm0, $0xb8;
	[tilespmem:$0xF100] =	vst v63  }
0x72: {  	s6 =	rddreg [dreg:$0x11]  }
0x73: {  	[tilespmem:s6], [sflag:$0x1] =	stream.indirect_vreg.gather [hbm4b:s4+s2], $0x80, v3, vm0, $0xb8;
	[tilespmem:$0xF100] =	vst v63  }
0x74: {  	v3 =	vld [tilespmem:$0x20];
	_ =	sdelay $0x4  }
0x75: {  	v56 =	vshll.u32 v3, $0x1  }
0x76: {  	v3 =	vand.u32 $0x7, v3;
	v4 =	vand.u32 $0xFFFFFFF0, v56  }
0x77: {  	v3 =	vor.u32 v3, v4  }
0x78: {  	v4 =	vperm.xlane v3, v0;
	_ =	sdelay $0x1  }
0x79: {  	v3 =	vperm.xlane v3, v2;
	v4 =	vadd.s32 v1, v4;
	_ =	sdelay $0x1  }
0x7a: {  	v3 =	vadd.s32 v1, v3;
	_ =	sdelay $0x1  }
0x7b: {  	s6 =	rddreg [dreg:$0x12]  }
0x7c: {  	[tilespmem:s6], [sflag:$0x1] =	stream.indirect_vreg.gather [hbm4b:s4+s2], $0x80, v4, vm0, $0xb8;
	[tilespmem:$0xF100] =	vst v63  }
0x7d: {  	_ = 	snop  }
0x7e: {  	[tilespmem:s13], [sflag:$0x1] =	stream.indirect_vreg.gather [hbm4b:s4+s2], $0x80, v3, vm0, $0xb8;
	[tilespmem:$0xF100] =	vst v63  }
0x7f: {  	v3 =	vld [tilespmem:$0x30];
	_ =	sdelay $0x4  }
0x80: {  	v57 =	vshll.u32 v3, $0x1  }
0x81: {  	v3 =	vand.u32 $0x7, v3;
	v4 =	vand.u32 $0xFFFFFFF0, v57  }
0x82: {  	v3 =	vor.u32 v3, v4  }
0x83: {  	v4 =	vperm.xlane v3, v0;
	_ =	sdelay $0x1  }
0x84: {  	v3 =	vperm.xlane v3, v2;
	v4 =	vadd.s32 v1, v4;
	_ =	sdelay $0x1  }
0x85: {  	v3 =	vadd.s32 v1, v3;
	_ =	sdelay $0x2  }
0x86: {  	[tilespmem:s14], [sflag:$0x1] =	stream.indirect_vreg.gather [hbm4b:s4+s2], $0x80, v4, vm0, $0xb8;
	[tilespmem:$0xF100] =	vst v63  }
0x87: {  	_ = 	snop  }
0x88: {  	[tilespmem:s15], [sflag:$0x1] =	stream.indirect_vreg.gather [hbm4b:s4+s2], $0x80, v3, vm0, $0xb8;
	[tilespmem:$0xF100] =	vst v63  }
0x89: {  	v3 =	vld [tilespmem:$0x40];
	_ =	sdelay $0x4  }
0x8a: {  	v58 =	vshll.u32 v3, $0x1  }
0x8b: {  	v3 =	vand.u32 $0x7, v3;
	v4 =	vand.u32 $0xFFFFFFF0, v58  }
0x8c: {  	v3 =	vor.u32 v3, v4  }
0x8d: {  	v4 =	vperm.xlane v3, v0;
	_ =	sdelay $0x1  }
0x8e: {  	v3 =	vperm.xlane v3, v2;
	v4 =	vadd.s32 v1, v4;
	_ =	sdelay $0x1  }
0x8f: {  	v3 =	vadd.s32 v1, v3;
	_ =	sdelay $0x2  }
0x90: {  	[tilespmem:s16], [sflag:$0x1] =	stream.indirect_vreg.gather [hbm4b:s4+s2], $0x80, v4, vm0, $0xb8;
	[tilespmem:$0xF100] =	vst v63  }
0x91: {  	_ = 	snop  }
0x92: {  	[tilespmem:s17], [sflag:$0x1] =	stream.indirect_vreg.gather [hbm4b:s4+s2], $0x80, v3, vm0, $0xb8;
	[tilespmem:$0xF100] =	vst v63  }
0x93: {  	_ =	swait.ge [sflag:s11], $0x5000  }
0x94: {  	[sflag:s11] =	ssyncset.done $0x0  }
0x95: {  	[sflag:s11] =	ssyncadd.s32 $0xFFFFB000  }
0x96: {  	v3 =	vld [tilespmem:$0x0];
	_ =	sdelay $0x4  }
0x97: {  	v59 =	vshll.u32 v3, $0x1  }
0x98: {  	v3 =	vand.u32 $0x7, v3;
	v4 =	vand.u32 $0xFFFFFFF0, v59  }
0x99: {  	v3 =	vor.u32 v3, v4  }
0x9a: {  	v4 =	vperm.xlane v3, v0;
	_ =	sdelay $0x1  }
0x9b: {  	v3 =	vperm.xlane v3, v2;
	v4 =	vadd.s32 v1, v4;
	_ =	sdelay $0x1  }
0x9c: {  	v3 =	vadd.s32 v1, v3;
	_ =	sdelay $0x2  }
0x9d: {  	[tilespmem:s18], [sflag:$0x1] =	stream.indirect_vreg.gather [hbm4b:s5+s2], $0x80, v4, vm0, $0xb8;
	[tilespmem:$0xF100] =	vst v63  }
0x9e: {  	_ = 	snop  }
0x9f: {  	[tilespmem:s19], [sflag:$0x1] =	stream.indirect_vreg.gather [hbm4b:s5+s2], $0x80, v3, vm0, $0xb8;
	[tilespmem:$0xF100] =	vst v63  }
0xa0: {  	v3 =	vld [tilespmem:$0x10];
	_ =	sdelay $0x4  }
0xa1: {  	v60 =	vshll.u32 v3, $0x1  }
0xa2: {  	v3 =	vand.u32 $0x7, v3;
	v4 =	vand.u32 $0xFFFFFFF0, v60  }
0xa3: {  	v3 =	vor.u32 v3, v4  }
0xa4: {  	v4 =	vperm.xlane v3, v0;
	_ =	sdelay $0x1  }
0xa5: {  	v3 =	vperm.xlane v3, v2;
	v4 =	vadd.s32 v1, v4;
	_ =	sdelay $0x1  }
0xa6: {  	v3 =	vadd.s32 v1, v3;
	_ =	sdelay $0x2  }
0xa7: {  	[tilespmem:s20], [sflag:$0x1] =	stream.indirect_vreg.gather [hbm4b:s5+s2], $0x80, v4, vm0, $0xb8;
	[tilespmem:$0xF100] =	vst v63  }
0xa8: {  	_ = 	snop  }
0xa9: {  	[tilespmem:s21], [sflag:$0x1] =	stream.indirect_vreg.gather [hbm4b:s5+s2], $0x80, v3, vm0, $0xb8;
	[tilespmem:$0xF100] =	vst v63  }
0xaa: {  	v3 =	vld [tilespmem:$0x20];
	_ =	sdelay $0x4  }
0xab: {  	v61 =	vshll.u32 v3, $0x1  }
0xac: {  	v3 =	vand.u32 $0x7, v3;
	v4 =	vand.u32 $0xFFFFFFF0, v61  }
0xad: {  	v3 =	vor.u32 v3, v4  }
0xae: {  	v4 =	vperm.xlane v3, v0;
	_ =	sdelay $0x1  }
0xaf: {  	v3 =	vperm.xlane v3, v2;
	v4 =	vadd.s32 v1, v4;
	_ =	sdelay $0x1  }
0xb0: {  	v3 =	vadd.s32 v1, v3;
	_ =	sdelay $0x2  }
0xb1: {  	[tilespmem:s22], [sflag:$0x1] =	stream.indirect_vreg.gather [hbm4b:s5+s2], $0x80, v4, vm0, $0xb8;
	[tilespmem:$0xF100] =	vst v63  }
0xb2: {  	_ = 	snop  }
0xb3: {  	[tilespmem:s23], [sflag:$0x1] =	stream.indirect_vreg.gather [hbm4b:s5+s2], $0x80, v3, vm0, $0xb8;
	[tilespmem:$0xF100] =	vst v63  }
0xb4: {  	v3 =	vld [tilespmem:$0x30];
	_ =	sdelay $0x4  }
0xb5: {  	v62 =	vshll.u32 v3, $0x1  }
0xb6: {  	v3 =	vand.u32 $0x7, v3;
	v4 =	vand.u32 $0xFFFFFFF0, v62  }
0xb7: {  	v3 =	vor.u32 v3, v4  }
0xb8: {  	v4 =	vperm.xlane v3, v0;
	_ =	sdelay $0x1  }
0xb9: {  	v3 =	vperm.xlane v3, v2;
	v4 =	vadd.s32 v1, v4;
	_ =	sdelay $0x1  }
0xba: {  	v3 =	vadd.s32 v1, v3;
	_ =	sdelay $0x2  }
0xbb: {  	[tilespmem:s24], [sflag:$0x1] =	stream.indirect_vreg.gather [hbm4b:s5+s2], $0x80, v4, vm0, $0xb8;
	[tilespmem:$0xF100] =	vst v63  }
0xbc: {  	_ = 	snop  }
0xbd: {  	[tilespmem:s25], [sflag:$0x1] =	stream.indirect_vreg.gather [hbm4b:s5+s2], $0x80, v3, vm0, $0xb8;
	[tilespmem:$0xF100] =	vst v63  }
0xbe: {  	v3 =	vld [tilespmem:$0x40];
	_ =	sdelay $0x4  }
0xbf: {  	v63 =	vshll.u32 v3, $0x1  }
0xc0: {  	v3 =	vand.u32 $0x7, v3;
	v4 =	vand.u32 $0xFFFFFFF0, v63  }
0xc1: {  	v3 =	vor.u32 v3, v4  }
0xc2: {  	v4 =	vperm.xlane v3, v0;
	_ =	sdelay $0x1  }
0xc3: {  	v3 =	vperm.xlane v3, v2;
	v4 =	vadd.s32 v1, v4;
	_ =	sdelay $0x1  }
0xc4: {  	v3 =	vadd.s32 v1, v3;
	_ =	sdelay $0x2  }
0xc5: {  	[tilespmem:s26], [sflag:$0x1] =	stream.indirect_vreg.gather [hbm4b:s5+s2], $0x80, v4, vm0, $0xb8;
	[tilespmem:$0xF100] =	vst v63  }
0xc6: {  	_ = 	snop  }
0xc7: {  	[tilespmem:s28], [sflag:$0x1] =	stream.indirect_vreg.gather [hbm4b:s5+s2], $0x80, v3, vm0, $0xb8;
	[tilespmem:$0xF100] =	vst v63  }
0xc8: {  	_ =	swait.ge [sflag:s11], $0x5000  }
0xc9: {  	s6 =	rddreg [dreg:$0x2];
	[sflag:s11] =	ssyncset.done $0x0  }
0xca: {  	[sflag:s11] =	ssyncadd.s32 $0xFFFFB000;
	s0 =	sadd.s32 s1, s6  }
0xcb: {  	[hbm4b:s0+s2] =	stream.linear.scatter [tilespmem:s10], [sflag:$0x2], $0x5000, $0x38;
	[tilespmem:$0xF100] =	vst v63  }
0xcc: {  	_ =	swait.ge [sflag:s9], $0x5000  }
0xcd: {  	s6 =	rddreg [dreg:$0x3];
	[sflag:s9] =	ssyncset.done $0x0  }
0xce: {  	[sflag:s9] =	ssyncadd.s32 $0xFFFFB000;
	s0 =	sadd.s32 s1, s6  }
0xcf: {  	[hbm4b:s0+s2] =	stream.linear.scatter [tilespmem:s12], [sflag:$0x2], $0x5000, $0x38;
	[tilespmem:$0xF100] =	vst v63  }
0xd0: {  	_ =	swait.ge [sflag:s9], $0x5000  }
0xd1: {  	p0 =	sne.s32 s1, $0x4D800;
	s6 =	rddreg [dreg:$0x4];
	[sflag:s9] =	ssyncset.done $0x0  }
.Ltmp0:
0xd2: {  	[sflag:s9] =	ssyncadd.s32 $0xFFFFB000;
	s0 =	sadd.s32 s1, s6;
	(pc) =	sbr.rel @p0 .LBB2_2-.Ltmp0, $4  }
0xd3: {  	[hbm4b:s0+s2] =	stream.linear.scatter [tilespmem:s18], [sflag:$0x2], $0x5000, $0x38;
	[tilespmem:$0xF100] =	vst v63  }
0xd4: {  	_ =	swait.ge [sflag:s9], $0x5000  }
0xd5: {  	s30 =	sadd.s32 $0xA, s30;
	[sflag:s9] =	ssyncset.done $0x0  }
0xd6: {  	s31 =	sadd.s32 $0xA, s31;
	s1 =	sadd.s32 $0xA00, s1;
	[sflag:s9] =	ssyncadd.s32 $0xFFFFB000  }
0xd7: {  	s29 =	sadd.s32 $0x1, s29;
	s0 =	rddreg [dreg:$0x13]  }
0xd8: {  	p0 =	sne.s32 s29, s0  }
.Ltmp1:
0xd9: {  	_ = 	snop;
	(pc) =	sbr.rel @p0 .LBB2_1-.Ltmp1, $1  }
0xda: {  	_ =	sdelay $0x3  }
0xdb: {  	_ =	sfence.sel $0x180000  }
0xdc: {  	[bflag:$0x0] =	sbarrier.arrive $0xFFFF  }
0xdd: {  	_ =	strace $0x90000047  }
0xde: {  	s0 =	stileid.u32;
	[bflag:$0x2] =	sbarrier.arrive $0xFFFF  }
0xdf: {  	p0 =	sne.s32 s0, $0x0;
	s0 =	rddreg [dreg:$0x1]  }
0xe0: {  	s0 =	sadd.s32 @!p0 $0x100000, s0  }
0xe1: {  	[sflag:s0] =	ssyncadd.tile.s32 @!p0 $0x1;
	_ =	shalt  }
.Lfunc_end2:
_tile_overlayer_lowered:
.L_overlay_start_2:
0xe2: {  	(tag) =	ssettag $0x2  }
0xe3: {  	s0 =	rddreg [dreg:$0x0];
	s2 =	stileid.u32  }
0xe4: {  	s1 =	rddreg [dreg:$0x1];
	p0 =	sne.s32 s2, $0x0  }
0xe5: {  	s3 =	rddreg [dreg:$0x2];
	[bflag:$0x3] =	sbarrier.arrive $0xFFFF;
	s2 =	simm.s32 @!p0 $0x1C02  }
0xe6: {  	[timem:s3], [sflag:s2] =	dma.local @!p0 [hbm:s0], s1  }
0xe7: {  	s0 =	simm.s32 @!p0 $0x2  }
0xe8: {  	_ =	swait.ge @!p0 [sflag:s0], s1  }
0xe9: {  	s1 =	ssub.s32 @!p0 $0x0, s1;
	[sflag:s0] =	ssyncset.done @!p0 $0x0  }
0xea: {  	[sflag:s0] =	ssyncadd.s32 @!p0 s1  }
0xeb: {  	[bflag:$0x3] =	sbarrier.arrive $0xFFFF  }
0xec: {  	_ =	shalt  }

// kernel: kernel.22.cloned.1.call-start
scs
__scs_entry_jumppad:
0x0: {  	(pc) =	sbr.rel $0x88, $3  }
0x1: {  	(tag) =	ssettag $0x0;
	lr =	simm.s32 $0x1  }
0x2: {  	[smem:$0x3F7A] =	sst lr;
	_ =	strace $0xD0000000  }
0x3: {  	_ = 	snop  }
0x4: {  	_ = 	snop  }
0x5: {  	_ = 	snop  }
0x6: {  	_ = 	snop  }
0x7: {  	_ = 	snop  }
__scs_overlays_trampoline_lowered:
0x8: {  	[smem:$0x3F89] =	sst s0  }
0x9: {  	[smem:$0x3F8A] =	sst s1  }
0xa: {  	[smem:$0x3F8B] =	sst s2  }
0xb: {  	[smem:$0x3F8C] =	sst s3  }
0xc: {  	[smem:$0x3F8D] =	sst s4  }
0xd: {  	[smem:$0x3F8E] =	sst s5  }
0xe: {  	[smem:$0x3F8F] =	sst s6  }
0xf: {  	[smem:$0x3F90] =	sst s7  }
0x10: {  	[smem:$0x3F91] =	sst s8  }
0x11: {  	[smem:$0x3F92] =	sst s9;
	s0 =	simm.s32 @!p0 $0x0  }
0x12: {  	s1 =	sld [smem:$0x3F78];
	s0 =	simm.s32 @p0 $0x1  }
0x13: {  	[smem:$0x3F93] =	sst s0;
	s0 =	simm.s32 @!p1 $0x0  }
0x14: {  	s2 =	sld [smem:$0x3F77];
	s0 =	simm.s32 @p1 $0x1  }
0x15: {  	[smem:$0x3F94] =	sst s0;
	s0 =	simm.s32 @!p2 $0x0  }
0x16: {  	s3 =	sld [smem:$0x3FDB];
	s0 =	simm.s32 @p2 $0x1  }
0x17: {  	s4 =	simm.s32 $0x1BF5;
	[smem:$0x3F96] =	sst s0  }
0x18: {  	s0 =	sld [smem:$0x3F79];
	_ =	swait.ge [sflag:s4], $0x0  }
0x19: {  	s7 =	sld [smem:$0x3F7A]  }
0x1a: {  	s8 =	sadd.s32 $0xFFFFE003, lr  }
0x1b: {  	s9 =	sadd.s32 $0xFFFFFEF7, lr;
	s5 =	simm.s32 $0xFFFFFFFF;
	p2 =	slt.u32 s8, $0xFFFFF086  }
0x1c: {  	p1 =	slt.u32 s9, $0xF7A;
	s5 =	simm.s32 @!p2 $0x0  }
0x1d: {  	s5 =	simm.s32 @p1 $0x1;
	p0 =	seq.s32 s7, s2  }
0x1e: {  	s7 =	smul.u32 @!p0 $0xF7A, s2;
	p2 =	seq.s32 @!p0 s5, $0x0  }
0x1f: {  	s9 =	smul.u32 $0xF7A, s1;
	s8 =	simm.s32 @!p0 $0x1BF5;
	p2 =	por !p2, p0  }
0x20: {  	[sflag:s8] =	ssyncset.s32 @!p0 $0xFFFFF086;
	s6 =	sadd.s32 @!p0 s3, s7;
	s7 =	simm.s32 @!p0 $0x108  }
0x21: {  	s3 =	sadd.s32 s3, s9;
	s6 =	sadd.s32 @!p0 $0x88, s6;
	s7 =	simm.s32 @p2 $0x1082  }
0x22: {  	[simem:s7], [sflag:s8] =	dma.local @!p0 [hbm:s6], $0xF7A  }
0x23: {  	s9 =	sor.u32 $0xD0000000, s2;
	s6 =	simm.s32 $0x108;
	_ =	swait.ge @!p0 [sflag:s8], $0x0  }
0x24: {  	s3 =	sadd.s32 $0x88, s3;
	s6 =	simm.s32 @!p1 $0x1082;
	[sflag:s4] =	ssyncset.s32 $0xFFFFF086  }
0x25: {  	[simem:s6], [sflag:s4] =	dma.local [hbm:s3], $0xF7A  }
0x26: {  	[smem:$0x3F7A] =	sst s1;
	(tag) =	ssettag s2;
	_ =	strace s9  }
0x27: {  	s1 =	sld [smem:$0x3F8A]  }
0x28: {  	s2 =	sld [smem:$0x3F8B]  }
0x29: {  	s4 =	sld [smem:$0x3F8D]  }
0x2a: {  	p0 =	seq.s32 s5, $0x0;
	s5 =	sld [smem:$0x3F8E]  }
0x2b: {  	s6 =	sld [smem:$0x3F8F]  }
0x2c: {  	s7 =	sld [smem:$0x3F90]  }
0x2d: {  	s3 =	simm.s32 $0x108;
	s8 =	sld [smem:$0x3F91]  }
0x2e: {  	s3 =	simm.s32 @!p0 $0x1082;
	s9 =	sld [smem:$0x3F92]  }
0x2f: {  	lr =	sadd.s32 s0, s3;
	s0 =	sld [smem:$0x3F89]  }
0x30: {  	s3 =	sld [smem:$0x3F8C]  }
0x31: {  	[smem:$0x3F95] =	sst s10  }
0x32: {  	s10 =	sld [smem:$0x3F93];
	_ =	sdelay $0x3  }
0x33: {  	p0 =	seq.s32 s10, $0x1;
	s10 =	sld [smem:$0x3F95];
	_ =	sdelay $0x3  }
0x34: {  	[smem:$0x3F95] =	sst s10  }
0x35: {  	s10 =	sld [smem:$0x3F94];
	_ =	sdelay $0x3  }
0x36: {  	p1 =	seq.s32 s10, $0x1;
	s10 =	sld [smem:$0x3F95];
	_ =	sdelay $0x3  }
0x37: {  	[smem:$0x3F95] =	sst s10  }
0x38: {  	s10 =	sld [smem:$0x3F96]  }
0x39: {  	_ = 	snop;
	(pc) =	sbr.ind lr, $3  }
0x3a: {  	_ = 	snop  }
0x3b: {  	_ = 	snop  }
0x3c: {  	p2 =	seq.s32 s10, $0x1;
	s10 =	sld [smem:$0x3F95]  }
0x3d: {  	_ =	shalt  }
0x3e: {  	_ =	shalt  }
0x3f: {  	_ =	shalt  }
0x40: {  	_ =	shalt  }
0x41: {  	_ =	shalt  }
0x42: {  	_ =	shalt  }
0x43: {  	_ =	shalt  }
0x44: {  	_ =	shalt  }
0x45: {  	_ =	shalt  }
0x46: {  	_ =	shalt  }
0x47: {  	_ =	shalt  }
0x48: {  	_ =	shalt  }
0x49: {  	_ =	shalt  }
0x4a: {  	_ =	shalt  }
0x4b: {  	_ =	shalt  }
0x4c: {  	_ =	shalt  }
0x4d: {  	_ =	shalt  }
0x4e: {  	_ =	shalt  }
0x4f: {  	_ =	shalt  }
0x50: {  	_ =	shalt  }
0x51: {  	_ =	shalt  }
0x52: {  	_ =	shalt  }
0x53: {  	_ =	shalt  }
0x54: {  	_ =	shalt  }
0x55: {  	_ =	shalt  }
0x56: {  	_ =	shalt  }
0x57: {  	_ =	shalt  }
0x58: {  	_ =	shalt  }
0x59: {  	_ =	shalt  }
0x5a: {  	_ =	shalt  }
0x5b: {  	_ =	shalt  }
0x5c: {  	_ =	shalt  }
0x5d: {  	_ =	shalt  }
0x5e: {  	_ =	shalt  }
0x5f: {  	_ =	shalt  }
0x60: {  	_ =	shalt  }
0x61: {  	_ =	shalt  }
0x62: {  	_ =	shalt  }
0x63: {  	_ =	shalt  }
0x64: {  	_ =	shalt  }
0x65: {  	_ =	shalt  }
0x66: {  	_ =	shalt  }
0x67: {  	_ =	shalt  }
0x68: {  	_ =	shalt  }
0x69: {  	_ =	shalt  }
0x6a: {  	_ =	shalt  }
0x6b: {  	_ =	shalt  }
0x6c: {  	_ =	shalt  }
0x6d: {  	_ =	shalt  }
0x6e: {  	_ =	shalt  }
0x6f: {  	_ =	shalt  }
0x70: {  	_ =	shalt  }
0x71: {  	_ =	shalt  }
0x72: {  	_ =	shalt  }
0x73: {  	_ =	shalt  }
0x74: {  	_ =	shalt  }
0x75: {  	_ =	shalt  }
0x76: {  	_ =	shalt  }
0x77: {  	_ =	shalt  }
0x78: {  	_ =	shalt  }
0x79: {  	_ =	shalt  }
0x7a: {  	_ =	shalt  }
0x7b: {  	_ =	shalt  }
0x7c: {  	_ =	shalt  }
0x7d: {  	_ =	shalt  }
0x7e: {  	_ =	shalt  }
0x7f: {  	_ =	shalt  }
0x80: {  	_ =	shalt  }
0x81: {  	_ =	shalt  }
0x82: {  	_ =	shalt  }
0x83: {  	_ =	shalt  }
0x84: {  	_ =	shalt  }
0x85: {  	_ =	shalt  }
0x86: {  	_ =	shalt  }
0x87: {  	_ =	shalt  }
.Lfunc_end0:
.L_simem_size_0:
called_computation.1_lowered:
.L_overlay_start_0:
0x88: {  	s2 =	sld [smem:$0x3FD9]  }
0x89: {  	s3 =	sld [smem:$0x3FFE];
	_ =	sdelay $0x1  }
0x8a: {  	s1 =	srdreg.scid  }
0x8b: {  	s0 =	sand.u32 $0x1, s1  }
0x8c: {  	s16 =	sshll.u32 s0, $0xA;
	s2 =	sadd.s32 s3, s2  }
0x8d: {  	s2 =	sadd.s32 s2, s16  }
0x8e: {  	[smem:$0x3FA1] =	sst s2  }
0x8f: {  	_ = 	snop  }
0x90: {  	(tm) =	ssettm $0x1  }
0x91: {  	s17 =	sld [smem:$0x3FFB];
	_ =	sdelay $0x3  }
0x92: {  	_ =	strace s17  }
0x93: {  	s2 =	sld [smem:$0x3FFC];
	_ =	sdelay $0x3  }
0x94: {  	_ =	strace s2  }
0x95: {  	s2 =	sld [smem:$0x3FFD];
	_ =	sdelay $0x3  }
0x96: {  	_ =	strace s2  }
0x97: {  	_ =	strace $0x8FFFFFFF  }
0x98: {  	s18 =	sld [smem:$0x3FDB];
	_ =	sdelay $0x1  }
0x99: {  	s19 =	simm.s32 $_scs_section_size  }
0x9a: {  	s4 =	simm.s32 $_size__tile_overlayer_lowered;
	s5 =	simm.s32 $_tile_overlayer_lowered  }
0x9b: {  	s22 =	simm.s32 $0x1BFF;
	s21 =	sshll.u32 s5, $0x1;
	s2 =	sadd.s32 s19, s18  }
0x9c: {  	s6 =	simm.s32 $0x0;
	s20 =	sshll.u32 s4, $0x1;
	s4 =	sadd.s32 s21, s2  }
0x9d: {  	[timem:s6], [sflag:s22] =	dma.local [hbm:s4], s20  }
0x9e: {  	_ =	swait.ge [sflag:s22], s20  }
0x9f: {  	s3 =	ssub.s32 $0x0, s20;
	[sflag:s22] =	ssyncset.done $0x0  }
0xa0: {  	[sflag:s22] =	ssyncadd.s32 s3;
	_ =	sdelay $0x1  }
0xa1: {  	s23 =	simm.s32 $0x1B8B  }
0xa2: {  	_ =	swait.ge [sflag:s23], $0x1  }
0xa3: {  	[sflag:s23] =	ssyncset.done $0x0  }
0xa4: {  	s25 =	simm.s32 $0x1B8E;
	s24 =	sld [smem:$0x3FFE];
	[sflag:s23] =	ssyncadd.s32 $0xFFFFFFFF  }
0xa5: {  	s26 =	simm.s32 $execute0_lowered;
	[smem:$0x3FD2] =	sst s25  }
0xa6: {  	s4 =	sshll.u32 s26, $0x1;
	_ =	strace $0x80000049;
	[dreg:$0x1] =	wrdreg $0xFFFFFFFF  }
0xa7: {  	s28 =	simm.s32 $_size_execute0_lowered;
	s2 =	sadd.s32 s2, s4;
	[dreg:$0x0] =	wrdreg $0x0  }
0xa8: {  	s4 =	sshll.u32 s28, $0x1;
	[dreg:$0x2] =	wrdreg s2  }
0xa9: {  	[dreg:$0x3] =	wrdreg s4  }
0xaa: {  	[dreg:$0x4] =	wrdreg $0xC0  }
0xab: {  	_ =	task [dreg:s6], $0x5FFFF  }
0xac: {  	[dreg:$0x1] =	wrdreg $0xFFFFFFFF  }
0xad: {  	[dreg:$0x0] =	wrdreg $0x60  }
0xae: {  	[dreg:$0x2] =	wrdreg s24  }
0xaf: {  	[dreg:$0x3] =	wrdreg $0x28800  }
0xb0: {  	[dreg:$0x4] =	wrdreg $0x9  }
0xb1: {  	_ =	task.clear_ibuf [dreg:s6], $0x5FFFF;
	_ =	strace $0x90000049  }
0xb2: {  	s29 =	simm.s32 $0x9;
	_ =	strace $0x8000004B  }
0xb3: {  	_ =	swait.ge [sflag:s29], $0x1  }
0xb4: {  	[sflag:s29] =	ssyncadd.s32 $0xFFFFFFFF  }
0xb5: {  	_ =	strace $0x9000004B  }
0xb6: {  	_ =	sfence  }
0xb7: {  	s30 =	sld [smem:$0x0];
	_ =	sdelay $0x2  }
0xb8: {  	s31 =	sshll.u32 s1, $0xD;
	s1 =	sshrl.u32 s1, $0x2  }
0xb9: {  	s3 =	sand.u32 $0x4000, s31;
	s1 =	sadd.s32 s1, s30  }
0xba: {  	s0 =	sor.u32 s3, s0;
	s1 =	sshll.u32 s1, $0x11  }
0xbb: {  	s0 =	sor.u32 s1, s0  }
0xbc: {  	s0 =	sadd.s32 $0x8F2B, s0  }
0xbd: {  	[sflag:s0] =	ssyncadd.remote.s32 $0x1  }
0xbe: {  	_ =	sfence.sel $0xFFFF  }
0xbf: {  	[dreg:$0x0] =	wrdreg $0xFFFFFFFF;
	(pc) =	sbr.abs _section_cstart, $3  }
0xc0: {  	[dreg:$0x1] =	wrdreg $0xFFFFFFFF  }
0xc1: {  	_ =	task.clear_ibuf [dreg:s6], $0x2FFFF;
	_ =	strace $0x9FFFFFFF  }
0xc2: {  	(tm) =	ssettm $0x7FFFFFFF  }
0xc3: {  	_ =	shalt  }
tec
execute0_lowered:
.L_overlay_start_1:
0x0: {  	(tag) =	ssettag $0x1  }
0x1: {  	s0 =	stileid.u32  }
0x2: {  	s1 =	srdreg.scid;
	s5 =	rddreg [dreg:$0x0]  }
0x3: {  	s2 =	rddreg [dreg:$0x1];
	s4 =	smul.u32 $0x4E200, s0  }
0x4: {  	s3 =	simm.s32 $0x0;
	s16 =	simm.s32 $0x80;
	s7 =	smul.u32 $0x4E20, s0  }
0x5: {  	s17 =	simm.s32 $0x50;
	s18 =	simm.s32 $0x0;
	s9 =	smul.u32 $0x14000, s0  }
0x6: {  	s6 =	sand.u32 $0x1, s1;
	s1 =	rddreg [dreg:$0x2];
	s26 =	smul.u32 $0x50000, s0  }
0x7: {  	[smem:$0x7FF] =	sst s3;
	s31 =	sshll.u32 s0, $0x6;
	s8 =	smul.u32 $0x2710, s6  }
0x8: {  	s21 =	smul.u32 $0x140000, s6;
	_ =	strace $0x8000004A;
	s25 =	ssub.s32 $0x2, s6  }
0x9: {  	s30 =	smul.u32 $0x27100, s6;
	s10 =	sadd.s32 s4, s5;
	s23 =	sshrl.u32 s9, $0x3  }
0xa: {  	s28 =	sshrl.u32 s25, $0x1;
	s29 =	sshrl.u32 s26, $0x2;
	s7 =	sadd.s32 s8, s7  }
0xb: {  	s24 =	sadd.s32 s9, s21;
	s4 =	sadd.s32 s23, s5;
	s13 =	ssub.s32 s25, s28  }
0xc: {  	s14 =	sadd.s32 s29, s2;
	s15 =	sadd.s32 s30, s10;
	s22 =	sshrl.u32 s7, $0x3  }
0xd: {  	s7 =	sshrl.u32 s24, $0x3;
	s4 =	sadd.s32 $0x1E800, s4;
	s9 =	sadd.s32 $0x1FDB800, s15  }
0xe: {  	s10 =	smax.u32 s13, $0x1;
	s13 =	sadd.s32 $0x299F800, s15;
	s14 =	sshrl.u32 s14, $0x3  }
0xf: {  	s11 =	sadd.s32 s22, s5;
	s12 =	sadd.s32 s7, s5;
	s5 =	sor.u32 $0x1C01, s31  }
0x10: {  	s6 =	sadd.s32 $0x46800, s12;
	s7 =	sadd.s32 $0x96800, s12;
	s8 =	sadd.s32 $0xE6800, s12  }
0x11: {  	s11 =	sadd.s32 $0x14A00, s11;
	s12 =	sadd.s32 $0x24BD800, s15;
	s15 =	simm.s32 $0x1  }
.LBB2_1:
0x12: {  	[spmem:s14], [sflag:s5] =	dma.local [hbm:s4], $0x2800  }
0x13: {  	_ =	swait.ge [sflag:s15], $0x2800  }
0x14: {  	[sflag:s15] =	ssyncset.done $0x0  }
0x15: {  	[sflag:s15] =	ssyncadd.s32 $0xFFFFD800  }
0x16: {  	s19 =	sadd.s32 $0x0, s11;
	[bflag:$0x0] =	sbarrier.arrive $0xFFFF  }
0x17: {  	[tilespmem:s3], [sflag:$0x1] =	stream.linear.gather [hbm4b:s19+s3], $0x50, $0x38;
	[tilespmem:$0x16880] =	vst v63  }
0x18: {  	_ =	swait.ge [sflag:s15], $0x50  }
0x19: {  	[sflag:s15] =	ssyncset.done $0x0  }
0x1a: {  	[sflag:s15] =	ssyncadd.s32 $0xFFFFFFB0  }
0x1b: {  	[tilespmem:s16], [sflag:$0x1] =	stream.linear.gather [hbm4b:s9+s3], $0x2800, $0x38;
	[tilespmem:$0x16880] =	vst v63  }
0x1c: {  	_ =	swait.ge [sflag:s15], $0x2800  }
0x1d: {  	[sflag:s15] =	ssyncset.done $0x0  }
0x1e: {  	[sflag:s15] =	ssyncadd.s32 $0xFFFFD800  }
0x1f: {  	[spmem:s2] =	stream.indirect.scatter.add.f32 [tilespmem:s16], [sflag:$0x1], $0x80, s3, s17, $0xb8;
	[tilespmem:$0x16880] =	vst v63  }
0x20: {  	s20 =	simm.s32 $0xA;
	_ =	swait.ge [sflag:s15], $0x2800  }
0x21: {  	s21 =	simm.s32 $0x14;
	s19 =	sadd.s32 $0x500, s9;
	[sflag:s15] =	ssyncset.done $0x0  }
.LBB2_2:
0x22: {  	s22 =	sadd.s32 s20, s11  }
0x23: {  	[sflag:s15] =	ssyncadd.s32 $0xFFFFD800;
	s20 =	smov.u32 s21;
	s23 =	sadd.s32 $0xA, s21  }
0x24: {  	[tilespmem:s3], [sflag:$0x1] =	stream.linear.gather [hbm4b:s22+s3], $0x50, $0x38;
	[tilespmem:$0x16880] =	vst v63  }
0x25: {  	p0 =	sne.s32 s21, $0x4D8;
	_ =	swait.ge [sflag:s15], $0x50  }
0x26: {  	[sflag:s15] =	ssyncset.done $0x0  }
0x27: {  	[sflag:s15] =	ssyncadd.s32 $0xFFFFFFB0  }
0x28: {  	[tilespmem:s16], [sflag:$0x1] =	stream.linear.gather [hbm4b:s19+s3], $0x2800, $0x38;
	[tilespmem:$0x16880] =	vst v63  }
0x29: {  	_ =	swait.ge [sflag:s15], $0x2800  }
.Ltmp0:
0x2a: {  	[sflag:s15] =	ssyncset.done $0x0;
	(pc) =	sbr.rel @p0 .LBB2_2-.Ltmp0, $4  }
0x2b: {  	[sflag:s15] =	ssyncadd.s32 $0xFFFFD800  }
0x2c: {  	[spmem:s2] =	stream.indirect.scatter.add.f32 [tilespmem:s16], [sflag:$0x1], $0x80, s3, s17, $0xb8;
	[tilespmem:$0x16880] =	vst v63  }
0x2d: {  	_ =	swait.ge [sflag:s15], $0x2800  }
0x2e: {  	s21 =	smov.u32 s23;
	s19 =	sadd.s32 $0x500, s19;
	[sflag:s15] =	ssyncset.done $0x0  }
0x2f: {  	s20 =	sadd.s32 s20, s11;
	[sflag:s15] =	ssyncadd.s32 $0xFFFFD800  }
0x30: {  	[tilespmem:s3], [sflag:$0x1] =	stream.linear.gather [hbm4b:s20+s3], $0x50, $0x38;
	[tilespmem:$0x16880] =	vst v63  }
0x31: {  	_ =	swait.ge [sflag:s15], $0x50  }
0x32: {  	[sflag:s15] =	ssyncset.done $0x0  }
0x33: {  	[sflag:s15] =	ssyncadd.s32 $0xFFFFFFB0  }
0x34: {  	[tilespmem:s16], [sflag:$0x1] =	stream.linear.gather [hbm4b:s19+s3], $0x2800, $0x38;
	[tilespmem:$0x16880] =	vst v63  }
0x35: {  	_ =	swait.ge [sflag:s15], $0x2800  }
0x36: {  	[sflag:s15] =	ssyncset.done $0x0  }
0x37: {  	[sflag:s15] =	ssyncadd.s32 $0xFFFFD800  }
0x38: {  	[spmem:s2] =	stream.indirect.scatter.add.f32 [tilespmem:s16], [sflag:$0x1], $0x80, s3, s17, $0xb8;
	[tilespmem:$0x16880] =	vst v63  }
0x39: {  	_ =	swait.ge [sflag:s15], $0x2800  }
0x3a: {  	[sflag:s15] =	ssyncset.done $0x0  }
0x3b: {  	[sflag:s15] =	ssyncadd.s32 $0xFFFFD800  }
0x3c: {  	[bflag:$0x0] =	sbarrier.arrive $0xFFFF  }
0x3d: {  	[hbm:s6], [sflag:s5] =	dma.local [spmem:s14], $0x2800  }
0x3e: {  	_ =	swait.ge [sflag:s15], $0x2800  }
0x3f: {  	[sflag:s15] =	ssyncset.done $0x0  }
0x40: {  	[sflag:s15] =	ssyncadd.s32 $0xFFFFD800  }
0x41: {  	[bflag:$0x0] =	sbarrier.arrive $0xFFFF  }
0x42: {  	[spmem:s14], [sflag:s5] =	dma.local [hbm:s4], $0x2800  }
0x43: {  	_ =	swait.ge [sflag:s15], $0x2800  }
0x44: {  	[sflag:s15] =	ssyncset.done $0x0  }
0x45: {  	[sflag:s15] =	ssyncadd.s32 $0xFFFFD800  }
0x46: {  	s31 =	sadd.s32 $0x0, s11;
	[bflag:$0x0] =	sbarrier.arrive $0xFFFF  }
0x47: {  	[tilespmem:s3], [sflag:$0x1] =	stream.linear.gather [hbm4b:s31+s3], $0x50, $0x38;
	[tilespmem:$0x16880] =	vst v63  }
0x48: {  	_ =	swait.ge [sflag:s15], $0x50  }
0x49: {  	[sflag:s15] =	ssyncset.done $0x0  }
0x4a: {  	[sflag:s15] =	ssyncadd.s32 $0xFFFFFFB0  }
0x4b: {  	[tilespmem:s16], [sflag:$0x1] =	stream.linear.gather [hbm4b:s12+s3], $0x2800, $0x38;
	[tilespmem:$0x16880] =	vst v63  }
0x4c: {  	_ =	swait.ge [sflag:s15], $0x2800  }
0x4d: {  	[sflag:s15] =	ssyncset.done $0x0  }
0x4e: {  	[sflag:s15] =	ssyncadd.s32 $0xFFFFD800  }
0x4f: {  	[spmem:s2] =	stream.indirect.scatter.add.f32 [tilespmem:s16], [sflag:$0x1], $0x80, s3, s17, $0xb8;
	[tilespmem:$0x16880] =	vst v63  }
0x50: {  	s21 =	simm.s32 $0x14;
	_ =	swait.ge [sflag:s15], $0x2800  }
0x51: {  	s20 =	simm.s32 $0xA;
	s19 =	sadd.s32 $0x500, s12;
	[sflag:s15] =	ssyncset.done $0x0  }
.LBB2_4:
0x52: {  	s22 =	sadd.s32 s20, s11  }
0x53: {  	[sflag:s15] =	ssyncadd.s32 $0xFFFFD800;
	s20 =	smov.u32 s21;
	s23 =	sadd.s32 $0xA, s21  }
0x54: {  	[tilespmem:s3], [sflag:$0x1] =	stream.linear.gather [hbm4b:s22+s3], $0x50, $0x38;
	[tilespmem:$0x16880] =	vst v63  }
0x55: {  	p0 =	sne.s32 s21, $0x4D8;
	_ =	swait.ge [sflag:s15], $0x50  }
0x56: {  	[sflag:s15] =	ssyncset.done $0x0  }
0x57: {  	[sflag:s15] =	ssyncadd.s32 $0xFFFFFFB0  }
0x58: {  	[tilespmem:s16], [sflag:$0x1] =	stream.linear.gather [hbm4b:s19+s3], $0x2800, $0x38;
	[tilespmem:$0x16880] =	vst v63  }
0x59: {  	_ =	swait.ge [sflag:s15], $0x2800  }
.Ltmp1:
0x5a: {  	[sflag:s15] =	ssyncset.done $0x0;
	(pc) =	sbr.rel @p0 .LBB2_4-.Ltmp1, $4  }
0x5b: {  	[sflag:s15] =	ssyncadd.s32 $0xFFFFD800  }
0x5c: {  	[spmem:s2] =	stream.indirect.scatter.add.f32 [tilespmem:s16], [sflag:$0x1], $0x80, s3, s17, $0xb8;
	[tilespmem:$0x16880] =	vst v63  }
0x5d: {  	_ =	swait.ge [sflag:s15], $0x2800  }
0x5e: {  	s21 =	smov.u32 s23;
	s19 =	sadd.s32 $0x500, s19;
	[sflag:s15] =	ssyncset.done $0x0  }
0x5f: {  	s20 =	sadd.s32 s20, s11;
	[sflag:s15] =	ssyncadd.s32 $0xFFFFD800  }
0x60: {  	[tilespmem:s3], [sflag:$0x1] =	stream.linear.gather [hbm4b:s20+s3], $0x50, $0x38;
	[tilespmem:$0x16880] =	vst v63  }
0x61: {  	_ =	swait.ge [sflag:s15], $0x50  }
0x62: {  	[sflag:s15] =	ssyncset.done $0x0  }
0x63: {  	[sflag:s15] =	ssyncadd.s32 $0xFFFFFFB0  }
0x64: {  	[tilespmem:s16], [sflag:$0x1] =	stream.linear.gather [hbm4b:s19+s3], $0x2800, $0x38;
	[tilespmem:$0x16880] =	vst v63  }
0x65: {  	_ =	swait.ge [sflag:s15], $0x2800  }
0x66: {  	[sflag:s15] =	ssyncset.done $0x0  }
0x67: {  	[sflag:s15] =	ssyncadd.s32 $0xFFFFD800  }
0x68: {  	[spmem:s2] =	stream.indirect.scatter.add.f32 [tilespmem:s16], [sflag:$0x1], $0x80, s3, s17, $0xb8;
	[tilespmem:$0x16880] =	vst v63  }
0x69: {  	_ =	swait.ge [sflag:s15], $0x2800  }
0x6a: {  	[sflag:s15] =	ssyncset.done $0x0  }
0x6b: {  	[sflag:s15] =	ssyncadd.s32 $0xFFFFD800  }
0x6c: {  	[bflag:$0x0] =	sbarrier.arrive $0xFFFF  }
0x6d: {  	[hbm:s7], [sflag:s5] =	dma.local [spmem:s14], $0x2800  }
0x6e: {  	_ =	swait.ge [sflag:s15], $0x2800  }
0x6f: {  	[sflag:s15] =	ssyncset.done $0x0  }
0x70: {  	[sflag:s15] =	ssyncadd.s32 $0xFFFFD800  }
0x71: {  	[bflag:$0x0] =	sbarrier.arrive $0xFFFF  }
0x72: {  	[spmem:s14], [sflag:s5] =	dma.local [hbm:s4], $0x2800  }
0x73: {  	_ =	swait.ge [sflag:s15], $0x2800  }
0x74: {  	[sflag:s15] =	ssyncset.done $0x0  }
0x75: {  	[sflag:s15] =	ssyncadd.s32 $0xFFFFD800  }
0x76: {  	s31 =	sadd.s32 $0x0, s11;
	[bflag:$0x0] =	sbarrier.arrive $0xFFFF  }
0x77: {  	[tilespmem:s3], [sflag:$0x1] =	stream.linear.gather [hbm4b:s31+s3], $0x50, $0x38;
	[tilespmem:$0x16880] =	vst v63  }
0x78: {  	_ =	swait.ge [sflag:s15], $0x50  }
0x79: {  	[sflag:s15] =	ssyncset.done $0x0  }
0x7a: {  	[sflag:s15] =	ssyncadd.s32 $0xFFFFFFB0  }
0x7b: {  	[tilespmem:s16], [sflag:$0x1] =	stream.linear.gather [hbm4b:s13+s3], $0x2800, $0x38;
	[tilespmem:$0x16880] =	vst v63  }
0x7c: {  	_ =	swait.ge [sflag:s15], $0x2800  }
0x7d: {  	[sflag:s15] =	ssyncset.done $0x0  }
0x7e: {  	[sflag:s15] =	ssyncadd.s32 $0xFFFFD800  }
0x7f: {  	[spmem:s2] =	stream.indirect.scatter.add.f32 [tilespmem:s16], [sflag:$0x1], $0x80, s3, s17, $0xb8;
	[tilespmem:$0x16880] =	vst v63  }
0x80: {  	s21 =	simm.s32 $0x14;
	_ =	swait.ge [sflag:s15], $0x2800  }
0x81: {  	s20 =	simm.s32 $0xA;
	s19 =	sadd.s32 $0x500, s13;
	[sflag:s15] =	ssyncset.done $0x0  }
.LBB2_6:
0x82: {  	s22 =	sadd.s32 s20, s11  }
0x83: {  	[sflag:s15] =	ssyncadd.s32 $0xFFFFD800;
	s20 =	smov.u32 s21;
	s23 =	sadd.s32 $0xA, s21  }
0x84: {  	[tilespmem:s3], [sflag:$0x1] =	stream.linear.gather [hbm4b:s22+s3], $0x50, $0x38;
	[tilespmem:$0x16880] =	vst v63  }
0x85: {  	p0 =	sne.s32 s21, $0x4D8;
	_ =	swait.ge [sflag:s15], $0x50  }
0x86: {  	[sflag:s15] =	ssyncset.done $0x0  }
0x87: {  	[sflag:s15] =	ssyncadd.s32 $0xFFFFFFB0  }
0x88: {  	[tilespmem:s16], [sflag:$0x1] =	stream.linear.gather [hbm4b:s19+s3], $0x2800, $0x38;
	[tilespmem:$0x16880] =	vst v63  }
0x89: {  	_ =	swait.ge [sflag:s15], $0x2800  }
.Ltmp2:
0x8a: {  	[sflag:s15] =	ssyncset.done $0x0;
	(pc) =	sbr.rel @p0 .LBB2_6-.Ltmp2, $4  }
0x8b: {  	[sflag:s15] =	ssyncadd.s32 $0xFFFFD800  }
0x8c: {  	[spmem:s2] =	stream.indirect.scatter.add.f32 [tilespmem:s16], [sflag:$0x1], $0x80, s3, s17, $0xb8;
	[tilespmem:$0x16880] =	vst v63  }
0x8d: {  	_ =	swait.ge [sflag:s15], $0x2800  }
0x8e: {  	s21 =	smov.u32 s23;
	s19 =	sadd.s32 $0x500, s19;
	[sflag:s15] =	ssyncset.done $0x0  }
0x8f: {  	s20 =	sadd.s32 s20, s11;
	[sflag:s15] =	ssyncadd.s32 $0xFFFFD800  }
0x90: {  	[tilespmem:s3], [sflag:$0x1] =	stream.linear.gather [hbm4b:s20+s3], $0x50, $0x38;
	[tilespmem:$0x16880] =	vst v63  }
0x91: {  	_ =	swait.ge [sflag:s15], $0x50  }
0x92: {  	[sflag:s15] =	ssyncset.done $0x0  }
0x93: {  	[sflag:s15] =	ssyncadd.s32 $0xFFFFFFB0  }
0x94: {  	[tilespmem:s16], [sflag:$0x1] =	stream.linear.gather [hbm4b:s19+s3], $0x2800, $0x38;
	[tilespmem:$0x16880] =	vst v63  }
0x95: {  	_ =	swait.ge [sflag:s15], $0x2800  }
0x96: {  	[sflag:s15] =	ssyncset.done $0x0  }
0x97: {  	[sflag:s15] =	ssyncadd.s32 $0xFFFFD800  }
0x98: {  	[spmem:s2] =	stream.indirect.scatter.add.f32 [tilespmem:s16], [sflag:$0x1], $0x80, s3, s17, $0xb8;
	[tilespmem:$0x16880] =	vst v63  }
0x99: {  	_ =	swait.ge [sflag:s15], $0x2800  }
0x9a: {  	[sflag:s15] =	ssyncset.done $0x0  }
0x9b: {  	s18 =	sadd.s32 $0x1, s18;
	[sflag:s15] =	ssyncadd.s32 $0xFFFFD800  }
0x9c: {  	p0 =	sne.s32 s18, s10;
	[bflag:$0x0] =	sbarrier.arrive $0xFFFF  }
0x9d: {  	[hbm:s8], [sflag:s5] =	dma.local [spmem:s14], $0x2800  }
.Ltmp3:
0x9e: {  	_ =	swait.ge [sflag:s15], $0x2800;
	(pc) =	sbr.rel @p0 .LBB2_1-.Ltmp3, $3  }
0x9f: {  	[sflag:s15] =	ssyncset.done $0x0  }
0xa0: {  	[sflag:s15] =	ssyncadd.s32 $0xFFFFD800  }
0xa1: {  	[bflag:$0x0] =	sbarrier.arrive $0xFFFF;
	_ =	sdelay $0x1  }
0xa2: {  	_ =	sfence.sel $0x180000  }
0xa3: {  	[bflag:$0x0] =	sbarrier.arrive $0xFFFF  }
0xa4: {  	p0 =	sne.s32 s0, $0x0;
	_ =	strace $0x9000004A  }
0xa5: {  	s0 =	sadd.s32 @!p0 $0x100000, s1;
	[bflag:$0x2] =	sbarrier.arrive $0xFFFF  }
0xa6: {  	[sflag:s0] =	ssyncadd.tile.s32 @!p0 $0x1;
	_ =	shalt  }
.Lfunc_end2:
_tile_overlayer_lowered:
.L_overlay_start_2:
0xa7: {  	(tag) =	ssettag $0x2  }
0xa8: {  	s0 =	rddreg [dreg:$0x0];
	s2 =	stileid.u32  }
0xa9: {  	s1 =	rddreg [dreg:$0x1];
	p0 =	sne.s32 s2, $0x0  }
0xaa: {  	s3 =	rddreg [dreg:$0x2];
	[bflag:$0x3] =	sbarrier.arrive $0xFFFF;
	s2 =	simm.s32 @!p0 $0x1C01  }
0xab: {  	[timem:s3], [sflag:s2] =	dma.local @!p0 [hbm:s0], s1  }
0xac: {  	s0 =	simm.s32 @!p0 $0x1  }
0xad: {  	_ =	swait.ge @!p0 [sflag:s0], s1  }
0xae: {  	s1 =	ssub.s32 @!p0 $0x0, s1;
	[sflag:s0] =	ssyncset.done @!p0 $0x0  }
0xaf: {  	[sflag:s0] =	ssyncadd.s32 @!p0 s1  }
0xb0: {  	[bflag:$0x3] =	sbarrier.arrive $0xFFFF  }
0xb1: {  	_ =	shalt  }

// kernel: kernel.25.cloned.1.call-start
scs
__scs_entry_jumppad:
0x0: {  	(pc) =	sbr.rel $0x88, $3  }
0x1: {  	(tag) =	ssettag $0x0;
	lr =	simm.s32 $0x1  }
0x2: {  	[smem:$0x3F7A] =	sst lr;
	_ =	strace $0xD0000000  }
0x3: {  	_ = 	snop  }
0x4: {  	_ = 	snop  }
0x5: {  	_ = 	snop  }
0x6: {  	_ = 	snop  }
0x7: {  	_ = 	snop  }
__scs_overlays_trampoline_lowered:
0x8: {  	[smem:$0x3F89] =	sst s0  }
0x9: {  	[smem:$0x3F8A] =	sst s1  }
0xa: {  	[smem:$0x3F8B] =	sst s2  }
0xb: {  	[smem:$0x3F8C] =	sst s3  }
0xc: {  	[smem:$0x3F8D] =	sst s4  }
0xd: {  	[smem:$0x3F8E] =	sst s5  }
0xe: {  	[smem:$0x3F8F] =	sst s6  }
0xf: {  	[smem:$0x3F90] =	sst s7  }
0x10: {  	[smem:$0x3F91] =	sst s8  }
0x11: {  	[smem:$0x3F92] =	sst s9;
	s0 =	simm.s32 @!p0 $0x0  }
0x12: {  	s1 =	sld [smem:$0x3F78];
	s0 =	simm.s32 @p0 $0x1  }
0x13: {  	[smem:$0x3F93] =	sst s0;
	s0 =	simm.s32 @!p1 $0x0  }
0x14: {  	s2 =	sld [smem:$0x3F77];
	s0 =	simm.s32 @p1 $0x1  }
0x15: {  	[smem:$0x3F94] =	sst s0;
	s0 =	simm.s32 @!p2 $0x0  }
0x16: {  	s3 =	sld [smem:$0x3FDB];
	s0 =	simm.s32 @p2 $0x1  }
0x17: {  	s4 =	simm.s32 $0x1BF5;
	[smem:$0x3F96] =	sst s0  }
0x18: {  	s0 =	sld [smem:$0x3F79];
	_ =	swait.ge [sflag:s4], $0x0  }
0x19: {  	s7 =	sld [smem:$0x3F7A]  }
0x1a: {  	s8 =	sadd.s32 $0xFFFFE003, lr  }
0x1b: {  	s9 =	sadd.s32 $0xFFFFFEF7, lr;
	s5 =	simm.s32 $0xFFFFFFFF;
	p2 =	slt.u32 s8, $0xFFFFF086  }
0x1c: {  	p1 =	slt.u32 s9, $0xF7A;
	s5 =	simm.s32 @!p2 $0x0  }
0x1d: {  	s5 =	simm.s32 @p1 $0x1;
	p0 =	seq.s32 s7, s2  }
0x1e: {  	s7 =	smul.u32 @!p0 $0xF7A, s2;
	p2 =	seq.s32 @!p0 s5, $0x0  }
0x1f: {  	s9 =	smul.u32 $0xF7A, s1;
	s8 =	simm.s32 @!p0 $0x1BF5;
	p2 =	por !p2, p0  }
0x20: {  	[sflag:s8] =	ssyncset.s32 @!p0 $0xFFFFF086;
	s6 =	sadd.s32 @!p0 s3, s7;
	s7 =	simm.s32 @!p0 $0x108  }
0x21: {  	s3 =	sadd.s32 s3, s9;
	s6 =	sadd.s32 @!p0 $0x88, s6;
	s7 =	simm.s32 @p2 $0x1082  }
0x22: {  	[simem:s7], [sflag:s8] =	dma.local @!p0 [hbm:s6], $0xF7A  }
0x23: {  	s9 =	sor.u32 $0xD0000000, s2;
	s6 =	simm.s32 $0x108;
	_ =	swait.ge @!p0 [sflag:s8], $0x0  }
0x24: {  	s3 =	sadd.s32 $0x88, s3;
	s6 =	simm.s32 @!p1 $0x1082;
	[sflag:s4] =	ssyncset.s32 $0xFFFFF086  }
0x25: {  	[simem:s6], [sflag:s4] =	dma.local [hbm:s3], $0xF7A  }
0x26: {  	[smem:$0x3F7A] =	sst s1;
	(tag) =	ssettag s2;
	_ =	strace s9  }
0x27: {  	s1 =	sld [smem:$0x3F8A]  }
0x28: {  	s2 =	sld [smem:$0x3F8B]  }
0x29: {  	s4 =	sld [smem:$0x3F8D]  }
0x2a: {  	p0 =	seq.s32 s5, $0x0;
	s5 =	sld [smem:$0x3F8E]  }
0x2b: {  	s6 =	sld [smem:$0x3F8F]  }
0x2c: {  	s7 =	sld [smem:$0x3F90]  }
0x2d: {  	s3 =	simm.s32 $0x108;
	s8 =	sld [smem:$0x3F91]  }
0x2e: {  	s3 =	simm.s32 @!p0 $0x1082;
	s9 =	sld [smem:$0x3F92]  }
0x2f: {  	lr =	sadd.s32 s0, s3;
	s0 =	sld [smem:$0x3F89]  }
0x30: {  	s3 =	sld [smem:$0x3F8C]  }
0x31: {  	[smem:$0x3F95] =	sst s10  }
0x32: {  	s10 =	sld [smem:$0x3F93];
	_ =	sdelay $0x3  }
0x33: {  	p0 =	seq.s32 s10, $0x1;
	s10 =	sld [smem:$0x3F95];
	_ =	sdelay $0x3  }
0x34: {  	[smem:$0x3F95] =	sst s10  }
0x35: {  	s10 =	sld [smem:$0x3F94];
	_ =	sdelay $0x3  }
0x36: {  	p1 =	seq.s32 s10, $0x1;
	s10 =	sld [smem:$0x3F95];
	_ =	sdelay $0x3  }
0x37: {  	[smem:$0x3F95] =	sst s10  }
0x38: {  	s10 =	sld [smem:$0x3F96]  }
0x39: {  	_ = 	snop;
	(pc) =	sbr.ind lr, $3  }
0x3a: {  	_ = 	snop  }
0x3b: {  	_ = 	snop  }
0x3c: {  	p2 =	seq.s32 s10, $0x1;
	s10 =	sld [smem:$0x3F95]  }
0x3d: {  	_ =	shalt  }
0x3e: {  	_ =	shalt  }
0x3f: {  	_ =	shalt  }
0x40: {  	_ =	shalt  }
0x41: {  	_ =	shalt  }
0x42: {  	_ =	shalt  }
0x43: {  	_ =	shalt  }
0x44: {  	_ =	shalt  }
0x45: {  	_ =	shalt  }
0x46: {  	_ =	shalt  }
0x47: {  	_ =	shalt  }
0x48: {  	_ =	shalt  }
0x49: {  	_ =	shalt  }
0x4a: {  	_ =	shalt  }
0x4b: {  	_ =	shalt  }
0x4c: {  	_ =	shalt  }
0x4d: {  	_ =	shalt  }
0x4e: {  	_ =	shalt  }
0x4f: {  	_ =	shalt  }
0x50: {  	_ =	shalt  }
0x51: {  	_ =	shalt  }
0x52: {  	_ =	shalt  }
0x53: {  	_ =	shalt  }
0x54: {  	_ =	shalt  }
0x55: {  	_ =	shalt  }
0x56: {  	_ =	shalt  }
0x57: {  	_ =	shalt  }
0x58: {  	_ =	shalt  }
0x59: {  	_ =	shalt  }
0x5a: {  	_ =	shalt  }
0x5b: {  	_ =	shalt  }
0x5c: {  	_ =	shalt  }
0x5d: {  	_ =	shalt  }
0x5e: {  	_ =	shalt  }
0x5f: {  	_ =	shalt  }
0x60: {  	_ =	shalt  }
0x61: {  	_ =	shalt  }
0x62: {  	_ =	shalt  }
0x63: {  	_ =	shalt  }
0x64: {  	_ =	shalt  }
0x65: {  	_ =	shalt  }
0x66: {  	_ =	shalt  }
0x67: {  	_ =	shalt  }
0x68: {  	_ =	shalt  }
0x69: {  	_ =	shalt  }
0x6a: {  	_ =	shalt  }
0x6b: {  	_ =	shalt  }
0x6c: {  	_ =	shalt  }
0x6d: {  	_ =	shalt  }
0x6e: {  	_ =	shalt  }
0x6f: {  	_ =	shalt  }
0x70: {  	_ =	shalt  }
0x71: {  	_ =	shalt  }
0x72: {  	_ =	shalt  }
0x73: {  	_ =	shalt  }
0x74: {  	_ =	shalt  }
0x75: {  	_ =	shalt  }
0x76: {  	_ =	shalt  }
0x77: {  	_ =	shalt  }
0x78: {  	_ =	shalt  }
0x79: {  	_ =	shalt  }
0x7a: {  	_ =	shalt  }
0x7b: {  	_ =	shalt  }
0x7c: {  	_ =	shalt  }
0x7d: {  	_ =	shalt  }
0x7e: {  	_ =	shalt  }
0x7f: {  	_ =	shalt  }
0x80: {  	_ =	shalt  }
0x81: {  	_ =	shalt  }
0x82: {  	_ =	shalt  }
0x83: {  	_ =	shalt  }
0x84: {  	_ =	shalt  }
0x85: {  	_ =	shalt  }
0x86: {  	_ =	shalt  }
0x87: {  	_ =	shalt  }
.Lfunc_end0:
.L_simem_size_0:
called_computation.2_lowered:
.L_overlay_start_0:
0x88: {  	s2 =	sld [smem:$0x3FD9]  }
0x89: {  	s3 =	sld [smem:$0x3FFE];
	_ =	sdelay $0x1  }
0x8a: {  	s1 =	srdreg.scid  }
0x8b: {  	s0 =	sand.u32 $0x1, s1  }
0x8c: {  	s16 =	sshll.u32 s0, $0xA;
	s2 =	sadd.s32 s3, s2  }
0x8d: {  	s2 =	sadd.s32 s2, s16  }
0x8e: {  	[smem:$0x3FA1] =	sst s2  }
0x8f: {  	_ = 	snop  }
0x90: {  	(tm) =	ssettm $0x1  }
0x91: {  	s17 =	sld [smem:$0x3FFB];
	_ =	sdelay $0x3  }
0x92: {  	_ =	strace s17  }
0x93: {  	s2 =	sld [smem:$0x3FFC];
	_ =	sdelay $0x3  }
0x94: {  	_ =	strace s2  }
0x95: {  	s2 =	sld [smem:$0x3FFD];
	_ =	sdelay $0x3  }
0x96: {  	_ =	strace s2  }
0x97: {  	_ =	strace $0x8FFFFFFF  }
0x98: {  	s18 =	sld [smem:$0x3FDB];
	_ =	sdelay $0x1  }
0x99: {  	s19 =	simm.s32 $_scs_section_size  }
0x9a: {  	s4 =	simm.s32 $_size__tile_overlayer_lowered;
	s5 =	simm.s32 $_tile_overlayer_lowered  }
0x9b: {  	s22 =	simm.s32 $0x1BFF;
	s21 =	sshll.u32 s5, $0x1;
	s2 =	sadd.s32 s19, s18  }
0x9c: {  	s6 =	simm.s32 $0x0;
	s20 =	sshll.u32 s4, $0x1;
	s4 =	sadd.s32 s21, s2  }
0x9d: {  	[timem:s6], [sflag:s22] =	dma.local [hbm:s4], s20  }
0x9e: {  	_ =	swait.ge [sflag:s22], s20  }
0x9f: {  	s3 =	ssub.s32 $0x0, s20;
	[sflag:s22] =	ssyncset.done $0x0  }
0xa0: {  	[sflag:s22] =	ssyncadd.s32 s3;
	_ =	sdelay $0x1  }
0xa1: {  	s23 =	simm.s32 $0x1B8B  }
0xa2: {  	_ =	swait.ge [sflag:s23], $0x1  }
0xa3: {  	[sflag:s23] =	ssyncset.done $0x0  }
0xa4: {  	s25 =	simm.s32 $0x1B8E;
	s24 =	sld [smem:$0x3FFE];
	[sflag:s23] =	ssyncadd.s32 $0xFFFFFFFF  }
0xa5: {  	s26 =	simm.s32 $execute0_lowered;
	[smem:$0x3FD2] =	sst s25  }
0xa6: {  	s4 =	sshll.u32 s26, $0x1;
	_ =	strace $0x8000004C;
	[dreg:$0x1] =	wrdreg $0xFFFFFFFF  }
0xa7: {  	s28 =	simm.s32 $_size_execute0_lowered;
	s2 =	sadd.s32 s2, s4;
	[dreg:$0x0] =	wrdreg $0x0  }
0xa8: {  	s4 =	sshll.u32 s28, $0x1;
	[dreg:$0x2] =	wrdreg s2  }
0xa9: {  	[dreg:$0x3] =	wrdreg s4  }
0xaa: {  	[dreg:$0x4] =	wrdreg $0xC0  }
0xab: {  	_ =	task [dreg:s6], $0x5FFFF  }
0xac: {  	[dreg:$0x1] =	wrdreg $0xFFFFFFFF  }
0xad: {  	[dreg:$0x0] =	wrdreg $0x60  }
0xae: {  	[dreg:$0x2] =	wrdreg s24  }
0xaf: {  	[dreg:$0x3] =	wrdreg $0x9  }
0xb0: {  	_ =	task.clear_ibuf [dreg:s6], $0x4FFFF;
	_ =	strace $0x9000004C  }
0xb1: {  	s29 =	simm.s32 $0x9;
	_ =	strace $0x8000004E  }
0xb2: {  	_ =	swait.ge [sflag:s29], $0x1  }
0xb3: {  	[sflag:s29] =	ssyncadd.s32 $0xFFFFFFFF  }
0xb4: {  	_ =	strace $0x9000004E  }
0xb5: {  	_ =	sfence  }
0xb6: {  	s30 =	sld [smem:$0x0];
	_ =	sdelay $0x2  }
0xb7: {  	s31 =	sshll.u32 s1, $0xD;
	s1 =	sshrl.u32 s1, $0x2  }
0xb8: {  	s3 =	sand.u32 $0x4000, s31;
	s1 =	sadd.s32 s1, s30  }
0xb9: {  	s0 =	sor.u32 s3, s0;
	s1 =	sshll.u32 s1, $0x11  }
0xba: {  	s0 =	sor.u32 s1, s0  }
0xbb: {  	s0 =	sadd.s32 $0x8F2B, s0  }
0xbc: {  	[sflag:s0] =	ssyncadd.remote.s32 $0x1  }
0xbd: {  	_ =	sfence.sel $0xFFFF  }
0xbe: {  	[dreg:$0x0] =	wrdreg $0xFFFFFFFF;
	(pc) =	sbr.abs _section_cstart, $3  }
0xbf: {  	[dreg:$0x1] =	wrdreg $0xFFFFFFFF  }
0xc0: {  	_ =	task.clear_ibuf [dreg:s6], $0x2FFFF;
	_ =	strace $0x9FFFFFFF  }
0xc1: {  	(tm) =	ssettm $0x7FFFFFFF  }
tec
execute0_lowered:
.L_overlay_start_1:
0x0: {  	(tag) =	ssettag $0x1  }
0x1: {  	s6 =	rddreg [dreg:$0x0];
	s2 =	simm.s32 $0x0  }
0x2: {  	s9 =	simm.s32 $0x80;
	[smem:$0x7FF] =	sst s2  }
0x3: {  	s13 =	simm.s32 $0x900;
	_ =	strace $0x8000004D;
	[dreg:$0x5] =	wrdreg s9  }
0x4: {  	s14 =	simm.s32 $0x1100;
	[dreg:$0x6] =	wrdreg s13  }
0x5: {  	s15 =	simm.s32 $0x1900;
	[dreg:$0x7] =	wrdreg s14  }
0x6: {  	s1 =	srdreg.scid;
	s17 =	simm.s32 $0x2100;
	[dreg:$0x8] =	wrdreg s15  }
0x7: {  	s0 =	stileid.u32;
	s18 =	simm.s32 $0x2900;
	[dreg:$0x9] =	wrdreg s17  }
0x8: {  	s20 =	simm.s32 $0x3100;
	s21 =	simm.s32 $0x3900;
	[dreg:$0xa] =	wrdreg s18  }
0x9: {  	s23 =	simm.s32 $0x4100;
	s24 =	simm.s32 $0x4900;
	[dreg:$0xb] =	wrdreg s20  }
0xa: {  	s25 =	simm.s32 $0x5900;
	s26 =	simm.s32 $0x6100;
	[dreg:$0xc] =	wrdreg s21  }
0xb: {  	s10 =	simm.s32 $0x100;
	s30 =	simm.s32 $0x6900;
	[dreg:$0xd] =	wrdreg s23  }
0xc: {  	s31 =	simm.s32 $0x7100;
	s3 =	smul.u32 $0x9C400, s0;
	[dreg:$0xe] =	wrdreg s24  }
0xd: {  	s1 =	sand.u32 $0x1, s1;
	s8 =	smul.u32 $0x4E20, s0;
	[dreg:$0xf] =	wrdreg s25  }
0xe: {  	s28 =	simm.s32 $0xE900;
	s4 =	smul.u32 $0x4E200, s1;
	[dreg:$0x10] =	wrdreg s26  }
0xf: {  	s29 =	simm.s32 $0x0;
	s12 =	smul.u32 $0x2710, s1;
	[dreg:$0x11] =	wrdreg s30  }
0x10: {  	s1 =	ssub.s32 $0x2, s1;
	s9 =	simm.s32 $0x2;
	[dreg:$0x12] =	wrdreg s31  }
0x11: {  	s13 =	simm.s32 $0x7900;
	s14 =	simm.s32 $0x8100;
	s15 =	simm.s32 $0x8900  }
0x12: {  	s17 =	simm.s32 $0x9900;
	s18 =	simm.s32 $0xA100;
	s20 =	simm.s32 $0xB100  }
0x13: {  	s21 =	simm.s32 $0xB900;
	s23 =	simm.s32 $0xC900;
	s24 =	simm.s32 $0xD100  }
0x14: {  	s25 =	simm.s32 $0xD900;
	s26 =	simm.s32 $0xE100;
	s3 =	sadd.s32 s3, s6  }
0x15: {  	s19 =	sshrl.u32 s1, $0x1;
	s5 =	sadd.s32 s4, s3;
	s3 =	sadd.s32 $0x21B400, s6  }
0x16: {  	s4 =	sadd.s32 $0x1CD200, s6;
	s1 =	ssub.s32 s1, s19;
	s7 =	sadd.s32 $0x2B7800, s5  }
0x17: {  	s19 =	simm.s32 $0xA900;
	s11 =	sadd.s32 $0xC7B800, s5;
	[dreg:$0x2] =	wrdreg s7  }
0x18: {  	s5 =	sadd.s32 $0x163F800, s5;
	s22 =	smax.u32 s1, $0x1;
	[dreg:$0x3] =	wrdreg s11  }
0x19: {  	[dreg:$0x4] =	wrdreg s5;
	s5 =	sadd.s32 $0x17F000, s6;
	s7 =	sadd.s32 s12, s8  }
0x1a: {  	v2 =	vlaneseq.u32;
	[dreg:$0x13] =	wrdreg s22;
	s11 =	simm.s32 $0x1;
	s7 =	sshrl.u32 s7, $0x3  }
0x1b: {  	vm0 =	vmmov $0xffff;
	v1 =	vshrl.u32 v2, $0x3;
	s12 =	simm.s32 $0x5100;
	s22 =	simm.s32 $0xC100;
	s16 =	sadd.s32 s7, s6  }
0x1c: {  	v0 =	vand.u32 $0x7, v2;
	v2 =	vor.u32 $0x8, v2;
	v1 =	vmul.u32 $0x8, v1;
	s7 =	sadd.s32 $0x14A00, s16;
	s8 =	sadd.s32 $0xAC00, s16;
	s16 =	simm.s32 $0x9100  }
.LBB2_1:
0x1d: {  	s30 =	smov.u32 s8;
	s31 =	smov.u32 s7;
	s1 =	simm.s32 $0x0  }
.LBB2_2:
0x1e: {  	[tilespmem:s2], [sflag:$0x2] =	stream.linear.gather [hbm4b:s30+s2], $0x50, $0x38;
	[tilespmem:$0xF100] =	vst v63  }
0x1f: {  	_ =	swait.ge [sflag:s9], $0x50  }
0x20: {  	[sflag:s9] =	ssyncset.done $0x0  }
0x21: {  	s0 =	rddreg [dreg:$0x5];
	[sflag:s9] =	ssyncadd.s32 $0xFFFFFFB0  }
0x22: {  	[tilespmem:s0], [sflag:$0x2] =	stream.linear.gather [hbm4b:s31+s2], $0x50, $0x38;
	[tilespmem:$0xF100] =	vst v63  }
0x23: {  	_ =	swait.ge [sflag:s9], $0x50  }
0x24: {  	[sflag:s9] =	ssyncset.done $0x0  }
0x25: {  	[sflag:s9] =	ssyncadd.s32 $0xFFFFFFB0  }
0x26: {  	v3 =	vld [tilespmem:$0x80];
	_ =	sdelay $0x4  }
0x27: {  	v4 =	vshll.u32 v3, $0x1  }
0x28: {  	v3 =	vand.u32 $0x7, v3;
	v4 =	vand.u32 $0xFFFFFFF0, v4  }
0x29: {  	v3 =	vor.u32 v3, v4  }
0x2a: {  	v4 =	vperm.xlane v3, v0;
	_ =	sdelay $0x1  }
0x2b: {  	v3 =	vperm.xlane v3, v2;
	v4 =	vadd.s32 v1, v4;
	_ =	sdelay $0x1  }
0x2c: {  	v3 =	vadd.s32 v1, v3;
	_ =	sdelay $0x2  }
0x2d: {  	[tilespmem:s10], [sflag:$0x1] =	stream.indirect_vreg.gather [hbm4b:s3+s2], $0x80, v4, vm0, $0xb8;
	[tilespmem:$0xF100] =	vst v63  }
0x2e: {  	s6 =	rddreg [dreg:$0x6]  }
0x2f: {  	[tilespmem:s6], [sflag:$0x1] =	stream.indirect_vreg.gather [hbm4b:s3+s2], $0x80, v3, vm0, $0xb8;
	[tilespmem:$0xF100] =	vst v63  }
0x30: {  	v3 =	vld [tilespmem:$0x90];
	_ =	sdelay $0x4  }
0x31: {  	v50 =	vshll.u32 v3, $0x1  }
0x32: {  	v3 =	vand.u32 $0x7, v3;
	v4 =	vand.u32 $0xFFFFFFF0, v50  }
0x33: {  	v3 =	vor.u32 v3, v4  }
0x34: {  	v4 =	vperm.xlane v3, v0;
	_ =	sdelay $0x1  }
0x35: {  	v3 =	vperm.xlane v3, v2;
	v4 =	vadd.s32 v1, v4;
	_ =	sdelay $0x1  }
0x36: {  	v3 =	vadd.s32 v1, v3;
	_ =	sdelay $0x1  }
0x37: {  	s0 =	rddreg [dreg:$0x7]  }
0x38: {  	[tilespmem:s0], [sflag:$0x1] =	stream.indirect_vreg.gather [hbm4b:s3+s2], $0x80, v4, vm0, $0xb8;
	[tilespmem:$0xF100] =	vst v63  }
0x39: {  	s6 =	rddreg [dreg:$0x8]  }
0x3a: {  	[tilespmem:s6], [sflag:$0x1] =	stream.indirect_vreg.gather [hbm4b:s3+s2], $0x80, v3, vm0, $0xb8;
	[tilespmem:$0xF100] =	vst v63  }
0x3b: {  	v3 =	vld [tilespmem:$0xA0];
	_ =	sdelay $0x4  }
0x3c: {  	v51 =	vshll.u32 v3, $0x1  }
0x3d: {  	v3 =	vand.u32 $0x7, v3;
	v4 =	vand.u32 $0xFFFFFFF0, v51  }
0x3e: {  	v3 =	vor.u32 v3, v4  }
0x3f: {  	v4 =	vperm.xlane v3, v0;
	_ =	sdelay $0x1  }
0x40: {  	v3 =	vperm.xlane v3, v2;
	v4 =	vadd.s32 v1, v4;
	_ =	sdelay $0x1  }
0x41: {  	v3 =	vadd.s32 v1, v3;
	_ =	sdelay $0x1  }
0x42: {  	s0 =	rddreg [dreg:$0x9]  }
0x43: {  	[tilespmem:s0], [sflag:$0x1] =	stream.indirect_vreg.gather [hbm4b:s3+s2], $0x80, v4, vm0, $0xb8;
	[tilespmem:$0xF100] =	vst v63  }
0x44: {  	s6 =	rddreg [dreg:$0xa]  }
0x45: {  	[tilespmem:s6], [sflag:$0x1] =	stream.indirect_vreg.gather [hbm4b:s3+s2], $0x80, v3, vm0, $0xb8;
	[tilespmem:$0xF100] =	vst v63  }
0x46: {  	v3 =	vld [tilespmem:$0xB0];
	_ =	sdelay $0x4  }
0x47: {  	v52 =	vshll.u32 v3, $0x1  }
0x48: {  	v3 =	vand.u32 $0x7, v3;
	v4 =	vand.u32 $0xFFFFFFF0, v52  }
0x49: {  	v3 =	vor.u32 v3, v4  }
0x4a: {  	v4 =	vperm.xlane v3, v0;
	_ =	sdelay $0x1  }
0x4b: {  	v3 =	vperm.xlane v3, v2;
	v4 =	vadd.s32 v1, v4;
	_ =	sdelay $0x1  }
0x4c: {  	v3 =	vadd.s32 v1, v3;
	_ =	sdelay $0x1  }
0x4d: {  	s0 =	rddreg [dreg:$0xb]  }
0x4e: {  	[tilespmem:s0], [sflag:$0x1] =	stream.indirect_vreg.gather [hbm4b:s3+s2], $0x80, v4, vm0, $0xb8;
	[tilespmem:$0xF100] =	vst v63  }
0x4f: {  	s6 =	rddreg [dreg:$0xc]  }
0x50: {  	[tilespmem:s6], [sflag:$0x1] =	stream.indirect_vreg.gather [hbm4b:s3+s2], $0x80, v3, vm0, $0xb8;
	[tilespmem:$0xF100] =	vst v63  }
0x51: {  	v3 =	vld [tilespmem:$0xC0];
	_ =	sdelay $0x4  }
0x52: {  	v53 =	vshll.u32 v3, $0x1  }
0x53: {  	v3 =	vand.u32 $0x7, v3;
	v4 =	vand.u32 $0xFFFFFFF0, v53  }
0x54: {  	v3 =	vor.u32 v3, v4  }
0x55: {  	v4 =	vperm.xlane v3, v0;
	_ =	sdelay $0x1  }
0x56: {  	v3 =	vperm.xlane v3, v2;
	v4 =	vadd.s32 v1, v4;
	_ =	sdelay $0x1  }
0x57: {  	v3 =	vadd.s32 v1, v3;
	_ =	sdelay $0x1  }
0x58: {  	s0 =	rddreg [dreg:$0xd]  }
0x59: {  	[tilespmem:s0], [sflag:$0x1] =	stream.indirect_vreg.gather [hbm4b:s3+s2], $0x80, v4, vm0, $0xb8;
	[tilespmem:$0xF100] =	vst v63  }
0x5a: {  	s6 =	rddreg [dreg:$0xe]  }
0x5b: {  	[tilespmem:s6], [sflag:$0x1] =	stream.indirect_vreg.gather [hbm4b:s3+s2], $0x80, v3, vm0, $0xb8;
	[tilespmem:$0xF100] =	vst v63  }
0x5c: {  	_ =	swait.ge [sflag:s11], $0x5000  }
0x5d: {  	[sflag:s11] =	ssyncset.done $0x0  }
0x5e: {  	[sflag:s11] =	ssyncadd.s32 $0xFFFFB000  }
0x5f: {  	v3 =	vld [tilespmem:$0x0];
	_ =	sdelay $0x4  }
0x60: {  	v54 =	vshll.u32 v3, $0x1  }
0x61: {  	v3 =	vand.u32 $0x7, v3;
	v4 =	vand.u32 $0xFFFFFFF0, v54  }
0x62: {  	v3 =	vor.u32 v3, v4  }
0x63: {  	v4 =	vperm.xlane v3, v0;
	_ =	sdelay $0x1  }
0x64: {  	v3 =	vperm.xlane v3, v2;
	v4 =	vadd.s32 v1, v4;
	_ =	sdelay $0x1  }
0x65: {  	v3 =	vadd.s32 v1, v3;
	_ =	sdelay $0x2  }
0x66: {  	[tilespmem:s12], [sflag:$0x1] =	stream.indirect_vreg.gather [hbm4b:s4+s2], $0x80, v4, vm0, $0xb8;
	[tilespmem:$0xF100] =	vst v63  }
0x67: {  	s6 =	rddreg [dreg:$0xf]  }
0x68: {  	[tilespmem:s6], [sflag:$0x1] =	stream.indirect_vreg.gather [hbm4b:s4+s2], $0x80, v3, vm0, $0xb8;
	[tilespmem:$0xF100] =	vst v63  }
0x69: {  	v3 =	vld [tilespmem:$0x10];
	_ =	sdelay $0x4  }
0x6a: {  	v55 =	vshll.u32 v3, $0x1  }
0x6b: {  	v3 =	vand.u32 $0x7, v3;
	v4 =	vand.u32 $0xFFFFFFF0, v55  }
0x6c: {  	v3 =	vor.u32 v3, v4  }
0x6d: {  	v4 =	vperm.xlane v3, v0;
	_ =	sdelay $0x1  }
0x6e: {  	v3 =	vperm.xlane v3, v2;
	v4 =	vadd.s32 v1, v4;
	_ =	sdelay $0x1  }
0x6f: {  	v3 =	vadd.s32 v1, v3;
	_ =	sdelay $0x1  }
0x70: {  	s0 =	rddreg [dreg:$0x10]  }
0x71: {  	[tilespmem:s0], [sflag:$0x1] =	stream.indirect_vreg.gather [hbm4b:s4+s2], $0x80, v4, vm0, $0xb8;
	[tilespmem:$0xF100] =	vst v63  }
0x72: {  	s6 =	rddreg [dreg:$0x11]  }
0x73: {  	[tilespmem:s6], [sflag:$0x1] =	stream.indirect_vreg.gather [hbm4b:s4+s2], $0x80, v3, vm0, $0xb8;
	[tilespmem:$0xF100] =	vst v63  }
0x74: {  	v3 =	vld [tilespmem:$0x20];
	_ =	sdelay $0x4  }
0x75: {  	v56 =	vshll.u32 v3, $0x1  }
0x76: {  	v3 =	vand.u32 $0x7, v3;
	v4 =	vand.u32 $0xFFFFFFF0, v56  }
0x77: {  	v3 =	vor.u32 v3, v4  }
0x78: {  	v4 =	vperm.xlane v3, v0;
	_ =	sdelay $0x1  }
0x79: {  	v3 =	vperm.xlane v3, v2;
	v4 =	vadd.s32 v1, v4;
	_ =	sdelay $0x1  }
0x7a: {  	v3 =	vadd.s32 v1, v3;
	_ =	sdelay $0x1  }
0x7b: {  	s6 =	rddreg [dreg:$0x12]  }
0x7c: {  	[tilespmem:s6], [sflag:$0x1] =	stream.indirect_vreg.gather [hbm4b:s4+s2], $0x80, v4, vm0, $0xb8;
	[tilespmem:$0xF100] =	vst v63  }
0x7d: {  	_ = 	snop  }
0x7e: {  	[tilespmem:s13], [sflag:$0x1] =	stream.indirect_vreg.gather [hbm4b:s4+s2], $0x80, v3, vm0, $0xb8;
	[tilespmem:$0xF100] =	vst v63  }
0x7f: {  	v3 =	vld [tilespmem:$0x30];
	_ =	sdelay $0x4  }
0x80: {  	v57 =	vshll.u32 v3, $0x1  }
0x81: {  	v3 =	vand.u32 $0x7, v3;
	v4 =	vand.u32 $0xFFFFFFF0, v57  }
0x82: {  	v3 =	vor.u32 v3, v4  }
0x83: {  	v4 =	vperm.xlane v3, v0;
	_ =	sdelay $0x1  }
0x84: {  	v3 =	vperm.xlane v3, v2;
	v4 =	vadd.s32 v1, v4;
	_ =	sdelay $0x1  }
0x85: {  	v3 =	vadd.s32 v1, v3;
	_ =	sdelay $0x2  }
0x86: {  	[tilespmem:s14], [sflag:$0x1] =	stream.indirect_vreg.gather [hbm4b:s4+s2], $0x80, v4, vm0, $0xb8;
	[tilespmem:$0xF100] =	vst v63  }
0x87: {  	_ = 	snop  }
0x88: {  	[tilespmem:s15], [sflag:$0x1] =	stream.indirect_vreg.gather [hbm4b:s4+s2], $0x80, v3, vm0, $0xb8;
	[tilespmem:$0xF100] =	vst v63  }
0x89: {  	v3 =	vld [tilespmem:$0x40];
	_ =	sdelay $0x4  }
0x8a: {  	v58 =	vshll.u32 v3, $0x1  }
0x8b: {  	v3 =	vand.u32 $0x7, v3;
	v4 =	vand.u32 $0xFFFFFFF0, v58  }
0x8c: {  	v3 =	vor.u32 v3, v4  }
0x8d: {  	v4 =	vperm.xlane v3, v0;
	_ =	sdelay $0x1  }
0x8e: {  	v3 =	vperm.xlane v3, v2;
	v4 =	vadd.s32 v1, v4;
	_ =	sdelay $0x1  }
0x8f: {  	v3 =	vadd.s32 v1, v3;
	_ =	sdelay $0x2  }
0x90: {  	[tilespmem:s16], [sflag:$0x1] =	stream.indirect_vreg.gather [hbm4b:s4+s2], $0x80, v4, vm0, $0xb8;
	[tilespmem:$0xF100] =	vst v63  }
0x91: {  	_ = 	snop  }
0x92: {  	[tilespmem:s17], [sflag:$0x1] =	stream.indirect_vreg.gather [hbm4b:s4+s2], $0x80, v3, vm0, $0xb8;
	[tilespmem:$0xF100] =	vst v63  }
0x93: {  	_ =	swait.ge [sflag:s11], $0x5000  }
0x94: {  	[sflag:s11] =	ssyncset.done $0x0  }
0x95: {  	[sflag:s11] =	ssyncadd.s32 $0xFFFFB000  }
0x96: {  	v3 =	vld [tilespmem:$0x0];
	_ =	sdelay $0x4  }
0x97: {  	v59 =	vshll.u32 v3, $0x1  }
0x98: {  	v3 =	vand.u32 $0x7, v3;
	v4 =	vand.u32 $0xFFFFFFF0, v59  }
0x99: {  	v3 =	vor.u32 v3, v4  }
0x9a: {  	v4 =	vperm.xlane v3, v0;
	_ =	sdelay $0x1  }
0x9b: {  	v3 =	vperm.xlane v3, v2;
	v4 =	vadd.s32 v1, v4;
	_ =	sdelay $0x1  }
0x9c: {  	v3 =	vadd.s32 v1, v3;
	_ =	sdelay $0x2  }
0x9d: {  	[tilespmem:s18], [sflag:$0x1] =	stream.indirect_vreg.gather [hbm4b:s5+s2], $0x80, v4, vm0, $0xb8;
	[tilespmem:$0xF100] =	vst v63  }
0x9e: {  	_ = 	snop  }
0x9f: {  	[tilespmem:s19], [sflag:$0x1] =	stream.indirect_vreg.gather [hbm4b:s5+s2], $0x80, v3, vm0, $0xb8;
	[tilespmem:$0xF100] =	vst v63  }
0xa0: {  	v3 =	vld [tilespmem:$0x10];
	_ =	sdelay $0x4  }
0xa1: {  	v60 =	vshll.u32 v3, $0x1  }
0xa2: {  	v3 =	vand.u32 $0x7, v3;
	v4 =	vand.u32 $0xFFFFFFF0, v60  }
0xa3: {  	v3 =	vor.u32 v3, v4  }
0xa4: {  	v4 =	vperm.xlane v3, v0;
	_ =	sdelay $0x1  }
0xa5: {  	v3 =	vperm.xlane v3, v2;
	v4 =	vadd.s32 v1, v4;
	_ =	sdelay $0x1  }
0xa6: {  	v3 =	vadd.s32 v1, v3;
	_ =	sdelay $0x2  }
0xa7: {  	[tilespmem:s20], [sflag:$0x1] =	stream.indirect_vreg.gather [hbm4b:s5+s2], $0x80, v4, vm0, $0xb8;
	[tilespmem:$0xF100] =	vst v63  }
0xa8: {  	_ = 	snop  }
0xa9: {  	[tilespmem:s21], [sflag:$0x1] =	stream.indirect_vreg.gather [hbm4b:s5+s2], $0x80, v3, vm0, $0xb8;
	[tilespmem:$0xF100] =	vst v63  }
0xaa: {  	v3 =	vld [tilespmem:$0x20];
	_ =	sdelay $0x4  }
0xab: {  	v61 =	vshll.u32 v3, $0x1  }
0xac: {  	v3 =	vand.u32 $0x7, v3;
	v4 =	vand.u32 $0xFFFFFFF0, v61  }
0xad: {  	v3 =	vor.u32 v3, v4  }
0xae: {  	v4 =	vperm.xlane v3, v0;
	_ =	sdelay $0x1  }
0xaf: {  	v3 =	vperm.xlane v3, v2;
	v4 =	vadd.s32 v1, v4;
	_ =	sdelay $0x1  }
0xb0: {  	v3 =	vadd.s32 v1, v3;
	_ =	sdelay $0x2  }
0xb1: {  	[tilespmem:s22], [sflag:$0x1] =	stream.indirect_vreg.gather [hbm4b:s5+s2], $0x80, v4, vm0, $0xb8;
	[tilespmem:$0xF100] =	vst v63  }
0xb2: {  	_ = 	snop  }
0xb3: {  	[tilespmem:s23], [sflag:$0x1] =	stream.indirect_vreg.gather [hbm4b:s5+s2], $0x80, v3, vm0, $0xb8;
	[tilespmem:$0xF100] =	vst v63  }
0xb4: {  	v3 =	vld [tilespmem:$0x30];
	_ =	sdelay $0x4  }
0xb5: {  	v62 =	vshll.u32 v3, $0x1  }
0xb6: {  	v3 =	vand.u32 $0x7, v3;
	v4 =	vand.u32 $0xFFFFFFF0, v62  }
0xb7: {  	v3 =	vor.u32 v3, v4  }
0xb8: {  	v4 =	vperm.xlane v3, v0;
	_ =	sdelay $0x1  }
0xb9: {  	v3 =	vperm.xlane v3, v2;
	v4 =	vadd.s32 v1, v4;
	_ =	sdelay $0x1  }
0xba: {  	v3 =	vadd.s32 v1, v3;
	_ =	sdelay $0x2  }
0xbb: {  	[tilespmem:s24], [sflag:$0x1] =	stream.indirect_vreg.gather [hbm4b:s5+s2], $0x80, v4, vm0, $0xb8;
	[tilespmem:$0xF100] =	vst v63  }
0xbc: {  	_ = 	snop  }
0xbd: {  	[tilespmem:s25], [sflag:$0x1] =	stream.indirect_vreg.gather [hbm4b:s5+s2], $0x80, v3, vm0, $0xb8;
	[tilespmem:$0xF100] =	vst v63  }
0xbe: {  	v3 =	vld [tilespmem:$0x40];
	_ =	sdelay $0x4  }
0xbf: {  	v63 =	vshll.u32 v3, $0x1  }
0xc0: {  	v3 =	vand.u32 $0x7, v3;
	v4 =	vand.u32 $0xFFFFFFF0, v63  }
0xc1: {  	v3 =	vor.u32 v3, v4  }
0xc2: {  	v4 =	vperm.xlane v3, v0;
	_ =	sdelay $0x1  }
0xc3: {  	v3 =	vperm.xlane v3, v2;
	v4 =	vadd.s32 v1, v4;
	_ =	sdelay $0x1  }
0xc4: {  	v3 =	vadd.s32 v1, v3;
	_ =	sdelay $0x2  }
0xc5: {  	[tilespmem:s26], [sflag:$0x1] =	stream.indirect_vreg.gather [hbm4b:s5+s2], $0x80, v4, vm0, $0xb8;
	[tilespmem:$0xF100] =	vst v63  }
0xc6: {  	_ = 	snop  }
0xc7: {  	[tilespmem:s28], [sflag:$0x1] =	stream.indirect_vreg.gather [hbm4b:s5+s2], $0x80, v3, vm0, $0xb8;
	[tilespmem:$0xF100] =	vst v63  }
0xc8: {  	_ =	swait.ge [sflag:s11], $0x5000  }
0xc9: {  	s6 =	rddreg [dreg:$0x2];
	[sflag:s11] =	ssyncset.done $0x0  }
0xca: {  	[sflag:s11] =	ssyncadd.s32 $0xFFFFB000;
	s0 =	sadd.s32 s1, s6  }
0xcb: {  	[hbm4b:s0+s2] =	stream.linear.scatter [tilespmem:s10], [sflag:$0x2], $0x5000, $0x38;
	[tilespmem:$0xF100] =	vst v63  }
0xcc: {  	_ =	swait.ge [sflag:s9], $0x5000  }
0xcd: {  	s6 =	rddreg [dreg:$0x3];
	[sflag:s9] =	ssyncset.done $0x0  }
0xce: {  	[sflag:s9] =	ssyncadd.s32 $0xFFFFB000;
	s0 =	sadd.s32 s1, s6  }
0xcf: {  	[hbm4b:s0+s2] =	stream.linear.scatter [tilespmem:s12], [sflag:$0x2], $0x5000, $0x38;
	[tilespmem:$0xF100] =	vst v63  }
0xd0: {  	_ =	swait.ge [sflag:s9], $0x5000  }
0xd1: {  	p0 =	sne.s32 s1, $0x4D800;
	s6 =	rddreg [dreg:$0x4];
	[sflag:s9] =	ssyncset.done $0x0  }
.Ltmp0:
0xd2: {  	[sflag:s9] =	ssyncadd.s32 $0xFFFFB000;
	s0 =	sadd.s32 s1, s6;
	(pc) =	sbr.rel @p0 .LBB2_2-.Ltmp0, $4  }
0xd3: {  	[hbm4b:s0+s2] =	stream.linear.scatter [tilespmem:s18], [sflag:$0x2], $0x5000, $0x38;
	[tilespmem:$0xF100] =	vst v63  }
0xd4: {  	_ =	swait.ge [sflag:s9], $0x5000  }
0xd5: {  	s30 =	sadd.s32 $0xA, s30;
	[sflag:s9] =	ssyncset.done $0x0  }
0xd6: {  	s31 =	sadd.s32 $0xA, s31;
	s1 =	sadd.s32 $0xA00, s1;
	[sflag:s9] =	ssyncadd.s32 $0xFFFFB000  }
0xd7: {  	s29 =	sadd.s32 $0x1, s29;
	s0 =	rddreg [dreg:$0x13]  }
0xd8: {  	p0 =	sne.s32 s29, s0  }
.Ltmp1:
0xd9: {  	_ = 	snop;
	(pc) =	sbr.rel @p0 .LBB2_1-.Ltmp1, $1  }
0xda: {  	_ =	sdelay $0x3  }
0xdb: {  	_ =	sfence.sel $0x180000  }
0xdc: {  	[bflag:$0x0] =	sbarrier.arrive $0xFFFF  }
0xdd: {  	_ =	strace $0x9000004D  }
0xde: {  	s0 =	stileid.u32;
	[bflag:$0x2] =	sbarrier.arrive $0xFFFF  }
0xdf: {  	p0 =	sne.s32 s0, $0x0;
	s0 =	rddreg [dreg:$0x1]  }
0xe0: {  	s0 =	sadd.s32 @!p0 $0x100000, s0  }
0xe1: {  	[sflag:s0] =	ssyncadd.tile.s32 @!p0 $0x1;
	_ =	shalt  }
.Lfunc_end2:
_tile_overlayer_lowered:
.L_overlay_start_2:
0xe2: {  	(tag) =	ssettag $0x2  }
0xe3: {  	s0 =	rddreg [dreg:$0x0];
	s2 =	stileid.u32  }
0xe4: {  	s1 =	rddreg [dreg:$0x1];
	p0 =	sne.s32 s2, $0x0  }
0xe5: {  	s3 =	rddreg [dreg:$0x2];
	[bflag:$0x3] =	sbarrier.arrive $0xFFFF;
	s2 =	simm.s32 @!p0 $0x1C02  }
0xe6: {  	[timem:s3], [sflag:s2] =	dma.local @!p0 [hbm:s0], s1  }
0xe7: {  	s0 =	simm.s32 @!p0 $0x2  }
0xe8: {  	_ =	swait.ge @!p0 [sflag:s0], s1  }
0xe9: {  	s1 =	ssub.s32 @!p0 $0x0, s1;
	[sflag:s0] =	ssyncset.done @!p0 $0x0  }
0xea: {  	[sflag:s0] =	ssyncadd.s32 @!p0 s1  }
0xeb: {  	[bflag:$0x3] =	sbarrier.arrive $0xFFFF  }
0xec: {  	_ =	shalt  }

// kernel: kernel.28.cloned.1.call-start
scs
__scs_entry_jumppad:
0x0: {  	(pc) =	sbr.rel $0x88, $3  }
0x1: {  	(tag) =	ssettag $0x0;
	lr =	simm.s32 $0x1  }
0x2: {  	[smem:$0x3F7A] =	sst lr;
	_ =	strace $0xD0000000  }
0x3: {  	_ = 	snop  }
0x4: {  	_ = 	snop  }
0x5: {  	_ = 	snop  }
0x6: {  	_ = 	snop  }
0x7: {  	_ = 	snop  }
__scs_overlays_trampoline_lowered:
0x8: {  	[smem:$0x3F89] =	sst s0  }
0x9: {  	[smem:$0x3F8A] =	sst s1  }
0xa: {  	[smem:$0x3F8B] =	sst s2  }
0xb: {  	[smem:$0x3F8C] =	sst s3  }
0xc: {  	[smem:$0x3F8D] =	sst s4  }
0xd: {  	[smem:$0x3F8E] =	sst s5  }
0xe: {  	[smem:$0x3F8F] =	sst s6  }
0xf: {  	[smem:$0x3F90] =	sst s7  }
0x10: {  	[smem:$0x3F91] =	sst s8  }
0x11: {  	[smem:$0x3F92] =	sst s9;
	s0 =	simm.s32 @!p0 $0x0  }
0x12: {  	s1 =	sld [smem:$0x3F78];
	s0 =	simm.s32 @p0 $0x1  }
0x13: {  	[smem:$0x3F93] =	sst s0;
	s0 =	simm.s32 @!p1 $0x0  }
0x14: {  	s2 =	sld [smem:$0x3F77];
	s0 =	simm.s32 @p1 $0x1  }
0x15: {  	[smem:$0x3F94] =	sst s0;
	s0 =	simm.s32 @!p2 $0x0  }
0x16: {  	s3 =	sld [smem:$0x3FDB];
	s0 =	simm.s32 @p2 $0x1  }
0x17: {  	s4 =	simm.s32 $0x1BF5;
	[smem:$0x3F96] =	sst s0  }
0x18: {  	s0 =	sld [smem:$0x3F79];
	_ =	swait.ge [sflag:s4], $0x0  }
0x19: {  	s7 =	sld [smem:$0x3F7A]  }
0x1a: {  	s8 =	sadd.s32 $0xFFFFE003, lr  }
0x1b: {  	s9 =	sadd.s32 $0xFFFFFEF7, lr;
	s5 =	simm.s32 $0xFFFFFFFF;
	p2 =	slt.u32 s8, $0xFFFFF086  }
0x1c: {  	p1 =	slt.u32 s9, $0xF7A;
	s5 =	simm.s32 @!p2 $0x0  }
0x1d: {  	s5 =	simm.s32 @p1 $0x1;
	p0 =	seq.s32 s7, s2  }
0x1e: {  	s7 =	smul.u32 @!p0 $0xF7A, s2;
	p2 =	seq.s32 @!p0 s5, $0x0  }
0x1f: {  	s9 =	smul.u32 $0xF7A, s1;
	s8 =	simm.s32 @!p0 $0x1BF5;
	p2 =	por !p2, p0  }
0x20: {  	[sflag:s8] =	ssyncset.s32 @!p0 $0xFFFFF086;
	s6 =	sadd.s32 @!p0 s3, s7;
	s7 =	simm.s32 @!p0 $0x108  }
0x21: {  	s3 =	sadd.s32 s3, s9;
	s6 =	sadd.s32 @!p0 $0x88, s6;
	s7 =	simm.s32 @p2 $0x1082  }
0x22: {  	[simem:s7], [sflag:s8] =	dma.local @!p0 [hbm:s6], $0xF7A  }
0x23: {  	s9 =	sor.u32 $0xD0000000, s2;
	s6 =	simm.s32 $0x108;
	_ =	swait.ge @!p0 [sflag:s8], $0x0  }
0x24: {  	s3 =	sadd.s32 $0x88, s3;
	s6 =	simm.s32 @!p1 $0x1082;
	[sflag:s4] =	ssyncset.s32 $0xFFFFF086  }
0x25: {  	[simem:s6], [sflag:s4] =	dma.local [hbm:s3], $0xF7A  }
0x26: {  	[smem:$0x3F7A] =	sst s1;
	(tag) =	ssettag s2;
	_ =	strace s9  }
0x27: {  	s1 =	sld [smem:$0x3F8A]  }
0x28: {  	s2 =	sld [smem:$0x3F8B]  }
0x29: {  	s4 =	sld [smem:$0x3F8D]  }
0x2a: {  	p0 =	seq.s32 s5, $0x0;
	s5 =	sld [smem:$0x3F8E]  }
0x2b: {  	s6 =	sld [smem:$0x3F8F]  }
0x2c: {  	s7 =	sld [smem:$0x3F90]  }
0x2d: {  	s3 =	simm.s32 $0x108;
	s8 =	sld [smem:$0x3F91]  }
0x2e: {  	s3 =	simm.s32 @!p0 $0x1082;
	s9 =	sld [smem:$0x3F92]  }
0x2f: {  	lr =	sadd.s32 s0, s3;
	s0 =	sld [smem:$0x3F89]  }
0x30: {  	s3 =	sld [smem:$0x3F8C]  }
0x31: {  	[smem:$0x3F95] =	sst s10  }
0x32: {  	s10 =	sld [smem:$0x3F93];
	_ =	sdelay $0x3  }
0x33: {  	p0 =	seq.s32 s10, $0x1;
	s10 =	sld [smem:$0x3F95];
	_ =	sdelay $0x3  }
0x34: {  	[smem:$0x3F95] =	sst s10  }
0x35: {  	s10 =	sld [smem:$0x3F94];
	_ =	sdelay $0x3  }
0x36: {  	p1 =	seq.s32 s10, $0x1;
	s10 =	sld [smem:$0x3F95];
	_ =	sdelay $0x3  }
0x37: {  	[smem:$0x3F95] =	sst s10  }
0x38: {  	s10 =	sld [smem:$0x3F96]  }
0x39: {  	_ = 	snop;
	(pc) =	sbr.ind lr, $3  }
0x3a: {  	_ = 	snop  }
0x3b: {  	_ = 	snop  }
0x3c: {  	p2 =	seq.s32 s10, $0x1;
	s10 =	sld [smem:$0x3F95]  }
0x3d: {  	_ =	shalt  }
0x3e: {  	_ =	shalt  }
0x3f: {  	_ =	shalt  }
0x40: {  	_ =	shalt  }
0x41: {  	_ =	shalt  }
0x42: {  	_ =	shalt  }
0x43: {  	_ =	shalt  }
0x44: {  	_ =	shalt  }
0x45: {  	_ =	shalt  }
0x46: {  	_ =	shalt  }
0x47: {  	_ =	shalt  }
0x48: {  	_ =	shalt  }
0x49: {  	_ =	shalt  }
0x4a: {  	_ =	shalt  }
0x4b: {  	_ =	shalt  }
0x4c: {  	_ =	shalt  }
0x4d: {  	_ =	shalt  }
0x4e: {  	_ =	shalt  }
0x4f: {  	_ =	shalt  }
0x50: {  	_ =	shalt  }
0x51: {  	_ =	shalt  }
0x52: {  	_ =	shalt  }
0x53: {  	_ =	shalt  }
0x54: {  	_ =	shalt  }
0x55: {  	_ =	shalt  }
0x56: {  	_ =	shalt  }
0x57: {  	_ =	shalt  }
0x58: {  	_ =	shalt  }
0x59: {  	_ =	shalt  }
0x5a: {  	_ =	shalt  }
0x5b: {  	_ =	shalt  }
0x5c: {  	_ =	shalt  }
0x5d: {  	_ =	shalt  }
0x5e: {  	_ =	shalt  }
0x5f: {  	_ =	shalt  }
0x60: {  	_ =	shalt  }
0x61: {  	_ =	shalt  }
0x62: {  	_ =	shalt  }
0x63: {  	_ =	shalt  }
0x64: {  	_ =	shalt  }
0x65: {  	_ =	shalt  }
0x66: {  	_ =	shalt  }
0x67: {  	_ =	shalt  }
0x68: {  	_ =	shalt  }
0x69: {  	_ =	shalt  }
0x6a: {  	_ =	shalt  }
0x6b: {  	_ =	shalt  }
0x6c: {  	_ =	shalt  }
0x6d: {  	_ =	shalt  }
0x6e: {  	_ =	shalt  }
0x6f: {  	_ =	shalt  }
0x70: {  	_ =	shalt  }
0x71: {  	_ =	shalt  }
0x72: {  	_ =	shalt  }
0x73: {  	_ =	shalt  }
0x74: {  	_ =	shalt  }
0x75: {  	_ =	shalt  }
0x76: {  	_ =	shalt  }
0x77: {  	_ =	shalt  }
0x78: {  	_ =	shalt  }
0x79: {  	_ =	shalt  }
0x7a: {  	_ =	shalt  }
0x7b: {  	_ =	shalt  }
0x7c: {  	_ =	shalt  }
0x7d: {  	_ =	shalt  }
0x7e: {  	_ =	shalt  }
0x7f: {  	_ =	shalt  }
0x80: {  	_ =	shalt  }
0x81: {  	_ =	shalt  }
0x82: {  	_ =	shalt  }
0x83: {  	_ =	shalt  }
0x84: {  	_ =	shalt  }
0x85: {  	_ =	shalt  }
0x86: {  	_ =	shalt  }
0x87: {  	_ =	shalt  }
.Lfunc_end0:
.L_simem_size_0:
called_computation.3_lowered:
.L_overlay_start_0:
0x88: {  	s2 =	sld [smem:$0x3FD9]  }
0x89: {  	s3 =	sld [smem:$0x3FFE];
	_ =	sdelay $0x1  }
0x8a: {  	s1 =	srdreg.scid  }
0x8b: {  	s0 =	sand.u32 $0x1, s1  }
0x8c: {  	s16 =	sshll.u32 s0, $0xA;
	s2 =	sadd.s32 s3, s2  }
0x8d: {  	s2 =	sadd.s32 s2, s16  }
0x8e: {  	[smem:$0x3FA1] =	sst s2  }
0x8f: {  	_ = 	snop  }
0x90: {  	(tm) =	ssettm $0x1  }
0x91: {  	s17 =	sld [smem:$0x3FFB];
	_ =	sdelay $0x3  }
0x92: {  	_ =	strace s17  }
0x93: {  	s2 =	sld [smem:$0x3FFC];
	_ =	sdelay $0x3  }
0x94: {  	_ =	strace s2  }
0x95: {  	s2 =	sld [smem:$0x3FFD];
	_ =	sdelay $0x3  }
0x96: {  	_ =	strace s2  }
0x97: {  	_ =	strace $0x8FFFFFFF  }
0x98: {  	s18 =	sld [smem:$0x3FDB];
	_ =	sdelay $0x1  }
0x99: {  	s19 =	simm.s32 $_scs_section_size  }
0x9a: {  	s4 =	simm.s32 $_size__tile_overlayer_lowered;
	s5 =	simm.s32 $_tile_overlayer_lowered  }
0x9b: {  	s22 =	simm.s32 $0x1BFF;
	s21 =	sshll.u32 s5, $0x1;
	s2 =	sadd.s32 s19, s18  }
0x9c: {  	s6 =	simm.s32 $0x0;
	s20 =	sshll.u32 s4, $0x1;
	s4 =	sadd.s32 s21, s2  }
0x9d: {  	[timem:s6], [sflag:s22] =	dma.local [hbm:s4], s20  }
0x9e: {  	_ =	swait.ge [sflag:s22], s20  }
0x9f: {  	s3 =	ssub.s32 $0x0, s20;
	[sflag:s22] =	ssyncset.done $0x0  }
0xa0: {  	[sflag:s22] =	ssyncadd.s32 s3;
	_ =	sdelay $0x1  }
0xa1: {  	s23 =	simm.s32 $0x1B8B  }
0xa2: {  	_ =	swait.ge [sflag:s23], $0x1  }
0xa3: {  	[sflag:s23] =	ssyncset.done $0x0  }
0xa4: {  	s25 =	simm.s32 $0x1B8E;
	s24 =	sld [smem:$0x3FFE];
	[sflag:s23] =	ssyncadd.s32 $0xFFFFFFFF  }
0xa5: {  	s26 =	simm.s32 $execute0_lowered;
	[smem:$0x3FD2] =	sst s25  }
0xa6: {  	s4 =	sshll.u32 s26, $0x1;
	_ =	strace $0x8000004F;
	[dreg:$0x1] =	wrdreg $0xFFFFFFFF  }
0xa7: {  	s28 =	simm.s32 $_size_execute0_lowered;
	s2 =	sadd.s32 s2, s4;
	[dreg:$0x0] =	wrdreg $0x0  }
0xa8: {  	s4 =	sshll.u32 s28, $0x1;
	[dreg:$0x2] =	wrdreg s2  }
0xa9: {  	[dreg:$0x3] =	wrdreg s4  }
0xaa: {  	[dreg:$0x4] =	wrdreg $0xC0  }
0xab: {  	_ =	task [dreg:s6], $0x5FFFF  }
0xac: {  	[dreg:$0x1] =	wrdreg $0xFFFFFFFF  }
0xad: {  	[dreg:$0x0] =	wrdreg $0x60  }
0xae: {  	[dreg:$0x2] =	wrdreg s24  }
0xaf: {  	[dreg:$0x3] =	wrdreg $0x28800  }
0xb0: {  	[dreg:$0x4] =	wrdreg $0x9  }
0xb1: {  	_ =	task.clear_ibuf [dreg:s6], $0x5FFFF;
	_ =	strace $0x9000004F  }
0xb2: {  	s29 =	simm.s32 $0x9;
	_ =	strace $0x80000051  }
0xb3: {  	_ =	swait.ge [sflag:s29], $0x1  }
0xb4: {  	[sflag:s29] =	ssyncadd.s32 $0xFFFFFFFF  }
0xb5: {  	_ =	strace $0x90000051  }
0xb6: {  	_ =	sfence  }
0xb7: {  	s30 =	sld [smem:$0x0];
	_ =	sdelay $0x2  }
0xb8: {  	s31 =	sshll.u32 s1, $0xD;
	s1 =	sshrl.u32 s1, $0x2  }
0xb9: {  	s3 =	sand.u32 $0x4000, s31;
	s1 =	sadd.s32 s1, s30  }
0xba: {  	s0 =	sor.u32 s3, s0;
	s1 =	sshll.u32 s1, $0x11  }
0xbb: {  	s0 =	sor.u32 s1, s0  }
0xbc: {  	s0 =	sadd.s32 $0x8F2B, s0  }
0xbd: {  	[sflag:s0] =	ssyncadd.remote.s32 $0x1  }
0xbe: {  	_ =	sfence.sel $0xFFFF  }
0xbf: {  	[dreg:$0x0] =	wrdreg $0xFFFFFFFF;
	(pc) =	sbr.abs _section_cstart, $3  }
0xc0: {  	[dreg:$0x1] =	wrdreg $0xFFFFFFFF  }
0xc1: {  	_ =	task.clear_ibuf [dreg:s6], $0x2FFFF;
	_ =	strace $0x9FFFFFFF  }
0xc2: {  	(tm) =	ssettm $0x7FFFFFFF  }
0xc3: {  	_ =	shalt  }
tec
execute0_lowered:
.L_overlay_start_1:
0x0: {  	(tag) =	ssettag $0x1  }
0x1: {  	s0 =	stileid.u32  }
0x2: {  	s1 =	srdreg.scid;
	s5 =	rddreg [dreg:$0x0]  }
0x3: {  	s2 =	rddreg [dreg:$0x1];
	s4 =	smul.u32 $0x4E200, s0  }
0x4: {  	s3 =	simm.s32 $0x0;
	s16 =	simm.s32 $0x80;
	s7 =	smul.u32 $0x4E20, s0  }
0x5: {  	s17 =	simm.s32 $0x50;
	s18 =	simm.s32 $0x0;
	s9 =	smul.u32 $0x14000, s0  }
0x6: {  	s6 =	sand.u32 $0x1, s1;
	s1 =	rddreg [dreg:$0x2];
	s26 =	smul.u32 $0x50000, s0  }
0x7: {  	[smem:$0x7FF] =	sst s3;
	s31 =	sshll.u32 s0, $0x6;
	s8 =	smul.u32 $0x2710, s6  }
0x8: {  	s21 =	smul.u32 $0x140000, s6;
	_ =	strace $0x80000050;
	s25 =	ssub.s32 $0x2, s6  }
0x9: {  	s30 =	smul.u32 $0x27100, s6;
	s10 =	sadd.s32 s4, s5;
	s23 =	sshrl.u32 s9, $0x3  }
0xa: {  	s28 =	sshrl.u32 s25, $0x1;
	s29 =	sshrl.u32 s26, $0x2;
	s7 =	sadd.s32 s8, s7  }
0xb: {  	s24 =	sadd.s32 s9, s21;
	s4 =	sadd.s32 s23, s5;
	s13 =	ssub.s32 s25, s28  }
0xc: {  	s14 =	sadd.s32 s29, s2;
	s15 =	sadd.s32 s30, s10;
	s22 =	sshrl.u32 s7, $0x3  }
0xd: {  	s7 =	sshrl.u32 s24, $0x3;
	s4 =	sadd.s32 $0x1E800, s4;
	s9 =	sadd.s32 $0x2003800, s15  }
0xe: {  	s10 =	smax.u32 s13, $0x1;
	s13 =	sadd.s32 $0x29C7800, s15;
	s14 =	sshrl.u32 s14, $0x3  }
0xf: {  	s11 =	sadd.s32 s22, s5;
	s12 =	sadd.s32 s7, s5;
	s5 =	sor.u32 $0x1C01, s31  }
0x10: {  	s6 =	sadd.s32 $0xE6800, s12;
	s7 =	sadd.s32 $0x96800, s12;
	s8 =	sadd.s32 $0x46800, s12  }
0x11: {  	s11 =	sadd.s32 $0x14A00, s11;
	s12 =	sadd.s32 $0x24E5800, s15;
	s15 =	simm.s32 $0x1  }
.LBB2_1:
0x12: {  	[spmem:s14], [sflag:s5] =	dma.local [hbm:s4], $0x2800  }
0x13: {  	_ =	swait.ge [sflag:s15], $0x2800  }
0x14: {  	[sflag:s15] =	ssyncset.done $0x0  }
0x15: {  	[sflag:s15] =	ssyncadd.s32 $0xFFFFD800  }
0x16: {  	s19 =	sadd.s32 $0x0, s11;
	[bflag:$0x0] =	sbarrier.arrive $0xFFFF  }
0x17: {  	[tilespmem:s3], [sflag:$0x1] =	stream.linear.gather [hbm4b:s19+s3], $0x50, $0x38;
	[tilespmem:$0x16880] =	vst v63  }
0x18: {  	_ =	swait.ge [sflag:s15], $0x50  }
0x19: {  	[sflag:s15] =	ssyncset.done $0x0  }
0x1a: {  	[sflag:s15] =	ssyncadd.s32 $0xFFFFFFB0  }
0x1b: {  	[tilespmem:s16], [sflag:$0x1] =	stream.linear.gather [hbm4b:s9+s3], $0x2800, $0x38;
	[tilespmem:$0x16880] =	vst v63  }
0x1c: {  	_ =	swait.ge [sflag:s15], $0x2800  }
0x1d: {  	[sflag:s15] =	ssyncset.done $0x0  }
0x1e: {  	[sflag:s15] =	ssyncadd.s32 $0xFFFFD800  }
0x1f: {  	[spmem:s2] =	stream.indirect.scatter.add.f32 [tilespmem:s16], [sflag:$0x1], $0x80, s3, s17, $0xb8;
	[tilespmem:$0x16880] =	vst v63  }
0x20: {  	s20 =	simm.s32 $0xA;
	_ =	swait.ge [sflag:s15], $0x2800  }
0x21: {  	s21 =	simm.s32 $0x14;
	s19 =	sadd.s32 $0x500, s9;
	[sflag:s15] =	ssyncset.done $0x0  }
.LBB2_2:
0x22: {  	s22 =	sadd.s32 s20, s11  }
0x23: {  	[sflag:s15] =	ssyncadd.s32 $0xFFFFD800;
	s20 =	smov.u32 s21;
	s23 =	sadd.s32 $0xA, s21  }
0x24: {  	[tilespmem:s3], [sflag:$0x1] =	stream.linear.gather [hbm4b:s22+s3], $0x50, $0x38;
	[tilespmem:$0x16880] =	vst v63  }
0x25: {  	p0 =	sne.s32 s21, $0x4D8;
	_ =	swait.ge [sflag:s15], $0x50  }
0x26: {  	[sflag:s15] =	ssyncset.done $0x0  }
0x27: {  	[sflag:s15] =	ssyncadd.s32 $0xFFFFFFB0  }
0x28: {  	[tilespmem:s16], [sflag:$0x1] =	stream.linear.gather [hbm4b:s19+s3], $0x2800, $0x38;
	[tilespmem:$0x16880] =	vst v63  }
0x29: {  	_ =	swait.ge [sflag:s15], $0x2800  }
.Ltmp0:
0x2a: {  	[sflag:s15] =	ssyncset.done $0x0;
	(pc) =	sbr.rel @p0 .LBB2_2-.Ltmp0, $4  }
0x2b: {  	[sflag:s15] =	ssyncadd.s32 $0xFFFFD800  }
0x2c: {  	[spmem:s2] =	stream.indirect.scatter.add.f32 [tilespmem:s16], [sflag:$0x1], $0x80, s3, s17, $0xb8;
	[tilespmem:$0x16880] =	vst v63  }
0x2d: {  	_ =	swait.ge [sflag:s15], $0x2800  }
0x2e: {  	s21 =	smov.u32 s23;
	s19 =	sadd.s32 $0x500, s19;
	[sflag:s15] =	ssyncset.done $0x0  }
0x2f: {  	s20 =	sadd.s32 s20, s11;
	[sflag:s15] =	ssyncadd.s32 $0xFFFFD800  }
0x30: {  	[tilespmem:s3], [sflag:$0x1] =	stream.linear.gather [hbm4b:s20+s3], $0x50, $0x38;
	[tilespmem:$0x16880] =	vst v63  }
0x31: {  	_ =	swait.ge [sflag:s15], $0x50  }
0x32: {  	[sflag:s15] =	ssyncset.done $0x0  }
0x33: {  	[sflag:s15] =	ssyncadd.s32 $0xFFFFFFB0  }
0x34: {  	[tilespmem:s16], [sflag:$0x1] =	stream.linear.gather [hbm4b:s19+s3], $0x2800, $0x38;
	[tilespmem:$0x16880] =	vst v63  }
0x35: {  	_ =	swait.ge [sflag:s15], $0x2800  }
0x36: {  	[sflag:s15] =	ssyncset.done $0x0  }
0x37: {  	[sflag:s15] =	ssyncadd.s32 $0xFFFFD800  }
0x38: {  	[spmem:s2] =	stream.indirect.scatter.add.f32 [tilespmem:s16], [sflag:$0x1], $0x80, s3, s17, $0xb8;
	[tilespmem:$0x16880] =	vst v63  }
0x39: {  	_ =	swait.ge [sflag:s15], $0x2800  }
0x3a: {  	[sflag:s15] =	ssyncset.done $0x0  }
0x3b: {  	[sflag:s15] =	ssyncadd.s32 $0xFFFFD800  }
0x3c: {  	[bflag:$0x0] =	sbarrier.arrive $0xFFFF  }
0x3d: {  	[hbm:s6], [sflag:s5] =	dma.local [spmem:s14], $0x2800  }
0x3e: {  	_ =	swait.ge [sflag:s15], $0x2800  }
0x3f: {  	[sflag:s15] =	ssyncset.done $0x0  }
0x40: {  	[sflag:s15] =	ssyncadd.s32 $0xFFFFD800  }
0x41: {  	[bflag:$0x0] =	sbarrier.arrive $0xFFFF  }
0x42: {  	[spmem:s14], [sflag:s5] =	dma.local [hbm:s4], $0x2800  }
0x43: {  	_ =	swait.ge [sflag:s15], $0x2800  }
0x44: {  	[sflag:s15] =	ssyncset.done $0x0  }
0x45: {  	[sflag:s15] =	ssyncadd.s32 $0xFFFFD800  }
0x46: {  	s31 =	sadd.s32 $0x0, s11;
	[bflag:$0x0] =	sbarrier.arrive $0xFFFF  }
0x47: {  	[tilespmem:s3], [sflag:$0x1] =	stream.linear.gather [hbm4b:s31+s3], $0x50, $0x38;
	[tilespmem:$0x16880] =	vst v63  }
0x48: {  	_ =	swait.ge [sflag:s15], $0x50  }
0x49: {  	[sflag:s15] =	ssyncset.done $0x0  }
0x4a: {  	[sflag:s15] =	ssyncadd.s32 $0xFFFFFFB0  }
0x4b: {  	[tilespmem:s16], [sflag:$0x1] =	stream.linear.gather [hbm4b:s12+s3], $0x2800, $0x38;
	[tilespmem:$0x16880] =	vst v63  }
0x4c: {  	_ =	swait.ge [sflag:s15], $0x2800  }
0x4d: {  	[sflag:s15] =	ssyncset.done $0x0  }
0x4e: {  	[sflag:s15] =	ssyncadd.s32 $0xFFFFD800  }
0x4f: {  	[spmem:s2] =	stream.indirect.scatter.add.f32 [tilespmem:s16], [sflag:$0x1], $0x80, s3, s17, $0xb8;
	[tilespmem:$0x16880] =	vst v63  }
0x50: {  	s21 =	simm.s32 $0x14;
	_ =	swait.ge [sflag:s15], $0x2800  }
0x51: {  	s20 =	simm.s32 $0xA;
	s19 =	sadd.s32 $0x500, s12;
	[sflag:s15] =	ssyncset.done $0x0  }
.LBB2_4:
0x52: {  	s22 =	sadd.s32 s20, s11  }
0x53: {  	[sflag:s15] =	ssyncadd.s32 $0xFFFFD800;
	s20 =	smov.u32 s21;
	s23 =	sadd.s32 $0xA, s21  }
0x54: {  	[tilespmem:s3], [sflag:$0x1] =	stream.linear.gather [hbm4b:s22+s3], $0x50, $0x38;
	[tilespmem:$0x16880] =	vst v63  }
0x55: {  	p0 =	sne.s32 s21, $0x4D8;
	_ =	swait.ge [sflag:s15], $0x50  }
0x56: {  	[sflag:s15] =	ssyncset.done $0x0  }
0x57: {  	[sflag:s15] =	ssyncadd.s32 $0xFFFFFFB0  }
0x58: {  	[tilespmem:s16], [sflag:$0x1] =	stream.linear.gather [hbm4b:s19+s3], $0x2800, $0x38;
	[tilespmem:$0x16880] =	vst v63  }
0x59: {  	_ =	swait.ge [sflag:s15], $0x2800  }
.Ltmp1:
0x5a: {  	[sflag:s15] =	ssyncset.done $0x0;
	(pc) =	sbr.rel @p0 .LBB2_4-.Ltmp1, $4  }
0x5b: {  	[sflag:s15] =	ssyncadd.s32 $0xFFFFD800  }
0x5c: {  	[spmem:s2] =	stream.indirect.scatter.add.f32 [tilespmem:s16], [sflag:$0x1], $0x80, s3, s17, $0xb8;
	[tilespmem:$0x16880] =	vst v63  }
0x5d: {  	_ =	swait.ge [sflag:s15], $0x2800  }
0x5e: {  	s21 =	smov.u32 s23;
	s19 =	sadd.s32 $0x500, s19;
	[sflag:s15] =	ssyncset.done $0x0  }
0x5f: {  	s20 =	sadd.s32 s20, s11;
	[sflag:s15] =	ssyncadd.s32 $0xFFFFD800  }
0x60: {  	[tilespmem:s3], [sflag:$0x1] =	stream.linear.gather [hbm4b:s20+s3], $0x50, $0x38;
	[tilespmem:$0x16880] =	vst v63  }
0x61: {  	_ =	swait.ge [sflag:s15], $0x50  }
0x62: {  	[sflag:s15] =	ssyncset.done $0x0  }
0x63: {  	[sflag:s15] =	ssyncadd.s32 $0xFFFFFFB0  }
0x64: {  	[tilespmem:s16], [sflag:$0x1] =	stream.linear.gather [hbm4b:s19+s3], $0x2800, $0x38;
	[tilespmem:$0x16880] =	vst v63  }
0x65: {  	_ =	swait.ge [sflag:s15], $0x2800  }
0x66: {  	[sflag:s15] =	ssyncset.done $0x0  }
0x67: {  	[sflag:s15] =	ssyncadd.s32 $0xFFFFD800  }
0x68: {  	[spmem:s2] =	stream.indirect.scatter.add.f32 [tilespmem:s16], [sflag:$0x1], $0x80, s3, s17, $0xb8;
	[tilespmem:$0x16880] =	vst v63  }
0x69: {  	_ =	swait.ge [sflag:s15], $0x2800  }
0x6a: {  	[sflag:s15] =	ssyncset.done $0x0  }
0x6b: {  	[sflag:s15] =	ssyncadd.s32 $0xFFFFD800  }
0x6c: {  	[bflag:$0x0] =	sbarrier.arrive $0xFFFF  }
0x6d: {  	[hbm:s7], [sflag:s5] =	dma.local [spmem:s14], $0x2800  }
0x6e: {  	_ =	swait.ge [sflag:s15], $0x2800  }
0x6f: {  	[sflag:s15] =	ssyncset.done $0x0  }
0x70: {  	[sflag:s15] =	ssyncadd.s32 $0xFFFFD800  }
0x71: {  	[bflag:$0x0] =	sbarrier.arrive $0xFFFF  }
0x72: {  	[spmem:s14], [sflag:s5] =	dma.local [hbm:s4], $0x2800  }
0x73: {  	_ =	swait.ge [sflag:s15], $0x2800  }
0x74: {  	[sflag:s15] =	ssyncset.done $0x0  }
0x75: {  	[sflag:s15] =	ssyncadd.s32 $0xFFFFD800  }
0x76: {  	s31 =	sadd.s32 $0x0, s11;
	[bflag:$0x0] =	sbarrier.arrive $0xFFFF  }
0x77: {  	[tilespmem:s3], [sflag:$0x1] =	stream.linear.gather [hbm4b:s31+s3], $0x50, $0x38;
	[tilespmem:$0x16880] =	vst v63  }
0x78: {  	_ =	swait.ge [sflag:s15], $0x50  }
0x79: {  	[sflag:s15] =	ssyncset.done $0x0  }
0x7a: {  	[sflag:s15] =	ssyncadd.s32 $0xFFFFFFB0  }
0x7b: {  	[tilespmem:s16], [sflag:$0x1] =	stream.linear.gather [hbm4b:s13+s3], $0x2800, $0x38;
	[tilespmem:$0x16880] =	vst v63  }
0x7c: {  	_ =	swait.ge [sflag:s15], $0x2800  }
0x7d: {  	[sflag:s15] =	ssyncset.done $0x0  }
0x7e: {  	[sflag:s15] =	ssyncadd.s32 $0xFFFFD800  }
0x7f: {  	[spmem:s2] =	stream.indirect.scatter.add.f32 [tilespmem:s16], [sflag:$0x1], $0x80, s3, s17, $0xb8;
	[tilespmem:$0x16880] =	vst v63  }
0x80: {  	s21 =	simm.s32 $0x14;
	_ =	swait.ge [sflag:s15], $0x2800  }
0x81: {  	s20 =	simm.s32 $0xA;
	s19 =	sadd.s32 $0x500, s13;
	[sflag:s15] =	ssyncset.done $0x0  }
.LBB2_6:
0x82: {  	s22 =	sadd.s32 s20, s11  }
0x83: {  	[sflag:s15] =	ssyncadd.s32 $0xFFFFD800;
	s20 =	smov.u32 s21;
	s23 =	sadd.s32 $0xA, s21  }
0x84: {  	[tilespmem:s3], [sflag:$0x1] =	stream.linear.gather [hbm4b:s22+s3], $0x50, $0x38;
	[tilespmem:$0x16880] =	vst v63  }
0x85: {  	p0 =	sne.s32 s21, $0x4D8;
	_ =	swait.ge [sflag:s15], $0x50  }
0x86: {  	[sflag:s15] =	ssyncset.done $0x0  }
0x87: {  	[sflag:s15] =	ssyncadd.s32 $0xFFFFFFB0  }
0x88: {  	[tilespmem:s16], [sflag:$0x1] =	stream.linear.gather [hbm4b:s19+s3], $0x2800, $0x38;
	[tilespmem:$0x16880] =	vst v63  }
0x89: {  	_ =	swait.ge [sflag:s15], $0x2800  }
.Ltmp2:
0x8a: {  	[sflag:s15] =	ssyncset.done $0x0;
	(pc) =	sbr.rel @p0 .LBB2_6-.Ltmp2, $4  }
0x8b: {  	[sflag:s15] =	ssyncadd.s32 $0xFFFFD800  }
0x8c: {  	[spmem:s2] =	stream.indirect.scatter.add.f32 [tilespmem:s16], [sflag:$0x1], $0x80, s3, s17, $0xb8;
	[tilespmem:$0x16880] =	vst v63  }
0x8d: {  	_ =	swait.ge [sflag:s15], $0x2800  }
0x8e: {  	s21 =	smov.u32 s23;
	s19 =	sadd.s32 $0x500, s19;
	[sflag:s15] =	ssyncset.done $0x0  }
0x8f: {  	s20 =	sadd.s32 s20, s11;
	[sflag:s15] =	ssyncadd.s32 $0xFFFFD800  }
0x90: {  	[tilespmem:s3], [sflag:$0x1] =	stream.linear.gather [hbm4b:s20+s3], $0x50, $0x38;
	[tilespmem:$0x16880] =	vst v63  }
0x91: {  	_ =	swait.ge [sflag:s15], $0x50  }
0x92: {  	[sflag:s15] =	ssyncset.done $0x0  }
0x93: {  	[sflag:s15] =	ssyncadd.s32 $0xFFFFFFB0  }
0x94: {  	[tilespmem:s16], [sflag:$0x1] =	stream.linear.gather [hbm4b:s19+s3], $0x2800, $0x38;
	[tilespmem:$0x16880] =	vst v63  }
0x95: {  	_ =	swait.ge [sflag:s15], $0x2800  }
0x96: {  	[sflag:s15] =	ssyncset.done $0x0  }
0x97: {  	[sflag:s15] =	ssyncadd.s32 $0xFFFFD800  }
0x98: {  	[spmem:s2] =	stream.indirect.scatter.add.f32 [tilespmem:s16], [sflag:$0x1], $0x80, s3, s17, $0xb8;
	[tilespmem:$0x16880] =	vst v63  }
0x99: {  	_ =	swait.ge [sflag:s15], $0x2800  }
0x9a: {  	[sflag:s15] =	ssyncset.done $0x0  }
0x9b: {  	s18 =	sadd.s32 $0x1, s18;
	[sflag:s15] =	ssyncadd.s32 $0xFFFFD800  }
0x9c: {  	p0 =	sne.s32 s18, s10;
	[bflag:$0x0] =	sbarrier.arrive $0xFFFF  }
0x9d: {  	[hbm:s8], [sflag:s5] =	dma.local [spmem:s14], $0x2800  }
.Ltmp3:
0x9e: {  	_ =	swait.ge [sflag:s15], $0x2800;
	(pc) =	sbr.rel @p0 .LBB2_1-.Ltmp3, $3  }
0x9f: {  	[sflag:s15] =	ssyncset.done $0x0  }
0xa0: {  	[sflag:s15] =	ssyncadd.s32 $0xFFFFD800  }
0xa1: {  	[bflag:$0x0] =	sbarrier.arrive $0xFFFF;
	_ =	sdelay $0x1  }
0xa2: {  	_ =	sfence.sel $0x180000  }
0xa3: {  	[bflag:$0x0] =	sbarrier.arrive $0xFFFF  }
0xa4: {  	p0 =	sne.s32 s0, $0x0;
	_ =	strace $0x90000050  }
0xa5: {  	s0 =	sadd.s32 @!p0 $0x100000, s1;
	[bflag:$0x2] =	sbarrier.arrive $0xFFFF  }
0xa6: {  	[sflag:s0] =	ssyncadd.tile.s32 @!p0 $0x1;
	_ =	shalt  }
.Lfunc_end2:
_tile_overlayer_lowered:
.L_overlay_start_2:
0xa7: {  	(tag) =	ssettag $0x2  }
0xa8: {  	s0 =	rddreg [dreg:$0x0];
	s2 =	stileid.u32  }
0xa9: {  	s1 =	rddreg [dreg:$0x1];
	p0 =	sne.s32 s2, $0x0  }
0xaa: {  	s3 =	rddreg [dreg:$0x2];
	[bflag:$0x3] =	sbarrier.arrive $0xFFFF;
	s2 =	simm.s32 @!p0 $0x1C01  }
0xab: {  	[timem:s3], [sflag:s2] =	dma.local @!p0 [hbm:s0], s1  }
0xac: {  	s0 =	simm.s32 @!p0 $0x1  }
0xad: {  	_ =	swait.ge @!p0 [sflag:s0], s1  }
0xae: {  	s1 =	ssub.s32 @!p0 $0x0, s1;
	[sflag:s0] =	ssyncset.done @!p0 $0x0  }
0xaf: {  	[sflag:s0] =	ssyncadd.s32 @!p0 s1  }
0xb0: {  	[bflag:$0x3] =	sbarrier.arrive $0xFFFF  }
0xb1: {  	_ =	shalt  }

// kernel: kernel.31.cloned.1.call-start
scs
__scs_entry_jumppad:
0x0: {  	(pc) =	sbr.rel $0x88, $3  }
0x1: {  	(tag) =	ssettag $0x0;
	lr =	simm.s32 $0x1  }
0x2: {  	[smem:$0x3F7A] =	sst lr;
	_ =	strace $0xD0000000  }
0x3: {  	_ = 	snop  }
0x4: {  	_ = 	snop  }
0x5: {  	_ = 	snop  }
0x6: {  	_ = 	snop  }
0x7: {  	_ = 	snop  }
__scs_overlays_trampoline_lowered:
0x8: {  	[smem:$0x3F89] =	sst s0  }
0x9: {  	[smem:$0x3F8A] =	sst s1  }
0xa: {  	[smem:$0x3F8B] =	sst s2  }
0xb: {  	[smem:$0x3F8C] =	sst s3  }
0xc: {  	[smem:$0x3F8D] =	sst s4  }
0xd: {  	[smem:$0x3F8E] =	sst s5  }
0xe: {  	[smem:$0x3F8F] =	sst s6  }
0xf: {  	[smem:$0x3F90] =	sst s7  }
0x10: {  	[smem:$0x3F91] =	sst s8  }
0x11: {  	[smem:$0x3F92] =	sst s9;
	s0 =	simm.s32 @!p0 $0x0  }
0x12: {  	s1 =	sld [smem:$0x3F78];
	s0 =	simm.s32 @p0 $0x1  }
0x13: {  	[smem:$0x3F93] =	sst s0;
	s0 =	simm.s32 @!p1 $0x0  }
0x14: {  	s2 =	sld [smem:$0x3F77];
	s0 =	simm.s32 @p1 $0x1  }
0x15: {  	[smem:$0x3F94] =	sst s0;
	s0 =	simm.s32 @!p2 $0x0  }
0x16: {  	s3 =	sld [smem:$0x3FDB];
	s0 =	simm.s32 @p2 $0x1  }
0x17: {  	s4 =	simm.s32 $0x1BF5;
	[smem:$0x3F96] =	sst s0  }
0x18: {  	s0 =	sld [smem:$0x3F79];
	_ =	swait.ge [sflag:s4], $0x0  }
0x19: {  	s7 =	sld [smem:$0x3F7A]  }
0x1a: {  	s8 =	sadd.s32 $0xFFFFE003, lr  }
0x1b: {  	s9 =	sadd.s32 $0xFFFFFEF7, lr;
	s5 =	simm.s32 $0xFFFFFFFF;
	p2 =	slt.u32 s8, $0xFFFFF086  }
0x1c: {  	p1 =	slt.u32 s9, $0xF7A;
	s5 =	simm.s32 @!p2 $0x0  }
0x1d: {  	s5 =	simm.s32 @p1 $0x1;
	p0 =	seq.s32 s7, s2  }
0x1e: {  	s7 =	smul.u32 @!p0 $0xF7A, s2;
	p2 =	seq.s32 @!p0 s5, $0x0  }
0x1f: {  	s9 =	smul.u32 $0xF7A, s1;
	s8 =	simm.s32 @!p0 $0x1BF5;
	p2 =	por !p2, p0  }
0x20: {  	[sflag:s8] =	ssyncset.s32 @!p0 $0xFFFFF086;
	s6 =	sadd.s32 @!p0 s3, s7;
	s7 =	simm.s32 @!p0 $0x108  }
0x21: {  	s3 =	sadd.s32 s3, s9;
	s6 =	sadd.s32 @!p0 $0x88, s6;
	s7 =	simm.s32 @p2 $0x1082  }
0x22: {  	[simem:s7], [sflag:s8] =	dma.local @!p0 [hbm:s6], $0xF7A  }
0x23: {  	s9 =	sor.u32 $0xD0000000, s2;
	s6 =	simm.s32 $0x108;
	_ =	swait.ge @!p0 [sflag:s8], $0x0  }
0x24: {  	s3 =	sadd.s32 $0x88, s3;
	s6 =	simm.s32 @!p1 $0x1082;
	[sflag:s4] =	ssyncset.s32 $0xFFFFF086  }
0x25: {  	[simem:s6], [sflag:s4] =	dma.local [hbm:s3], $0xF7A  }
0x26: {  	[smem:$0x3F7A] =	sst s1;
	(tag) =	ssettag s2;
	_ =	strace s9  }
0x27: {  	s1 =	sld [smem:$0x3F8A]  }
0x28: {  	s2 =	sld [smem:$0x3F8B]  }
0x29: {  	s4 =	sld [smem:$0x3F8D]  }
0x2a: {  	p0 =	seq.s32 s5, $0x0;
	s5 =	sld [smem:$0x3F8E]  }
0x2b: {  	s6 =	sld [smem:$0x3F8F]  }
0x2c: {  	s7 =	sld [smem:$0x3F90]  }
0x2d: {  	s3 =	simm.s32 $0x108;
	s8 =	sld [smem:$0x3F91]  }
0x2e: {  	s3 =	simm.s32 @!p0 $0x1082;
	s9 =	sld [smem:$0x3F92]  }
0x2f: {  	lr =	sadd.s32 s0, s3;
	s0 =	sld [smem:$0x3F89]  }
0x30: {  	s3 =	sld [smem:$0x3F8C]  }
0x31: {  	[smem:$0x3F95] =	sst s10  }
0x32: {  	s10 =	sld [smem:$0x3F93];
	_ =	sdelay $0x3  }
0x33: {  	p0 =	seq.s32 s10, $0x1;
	s10 =	sld [smem:$0x3F95];
	_ =	sdelay $0x3  }
0x34: {  	[smem:$0x3F95] =	sst s10  }
0x35: {  	s10 =	sld [smem:$0x3F94];
	_ =	sdelay $0x3  }
0x36: {  	p1 =	seq.s32 s10, $0x1;
	s10 =	sld [smem:$0x3F95];
	_ =	sdelay $0x3  }
0x37: {  	[smem:$0x3F95] =	sst s10  }
0x38: {  	s10 =	sld [smem:$0x3F96]  }
0x39: {  	_ = 	snop;
	(pc) =	sbr.ind lr, $3  }
0x3a: {  	_ = 	snop  }
0x3b: {  	_ = 	snop  }
0x3c: {  	p2 =	seq.s32 s10, $0x1;
	s10 =	sld [smem:$0x3F95]  }
0x3d: {  	_ =	shalt  }
0x3e: {  	_ =	shalt  }
0x3f: {  	_ =	shalt  }
0x40: {  	_ =	shalt  }
0x41: {  	_ =	shalt  }
0x42: {  	_ =	shalt  }
0x43: {  	_ =	shalt  }
0x44: {  	_ =	shalt  }
0x45: {  	_ =	shalt  }
0x46: {  	_ =	shalt  }
0x47: {  	_ =	shalt  }
0x48: {  	_ =	shalt  }
0x49: {  	_ =	shalt  }
0x4a: {  	_ =	shalt  }
0x4b: {  	_ =	shalt  }
0x4c: {  	_ =	shalt  }
0x4d: {  	_ =	shalt  }
0x4e: {  	_ =	shalt  }
0x4f: {  	_ =	shalt  }
0x50: {  	_ =	shalt  }
0x51: {  	_ =	shalt  }
0x52: {  	_ =	shalt  }
0x53: {  	_ =	shalt  }
0x54: {  	_ =	shalt  }
0x55: {  	_ =	shalt  }
0x56: {  	_ =	shalt  }
0x57: {  	_ =	shalt  }
0x58: {  	_ =	shalt  }
0x59: {  	_ =	shalt  }
0x5a: {  	_ =	shalt  }
0x5b: {  	_ =	shalt  }
0x5c: {  	_ =	shalt  }
0x5d: {  	_ =	shalt  }
0x5e: {  	_ =	shalt  }
0x5f: {  	_ =	shalt  }
0x60: {  	_ =	shalt  }
0x61: {  	_ =	shalt  }
0x62: {  	_ =	shalt  }
0x63: {  	_ =	shalt  }
0x64: {  	_ =	shalt  }
0x65: {  	_ =	shalt  }
0x66: {  	_ =	shalt  }
0x67: {  	_ =	shalt  }
0x68: {  	_ =	shalt  }
0x69: {  	_ =	shalt  }
0x6a: {  	_ =	shalt  }
0x6b: {  	_ =	shalt  }
0x6c: {  	_ =	shalt  }
0x6d: {  	_ =	shalt  }
0x6e: {  	_ =	shalt  }
0x6f: {  	_ =	shalt  }
0x70: {  	_ =	shalt  }
0x71: {  	_ =	shalt  }
0x72: {  	_ =	shalt  }
0x73: {  	_ =	shalt  }
0x74: {  	_ =	shalt  }
0x75: {  	_ =	shalt  }
0x76: {  	_ =	shalt  }
0x77: {  	_ =	shalt  }
0x78: {  	_ =	shalt  }
0x79: {  	_ =	shalt  }
0x7a: {  	_ =	shalt  }
0x7b: {  	_ =	shalt  }
0x7c: {  	_ =	shalt  }
0x7d: {  	_ =	shalt  }
0x7e: {  	_ =	shalt  }
0x7f: {  	_ =	shalt  }
0x80: {  	_ =	shalt  }
0x81: {  	_ =	shalt  }
0x82: {  	_ =	shalt  }
0x83: {  	_ =	shalt  }
0x84: {  	_ =	shalt  }
0x85: {  	_ =	shalt  }
0x86: {  	_ =	shalt  }
0x87: {  	_ =	shalt  }
.Lfunc_end0:
.L_simem_size_0:
called_computation.4_lowered:
.L_overlay_start_0:
0x88: {  	s2 =	sld [smem:$0x3FD9]  }
0x89: {  	s3 =	sld [smem:$0x3FFE];
	_ =	sdelay $0x1  }
0x8a: {  	s1 =	srdreg.scid  }
0x8b: {  	s0 =	sand.u32 $0x1, s1  }
0x8c: {  	s16 =	sshll.u32 s0, $0xA;
	s2 =	sadd.s32 s3, s2  }
0x8d: {  	s2 =	sadd.s32 s2, s16  }
0x8e: {  	[smem:$0x3FA1] =	sst s2  }
0x8f: {  	_ = 	snop  }
0x90: {  	(tm) =	ssettm $0x1  }
0x91: {  	s17 =	sld [smem:$0x3FFB];
	_ =	sdelay $0x3  }
0x92: {  	_ =	strace s17  }
0x93: {  	s2 =	sld [smem:$0x3FFC];
	_ =	sdelay $0x3  }
0x94: {  	_ =	strace s2  }
0x95: {  	s2 =	sld [smem:$0x3FFD];
	_ =	sdelay $0x3  }
0x96: {  	_ =	strace s2  }
0x97: {  	_ =	strace $0x8FFFFFFF  }
0x98: {  	s18 =	sld [smem:$0x3FDB];
	_ =	sdelay $0x1  }
0x99: {  	s19 =	simm.s32 $_scs_section_size  }
0x9a: {  	s4 =	simm.s32 $_size__tile_overlayer_lowered;
	s5 =	simm.s32 $_tile_overlayer_lowered  }
0x9b: {  	s22 =	simm.s32 $0x1BFF;
	s21 =	sshll.u32 s5, $0x1;
	s2 =	sadd.s32 s19, s18  }
0x9c: {  	s6 =	simm.s32 $0x0;
	s20 =	sshll.u32 s4, $0x1;
	s4 =	sadd.s32 s21, s2  }
0x9d: {  	[timem:s6], [sflag:s22] =	dma.local [hbm:s4], s20  }
0x9e: {  	_ =	swait.ge [sflag:s22], s20  }
0x9f: {  	s3 =	ssub.s32 $0x0, s20;
	[sflag:s22] =	ssyncset.done $0x0  }
0xa0: {  	[sflag:s22] =	ssyncadd.s32 s3;
	_ =	sdelay $0x1  }
0xa1: {  	s23 =	simm.s32 $0x1B8B  }
0xa2: {  	_ =	swait.ge [sflag:s23], $0x1  }
0xa3: {  	[sflag:s23] =	ssyncset.done $0x0  }
0xa4: {  	s25 =	simm.s32 $0x1B8E;
	s24 =	sld [smem:$0x3FFE];
	[sflag:s23] =	ssyncadd.s32 $0xFFFFFFFF  }
0xa5: {  	s26 =	simm.s32 $execute0_lowered;
	[smem:$0x3FD2] =	sst s25  }
0xa6: {  	s4 =	sshll.u32 s26, $0x1;
	_ =	strace $0x80000052;
	[dreg:$0x1] =	wrdreg $0xFFFFFFFF  }
0xa7: {  	s28 =	simm.s32 $_size_execute0_lowered;
	s2 =	sadd.s32 s2, s4;
	[dreg:$0x0] =	wrdreg $0x0  }
0xa8: {  	s4 =	sshll.u32 s28, $0x1;
	[dreg:$0x2] =	wrdreg s2  }
0xa9: {  	[dreg:$0x3] =	wrdreg s4  }
0xaa: {  	[dreg:$0x4] =	wrdreg $0xC0  }
0xab: {  	_ =	task [dreg:s6], $0x5FFFF  }
0xac: {  	[dreg:$0x1] =	wrdreg $0xFFFFFFFF  }
0xad: {  	[dreg:$0x0] =	wrdreg $0x60  }
0xae: {  	[dreg:$0x2] =	wrdreg s24  }
0xaf: {  	[dreg:$0x3] =	wrdreg $0x9  }
0xb0: {  	_ =	task.clear_ibuf [dreg:s6], $0x4FFFF;
	_ =	strace $0x90000052  }
0xb1: {  	s29 =	simm.s32 $0x9;
	_ =	strace $0x80000054  }
0xb2: {  	_ =	swait.ge [sflag:s29], $0x1  }
0xb3: {  	[sflag:s29] =	ssyncadd.s32 $0xFFFFFFFF  }
0xb4: {  	_ =	strace $0x90000054  }
0xb5: {  	_ =	sfence  }
0xb6: {  	s30 =	sld [smem:$0x0];
	_ =	sdelay $0x2  }
0xb7: {  	s31 =	sshll.u32 s1, $0xD;
	s1 =	sshrl.u32 s1, $0x2  }
0xb8: {  	s3 =	sand.u32 $0x4000, s31;
	s1 =	sadd.s32 s1, s30  }
0xb9: {  	s0 =	sor.u32 s3, s0;
	s1 =	sshll.u32 s1, $0x11  }
0xba: {  	s0 =	sor.u32 s1, s0  }
0xbb: {  	s0 =	sadd.s32 $0x8F2B, s0  }
0xbc: {  	[sflag:s0] =	ssyncadd.remote.s32 $0x1  }
0xbd: {  	_ =	sfence.sel $0xFFFF  }
0xbe: {  	[dreg:$0x0] =	wrdreg $0xFFFFFFFF;
	(pc) =	sbr.abs _section_cstart, $3  }
0xbf: {  	[dreg:$0x1] =	wrdreg $0xFFFFFFFF  }
0xc0: {  	_ =	task.clear_ibuf [dreg:s6], $0x2FFFF;
	_ =	strace $0x9FFFFFFF  }
0xc1: {  	(tm) =	ssettm $0x7FFFFFFF  }
tec
execute0_lowered:
.L_overlay_start_1:
0x0: {  	(tag) =	ssettag $0x1  }
0x1: {  	s6 =	rddreg [dreg:$0x0];
	s2 =	simm.s32 $0x0  }
0x2: {  	s9 =	simm.s32 $0x80;
	[smem:$0x7FF] =	sst s2  }
0x3: {  	s13 =	simm.s32 $0x900;
	_ =	strace $0x80000053;
	[dreg:$0x5] =	wrdreg s9  }
0x4: {  	s14 =	simm.s32 $0x1100;
	[dreg:$0x6] =	wrdreg s13  }
0x5: {  	s15 =	simm.s32 $0x1900;
	[dreg:$0x7] =	wrdreg s14  }
0x6: {  	s1 =	srdreg.scid;
	s17 =	simm.s32 $0x2100;
	[dreg:$0x8] =	wrdreg s15  }
0x7: {  	s0 =	stileid.u32;
	s18 =	simm.s32 $0x2900;
	[dreg:$0x9] =	wrdreg s17  }
0x8: {  	s20 =	simm.s32 $0x3100;
	s21 =	simm.s32 $0x3900;
	[dreg:$0xa] =	wrdreg s18  }
0x9: {  	s23 =	simm.s32 $0x4100;
	s24 =	simm.s32 $0x4900;
	[dreg:$0xb] =	wrdreg s20  }
0xa: {  	s25 =	simm.s32 $0x5900;
	s26 =	simm.s32 $0x6100;
	[dreg:$0xc] =	wrdreg s21  }
0xb: {  	s10 =	simm.s32 $0x100;
	s30 =	simm.s32 $0x6900;
	[dreg:$0xd] =	wrdreg s23  }
0xc: {  	s31 =	simm.s32 $0x7100;
	s3 =	smul.u32 $0x9C400, s0;
	[dreg:$0xe] =	wrdreg s24  }
0xd: {  	s1 =	sand.u32 $0x1, s1;
	s8 =	smul.u32 $0x4E20, s0;
	[dreg:$0xf] =	wrdreg s25  }
0xe: {  	s28 =	simm.s32 $0xE900;
	s4 =	smul.u32 $0x4E200, s1;
	[dreg:$0x10] =	wrdreg s26  }
0xf: {  	s29 =	simm.s32 $0x0;
	s12 =	smul.u32 $0x2710, s1;
	[dreg:$0x11] =	wrdreg s30  }
0x10: {  	s1 =	ssub.s32 $0x2, s1;
	s9 =	simm.s32 $0x2;
	[dreg:$0x12] =	wrdreg s31  }
0x11: {  	s13 =	simm.s32 $0x7900;
	s14 =	simm.s32 $0x8100;
	s15 =	simm.s32 $0x8900  }
0x12: {  	s17 =	simm.s32 $0x9900;
	s18 =	simm.s32 $0xA100;
	s20 =	simm.s32 $0xB100  }
0x13: {  	s21 =	simm.s32 $0xB900;
	s23 =	simm.s32 $0xC900;
	s24 =	simm.s32 $0xD100  }
0x14: {  	s25 =	simm.s32 $0xD900;
	s26 =	simm.s32 $0xE100;
	s3 =	sadd.s32 s3, s6  }
0x15: {  	s19 =	sshrl.u32 s1, $0x1;
	s5 =	sadd.s32 s4, s3;
	s3 =	sadd.s32 $0x21B400, s6  }
0x16: {  	s4 =	sadd.s32 $0x1CD200, s6;
	s1 =	ssub.s32 s1, s19;
	s7 =	sadd.s32 $0x2B7800, s5  }
0x17: {  	s19 =	simm.s32 $0xA900;
	s11 =	sadd.s32 $0xC7B800, s5;
	[dreg:$0x2] =	wrdreg s7  }
0x18: {  	s5 =	sadd.s32 $0x163F800, s5;
	s22 =	smax.u32 s1, $0x1;
	[dreg:$0x3] =	wrdreg s11  }
0x19: {  	[dreg:$0x4] =	wrdreg s5;
	s5 =	sadd.s32 $0x17F000, s6;
	s7 =	sadd.s32 s12, s8  }
0x1a: {  	v2 =	vlaneseq.u32;
	[dreg:$0x13] =	wrdreg s22;
	s11 =	simm.s32 $0x1;
	s7 =	sshrl.u32 s7, $0x3  }
0x1b: {  	vm0 =	vmmov $0xffff;
	v1 =	vshrl.u32 v2, $0x3;
	s12 =	simm.s32 $0x5100;
	s22 =	simm.s32 $0xC100;
	s16 =	sadd.s32 s7, s6  }
0x1c: {  	v0 =	vand.u32 $0x7, v2;
	v2 =	vor.u32 $0x8, v2;
	v1 =	vmul.u32 $0x8, v1;
	s7 =	sadd.s32 $0x14A00, s16;
	s8 =	sadd.s32 $0xAC00, s16;
	s16 =	simm.s32 $0x9100  }
.LBB2_1:
0x1d: {  	s30 =	smov.u32 s8;
	s31 =	smov.u32 s7;
	s1 =	simm.s32 $0x0  }
.LBB2_2:
0x1e: {  	[tilespmem:s2], [sflag:$0x2] =	stream.linear.gather [hbm4b:s30+s2], $0x50, $0x38;
	[tilespmem:$0xF100] =	vst v63  }
0x1f: {  	_ =	swait.ge [sflag:s9], $0x50  }
0x20: {  	[sflag:s9] =	ssyncset.done $0x0  }
0x21: {  	s0 =	rddreg [dreg:$0x5];
	[sflag:s9] =	ssyncadd.s32 $0xFFFFFFB0  }
0x22: {  	[tilespmem:s0], [sflag:$0x2] =	stream.linear.gather [hbm4b:s31+s2], $0x50, $0x38;
	[tilespmem:$0xF100] =	vst v63  }
0x23: {  	_ =	swait.ge [sflag:s9], $0x50  }
0x24: {  	[sflag:s9] =	ssyncset.done $0x0  }
0x25: {  	[sflag:s9] =	ssyncadd.s32 $0xFFFFFFB0  }
0x26: {  	v3 =	vld [tilespmem:$0x80];
	_ =	sdelay $0x4  }
0x27: {  	v4 =	vshll.u32 v3, $0x1  }
0x28: {  	v3 =	vand.u32 $0x7, v3;
	v4 =	vand.u32 $0xFFFFFFF0, v4  }
0x29: {  	v3 =	vor.u32 v3, v4  }
0x2a: {  	v4 =	vperm.xlane v3, v0;
	_ =	sdelay $0x1  }
0x2b: {  	v3 =	vperm.xlane v3, v2;
	v4 =	vadd.s32 v1, v4;
	_ =	sdelay $0x1  }
0x2c: {  	v3 =	vadd.s32 v1, v3;
	_ =	sdelay $0x2  }
0x2d: {  	[tilespmem:s10], [sflag:$0x1] =	stream.indirect_vreg.gather [hbm4b:s3+s2], $0x80, v4, vm0, $0xb8;
	[tilespmem:$0xF100] =	vst v63  }
0x2e: {  	s6 =	rddreg [dreg:$0x6]  }
0x2f: {  	[tilespmem:s6], [sflag:$0x1] =	stream.indirect_vreg.gather [hbm4b:s3+s2], $0x80, v3, vm0, $0xb8;
	[tilespmem:$0xF100] =	vst v63  }
0x30: {  	v3 =	vld [tilespmem:$0x90];
	_ =	sdelay $0x4  }
0x31: {  	v50 =	vshll.u32 v3, $0x1  }
0x32: {  	v3 =	vand.u32 $0x7, v3;
	v4 =	vand.u32 $0xFFFFFFF0, v50  }
0x33: {  	v3 =	vor.u32 v3, v4  }
0x34: {  	v4 =	vperm.xlane v3, v0;
	_ =	sdelay $0x1  }
0x35: {  	v3 =	vperm.xlane v3, v2;
	v4 =	vadd.s32 v1, v4;
	_ =	sdelay $0x1  }
0x36: {  	v3 =	vadd.s32 v1, v3;
	_ =	sdelay $0x1  }
0x37: {  	s0 =	rddreg [dreg:$0x7]  }
0x38: {  	[tilespmem:s0], [sflag:$0x1] =	stream.indirect_vreg.gather [hbm4b:s3+s2], $0x80, v4, vm0, $0xb8;
	[tilespmem:$0xF100] =	vst v63  }
0x39: {  	s6 =	rddreg [dreg:$0x8]  }
0x3a: {  	[tilespmem:s6], [sflag:$0x1] =	stream.indirect_vreg.gather [hbm4b:s3+s2], $0x80, v3, vm0, $0xb8;
	[tilespmem:$0xF100] =	vst v63  }
0x3b: {  	v3 =	vld [tilespmem:$0xA0];
	_ =	sdelay $0x4  }
0x3c: {  	v51 =	vshll.u32 v3, $0x1  }
0x3d: {  	v3 =	vand.u32 $0x7, v3;
	v4 =	vand.u32 $0xFFFFFFF0, v51  }
0x3e: {  	v3 =	vor.u32 v3, v4  }
0x3f: {  	v4 =	vperm.xlane v3, v0;
	_ =	sdelay $0x1  }
0x40: {  	v3 =	vperm.xlane v3, v2;
	v4 =	vadd.s32 v1, v4;
	_ =	sdelay $0x1  }
0x41: {  	v3 =	vadd.s32 v1, v3;
	_ =	sdelay $0x1  }
0x42: {  	s0 =	rddreg [dreg:$0x9]  }
0x43: {  	[tilespmem:s0], [sflag:$0x1] =	stream.indirect_vreg.gather [hbm4b:s3+s2], $0x80, v4, vm0, $0xb8;
	[tilespmem:$0xF100] =	vst v63  }
0x44: {  	s6 =	rddreg [dreg:$0xa]  }
0x45: {  	[tilespmem:s6], [sflag:$0x1] =	stream.indirect_vreg.gather [hbm4b:s3+s2], $0x80, v3, vm0, $0xb8;
	[tilespmem:$0xF100] =	vst v63  }
0x46: {  	v3 =	vld [tilespmem:$0xB0];
	_ =	sdelay $0x4  }
0x47: {  	v52 =	vshll.u32 v3, $0x1  }
0x48: {  	v3 =	vand.u32 $0x7, v3;
	v4 =	vand.u32 $0xFFFFFFF0, v52  }
0x49: {  	v3 =	vor.u32 v3, v4  }
0x4a: {  	v4 =	vperm.xlane v3, v0;
	_ =	sdelay $0x1  }
0x4b: {  	v3 =	vperm.xlane v3, v2;
	v4 =	vadd.s32 v1, v4;
	_ =	sdelay $0x1  }
0x4c: {  	v3 =	vadd.s32 v1, v3;
	_ =	sdelay $0x1  }
0x4d: {  	s0 =	rddreg [dreg:$0xb]  }
0x4e: {  	[tilespmem:s0], [sflag:$0x1] =	stream.indirect_vreg.gather [hbm4b:s3+s2], $0x80, v4, vm0, $0xb8;
	[tilespmem:$0xF100] =	vst v63  }
0x4f: {  	s6 =	rddreg [dreg:$0xc]  }
0x50: {  	[tilespmem:s6], [sflag:$0x1] =	stream.indirect_vreg.gather [hbm4b:s3+s2], $0x80, v3, vm0, $0xb8;
	[tilespmem:$0xF100] =	vst v63  }
0x51: {  	v3 =	vld [tilespmem:$0xC0];
	_ =	sdelay $0x4  }
0x52: {  	v53 =	vshll.u32 v3, $0x1  }
0x53: {  	v3 =	vand.u32 $0x7, v3;
	v4 =	vand.u32 $0xFFFFFFF0, v53  }
0x54: {  	v3 =	vor.u32 v3, v4  }
0x55: {  	v4 =	vperm.xlane v3, v0;
	_ =	sdelay $0x1  }
0x56: {  	v3 =	vperm.xlane v3, v2;
	v4 =	vadd.s32 v1, v4;
	_ =	sdelay $0x1  }
0x57: {  	v3 =	vadd.s32 v1, v3;
	_ =	sdelay $0x1  }
0x58: {  	s0 =	rddreg [dreg:$0xd]  }
0x59: {  	[tilespmem:s0], [sflag:$0x1] =	stream.indirect_vreg.gather [hbm4b:s3+s2], $0x80, v4, vm0, $0xb8;
	[tilespmem:$0xF100] =	vst v63  }
0x5a: {  	s6 =	rddreg [dreg:$0xe]  }
0x5b: {  	[tilespmem:s6], [sflag:$0x1] =	stream.indirect_vreg.gather [hbm4b:s3+s2], $0x80, v3, vm0, $0xb8;
	[tilespmem:$0xF100] =	vst v63  }
0x5c: {  	_ =	swait.ge [sflag:s11], $0x5000  }
0x5d: {  	[sflag:s11] =	ssyncset.done $0x0  }
0x5e: {  	[sflag:s11] =	ssyncadd.s32 $0xFFFFB000  }
0x5f: {  	v3 =	vld [tilespmem:$0x0];
	_ =	sdelay $0x4  }
0x60: {  	v54 =	vshll.u32 v3, $0x1  }
0x61: {  	v3 =	vand.u32 $0x7, v3;
	v4 =	vand.u32 $0xFFFFFFF0, v54  }
0x62: {  	v3 =	vor.u32 v3, v4  }
0x63: {  	v4 =	vperm.xlane v3, v0;
	_ =	sdelay $0x1  }
0x64: {  	v3 =	vperm.xlane v3, v2;
	v4 =	vadd.s32 v1, v4;
	_ =	sdelay $0x1  }
0x65: {  	v3 =	vadd.s32 v1, v3;
	_ =	sdelay $0x2  }
0x66: {  	[tilespmem:s12], [sflag:$0x1] =	stream.indirect_vreg.gather [hbm4b:s4+s2], $0x80, v4, vm0, $0xb8;
	[tilespmem:$0xF100] =	vst v63  }
0x67: {  	s6 =	rddreg [dreg:$0xf]  }
0x68: {  	[tilespmem:s6], [sflag:$0x1] =	stream.indirect_vreg.gather [hbm4b:s4+s2], $0x80, v3, vm0, $0xb8;
	[tilespmem:$0xF100] =	vst v63  }
0x69: {  	v3 =	vld [tilespmem:$0x10];
	_ =	sdelay $0x4  }
0x6a: {  	v55 =	vshll.u32 v3, $0x1  }
0x6b: {  	v3 =	vand.u32 $0x7, v3;
	v4 =	vand.u32 $0xFFFFFFF0, v55  }
0x6c: {  	v3 =	vor.u32 v3, v4  }
0x6d: {  	v4 =	vperm.xlane v3, v0;
	_ =	sdelay $0x1  }
0x6e: {  	v3 =	vperm.xlane v3, v2;
	v4 =	vadd.s32 v1, v4;
	_ =	sdelay $0x1  }
0x6f: {  	v3 =	vadd.s32 v1, v3;
	_ =	sdelay $0x1  }
0x70: {  	s0 =	rddreg [dreg:$0x10]  }
0x71: {  	[tilespmem:s0], [sflag:$0x1] =	stream.indirect_vreg.gather [hbm4b:s4+s2], $0x80, v4, vm0, $0xb8;
	[tilespmem:$0xF100] =	vst v63  }
0x72: {  	s6 =	rddreg [dreg:$0x11]  }
0x73: {  	[tilespmem:s6], [sflag:$0x1] =	stream.indirect_vreg.gather [hbm4b:s4+s2], $0x80, v3, vm0, $0xb8;
	[tilespmem:$0xF100] =	vst v63  }
0x74: {  	v3 =	vld [tilespmem:$0x20];
	_ =	sdelay $0x4  }
0x75: {  	v56 =	vshll.u32 v3, $0x1  }
0x76: {  	v3 =	vand.u32 $0x7, v3;
	v4 =	vand.u32 $0xFFFFFFF0, v56  }
0x77: {  	v3 =	vor.u32 v3, v4  }
0x78: {  	v4 =	vperm.xlane v3, v0;
	_ =	sdelay $0x1  }
0x79: {  	v3 =	vperm.xlane v3, v2;
	v4 =	vadd.s32 v1, v4;
	_ =	sdelay $0x1  }
0x7a: {  	v3 =	vadd.s32 v1, v3;
	_ =	sdelay $0x1  }
0x7b: {  	s6 =	rddreg [dreg:$0x12]  }
0x7c: {  	[tilespmem:s6], [sflag:$0x1] =	stream.indirect_vreg.gather [hbm4b:s4+s2], $0x80, v4, vm0, $0xb8;
	[tilespmem:$0xF100] =	vst v63  }
0x7d: {  	_ = 	snop  }
0x7e: {  	[tilespmem:s13], [sflag:$0x1] =	stream.indirect_vreg.gather [hbm4b:s4+s2], $0x80, v3, vm0, $0xb8;
	[tilespmem:$0xF100] =	vst v63  }
0x7f: {  	v3 =	vld [tilespmem:$0x30];
	_ =	sdelay $0x4  }
0x80: {  	v57 =	vshll.u32 v3, $0x1  }
0x81: {  	v3 =	vand.u32 $0x7, v3;
	v4 =	vand.u32 $0xFFFFFFF0, v57  }
0x82: {  	v3 =	vor.u32 v3, v4  }
0x83: {  	v4 =	vperm.xlane v3, v0;
	_ =	sdelay $0x1  }
0x84: {  	v3 =	vperm.xlane v3, v2;
	v4 =	vadd.s32 v1, v4;
	_ =	sdelay $0x1  }
0x85: {  	v3 =	vadd.s32 v1, v3;
	_ =	sdelay $0x2  }
0x86: {  	[tilespmem:s14], [sflag:$0x1] =	stream.indirect_vreg.gather [hbm4b:s4+s2], $0x80, v4, vm0, $0xb8;
	[tilespmem:$0xF100] =	vst v63  }
0x87: {  	_ = 	snop  }
0x88: {  	[tilespmem:s15], [sflag:$0x1] =	stream.indirect_vreg.gather [hbm4b:s4+s2], $0x80, v3, vm0, $0xb8;
	[tilespmem:$0xF100] =	vst v63  }
0x89: {  	v3 =	vld [tilespmem:$0x40];
	_ =	sdelay $0x4  }
0x8a: {  	v58 =	vshll.u32 v3, $0x1  }
0x8b: {  	v3 =	vand.u32 $0x7, v3;
	v4 =	vand.u32 $0xFFFFFFF0, v58  }
0x8c: {  	v3 =	vor.u32 v3, v4  }
0x8d: {  	v4 =	vperm.xlane v3, v0;
	_ =	sdelay $0x1  }
0x8e: {  	v3 =	vperm.xlane v3, v2;
	v4 =	vadd.s32 v1, v4;
	_ =	sdelay $0x1  }
0x8f: {  	v3 =	vadd.s32 v1, v3;
	_ =	sdelay $0x2  }
0x90: {  	[tilespmem:s16], [sflag:$0x1] =	stream.indirect_vreg.gather [hbm4b:s4+s2], $0x80, v4, vm0, $0xb8;
	[tilespmem:$0xF100] =	vst v63  }
0x91: {  	_ = 	snop  }
0x92: {  	[tilespmem:s17], [sflag:$0x1] =	stream.indirect_vreg.gather [hbm4b:s4+s2], $0x80, v3, vm0, $0xb8;
	[tilespmem:$0xF100] =	vst v63  }
0x93: {  	_ =	swait.ge [sflag:s11], $0x5000  }
0x94: {  	[sflag:s11] =	ssyncset.done $0x0  }
0x95: {  	[sflag:s11] =	ssyncadd.s32 $0xFFFFB000  }
0x96: {  	v3 =	vld [tilespmem:$0x0];
	_ =	sdelay $0x4  }
0x97: {  	v59 =	vshll.u32 v3, $0x1  }
0x98: {  	v3 =	vand.u32 $0x7, v3;
	v4 =	vand.u32 $0xFFFFFFF0, v59  }
0x99: {  	v3 =	vor.u32 v3, v4  }
0x9a: {  	v4 =	vperm.xlane v3, v0;
	_ =	sdelay $0x1  }
0x9b: {  	v3 =	vperm.xlane v3, v2;
	v4 =	vadd.s32 v1, v4;
	_ =	sdelay $0x1  }
0x9c: {  	v3 =	vadd.s32 v1, v3;
	_ =	sdelay $0x2  }
0x9d: {  	[tilespmem:s18], [sflag:$0x1] =	stream.indirect_vreg.gather [hbm4b:s5+s2], $0x80, v4, vm0, $0xb8;
	[tilespmem:$0xF100] =	vst v63  }
0x9e: {  	_ = 	snop  }
0x9f: {  	[tilespmem:s19], [sflag:$0x1] =	stream.indirect_vreg.gather [hbm4b:s5+s2], $0x80, v3, vm0, $0xb8;
	[tilespmem:$0xF100] =	vst v63  }
0xa0: {  	v3 =	vld [tilespmem:$0x10];
	_ =	sdelay $0x4  }
0xa1: {  	v60 =	vshll.u32 v3, $0x1  }
0xa2: {  	v3 =	vand.u32 $0x7, v3;
	v4 =	vand.u32 $0xFFFFFFF0, v60  }
0xa3: {  	v3 =	vor.u32 v3, v4  }
0xa4: {  	v4 =	vperm.xlane v3, v0;
	_ =	sdelay $0x1  }
0xa5: {  	v3 =	vperm.xlane v3, v2;
	v4 =	vadd.s32 v1, v4;
	_ =	sdelay $0x1  }
0xa6: {  	v3 =	vadd.s32 v1, v3;
	_ =	sdelay $0x2  }
0xa7: {  	[tilespmem:s20], [sflag:$0x1] =	stream.indirect_vreg.gather [hbm4b:s5+s2], $0x80, v4, vm0, $0xb8;
	[tilespmem:$0xF100] =	vst v63  }
0xa8: {  	_ = 	snop  }
0xa9: {  	[tilespmem:s21], [sflag:$0x1] =	stream.indirect_vreg.gather [hbm4b:s5+s2], $0x80, v3, vm0, $0xb8;
	[tilespmem:$0xF100] =	vst v63  }
0xaa: {  	v3 =	vld [tilespmem:$0x20];
	_ =	sdelay $0x4  }
0xab: {  	v61 =	vshll.u32 v3, $0x1  }
0xac: {  	v3 =	vand.u32 $0x7, v3;
	v4 =	vand.u32 $0xFFFFFFF0, v61  }
0xad: {  	v3 =	vor.u32 v3, v4  }
0xae: {  	v4 =	vperm.xlane v3, v0;
	_ =	sdelay $0x1  }
0xaf: {  	v3 =	vperm.xlane v3, v2;
	v4 =	vadd.s32 v1, v4;
	_ =	sdelay $0x1  }
0xb0: {  	v3 =	vadd.s32 v1, v3;
	_ =	sdelay $0x2  }
0xb1: {  	[tilespmem:s22], [sflag:$0x1] =	stream.indirect_vreg.gather [hbm4b:s5+s2], $0x80, v4, vm0, $0xb8;
	[tilespmem:$0xF100] =	vst v63  }
0xb2: {  	_ = 	snop  }
0xb3: {  	[tilespmem:s23], [sflag:$0x1] =	stream.indirect_vreg.gather [hbm4b:s5+s2], $0x80, v3, vm0, $0xb8;
	[tilespmem:$0xF100] =	vst v63  }
0xb4: {  	v3 =	vld [tilespmem:$0x30];
	_ =	sdelay $0x4  }
0xb5: {  	v62 =	vshll.u32 v3, $0x1  }
0xb6: {  	v3 =	vand.u32 $0x7, v3;
	v4 =	vand.u32 $0xFFFFFFF0, v62  }
0xb7: {  	v3 =	vor.u32 v3, v4  }
0xb8: {  	v4 =	vperm.xlane v3, v0;
	_ =	sdelay $0x1  }
0xb9: {  	v3 =	vperm.xlane v3, v2;
	v4 =	vadd.s32 v1, v4;
	_ =	sdelay $0x1  }
0xba: {  	v3 =	vadd.s32 v1, v3;
	_ =	sdelay $0x2  }
0xbb: {  	[tilespmem:s24], [sflag:$0x1] =	stream.indirect_vreg.gather [hbm4b:s5+s2], $0x80, v4, vm0, $0xb8;
	[tilespmem:$0xF100] =	vst v63  }
0xbc: {  	_ = 	snop  }
0xbd: {  	[tilespmem:s25], [sflag:$0x1] =	stream.indirect_vreg.gather [hbm4b:s5+s2], $0x80, v3, vm0, $0xb8;
	[tilespmem:$0xF100] =	vst v63  }
0xbe: {  	v3 =	vld [tilespmem:$0x40];
	_ =	sdelay $0x4  }
0xbf: {  	v63 =	vshll.u32 v3, $0x1  }
0xc0: {  	v3 =	vand.u32 $0x7, v3;
	v4 =	vand.u32 $0xFFFFFFF0, v63  }
0xc1: {  	v3 =	vor.u32 v3, v4  }
0xc2: {  	v4 =	vperm.xlane v3, v0;
	_ =	sdelay $0x1  }
0xc3: {  	v3 =	vperm.xlane v3, v2;
	v4 =	vadd.s32 v1, v4;
	_ =	sdelay $0x1  }
0xc4: {  	v3 =	vadd.s32 v1, v3;
	_ =	sdelay $0x2  }
0xc5: {  	[tilespmem:s26], [sflag:$0x1] =	stream.indirect_vreg.gather [hbm4b:s5+s2], $0x80, v4, vm0, $0xb8;
	[tilespmem:$0xF100] =	vst v63  }
0xc6: {  	_ = 	snop  }
0xc7: {  	[tilespmem:s28], [sflag:$0x1] =	stream.indirect_vreg.gather [hbm4b:s5+s2], $0x80, v3, vm0, $0xb8;
	[tilespmem:$0xF100] =	vst v63  }
0xc8: {  	_ =	swait.ge [sflag:s11], $0x5000  }
0xc9: {  	s6 =	rddreg [dreg:$0x2];
	[sflag:s11] =	ssyncset.done $0x0  }
0xca: {  	[sflag:s11] =	ssyncadd.s32 $0xFFFFB000;
	s0 =	sadd.s32 s1, s6  }
0xcb: {  	[hbm4b:s0+s2] =	stream.linear.scatter [tilespmem:s10], [sflag:$0x2], $0x5000, $0x38;
	[tilespmem:$0xF100] =	vst v63  }
0xcc: {  	_ =	swait.ge [sflag:s9], $0x5000  }
0xcd: {  	s6 =	rddreg [dreg:$0x3];
	[sflag:s9] =	ssyncset.done $0x0  }
0xce: {  	[sflag:s9] =	ssyncadd.s32 $0xFFFFB000;
	s0 =	sadd.s32 s1, s6  }
0xcf: {  	[hbm4b:s0+s2] =	stream.linear.scatter [tilespmem:s12], [sflag:$0x2], $0x5000, $0x38;
	[tilespmem:$0xF100] =	vst v63  }
0xd0: {  	_ =	swait.ge [sflag:s9], $0x5000  }
0xd1: {  	p0 =	sne.s32 s1, $0x4D800;
	s6 =	rddreg [dreg:$0x4];
	[sflag:s9] =	ssyncset.done $0x0  }
.Ltmp0:
0xd2: {  	[sflag:s9] =	ssyncadd.s32 $0xFFFFB000;
	s0 =	sadd.s32 s1, s6;
	(pc) =	sbr.rel @p0 .LBB2_2-.Ltmp0, $4  }
0xd3: {  	[hbm4b:s0+s2] =	stream.linear.scatter [tilespmem:s18], [sflag:$0x2], $0x5000, $0x38;
	[tilespmem:$0xF100] =	vst v63  }
0xd4: {  	_ =	swait.ge [sflag:s9], $0x5000  }
0xd5: {  	s30 =	sadd.s32 $0xA, s30;
	[sflag:s9] =	ssyncset.done $0x0  }
0xd6: {  	s31 =	sadd.s32 $0xA, s31;
	s1 =	sadd.s32 $0xA00, s1;
	[sflag:s9] =	ssyncadd.s32 $0xFFFFB000  }
0xd7: {  	s29 =	sadd.s32 $0x1, s29;
	s0 =	rddreg [dreg:$0x13]  }
0xd8: {  	p0 =	sne.s32 s29, s0  }
.Ltmp1:
0xd9: {  	_ = 	snop;
	(pc) =	sbr.rel @p0 .LBB2_1-.Ltmp1, $1  }
0xda: {  	_ =	sdelay $0x3  }
0xdb: {  	_ =	sfence.sel $0x180000  }
0xdc: {  	[bflag:$0x0] =	sbarrier.arrive $0xFFFF  }
0xdd: {  	_ =	strace $0x90000053  }
0xde: {  	s0 =	stileid.u32;
	[bflag:$0x2] =	sbarrier.arrive $0xFFFF  }
0xdf: {  	p0 =	sne.s32 s0, $0x0;
	s0 =	rddreg [dreg:$0x1]  }
0xe0: {  	s0 =	sadd.s32 @!p0 $0x100000, s0  }
0xe1: {  	[sflag:s0] =	ssyncadd.tile.s32 @!p0 $0x1;
	_ =	shalt  }
.Lfunc_end2:
_tile_overlayer_lowered:
.L_overlay_start_2:
0xe2: {  	(tag) =	ssettag $0x2  }
0xe3: {  	s0 =	rddreg [dreg:$0x0];
	s2 =	stileid.u32  }
0xe4: {  	s1 =	rddreg [dreg:$0x1];
	p0 =	sne.s32 s2, $0x0  }
0xe5: {  	s3 =	rddreg [dreg:$0x2];
	[bflag:$0x3] =	sbarrier.arrive $0xFFFF;
	s2 =	simm.s32 @!p0 $0x1C02  }
0xe6: {  	[timem:s3], [sflag:s2] =	dma.local @!p0 [hbm:s0], s1  }
0xe7: {  	s0 =	simm.s32 @!p0 $0x2  }
0xe8: {  	_ =	swait.ge @!p0 [sflag:s0], s1  }
0xe9: {  	s1 =	ssub.s32 @!p0 $0x0, s1;
	[sflag:s0] =	ssyncset.done @!p0 $0x0  }
0xea: {  	[sflag:s0] =	ssyncadd.s32 @!p0 s1  }
0xeb: {  	[bflag:$0x3] =	sbarrier.arrive $0xFFFF  }
0xec: {  	_ =	shalt  }

// kernel: kernel.34.cloned.1.call-start
scs
__scs_entry_jumppad:
0x0: {  	(pc) =	sbr.rel $0x88, $3  }
0x1: {  	(tag) =	ssettag $0x0;
	lr =	simm.s32 $0x1  }
0x2: {  	[smem:$0x3F7A] =	sst lr;
	_ =	strace $0xD0000000  }
0x3: {  	_ = 	snop  }
0x4: {  	_ = 	snop  }
0x5: {  	_ = 	snop  }
0x6: {  	_ = 	snop  }
0x7: {  	_ = 	snop  }
__scs_overlays_trampoline_lowered:
0x8: {  	[smem:$0x3F89] =	sst s0  }
0x9: {  	[smem:$0x3F8A] =	sst s1  }
0xa: {  	[smem:$0x3F8B] =	sst s2  }
0xb: {  	[smem:$0x3F8C] =	sst s3  }
0xc: {  	[smem:$0x3F8D] =	sst s4  }
0xd: {  	[smem:$0x3F8E] =	sst s5  }
0xe: {  	[smem:$0x3F8F] =	sst s6  }
0xf: {  	[smem:$0x3F90] =	sst s7  }
0x10: {  	[smem:$0x3F91] =	sst s8  }
0x11: {  	[smem:$0x3F92] =	sst s9;
	s0 =	simm.s32 @!p0 $0x0  }
0x12: {  	s1 =	sld [smem:$0x3F78];
	s0 =	simm.s32 @p0 $0x1  }
0x13: {  	[smem:$0x3F93] =	sst s0;
	s0 =	simm.s32 @!p1 $0x0  }
0x14: {  	s2 =	sld [smem:$0x3F77];
	s0 =	simm.s32 @p1 $0x1  }
0x15: {  	[smem:$0x3F94] =	sst s0;
	s0 =	simm.s32 @!p2 $0x0  }
0x16: {  	s3 =	sld [smem:$0x3FDB];
	s0 =	simm.s32 @p2 $0x1  }
0x17: {  	s4 =	simm.s32 $0x1BF5;
	[smem:$0x3F96] =	sst s0  }
0x18: {  	s0 =	sld [smem:$0x3F79];
	_ =	swait.ge [sflag:s4], $0x0  }
0x19: {  	s7 =	sld [smem:$0x3F7A]  }
0x1a: {  	s8 =	sadd.s32 $0xFFFFE003, lr  }
0x1b: {  	s9 =	sadd.s32 $0xFFFFFEF7, lr;
	s5 =	simm.s32 $0xFFFFFFFF;
	p2 =	slt.u32 s8, $0xFFFFF086  }
0x1c: {  	p1 =	slt.u32 s9, $0xF7A;
	s5 =	simm.s32 @!p2 $0x0  }
0x1d: {  	s5 =	simm.s32 @p1 $0x1;
	p0 =	seq.s32 s7, s2  }
0x1e: {  	s7 =	smul.u32 @!p0 $0xF7A, s2;
	p2 =	seq.s32 @!p0 s5, $0x0  }
0x1f: {  	s9 =	smul.u32 $0xF7A, s1;
	s8 =	simm.s32 @!p0 $0x1BF5;
	p2 =	por !p2, p0  }
0x20: {  	[sflag:s8] =	ssyncset.s32 @!p0 $0xFFFFF086;
	s6 =	sadd.s32 @!p0 s3, s7;
	s7 =	simm.s32 @!p0 $0x108  }
0x21: {  	s3 =	sadd.s32 s3, s9;
	s6 =	sadd.s32 @!p0 $0x88, s6;
	s7 =	simm.s32 @p2 $0x1082  }
0x22: {  	[simem:s7], [sflag:s8] =	dma.local @!p0 [hbm:s6], $0xF7A  }
0x23: {  	s9 =	sor.u32 $0xD0000000, s2;
	s6 =	simm.s32 $0x108;
	_ =	swait.ge @!p0 [sflag:s8], $0x0  }
0x24: {  	s3 =	sadd.s32 $0x88, s3;
	s6 =	simm.s32 @!p1 $0x1082;
	[sflag:s4] =	ssyncset.s32 $0xFFFFF086  }
0x25: {  	[simem:s6], [sflag:s4] =	dma.local [hbm:s3], $0xF7A  }
0x26: {  	[smem:$0x3F7A] =	sst s1;
	(tag) =	ssettag s2;
	_ =	strace s9  }
0x27: {  	s1 =	sld [smem:$0x3F8A]  }
0x28: {  	s2 =	sld [smem:$0x3F8B]  }
0x29: {  	s4 =	sld [smem:$0x3F8D]  }
0x2a: {  	p0 =	seq.s32 s5, $0x0;
	s5 =	sld [smem:$0x3F8E]  }
0x2b: {  	s6 =	sld [smem:$0x3F8F]  }
0x2c: {  	s7 =	sld [smem:$0x3F90]  }
0x2d: {  	s3 =	simm.s32 $0x108;
	s8 =	sld [smem:$0x3F91]  }
0x2e: {  	s3 =	simm.s32 @!p0 $0x1082;
	s9 =	sld [smem:$0x3F92]  }
0x2f: {  	lr =	sadd.s32 s0, s3;
	s0 =	sld [smem:$0x3F89]  }
0x30: {  	s3 =	sld [smem:$0x3F8C]  }
0x31: {  	[smem:$0x3F95] =	sst s10  }
0x32: {  	s10 =	sld [smem:$0x3F93];
	_ =	sdelay $0x3  }
0x33: {  	p0 =	seq.s32 s10, $0x1;
	s10 =	sld [smem:$0x3F95];
	_ =	sdelay $0x3  }
0x34: {  	[smem:$0x3F95] =	sst s10  }
0x35: {  	s10 =	sld [smem:$0x3F94];
	_ =	sdelay $0x3  }
0x36: {  	p1 =	seq.s32 s10, $0x1;
	s10 =	sld [smem:$0x3F95];
	_ =	sdelay $0x3  }
0x37: {  	[smem:$0x3F95] =	sst s10  }
0x38: {  	s10 =	sld [smem:$0x3F96]  }
0x39: {  	_ = 	snop;
	(pc) =	sbr.ind lr, $3  }
0x3a: {  	_ = 	snop  }
0x3b: {  	_ = 	snop  }
0x3c: {  	p2 =	seq.s32 s10, $0x1;
	s10 =	sld [smem:$0x3F95]  }
0x3d: {  	_ =	shalt  }
0x3e: {  	_ =	shalt  }
0x3f: {  	_ =	shalt  }
0x40: {  	_ =	shalt  }
0x41: {  	_ =	shalt  }
0x42: {  	_ =	shalt  }
0x43: {  	_ =	shalt  }
0x44: {  	_ =	shalt  }
0x45: {  	_ =	shalt  }
0x46: {  	_ =	shalt  }
0x47: {  	_ =	shalt  }
0x48: {  	_ =	shalt  }
0x49: {  	_ =	shalt  }
0x4a: {  	_ =	shalt  }
0x4b: {  	_ =	shalt  }
0x4c: {  	_ =	shalt  }
0x4d: {  	_ =	shalt  }
0x4e: {  	_ =	shalt  }
0x4f: {  	_ =	shalt  }
0x50: {  	_ =	shalt  }
0x51: {  	_ =	shalt  }
0x52: {  	_ =	shalt  }
0x53: {  	_ =	shalt  }
0x54: {  	_ =	shalt  }
0x55: {  	_ =	shalt  }
0x56: {  	_ =	shalt  }
0x57: {  	_ =	shalt  }
0x58: {  	_ =	shalt  }
0x59: {  	_ =	shalt  }
0x5a: {  	_ =	shalt  }
0x5b: {  	_ =	shalt  }
0x5c: {  	_ =	shalt  }
0x5d: {  	_ =	shalt  }
0x5e: {  	_ =	shalt  }
0x5f: {  	_ =	shalt  }
0x60: {  	_ =	shalt  }
0x61: {  	_ =	shalt  }
0x62: {  	_ =	shalt  }
0x63: {  	_ =	shalt  }
0x64: {  	_ =	shalt  }
0x65: {  	_ =	shalt  }
0x66: {  	_ =	shalt  }
0x67: {  	_ =	shalt  }
0x68: {  	_ =	shalt  }
0x69: {  	_ =	shalt  }
0x6a: {  	_ =	shalt  }
0x6b: {  	_ =	shalt  }
0x6c: {  	_ =	shalt  }
0x6d: {  	_ =	shalt  }
0x6e: {  	_ =	shalt  }
0x6f: {  	_ =	shalt  }
0x70: {  	_ =	shalt  }
0x71: {  	_ =	shalt  }
0x72: {  	_ =	shalt  }
0x73: {  	_ =	shalt  }
0x74: {  	_ =	shalt  }
0x75: {  	_ =	shalt  }
0x76: {  	_ =	shalt  }
0x77: {  	_ =	shalt  }
0x78: {  	_ =	shalt  }
0x79: {  	_ =	shalt  }
0x7a: {  	_ =	shalt  }
0x7b: {  	_ =	shalt  }
0x7c: {  	_ =	shalt  }
0x7d: {  	_ =	shalt  }
0x7e: {  	_ =	shalt  }
0x7f: {  	_ =	shalt  }
0x80: {  	_ =	shalt  }
0x81: {  	_ =	shalt  }
0x82: {  	_ =	shalt  }
0x83: {  	_ =	shalt  }
0x84: {  	_ =	shalt  }
0x85: {  	_ =	shalt  }
0x86: {  	_ =	shalt  }
0x87: {  	_ =	shalt  }
.Lfunc_end0:
.L_simem_size_0:
called_computation.5_lowered:
.L_overlay_start_0:
0x88: {  	s2 =	sld [smem:$0x3FD9]  }
0x89: {  	s3 =	sld [smem:$0x3FFE];
	_ =	sdelay $0x1  }
0x8a: {  	s1 =	srdreg.scid  }
0x8b: {  	s0 =	sand.u32 $0x1, s1  }
0x8c: {  	s16 =	sshll.u32 s0, $0xA;
	s2 =	sadd.s32 s3, s2  }
0x8d: {  	s2 =	sadd.s32 s2, s16  }
0x8e: {  	[smem:$0x3FA1] =	sst s2  }
0x8f: {  	_ = 	snop  }
0x90: {  	(tm) =	ssettm $0x1  }
0x91: {  	s17 =	sld [smem:$0x3FFB];
	_ =	sdelay $0x3  }
0x92: {  	_ =	strace s17  }
0x93: {  	s2 =	sld [smem:$0x3FFC];
	_ =	sdelay $0x3  }
0x94: {  	_ =	strace s2  }
0x95: {  	s2 =	sld [smem:$0x3FFD];
	_ =	sdelay $0x3  }
0x96: {  	_ =	strace s2  }
0x97: {  	_ =	strace $0x8FFFFFFF  }
0x98: {  	s18 =	sld [smem:$0x3FDB];
	_ =	sdelay $0x1  }
0x99: {  	s19 =	simm.s32 $_scs_section_size  }
0x9a: {  	s4 =	simm.s32 $_size__tile_overlayer_lowered;
	s5 =	simm.s32 $_tile_overlayer_lowered  }
0x9b: {  	s22 =	simm.s32 $0x1BFF;
	s21 =	sshll.u32 s5, $0x1;
	s2 =	sadd.s32 s19, s18  }
0x9c: {  	s6 =	simm.s32 $0x0;
	s20 =	sshll.u32 s4, $0x1;
	s4 =	sadd.s32 s21, s2  }
0x9d: {  	[timem:s6], [sflag:s22] =	dma.local [hbm:s4], s20  }
0x9e: {  	_ =	swait.ge [sflag:s22], s20  }
0x9f: {  	s3 =	ssub.s32 $0x0, s20;
	[sflag:s22] =	ssyncset.done $0x0  }
0xa0: {  	[sflag:s22] =	ssyncadd.s32 s3;
	_ =	sdelay $0x1  }
0xa1: {  	s23 =	simm.s32 $0x1B8B  }
0xa2: {  	_ =	swait.ge [sflag:s23], $0x1  }
0xa3: {  	[sflag:s23] =	ssyncset.done $0x0  }
0xa4: {  	s25 =	simm.s32 $0x1B8E;
	s24 =	sld [smem:$0x3FFE];
	[sflag:s23] =	ssyncadd.s32 $0xFFFFFFFF  }
0xa5: {  	s26 =	simm.s32 $execute0_lowered;
	[smem:$0x3FD2] =	sst s25  }
0xa6: {  	s4 =	sshll.u32 s26, $0x1;
	_ =	strace $0x80000055;
	[dreg:$0x1] =	wrdreg $0xFFFFFFFF  }
0xa7: {  	s28 =	simm.s32 $_size_execute0_lowered;
	s2 =	sadd.s32 s2, s4;
	[dreg:$0x0] =	wrdreg $0x0  }
0xa8: {  	s4 =	sshll.u32 s28, $0x1;
	[dreg:$0x2] =	wrdreg s2  }
0xa9: {  	[dreg:$0x3] =	wrdreg s4  }
0xaa: {  	[dreg:$0x4] =	wrdreg $0xC0  }
0xab: {  	_ =	task [dreg:s6], $0x5FFFF  }
0xac: {  	[dreg:$0x1] =	wrdreg $0xFFFFFFFF  }
0xad: {  	[dreg:$0x0] =	wrdreg $0x60  }
0xae: {  	[dreg:$0x2] =	wrdreg s24  }
0xaf: {  	[dreg:$0x3] =	wrdreg $0x28800  }
0xb0: {  	[dreg:$0x4] =	wrdreg $0x9  }
0xb1: {  	_ =	task.clear_ibuf [dreg:s6], $0x5FFFF;
	_ =	strace $0x90000055  }
0xb2: {  	s29 =	simm.s32 $0x9;
	_ =	strace $0x80000057  }
0xb3: {  	_ =	swait.ge [sflag:s29], $0x1  }
0xb4: {  	[sflag:s29] =	ssyncadd.s32 $0xFFFFFFFF  }
0xb5: {  	_ =	strace $0x90000057  }
0xb6: {  	_ =	sfence  }
0xb7: {  	s30 =	sld [smem:$0x0];
	_ =	sdelay $0x2  }
0xb8: {  	s31 =	sshll.u32 s1, $0xD;
	s1 =	sshrl.u32 s1, $0x2  }
0xb9: {  	s3 =	sand.u32 $0x4000, s31;
	s1 =	sadd.s32 s1, s30  }
0xba: {  	s0 =	sor.u32 s3, s0;
	s1 =	sshll.u32 s1, $0x11  }
0xbb: {  	s0 =	sor.u32 s1, s0  }
0xbc: {  	s0 =	sadd.s32 $0x8F2B, s0  }
0xbd: {  	[sflag:s0] =	ssyncadd.remote.s32 $0x1  }
0xbe: {  	_ =	sfence.sel $0xFFFF  }
0xbf: {  	[dreg:$0x0] =	wrdreg $0xFFFFFFFF;
	(pc) =	sbr.abs _section_cstart, $3  }
0xc0: {  	[dreg:$0x1] =	wrdreg $0xFFFFFFFF  }
0xc1: {  	_ =	task.clear_ibuf [dreg:s6], $0x2FFFF;
	_ =	strace $0x9FFFFFFF  }
0xc2: {  	(tm) =	ssettm $0x7FFFFFFF  }
0xc3: {  	_ =	shalt  }
tec
execute0_lowered:
.L_overlay_start_1:
0x0: {  	(tag) =	ssettag $0x1  }
0x1: {  	s0 =	stileid.u32  }
0x2: {  	s1 =	srdreg.scid;
	s5 =	rddreg [dreg:$0x0]  }
0x3: {  	s2 =	rddreg [dreg:$0x1];
	s4 =	smul.u32 $0x4E200, s0  }
0x4: {  	s3 =	simm.s32 $0x0;
	s16 =	simm.s32 $0x80;
	s7 =	smul.u32 $0x4E20, s0  }
0x5: {  	s17 =	simm.s32 $0x50;
	s18 =	simm.s32 $0x0;
	s9 =	smul.u32 $0x14000, s0  }
0x6: {  	s6 =	sand.u32 $0x1, s1;
	s1 =	rddreg [dreg:$0x2];
	s26 =	smul.u32 $0x50000, s0  }
0x7: {  	[smem:$0x7FF] =	sst s3;
	s31 =	sshll.u32 s0, $0x6;
	s8 =	smul.u32 $0x2710, s6  }
0x8: {  	s21 =	smul.u32 $0x140000, s6;
	_ =	strace $0x80000056;
	s25 =	ssub.s32 $0x2, s6  }
0x9: {  	s30 =	smul.u32 $0x27100, s6;
	s10 =	sadd.s32 s4, s5;
	s23 =	sshrl.u32 s9, $0x3  }
0xa: {  	s28 =	sshrl.u32 s25, $0x1;
	s29 =	sshrl.u32 s26, $0x2;
	s7 =	sadd.s32 s8, s7  }
0xb: {  	s24 =	sadd.s32 s9, s21;
	s4 =	sadd.s32 s23, s5;
	s13 =	ssub.s32 s25, s28  }
0xc: {  	s14 =	sadd.s32 s29, s2;
	s15 =	sadd.s32 s30, s10;
	s22 =	sshrl.u32 s7, $0x3  }
0xd: {  	s7 =	sshrl.u32 s24, $0x3;
	s4 =	sadd.s32 $0x1E800, s4;
	s9 =	sadd.s32 $0x2003800, s15  }
0xe: {  	s10 =	smax.u32 s13, $0x1;
	s13 =	sadd.s32 $0x29C7800, s15;
	s14 =	sshrl.u32 s14, $0x3  }
0xf: {  	s11 =	sadd.s32 s22, s5;
	s12 =	sadd.s32 s7, s5;
	s5 =	sor.u32 $0x1C01, s31  }
0x10: {  	s6 =	sadd.s32 $0xE6800, s12;
	s7 =	sadd.s32 $0x96800, s12;
	s8 =	sadd.s32 $0x46800, s12  }
0x11: {  	s11 =	sadd.s32 $0x14A00, s11;
	s12 =	sadd.s32 $0x24E5800, s15;
	s15 =	simm.s32 $0x1  }
.LBB2_1:
0x12: {  	[spmem:s14], [sflag:s5] =	dma.local [hbm:s4], $0x2800  }
0x13: {  	_ =	swait.ge [sflag:s15], $0x2800  }
0x14: {  	[sflag:s15] =	ssyncset.done $0x0  }
0x15: {  	[sflag:s15] =	ssyncadd.s32 $0xFFFFD800  }
0x16: {  	s19 =	sadd.s32 $0x0, s11;
	[bflag:$0x0] =	sbarrier.arrive $0xFFFF  }
0x17: {  	[tilespmem:s3], [sflag:$0x1] =	stream.linear.gather [hbm4b:s19+s3], $0x50, $0x38;
	[tilespmem:$0x16880] =	vst v63  }
0x18: {  	_ =	swait.ge [sflag:s15], $0x50  }
0x19: {  	[sflag:s15] =	ssyncset.done $0x0  }
0x1a: {  	[sflag:s15] =	ssyncadd.s32 $0xFFFFFFB0  }
0x1b: {  	[tilespmem:s16], [sflag:$0x1] =	stream.linear.gather [hbm4b:s9+s3], $0x2800, $0x38;
	[tilespmem:$0x16880] =	vst v63  }
0x1c: {  	_ =	swait.ge [sflag:s15], $0x2800  }
0x1d: {  	[sflag:s15] =	ssyncset.done $0x0  }
0x1e: {  	[sflag:s15] =	ssyncadd.s32 $0xFFFFD800  }
0x1f: {  	[spmem:s2] =	stream.indirect.scatter.add.f32 [tilespmem:s16], [sflag:$0x1], $0x80, s3, s17, $0xb8;
	[tilespmem:$0x16880] =	vst v63  }
0x20: {  	s20 =	simm.s32 $0xA;
	_ =	swait.ge [sflag:s15], $0x2800  }
0x21: {  	s21 =	simm.s32 $0x14;
	s19 =	sadd.s32 $0x500, s9;
	[sflag:s15] =	ssyncset.done $0x0  }
.LBB2_2:
0x22: {  	s22 =	sadd.s32 s20, s11  }
0x23: {  	[sflag:s15] =	ssyncadd.s32 $0xFFFFD800;
	s20 =	smov.u32 s21;
	s23 =	sadd.s32 $0xA, s21  }
0x24: {  	[tilespmem:s3], [sflag:$0x1] =	stream.linear.gather [hbm4b:s22+s3], $0x50, $0x38;
	[tilespmem:$0x16880] =	vst v63  }
0x25: {  	p0 =	sne.s32 s21, $0x4D8;
	_ =	swait.ge [sflag:s15], $0x50  }
0x26: {  	[sflag:s15] =	ssyncset.done $0x0  }
0x27: {  	[sflag:s15] =	ssyncadd.s32 $0xFFFFFFB0  }
0x28: {  	[tilespmem:s16], [sflag:$0x1] =	stream.linear.gather [hbm4b:s19+s3], $0x2800, $0x38;
	[tilespmem:$0x16880] =	vst v63  }
0x29: {  	_ =	swait.ge [sflag:s15], $0x2800  }
.Ltmp0:
0x2a: {  	[sflag:s15] =	ssyncset.done $0x0;
	(pc) =	sbr.rel @p0 .LBB2_2-.Ltmp0, $4  }
0x2b: {  	[sflag:s15] =	ssyncadd.s32 $0xFFFFD800  }
0x2c: {  	[spmem:s2] =	stream.indirect.scatter.add.f32 [tilespmem:s16], [sflag:$0x1], $0x80, s3, s17, $0xb8;
	[tilespmem:$0x16880] =	vst v63  }
0x2d: {  	_ =	swait.ge [sflag:s15], $0x2800  }
0x2e: {  	s21 =	smov.u32 s23;
	s19 =	sadd.s32 $0x500, s19;
	[sflag:s15] =	ssyncset.done $0x0  }
0x2f: {  	s20 =	sadd.s32 s20, s11;
	[sflag:s15] =	ssyncadd.s32 $0xFFFFD800  }
0x30: {  	[tilespmem:s3], [sflag:$0x1] =	stream.linear.gather [hbm4b:s20+s3], $0x50, $0x38;
	[tilespmem:$0x16880] =	vst v63  }
0x31: {  	_ =	swait.ge [sflag:s15], $0x50  }
0x32: {  	[sflag:s15] =	ssyncset.done $0x0  }
0x33: {  	[sflag:s15] =	ssyncadd.s32 $0xFFFFFFB0  }
0x34: {  	[tilespmem:s16], [sflag:$0x1] =	stream.linear.gather [hbm4b:s19+s3], $0x2800, $0x38;
	[tilespmem:$0x16880] =	vst v63  }
0x35: {  	_ =	swait.ge [sflag:s15], $0x2800  }
0x36: {  	[sflag:s15] =	ssyncset.done $0x0  }
0x37: {  	[sflag:s15] =	ssyncadd.s32 $0xFFFFD800  }
0x38: {  	[spmem:s2] =	stream.indirect.scatter.add.f32 [tilespmem:s16], [sflag:$0x1], $0x80, s3, s17, $0xb8;
	[tilespmem:$0x16880] =	vst v63  }
0x39: {  	_ =	swait.ge [sflag:s15], $0x2800  }
0x3a: {  	[sflag:s15] =	ssyncset.done $0x0  }
0x3b: {  	[sflag:s15] =	ssyncadd.s32 $0xFFFFD800  }
0x3c: {  	[bflag:$0x0] =	sbarrier.arrive $0xFFFF  }
0x3d: {  	[hbm:s6], [sflag:s5] =	dma.local [spmem:s14], $0x2800  }
0x3e: {  	_ =	swait.ge [sflag:s15], $0x2800  }
0x3f: {  	[sflag:s15] =	ssyncset.done $0x0  }
0x40: {  	[sflag:s15] =	ssyncadd.s32 $0xFFFFD800  }
0x41: {  	[bflag:$0x0] =	sbarrier.arrive $0xFFFF  }
0x42: {  	[spmem:s14], [sflag:s5] =	dma.local [hbm:s4], $0x2800  }
0x43: {  	_ =	swait.ge [sflag:s15], $0x2800  }
0x44: {  	[sflag:s15] =	ssyncset.done $0x0  }
0x45: {  	[sflag:s15] =	ssyncadd.s32 $0xFFFFD800  }
0x46: {  	s31 =	sadd.s32 $0x0, s11;
	[bflag:$0x0] =	sbarrier.arrive $0xFFFF  }
0x47: {  	[tilespmem:s3], [sflag:$0x1] =	stream.linear.gather [hbm4b:s31+s3], $0x50, $0x38;
	[tilespmem:$0x16880] =	vst v63  }
0x48: {  	_ =	swait.ge [sflag:s15], $0x50  }
0x49: {  	[sflag:s15] =	ssyncset.done $0x0  }
0x4a: {  	[sflag:s15] =	ssyncadd.s32 $0xFFFFFFB0  }
0x4b: {  	[tilespmem:s16], [sflag:$0x1] =	stream.linear.gather [hbm4b:s12+s3], $0x2800, $0x38;
	[tilespmem:$0x16880] =	vst v63  }
0x4c: {  	_ =	swait.ge [sflag:s15], $0x2800  }
0x4d: {  	[sflag:s15] =	ssyncset.done $0x0  }
0x4e: {  	[sflag:s15] =	ssyncadd.s32 $0xFFFFD800  }
0x4f: {  	[spmem:s2] =	stream.indirect.scatter.add.f32 [tilespmem:s16], [sflag:$0x1], $0x80, s3, s17, $0xb8;
	[tilespmem:$0x16880] =	vst v63  }
0x50: {  	s21 =	simm.s32 $0x14;
	_ =	swait.ge [sflag:s15], $0x2800  }
0x51: {  	s20 =	simm.s32 $0xA;
	s19 =	sadd.s32 $0x500, s12;
	[sflag:s15] =	ssyncset.done $0x0  }
.LBB2_4:
0x52: {  	s22 =	sadd.s32 s20, s11  }
0x53: {  	[sflag:s15] =	ssyncadd.s32 $0xFFFFD800;
	s20 =	smov.u32 s21;
	s23 =	sadd.s32 $0xA, s21  }
0x54: {  	[tilespmem:s3], [sflag:$0x1] =	stream.linear.gather [hbm4b:s22+s3], $0x50, $0x38;
	[tilespmem:$0x16880] =	vst v63  }
0x55: {  	p0 =	sne.s32 s21, $0x4D8;
	_ =	swait.ge [sflag:s15], $0x50  }
0x56: {  	[sflag:s15] =	ssyncset.done $0x0  }
0x57: {  	[sflag:s15] =	ssyncadd.s32 $0xFFFFFFB0  }
0x58: {  	[tilespmem:s16], [sflag:$0x1] =	stream.linear.gather [hbm4b:s19+s3], $0x2800, $0x38;
	[tilespmem:$0x16880] =	vst v63  }
0x59: {  	_ =	swait.ge [sflag:s15], $0x2800  }
.Ltmp1:
0x5a: {  	[sflag:s15] =	ssyncset.done $0x0;
	(pc) =	sbr.rel @p0 .LBB2_4-.Ltmp1, $4  }
0x5b: {  	[sflag:s15] =	ssyncadd.s32 $0xFFFFD800  }
0x5c: {  	[spmem:s2] =	stream.indirect.scatter.add.f32 [tilespmem:s16], [sflag:$0x1], $0x80, s3, s17, $0xb8;
	[tilespmem:$0x16880] =	vst v63  }
0x5d: {  	_ =	swait.ge [sflag:s15], $0x2800  }
0x5e: {  	s21 =	smov.u32 s23;
	s19 =	sadd.s32 $0x500, s19;
	[sflag:s15] =	ssyncset.done $0x0  }
0x5f: {  	s20 =	sadd.s32 s20, s11;
	[sflag:s15] =	ssyncadd.s32 $0xFFFFD800  }
0x60: {  	[tilespmem:s3], [sflag:$0x1] =	stream.linear.gather [hbm4b:s20+s3], $0x50, $0x38;
	[tilespmem:$0x16880] =	vst v63  }
0x61: {  	_ =	swait.ge [sflag:s15], $0x50  }
0x62: {  	[sflag:s15] =	ssyncset.done $0x0  }
0x63: {  	[sflag:s15] =	ssyncadd.s32 $0xFFFFFFB0  }
0x64: {  	[tilespmem:s16], [sflag:$0x1] =	stream.linear.gather [hbm4b:s19+s3], $0x2800, $0x38;
	[tilespmem:$0x16880] =	vst v63  }
0x65: {  	_ =	swait.ge [sflag:s15], $0x2800  }
0x66: {  	[sflag:s15] =	ssyncset.done $0x0  }
0x67: {  	[sflag:s15] =	ssyncadd.s32 $0xFFFFD800  }
0x68: {  	[spmem:s2] =	stream.indirect.scatter.add.f32 [tilespmem:s16], [sflag:$0x1], $0x80, s3, s17, $0xb8;
	[tilespmem:$0x16880] =	vst v63  }
0x69: {  	_ =	swait.ge [sflag:s15], $0x2800  }
0x6a: {  	[sflag:s15] =	ssyncset.done $0x0  }
0x6b: {  	[sflag:s15] =	ssyncadd.s32 $0xFFFFD800  }
0x6c: {  	[bflag:$0x0] =	sbarrier.arrive $0xFFFF  }
0x6d: {  	[hbm:s7], [sflag:s5] =	dma.local [spmem:s14], $0x2800  }
0x6e: {  	_ =	swait.ge [sflag:s15], $0x2800  }
0x6f: {  	[sflag:s15] =	ssyncset.done $0x0  }
0x70: {  	[sflag:s15] =	ssyncadd.s32 $0xFFFFD800  }
0x71: {  	[bflag:$0x0] =	sbarrier.arrive $0xFFFF  }
0x72: {  	[spmem:s14], [sflag:s5] =	dma.local [hbm:s4], $0x2800  }
0x73: {  	_ =	swait.ge [sflag:s15], $0x2800  }
0x74: {  	[sflag:s15] =	ssyncset.done $0x0  }
0x75: {  	[sflag:s15] =	ssyncadd.s32 $0xFFFFD800  }
0x76: {  	s31 =	sadd.s32 $0x0, s11;
	[bflag:$0x0] =	sbarrier.arrive $0xFFFF  }
0x77: {  	[tilespmem:s3], [sflag:$0x1] =	stream.linear.gather [hbm4b:s31+s3], $0x50, $0x38;
	[tilespmem:$0x16880] =	vst v63  }
0x78: {  	_ =	swait.ge [sflag:s15], $0x50  }
0x79: {  	[sflag:s15] =	ssyncset.done $0x0  }
0x7a: {  	[sflag:s15] =	ssyncadd.s32 $0xFFFFFFB0  }
0x7b: {  	[tilespmem:s16], [sflag:$0x1] =	stream.linear.gather [hbm4b:s13+s3], $0x2800, $0x38;
	[tilespmem:$0x16880] =	vst v63  }
0x7c: {  	_ =	swait.ge [sflag:s15], $0x2800  }
0x7d: {  	[sflag:s15] =	ssyncset.done $0x0  }
0x7e: {  	[sflag:s15] =	ssyncadd.s32 $0xFFFFD800  }
0x7f: {  	[spmem:s2] =	stream.indirect.scatter.add.f32 [tilespmem:s16], [sflag:$0x1], $0x80, s3, s17, $0xb8;
	[tilespmem:$0x16880] =	vst v63  }
0x80: {  	s21 =	simm.s32 $0x14;
	_ =	swait.ge [sflag:s15], $0x2800  }
0x81: {  	s20 =	simm.s32 $0xA;
	s19 =	sadd.s32 $0x500, s13;
	[sflag:s15] =	ssyncset.done $0x0  }
.LBB2_6:
0x82: {  	s22 =	sadd.s32 s20, s11  }
0x83: {  	[sflag:s15] =	ssyncadd.s32 $0xFFFFD800;
	s20 =	smov.u32 s21;
	s23 =	sadd.s32 $0xA, s21  }
0x84: {  	[tilespmem:s3], [sflag:$0x1] =	stream.linear.gather [hbm4b:s22+s3], $0x50, $0x38;
	[tilespmem:$0x16880] =	vst v63  }
0x85: {  	p0 =	sne.s32 s21, $0x4D8;
	_ =	swait.ge [sflag:s15], $0x50  }
0x86: {  	[sflag:s15] =	ssyncset.done $0x0  }
0x87: {  	[sflag:s15] =	ssyncadd.s32 $0xFFFFFFB0  }
0x88: {  	[tilespmem:s16], [sflag:$0x1] =	stream.linear.gather [hbm4b:s19+s3], $0x2800, $0x38;
	[tilespmem:$0x16880] =	vst v63  }
0x89: {  	_ =	swait.ge [sflag:s15], $0x2800  }
.Ltmp2:
0x8a: {  	[sflag:s15] =	ssyncset.done $0x0;
	(pc) =	sbr.rel @p0 .LBB2_6-.Ltmp2, $4  }
0x8b: {  	[sflag:s15] =	ssyncadd.s32 $0xFFFFD800  }
0x8c: {  	[spmem:s2] =	stream.indirect.scatter.add.f32 [tilespmem:s16], [sflag:$0x1], $0x80, s3, s17, $0xb8;
	[tilespmem:$0x16880] =	vst v63  }
0x8d: {  	_ =	swait.ge [sflag:s15], $0x2800  }
0x8e: {  	s21 =	smov.u32 s23;
	s19 =	sadd.s32 $0x500, s19;
	[sflag:s15] =	ssyncset.done $0x0  }
0x8f: {  	s20 =	sadd.s32 s20, s11;
	[sflag:s15] =	ssyncadd.s32 $0xFFFFD800  }
0x90: {  	[tilespmem:s3], [sflag:$0x1] =	stream.linear.gather [hbm4b:s20+s3], $0x50, $0x38;
	[tilespmem:$0x16880] =	vst v63  }
0x91: {  	_ =	swait.ge [sflag:s15], $0x50  }
0x92: {  	[sflag:s15] =	ssyncset.done $0x0  }
0x93: {  	[sflag:s15] =	ssyncadd.s32 $0xFFFFFFB0  }
0x94: {  	[tilespmem:s16], [sflag:$0x1] =	stream.linear.gather [hbm4b:s19+s3], $0x2800, $0x38;
	[tilespmem:$0x16880] =	vst v63  }
0x95: {  	_ =	swait.ge [sflag:s15], $0x2800  }
0x96: {  	[sflag:s15] =	ssyncset.done $0x0  }
0x97: {  	[sflag:s15] =	ssyncadd.s32 $0xFFFFD800  }
0x98: {  	[spmem:s2] =	stream.indirect.scatter.add.f32 [tilespmem:s16], [sflag:$0x1], $0x80, s3, s17, $0xb8;
	[tilespmem:$0x16880] =	vst v63  }
0x99: {  	_ =	swait.ge [sflag:s15], $0x2800  }
0x9a: {  	[sflag:s15] =	ssyncset.done $0x0  }
0x9b: {  	s18 =	sadd.s32 $0x1, s18;
	[sflag:s15] =	ssyncadd.s32 $0xFFFFD800  }
0x9c: {  	p0 =	sne.s32 s18, s10;
	[bflag:$0x0] =	sbarrier.arrive $0xFFFF  }
0x9d: {  	[hbm:s8], [sflag:s5] =	dma.local [spmem:s14], $0x2800  }
.Ltmp3:
0x9e: {  	_ =	swait.ge [sflag:s15], $0x2800;
	(pc) =	sbr.rel @p0 .LBB2_1-.Ltmp3, $3  }
0x9f: {  	[sflag:s15] =	ssyncset.done $0x0  }
0xa0: {  	[sflag:s15] =	ssyncadd.s32 $0xFFFFD800  }
0xa1: {  	[bflag:$0x0] =	sbarrier.arrive $0xFFFF;
	_ =	sdelay $0x1  }
0xa2: {  	_ =	sfence.sel $0x180000  }
0xa3: {  	[bflag:$0x0] =	sbarrier.arrive $0xFFFF  }
0xa4: {  	p0 =	sne.s32 s0, $0x0;
	_ =	strace $0x90000056  }
0xa5: {  	s0 =	sadd.s32 @!p0 $0x100000, s1;
	[bflag:$0x2] =	sbarrier.arrive $0xFFFF  }
0xa6: {  	[sflag:s0] =	ssyncadd.tile.s32 @!p0 $0x1;
	_ =	shalt  }
.Lfunc_end2:
_tile_overlayer_lowered:
.L_overlay_start_2:
0xa7: {  	(tag) =	ssettag $0x2  }
0xa8: {  	s0 =	rddreg [dreg:$0x0];
	s2 =	stileid.u32  }
0xa9: {  	s1 =	rddreg [dreg:$0x1];
	p0 =	sne.s32 s2, $0x0  }
0xaa: {  	s3 =	rddreg [dreg:$0x2];
	[bflag:$0x3] =	sbarrier.arrive $0xFFFF;
	s2 =	simm.s32 @!p0 $0x1C01  }
0xab: {  	[timem:s3], [sflag:s2] =	dma.local @!p0 [hbm:s0], s1  }
0xac: {  	s0 =	simm.s32 @!p0 $0x1  }
0xad: {  	_ =	swait.ge @!p0 [sflag:s0], s1  }
0xae: {  	s1 =	ssub.s32 @!p0 $0x0, s1;
	[sflag:s0] =	ssyncset.done @!p0 $0x0  }
0xaf: {  	[sflag:s0] =	ssyncadd.s32 @!p0 s1  }
0xb0: {  	[bflag:$0x3] =	sbarrier.arrive $0xFFFF  }
0xb1: {  	_ =	shalt  }

</sc_bundles>
